<compile_context>
chip_gen: v7x
topology: tpu7x:2x2x1
jax: 0.10.2.dev20260603
libtpu: 0.0.44.dev20260713+nightly
codegen_flags: <defaults>
</compile_context>

<pallas_src>
import functools

import jax
import jax.numpy as jnp
from jax import lax
from jax.experimental import pallas as pl
from jax.experimental.pallas import tpu as pltpu
from jax.experimental.pallas import tpu_sc as plsc

N = 10000
E = 160000
D = 256
H = 512
C = 40

N_ACC = 10240
E_PAD = 163840
CHUNK = 128
SUP = 4
E_ALLOC = E_PAD + 2 * SUP * CHUNK
N_CHUNKS_ALL = E_ALLOC // CHUNK
ROWS_PER_TILE = N_ACC // 16


def _sc_agg(p_slices, edge_split):
    n_out = 2 if edge_split else p_slices
    mesh = plsc.VectorSubcoreMesh(core_axis_name="c", subcore_axis_name="s")

    @functools.partial(
        pl.kernel, mesh=mesh,
        out_type=[jax.ShapeDtypeStruct((n_out, N_ACC, 128), jnp.float32)],
        scratch_types=[
            pltpu.VMEM((2, SUP, 2, CHUNK), jnp.int32),
            pltpu.VMEM((2, CHUNK, 128), jnp.float32),
            pltpu.VMEM_SHARED((N_ACC, 128), jnp.float32),
        ] + [pltpu.SemaphoreType.DMA] * 4)
    def agg_kernel(table_hbm, comb_hbm, zrows_hbm, out_hbm,
                   cb_v, rows_v, acc_sh, gsem0, gsem1, lsem0, lsem1):
        gsem = (gsem0, gsem1)
        lsem = (lsem0, lsem1)
        cid = lax.axis_index("c")
        tid = lax.axis_index("s")
        row0 = tid * ROWS_PER_TILE

        if edge_split:
            per_tile = E_PAD // 32
            tile_base = cid * (E_PAD // 2) + tid * per_tile
            passes = 1
        else:
            per_tile = E_PAD // 16
            tile_base = tid * per_tile
            passes = p_slices // 2
        n_super = per_tile // CHUNK // SUP
        assert n_super % 2 == 0
        chunk_base = tile_base // CHUNK

        for pp in range(passes):
            q = cid if edge_split else pp * 2 + cid
            qi = 0 if edge_split else q

            def load_async(s, b):
                pltpu.async_copy(
                    comb_hbm.at[qi, pl.ds(chunk_base + s * SUP, SUP)],
                    cb_v.at[b], lsem[b])

            def wait_load(s, b):
                pltpu.make_async_copy(
                    comb_hbm.at[qi, pl.ds(chunk_base + s * SUP, SUP)],
                    cb_v.at[b], lsem[b]).wait()

            def start_gather(cb, j, b):
                pltpu.async_copy(table_hbm.at[cb_v.at[cb, j, 0]],
                                 rows_v.at[b], gsem[b])

            def wait_gather(cb, j, b):
                pltpu.make_async_copy(table_hbm.at[cb_v.at[cb, j, 0]],
                                      rows_v.at[b], gsem[b]).wait()

            def scatter(cb, j, b):
                pltpu.sync_copy(rows_v.at[b], acc_sh.at[cb_v.at[cb, j, 1]],
                                add=True)

            def one_super(s, cb_cur, cb_nxt):
                for j in range(SUP):
                    if j < SUP - 1:
                        start_gather(cb_cur, j + 1, (j + 1) % 2)
                    else:
                        wait_load(s + 1, cb_nxt)
                        start_gather(cb_nxt, 0, 0)
                    wait_gather(cb_cur, j, j % 2)
                    scatter(cb_cur, j, j % 2)
                load_async(s + 2, cb_cur)

            pltpu.sync_copy(zrows_hbm.at[pl.ds(row0, ROWS_PER_TILE)],
                            acc_sh.at[pl.ds(row0, ROWS_PER_TILE)])
            load_async(0, 0)
            load_async(1, 1)
            wait_load(0, 0)
            start_gather(0, 0, 0)
            plsc.subcore_barrier()

            def super_pair(g, carry):
                s0 = g * 2
                one_super(s0, 0, 1)
                one_super(s0 + 1, 1, 0)
                return carry

            lax.fori_loop(0, n_super // 2, super_pair, 0)
            wait_gather(0, 0, 0)
            wait_load(n_super + 1, 1)
            plsc.subcore_barrier()

            pltpu.sync_copy(acc_sh.at[pl.ds(row0, ROWS_PER_TILE)],
                            out_hbm.at[q, pl.ds(row0, ROWS_PER_TILE)])
            plsc.subcore_barrier()

    return agg_kernel


_agg_cols2 = _sc_agg(p_slices=2, edge_split=False)
_agg_cols4 = _sc_agg(p_slices=4, edge_split=False)
_agg_edges = _sc_agg(p_slices=1, edge_split=True)


@functools.partial(
    pl.kernel,
    mesh=plsc.VectorSubcoreMesh(core_axis_name="c", subcore_axis_name="s"),
    out_type=[jax.ShapeDtypeStruct((2, N_ACC, 128), jnp.float32)],
    scratch_types=[
        pltpu.VMEM((CHUNK,), jnp.int32),
        pltpu.VMEM((CHUNK, 128), jnp.float32),
        pltpu.VMEM_SHARED((N_ACC, 128), jnp.float32),
    ])
def _deg_kernel(ones_hbm, dst_hbm, zrows_hbm, out_hbm,
                dst_v, ones_v, acc_sh):
    cid = lax.axis_index("c")
    tid = lax.axis_index("s")
    row0 = tid * ROWS_PER_TILE
    per_tile = E_PAD // 32
    tile_base = cid * (E_PAD // 2) + tid * per_tile

    pltpu.sync_copy(ones_hbm, ones_v)
    pltpu.sync_copy(zrows_hbm.at[pl.ds(row0, ROWS_PER_TILE)],
                    acc_sh.at[pl.ds(row0, ROWS_PER_TILE)])
    plsc.subcore_barrier()

    def chunk_body(g, carry):
        pltpu.sync_copy(dst_hbm.at[pl.ds(tile_base + g * CHUNK, CHUNK)], dst_v)
        pltpu.sync_copy(ones_v, acc_sh.at[dst_v], add=True)
        return carry

    lax.fori_loop(0, per_tile // CHUNK, chunk_body, 0)
    plsc.subcore_barrier()
    pltpu.sync_copy(acc_sh.at[pl.ds(row0, ROWS_PER_TILE)],
                    out_hbm.at[cid, pl.ds(row0, ROWS_PER_TILE)])


BN = 400


def _self_body(h_ref, w_ref, b_ref, s_ref):
    s_ref[...] = jnp.dot(h_ref[...], w_ref[...],
                         preferred_element_type=jnp.float32) + b_ref[...]


def _self_matmul(h, w, b, hw):
    return pl.pallas_call(
        _self_body,
        grid=(N // BN,),
        in_specs=[
            pl.BlockSpec((BN, h.shape[1]), lambda i: (i, 0)),
            pl.BlockSpec((h.shape[1], hw), lambda i: (0, 0)),
            pl.BlockSpec((1, hw), lambda i: (0, 0)),
        ],
        out_specs=pl.BlockSpec((BN, hw), lambda i: (i, 0)),
        out_shape=jax.ShapeDtypeStruct((N, hw), jnp.float32),
    )(h, w, b.reshape(1, hw))


def _tc1_body(s_ref, agg_ref, degp_ref, wn_ref, h_ref, inv_ref):
    deg = degp_ref[0][:, :1] + degp_ref[1][:, :1]
    invc = 1.0 / jnp.maximum(deg, 1.0)
    inv_ref[...] = invc
    acc = s_ref[...]
    for qq in range(2):
        acc += jnp.dot(agg_ref[qq] * invc, wn_ref[qq * 128:(qq + 1) * 128, :],
                       preferred_element_type=jnp.float32)
    h_ref[...] = jnp.maximum(acc, 0.0)


def _tc2_body(s_ref, agg_ref, inv_ref, wn_ref, wn3_ref, h2_ref, z_ref):
    invc = inv_ref[...]
    acc = s_ref[...]
    for qq in range(4):
        acc += jnp.dot(agg_ref[qq] * invc, wn_ref[qq * 128:(qq + 1) * 128, :],
                       preferred_element_type=jnp.float32)
    h2 = jnp.maximum(acc, 0.0)
    h2_ref[...] = h2
    z_ref[...] = jnp.dot(h2, wn3_ref[...], preferred_element_type=jnp.float32)


def _tc3_body(s_ref, agg_ref, inv_ref, out_ref):
    invc = inv_ref[...]
    s = s_ref[...] + (agg_ref[0] + agg_ref[1]) * invc
    col = lax.broadcasted_iota(jnp.int32, (BN, 128), 1)
    mask = col < C
    neg = jnp.float32(-1e30)
    m = jnp.max(jnp.where(mask, s, neg), axis=1, keepdims=True)
    e = jnp.where(mask, jnp.exp(s - m), 0.0)
    lse = jnp.log(jnp.sum(e, axis=1, keepdims=True))
    out_ref[...] = s - m - lse


def kernel(x, edge_index, Ws1, Wn1, b1, Ws2, Wn2, b2, Ws3, Wn3, b3):
    src = edge_index[0].astype(jnp.int32)
    dst = edge_index[1].astype(jnp.int32)
    pad = E_ALLOC - E
    src_p = jnp.concatenate([src, jnp.zeros((pad,), jnp.int32)])
    dst_p = jnp.concatenate([dst, jnp.full((pad,), N, jnp.int32)])
    z128 = jnp.zeros((N_ACC, 128), jnp.float32)
    ones_tab = jnp.ones((CHUNK, 128), jnp.float32)

    dst_ch = dst_p.reshape(1, N_CHUNKS_ALL, 1, CHUNK)

    def mk_comb(idx_list):
        a = jnp.stack(idx_list).reshape(len(idx_list), N_CHUNKS_ALL, 1, CHUNK)
        d = jnp.broadcast_to(dst_ch, a.shape)
        return jnp.concatenate([a, d], axis=2)

    nb = N // BN

    (degp,) = _deg_kernel(ones_tab, dst_p, z128)

    comb1 = mk_comb([src_p * 2, src_p * 2 + 1])
    (agg1,) = _agg_cols2(x.reshape(N * 2, 128), comb1, z128)
    s1 = _self_matmul(x, Ws1, b1, H)
    h1, inv = pl.pallas_call(
        _tc1_body,
        grid=(nb,),
        in_specs=[
            pl.BlockSpec((BN, H), lambda i: (i, 0)),
            pl.BlockSpec((2, BN, 128), lambda i: (0, i, 0)),
            pl.BlockSpec((2, BN, 128), lambda i: (0, i, 0)),
            pl.BlockSpec((D, H), lambda i: (0, 0)),
        ],
        out_specs=[
            pl.BlockSpec((BN, H), lambda i: (i, 0)),
            pl.BlockSpec((BN, 1), lambda i: (i, 0)),
        ],
        out_shape=[
            jax.ShapeDtypeStruct((N, H), jnp.float32),
            jax.ShapeDtypeStruct((N, 1), jnp.float32),
        ],
    )(s1, agg1, degp, Wn1)

    comb2 = mk_comb([src_p * 4 + qq for qq in range(4)])
    (agg2,) = _agg_cols4(h1.reshape(N * 4, 128), comb2, z128)
    s2 = _self_matmul(h1, Ws2, b2, H)
    wn3p = jnp.pad(Wn3, ((0, 0), (0, 128 - C)))
    h2, z = pl.pallas_call(
        _tc2_body,
        grid=(nb,),
        in_specs=[
            pl.BlockSpec((BN, H), lambda i: (i, 0)),
            pl.BlockSpec((4, BN, 128), lambda i: (0, i, 0)),
            pl.BlockSpec((BN, 1), lambda i: (i, 0)),
            pl.BlockSpec((H, H), lambda i: (0, 0)),
            pl.BlockSpec((H, 128), lambda i: (0, 0)),
        ],
        out_specs=[
            pl.BlockSpec((BN, H), lambda i: (i, 0)),
            pl.BlockSpec((BN, 128), lambda i: (i, 0)),
        ],
        out_shape=[
            jax.ShapeDtypeStruct((N, H), jnp.float32),
            jax.ShapeDtypeStruct((N, 128), jnp.float32),
        ],
    )(s2, agg2, inv, Wn2, wn3p)

    (agg3,) = _agg_edges(z, mk_comb([src_p]), z128)
    ws3p = jnp.pad(Ws3, ((0, 0), (0, 128 - C)))
    b3p = jnp.pad(b3, ((0, 128 - C)))
    s3 = _self_matmul(h2, ws3p, b3p, 128)
    out = pl.pallas_call(
        _tc3_body,
        grid=(nb,),
        in_specs=[
            pl.BlockSpec((BN, 128), lambda i: (i, 0)),
            pl.BlockSpec((2, BN, 128), lambda i: (0, i, 0)),
            pl.BlockSpec((BN, 1), lambda i: (i, 0)),
        ],
        out_specs=pl.BlockSpec((BN, 128), lambda i: (i, 0)),
        out_shape=jax.ShapeDtypeStruct((N, 128), jnp.float32),
    )(s3, agg3, inv)
    return out[:, :C]

# --- scband reference (transcript-rebuilt; emitter-appended) ---
"""Pipeline reference for scband-graph-sage-59313498358217 (READ-ONLY COPY).

The authoritative reference and input builder live on the scoring server;
editing this copy changes nothing except your own understanding.
"""

import jax, jax.numpy as jnp
import numpy as np

N = 10000
E = 160000
D = 256
H = 512
C = 40


def _glorot(key, shape):
    fan_in = shape[0]
    return jax.random.normal(key, shape, dtype=jnp.float32) * (1.0 / np.sqrt(fan_in))


def setup_inputs(seed: int = 0) -> dict:
    key = jax.random.key(seed)
    ks = jax.random.split(key, 12)
    x = jax.random.normal(ks[0], (N, D), dtype=jnp.float32)
    edge_index = jax.random.randint(ks[1], (2, E), 0, N)
    return {
        'x': x,
        'edge_index': edge_index,
        'Ws1': _glorot(ks[2], (D, H)),
        'Wn1': _glorot(ks[3], (D, H)),
        'b1': jnp.zeros((H,), dtype=jnp.float32),
        'Ws2': _glorot(ks[4], (H, H)),
        'Wn2': _glorot(ks[5], (H, H)),
        'b2': jnp.zeros((H,), dtype=jnp.float32),
        'Ws3': _glorot(ks[6], (H, C)),
        'Wn3': _glorot(ks[7], (H, C)),
        'b3': jnp.zeros((C,), dtype=jnp.float32),
    }


def reference(x, edge_index, Ws1, Wn1, b1, Ws2, Wn2, b2, Ws3, Wn3, b3):
    # GraphSAGE (DGL-style SAGEConv with 'mean' aggregator), eval mode (dropout = identity).
    src = edge_index[0]
    dst = edge_index[1]
    deg = jax.ops.segment_sum(jnp.ones((E,), dtype=jnp.float32), dst, num_segments=N)
    deg = jnp.clip(deg, 1.0)[:, None]

    def sage_layer(h, Ws, Wn, b):
        # gather neighbor (src) features, scatter-add into dst, divide by in-degree
        msg = jax.ops.segment_sum(h[src], dst, num_segments=N)
        mean_neigh = msg / deg
        return h @ Ws + mean_neigh @ Wn + b

    h = sage_layer(x, Ws1, Wn1, b1)
    h = jax.nn.relu(h)
    h = sage_layer(h, Ws2, Wn2, b2)
    h = jax.nn.relu(h)
    h = sage_layer(h, Ws3, Wn3, b3)
    return jax.nn.log_softmax(h, axis=1)

if __name__ == "__main__":
    import jax
    _d = setup_inputs()
    print(jax.jit(kernel)(*tuple(_d.values())))

</pallas_src>

<mosaic_0001>
#map = affine_map<(d0, d1) -> (0, 0)>
#map1 = affine_map<(d0, d1) -> (0)>
#map2 = affine_map<(d0, d1) -> (0, 0, 0)>
module attributes {stable_mosaic.version = 14 : i64} {
  func.func @_deg_kernel(%arg0: i32, %arg1: i32, %arg2: memref<128x128xf32, #tpu.memory_space<hbm>>, %arg3: memref<164864xi32, #tpu.memory_space<hbm>>, %arg4: memref<10240x128xf32, #tpu.memory_space<hbm>>, %arg5: memref<2x10240x128xf32, #tpu.memory_space<hbm>>, %arg6: memref<128xi32, #tpu.memory_space<vmem>>, %arg7: memref<128x128xf32, #tpu.memory_space<vmem>>, %arg8: memref<10240x128xf32, #tpu.memory_space<vmem_shared>>) attributes {dimension_semantics = [#tpu.dimension_semantics<core_parallel>, #tpu.dimension_semantics<subcore_parallel>], iteration_bounds = array<i64: 2, 16>, scalar_prefetch = 0 : i64, scratch_operands = 3 : i64, tpu.core_type = #tpu.core_type<sc_vector_subcore>, window_params = [{transform_indices = #map}, {transform_indices = #map1}, {transform_indices = #map}, {transform_indices = #map2}]} {
    %mul3A = arith.constant 640 : i32
    %mul3A_0 = arith.muli %arg1, %mul3A : i32
    %mul3A_1 = arith.constant 81920 : i32
    %mul3A_2 = arith.muli %arg0, %mul3A_1 : i32
    %mul3A_3 = arith.constant 5120 : i32
    %mul3A_4 = arith.muli %arg1, %mul3A_3 : i32
    %add3A = arith.addi %mul3A_2, %mul3A_4 : i32
    "tpu.region"() ({
      %run_scoped3A = tpu.sem_alloc : memref<!tpu.dma_semaphore, #tpu.memory_space<semaphore_mem>>
      tpu.enqueue_dma source(%arg2 : memref<128x128xf32, #tpu.memory_space<hbm>>) target(%arg7 : memref<128x128xf32, #tpu.memory_space<vmem>>) target_semaphore(%run_scoped3A : memref<!tpu.dma_semaphore, #tpu.memory_space<semaphore_mem>>)
      tpu.wait_dma2 semaphore(%run_scoped3A : memref<!tpu.dma_semaphore, #tpu.memory_space<semaphore_mem>>) src(%arg2 : memref<128x128xf32, #tpu.memory_space<hbm>>) dst(%arg7 : memref<128x128xf32, #tpu.memory_space<vmem>>)
      tpu.yield
    }) : () -> ()
    "tpu.region"() ({
      %run_scoped3A = tpu.sem_alloc : memref<!tpu.dma_semaphore, #tpu.memory_space<semaphore_mem>>
      %dma_start3A = arith.constant 0 : i32
      %dma_start3A_11 = tpu.memref_slice %arg8[%mul3A_0, %dma_start3A] : memref<10240x128xf32, #tpu.memory_space<vmem_shared>> -> memref<640x128xf32, #tpu.memory_space<vmem_shared>>
      %dma_start3A_12 = arith.constant 0 : i32
      %dma_start3A_13 = tpu.memref_slice %arg4[%mul3A_0, %dma_start3A_12] : memref<10240x128xf32, #tpu.memory_space<hbm>> -> memref<640x128xf32, #tpu.memory_space<hbm>>
      tpu.enqueue_dma source(%dma_start3A_13 : memref<640x128xf32, #tpu.memory_space<hbm>>) target(%dma_start3A_11 : memref<640x128xf32, #tpu.memory_space<vmem_shared>>) target_semaphore(%run_scoped3A : memref<!tpu.dma_semaphore, #tpu.memory_space<semaphore_mem>>)
      %dma_wait3A = arith.constant 0 : i32
      %dma_wait3A_14 = tpu.memref_slice %arg8[%mul3A_0, %dma_wait3A] : memref<10240x128xf32, #tpu.memory_space<vmem_shared>> -> memref<640x128xf32, #tpu.memory_space<vmem_shared>>
      %dma_wait3A_15 = arith.constant 0 : i32
      %dma_wait3A_16 = tpu.memref_slice %arg4[%mul3A_0, %dma_wait3A_15] : memref<10240x128xf32, #tpu.memory_space<hbm>> -> memref<640x128xf32, #tpu.memory_space<hbm>>
      tpu.wait_dma2 semaphore(%run_scoped3A : memref<!tpu.dma_semaphore, #tpu.memory_space<semaphore_mem>>) src(%dma_wait3A_16 : memref<640x128xf32, #tpu.memory_space<hbm>>) dst(%dma_wait3A_14 : memref<640x128xf32, #tpu.memory_space<vmem_shared>>)
      tpu.yield
    }) : () -> ()
    %barrier3A = arith.constant 0 : index
    tpu.barrier barrier_id(%barrier3A)
    %scan3A = arith.constant 0 : i32
    %scan3A_5 = arith.constant 0 : i32
    %scan3A_6 = arith.constant 40 : i32
    %scan3A_7 = arith.addi %scan3A_5, %scan3A_6 : i32
    %scan3A_8 = arith.constant 1 : i32
    scf.for %scan3A_11 = %scan3A_5 to %scan3A_7 step %scan3A_8  : i32 {
      %mul3A_12 = arith.constant 128 : i32
      %mul3A_13 = arith.muli %scan3A_11, %mul3A_12 : i32
      %add3A_14 = arith.addi %add3A, %mul3A_13 : i32
      "tpu.region"() ({
        %run_scoped3A = tpu.sem_alloc : memref<!tpu.dma_semaphore, #tpu.memory_space<semaphore_mem>>
        %dma_start3A = tpu.memref_slice %arg3[%add3A_14] : memref<164864xi32, #tpu.memory_space<hbm>> -> memref<128xi32, #tpu.memory_space<hbm>>
        %dma_start3A_15 = tpu.memref_slice %arg3[%add3A_14] : memref<164864xi32, #tpu.memory_space<hbm>> -> memref<128xi32, #tpu.memory_space<hbm>>
        tpu.enqueue_dma source(%dma_start3A_15 : memref<128xi32, #tpu.memory_space<hbm>>) target(%arg6 : memref<128xi32, #tpu.memory_space<vmem>>) target_semaphore(%run_scoped3A : memref<!tpu.dma_semaphore, #tpu.memory_space<semaphore_mem>>)
        %dma_wait3A = tpu.memref_slice %arg3[%add3A_14] : memref<164864xi32, #tpu.memory_space<hbm>> -> memref<128xi32, #tpu.memory_space<hbm>>
        %dma_wait3A_16 = tpu.memref_slice %arg3[%add3A_14] : memref<164864xi32, #tpu.memory_space<hbm>> -> memref<128xi32, #tpu.memory_space<hbm>>
        tpu.wait_dma2 semaphore(%run_scoped3A : memref<!tpu.dma_semaphore, #tpu.memory_space<semaphore_mem>>) src(%dma_wait3A_16 : memref<128xi32, #tpu.memory_space<hbm>>) dst(%arg6 : memref<128xi32, #tpu.memory_space<vmem>>)
        tpu.yield
      }) : () -> ()
      "tpu.region"() ({
        %run_scoped3A = tpu.sem_alloc : memref<!tpu.dma_semaphore, #tpu.memory_space<semaphore_mem>>
        %dma_start3A = arith.constant 0 : i32
        %dma_start3A_15 = arith.constant 0 : i32
        %dma_start3A_16 = tpu.memref_slice %arg8[%dma_start3A, %dma_start3A_15] : memref<10240x128xf32, #tpu.memory_space<vmem_shared>> -> memref<10240x128xf32, #tpu.memory_space<vmem_shared>>
        tpu.enqueue_indirect_dma source(%arg7 : memref<128x128xf32, #tpu.memory_space<vmem>>) target(%dma_start3A_16 : memref<10240x128xf32, #tpu.memory_space<vmem_shared>>) offsets(%arg6 : memref<128xi32, #tpu.memory_space<vmem>>) semaphore(%run_scoped3A : memref<!tpu.dma_semaphore, #tpu.memory_space<semaphore_mem>>) {add = true}
        %dma_wait3A = arith.constant 0 : i32
        %dma_wait3A_17 = arith.constant 0 : i32
        %dma_wait3A_18 = tpu.memref_slice %arg8[%dma_wait3A, %dma_wait3A_17] : memref<10240x128xf32, #tpu.memory_space<vmem_shared>> -> memref<10240x128xf32, #tpu.memory_space<vmem_shared>>
        tpu.wait_indirect_dma semaphore(%run_scoped3A : memref<!tpu.dma_semaphore, #tpu.memory_space<semaphore_mem>>) src(%arg7 : memref<128x128xf32, #tpu.memory_space<vmem>>) dst(%dma_wait3A_18 : memref<10240x128xf32, #tpu.memory_space<vmem_shared>>)
        tpu.yield
      }) : () -> ()
    }
    %scan3A_9 = arith.constant 40 : i32
    %barrier3A_10 = arith.constant 0 : index
    tpu.barrier barrier_id(%barrier3A_10)
    "tpu.region"() ({
      %run_scoped3A = tpu.sem_alloc : memref<!tpu.dma_semaphore, #tpu.memory_space<semaphore_mem>>
      %dma_start3A = arith.constant 0 : i32
      %dma_start3A_11 = tpu.memref_slice %arg5[%arg0, %mul3A_0, %dma_start3A] : memref<2x10240x128xf32, #tpu.memory_space<hbm>> -> memref<1x640x128xf32, #tpu.memory_space<hbm>>
      %dma_start3A_12 = tpu.memref_squeeze %dma_start3A_11 : memref<1x640x128xf32, #tpu.memory_space<hbm>> -> memref<640x128xf32, #tpu.memory_space<hbm>>
      %dma_start3A_13 = arith.constant 0 : i32
      %dma_start3A_14 = tpu.memref_slice %arg8[%mul3A_0, %dma_start3A_13] : memref<10240x128xf32, #tpu.memory_space<vmem_shared>> -> memref<640x128xf32, #tpu.memory_space<vmem_shared>>
      tpu.enqueue_dma source(%dma_start3A_14 : memref<640x128xf32, #tpu.memory_space<vmem_shared>>) target(%dma_start3A_12 : memref<640x128xf32, #tpu.memory_space<hbm>>) target_semaphore(%run_scoped3A : memref<!tpu.dma_semaphore, #tpu.memory_space<semaphore_mem>>)
      %dma_wait3A = arith.constant 0 : i32
      %dma_wait3A_15 = tpu.memref_slice %arg5[%arg0, %mul3A_0, %dma_wait3A] : memref<2x10240x128xf32, #tpu.memory_space<hbm>> -> memref<1x640x128xf32, #tpu.memory_space<hbm>>
      %dma_wait3A_16 = tpu.memref_squeeze %dma_wait3A_15 : memref<1x640x128xf32, #tpu.memory_space<hbm>> -> memref<640x128xf32, #tpu.memory_space<hbm>>
      %dma_wait3A_17 = arith.constant 0 : i32
      %dma_wait3A_18 = tpu.memref_slice %arg8[%mul3A_0, %dma_wait3A_17] : memref<10240x128xf32, #tpu.memory_space<vmem_shared>> -> memref<640x128xf32, #tpu.memory_space<vmem_shared>>
      tpu.wait_dma2 semaphore(%run_scoped3A : memref<!tpu.dma_semaphore, #tpu.memory_space<semaphore_mem>>) src(%dma_wait3A_18 : memref<640x128xf32, #tpu.memory_space<vmem_shared>>) dst(%dma_wait3A_16 : memref<640x128xf32, #tpu.memory_space<hbm>>)
      tpu.yield
    }) : () -> ()
    return
  }
}

#map = affine_map<(d0, d1) -> (0, 0)>
#map1 = affine_map<(d0, d1) -> (0, 0, 0, 0)>
#map2 = affine_map<(d0, d1) -> (0, 0, 0)>
module attributes {stable_mosaic.version = 14 : i64} {
  func.func @agg_kernel(%arg0: i32, %arg1: i32, %arg2: memref<10000x128xf32, #tpu.memory_space<hbm>>, %arg3: memref<1x1288x2x128xi32, #tpu.memory_space<hbm>>, %arg4: memref<10240x128xf32, #tpu.memory_space<hbm>>, %arg5: memref<2x10240x128xf32, #tpu.memory_space<hbm>>, %arg6: memref<2x4x2x128xi32, #tpu.memory_space<vmem>>, %arg7: memref<2x128x128xf32, #tpu.memory_space<vmem>>, %arg8: memref<10240x128xf32, #tpu.memory_space<vmem_shared>>, %arg9: memref<!tpu.dma_semaphore, #tpu.memory_space<semaphore_mem>>, %arg10: memref<!tpu.dma_semaphore, #tpu.memory_space<semaphore_mem>>, %arg11: memref<!tpu.dma_semaphore, #tpu.memory_space<semaphore_mem>>, %arg12: memref<!tpu.dma_semaphore, #tpu.memory_space<semaphore_mem>>) attributes {dimension_semantics = [#tpu.dimension_semantics<core_parallel>, #tpu.dimension_semantics<subcore_parallel>], iteration_bounds = array<i64: 2, 16>, scalar_prefetch = 0 : i64, scratch_operands = 7 : i64, tpu.core_type = #tpu.core_type<sc_vector_subcore>, window_params = [{transform_indices = #map}, {transform_indices = #map1}, {transform_indices = #map}, {transform_indices = #map2}]} {
    %mul3A = arith.constant 640 : i32
    %mul3A_0 = arith.muli %arg1, %mul3A : i32
    %mul3A_1 = arith.constant 81920 : i32
    %mul3A_2 = arith.muli %arg0, %mul3A_1 : i32
    %mul3A_3 = arith.constant 5120 : i32
    %mul3A_4 = arith.muli %arg1, %mul3A_3 : i32
    %add3A = arith.addi %mul3A_2, %mul3A_4 : i32
    %jit3A = arith.constant 128 : i32
    %div3A = arith.divsi %add3A, %jit3A : i32
    %sign3A = arith.constant 0 : i32
    %sign3A_5 = arith.cmpi sgt, %add3A, %sign3A : i32
    %sign3A_6 = arith.extui %sign3A_5 : i1 to i32
    %sign3A_7 = arith.constant 0 : i32
    %sign3A_8 = arith.cmpi slt, %add3A, %sign3A_7 : i32
    %sign3A_9 = arith.extui %sign3A_8 : i1 to i32
    %sign3A_10 = arith.subi %sign3A_6, %sign3A_9 : i32
    %sign3A_11 = arith.constant 0 : i32
    %sign3A_12 = arith.cmpi sgt, %jit3A, %sign3A_11 : i32
    %sign3A_13 = arith.extui %sign3A_12 : i1 to i32
    %sign3A_14 = arith.constant 0 : i32
    %sign3A_15 = arith.cmpi slt, %jit3A, %sign3A_14 : i32
    %sign3A_16 = arith.extui %sign3A_15 : i1 to i32
    %sign3A_17 = arith.subi %sign3A_13, %sign3A_16 : i32
    %ne3A = arith.cmpi ne, %sign3A_10, %sign3A_17 : i32
    %rem3A = arith.remsi %add3A, %jit3A : i32
    %ne3A_18 = arith.constant 0 : i32
    %ne3A_19 = arith.cmpi ne, %rem3A, %ne3A_18 : i32
    %and3A = arith.andi %ne3A, %ne3A_19 : i1
    %sub3A = arith.constant 1 : i32
    %sub3A_20 = arith.subi %div3A, %sub3A : i32
    %select_n3A = arith.select %and3A, %sub3A_20, %div3A : i32
    "tpu.region"() ({
      %run_scoped3A = tpu.sem_alloc : memref<!tpu.dma_semaphore, #tpu.memory_space<semaphore_mem>>
      %dma_start3A_142 = arith.constant 0 : i32
      %dma_start3A_143 = tpu.memref_slice %arg8[%mul3A_0, %dma_start3A_142] : memref<10240x128xf32, #tpu.memory_space<vmem_shared>> -> memref<640x128xf32, #tpu.memory_space<vmem_shared>>
      %dma_start3A_144 = arith.constant 0 : i32
      %dma_start3A_145 = tpu.memref_slice %arg4[%mul3A_0, %dma_start3A_144] : memref<10240x128xf32, #tpu.memory_space<hbm>> -> memref<640x128xf32, #tpu.memory_space<hbm>>
      tpu.enqueue_dma source(%dma_start3A_145 : memref<640x128xf32, #tpu.memory_space<hbm>>) target(%dma_start3A_143 : memref<640x128xf32, #tpu.memory_space<vmem_shared>>) target_semaphore(%run_scoped3A : memref<!tpu.dma_semaphore, #tpu.memory_space<semaphore_mem>>)
      %dma_wait3A_146 = arith.constant 0 : i32
      %dma_wait3A_147 = tpu.memref_slice %arg8[%mul3A_0, %dma_wait3A_146] : memref<10240x128xf32, #tpu.memory_space<vmem_shared>> -> memref<640x128xf32, #tpu.memory_space<vmem_shared>>
      %dma_wait3A_148 = arith.constant 0 : i32
      %dma_wait3A_149 = tpu.memref_slice %arg4[%mul3A_0, %dma_wait3A_148] : memref<10240x128xf32, #tpu.memory_space<hbm>> -> memref<640x128xf32, #tpu.memory_space<hbm>>
      tpu.wait_dma2 semaphore(%run_scoped3A : memref<!tpu.dma_semaphore, #tpu.memory_space<semaphore_mem>>) src(%dma_wait3A_149 : memref<640x128xf32, #tpu.memory_space<hbm>>) dst(%dma_wait3A_147 : memref<640x128xf32, #tpu.memory_space<vmem_shared>>)
      tpu.yield
    }) : () -> ()
    %add3A_21 = arith.constant 0 : i32
    %add3A_22 = arith.addi %select_n3A, %add3A_21 : i32
    %dma_start3A = arith.constant 0 : i32
    %dma_start3A_23 = arith.constant 0 : i32
    %dma_start3A_24 = arith.constant 0 : i32
    %dma_start3A_25 = arith.constant 0 : i32
    %dma_start3A_26 = arith.constant 0 : i32
    %dma_start3A_27 = tpu.memref_slice %arg6[%dma_start3A_23, %dma_start3A_24, %dma_start3A_25, %dma_start3A_26] : memref<2x4x2x128xi32, #tpu.memory_space<vmem>> -> memref<1x4x2x128xi32, #tpu.memory_space<vmem>>
    %dma_start3A_28 = tpu.memref_squeeze %dma_start3A_27 : memref<1x4x2x128xi32, #tpu.memory_space<vmem>> -> memref<4x2x128xi32, #tpu.memory_space<vmem>>
    %dma_start3A_29 = arith.constant 0 : i32
    %dma_start3A_30 = arith.constant 0 : i32
    %dma_start3A_31 = tpu.memref_slice %arg3[%dma_start3A, %add3A_22, %dma_start3A_29, %dma_start3A_30] : memref<1x1288x2x128xi32, #tpu.memory_space<hbm>> -> memref<1x4x2x128xi32, #tpu.memory_space<hbm>>
    %dma_start3A_32 = tpu.memref_squeeze %dma_start3A_31 : memref<1x4x2x128xi32, #tpu.memory_space<hbm>> -> memref<4x2x128xi32, #tpu.memory_space<hbm>>
    %dma_start3A_33 = arith.constant 0 : i32
    %dma_start3A_34 = arith.constant 0 : i32
    %dma_start3A_35 = arith.constant 0 : i32
    %dma_start3A_36 = tpu.memref_slice %arg6[%dma_start3A_23, %dma_start3A_33, %dma_start3A_34, %dma_start3A_35] : memref<2x4x2x128xi32, #tpu.memory_space<vmem>> -> memref<1x4x2x128xi32, #tpu.memory_space<vmem>>
    %dma_start3A_37 = tpu.memref_squeeze %dma_start3A_36 : memref<1x4x2x128xi32, #tpu.memory_space<vmem>> -> memref<4x2x128xi32, #tpu.memory_space<vmem>>
    %dma_start3A_38 = arith.constant 0 : i32
    %dma_start3A_39 = arith.constant 0 : i32
    %dma_start3A_40 = tpu.memref_slice %arg3[%dma_start3A, %add3A_22, %dma_start3A_38, %dma_start3A_39] : memref<1x1288x2x128xi32, #tpu.memory_space<hbm>> -> memref<1x4x2x128xi32, #tpu.memory_space<hbm>>
    %dma_start3A_41 = tpu.memref_squeeze %dma_start3A_40 : memref<1x4x2x128xi32, #tpu.memory_space<hbm>> -> memref<4x2x128xi32, #tpu.memory_space<hbm>>
    tpu.enqueue_dma source(%dma_start3A_41 : memref<4x2x128xi32, #tpu.memory_space<hbm>>) target(%dma_start3A_37 : memref<4x2x128xi32, #tpu.memory_space<vmem>>) target_semaphore(%arg11 : memref<!tpu.dma_semaphore, #tpu.memory_space<semaphore_mem>>)
    %add3A_42 = arith.constant 4 : i32
    %add3A_43 = arith.addi %select_n3A, %add3A_42 : i32
    %dma_start3A_44 = arith.constant 0 : i32
    %dma_start3A_45 = arith.constant 1 : i32
    %dma_start3A_46 = arith.constant 0 : i32
    %dma_start3A_47 = arith.constant 0 : i32
    %dma_start3A_48 = arith.constant 0 : i32
    %dma_start3A_49 = tpu.memref_slice %arg6[%dma_start3A_45, %dma_start3A_46, %dma_start3A_47, %dma_start3A_48] : memref<2x4x2x128xi32, #tpu.memory_space<vmem>> -> memref<1x4x2x128xi32, #tpu.memory_space<vmem>>
    %dma_start3A_50 = tpu.memref_squeeze %dma_start3A_49 : memref<1x4x2x128xi32, #tpu.memory_space<vmem>> -> memref<4x2x128xi32, #tpu.memory_space<vmem>>
    %dma_start3A_51 = arith.constant 0 : i32
    %dma_start3A_52 = arith.constant 0 : i32
    %dma_start3A_53 = tpu.memref_slice %arg3[%dma_start3A_44, %add3A_43, %dma_start3A_51, %dma_start3A_52] : memref<1x1288x2x128xi32, #tpu.memory_space<hbm>> -> memref<1x4x2x128xi32, #tpu.memory_space<hbm>>
    %dma_start3A_54 = tpu.memref_squeeze %dma_start3A_53 : memref<1x4x2x128xi32, #tpu.memory_space<hbm>> -> memref<4x2x128xi32, #tpu.memory_space<hbm>>
    %dma_start3A_55 = arith.constant 0 : i32
    %dma_start3A_56 = arith.constant 0 : i32
    %dma_start3A_57 = arith.constant 0 : i32
    %dma_start3A_58 = tpu.memref_slice %arg6[%dma_start3A_45, %dma_start3A_55, %dma_start3A_56, %dma_start3A_57] : memref<2x4x2x128xi32, #tpu.memory_space<vmem>> -> memref<1x4x2x128xi32, #tpu.memory_space<vmem>>
    %dma_start3A_59 = tpu.memref_squeeze %dma_start3A_58 : memref<1x4x2x128xi32, #tpu.memory_space<vmem>> -> memref<4x2x128xi32, #tpu.memory_space<vmem>>
    %dma_start3A_60 = arith.constant 0 : i32
    %dma_start3A_61 = arith.constant 0 : i32
    %dma_start3A_62 = tpu.memref_slice %arg3[%dma_start3A_44, %add3A_43, %dma_start3A_60, %dma_start3A_61] : memref<1x1288x2x128xi32, #tpu.memory_space<hbm>> -> memref<1x4x2x128xi32, #tpu.memory_space<hbm>>
    %dma_start3A_63 = tpu.memref_squeeze %dma_start3A_62 : memref<1x4x2x128xi32, #tpu.memory_space<hbm>> -> memref<4x2x128xi32, #tpu.memory_space<hbm>>
    tpu.enqueue_dma source(%dma_start3A_63 : memref<4x2x128xi32, #tpu.memory_space<hbm>>) target(%dma_start3A_59 : memref<4x2x128xi32, #tpu.memory_space<vmem>>) target_semaphore(%arg12 : memref<!tpu.dma_semaphore, #tpu.memory_space<semaphore_mem>>)
    %add3A_64 = arith.constant 0 : i32
    %add3A_65 = arith.addi %select_n3A, %add3A_64 : i32
    %dma_wait3A = arith.constant 0 : i32
    %dma_wait3A_66 = arith.constant 0 : i32
    %dma_wait3A_67 = arith.constant 0 : i32
    %dma_wait3A_68 = arith.constant 0 : i32
    %dma_wait3A_69 = arith.constant 0 : i32
    %dma_wait3A_70 = tpu.memref_slice %arg6[%dma_wait3A_66, %dma_wait3A_67, %dma_wait3A_68, %dma_wait3A_69] : memref<2x4x2x128xi32, #tpu.memory_space<vmem>> -> memref<1x4x2x128xi32, #tpu.memory_space<vmem>>
    %dma_wait3A_71 = tpu.memref_squeeze %dma_wait3A_70 : memref<1x4x2x128xi32, #tpu.memory_space<vmem>> -> memref<4x2x128xi32, #tpu.memory_space<vmem>>
    %dma_wait3A_72 = arith.constant 0 : i32
    %dma_wait3A_73 = arith.constant 0 : i32
    %dma_wait3A_74 = tpu.memref_slice %arg3[%dma_wait3A, %add3A_65, %dma_wait3A_72, %dma_wait3A_73] : memref<1x1288x2x128xi32, #tpu.memory_space<hbm>> -> memref<1x4x2x128xi32, #tpu.memory_space<hbm>>
    %dma_wait3A_75 = tpu.memref_squeeze %dma_wait3A_74 : memref<1x4x2x128xi32, #tpu.memory_space<hbm>> -> memref<4x2x128xi32, #tpu.memory_space<hbm>>
    %dma_wait3A_76 = arith.constant 0 : i32
    %dma_wait3A_77 = arith.constant 0 : i32
    %dma_wait3A_78 = arith.constant 0 : i32
    %dma_wait3A_79 = tpu.memref_slice %arg6[%dma_wait3A_66, %dma_wait3A_76, %dma_wait3A_77, %dma_wait3A_78] : memref<2x4x2x128xi32, #tpu.memory_space<vmem>> -> memref<1x4x2x128xi32, #tpu.memory_space<vmem>>
    %dma_wait3A_80 = tpu.memref_squeeze %dma_wait3A_79 : memref<1x4x2x128xi32, #tpu.memory_space<vmem>> -> memref<4x2x128xi32, #tpu.memory_space<vmem>>
    %dma_wait3A_81 = arith.constant 0 : i32
    %dma_wait3A_82 = arith.constant 0 : i32
    %dma_wait3A_83 = tpu.memref_slice %arg3[%dma_wait3A, %add3A_65, %dma_wait3A_81, %dma_wait3A_82] : memref<1x1288x2x128xi32, #tpu.memory_space<hbm>> -> memref<1x4x2x128xi32, #tpu.memory_space<hbm>>
    %dma_wait3A_84 = tpu.memref_squeeze %dma_wait3A_83 : memref<1x4x2x128xi32, #tpu.memory_space<hbm>> -> memref<4x2x128xi32, #tpu.memory_space<hbm>>
    tpu.wait_dma2 semaphore(%arg11 : memref<!tpu.dma_semaphore, #tpu.memory_space<semaphore_mem>>) src(%dma_wait3A_84 : memref<4x2x128xi32, #tpu.memory_space<hbm>>) dst(%dma_wait3A_80 : memref<4x2x128xi32, #tpu.memory_space<vmem>>)
    %dma_start3A_85 = arith.constant 0 : i32
    %dma_start3A_86 = arith.constant 0 : i32
    %dma_start3A_87 = arith.constant 0 : i32
    %dma_start3A_88 = arith.constant 0 : i32
    %dma_start3A_89 = arith.constant 0 : i32
    %dma_start3A_90 = arith.constant 0 : i32
    %dma_start3A_91 = tpu.memref_slice %arg7[%dma_start3A_88, %dma_start3A_89, %dma_start3A_90] : memref<2x128x128xf32, #tpu.memory_space<vmem>> -> memref<1x128x128xf32, #tpu.memory_space<vmem>>
    %dma_start3A_92 = tpu.memref_squeeze %dma_start3A_91 : memref<1x128x128xf32, #tpu.memory_space<vmem>> -> memref<128x128xf32, #tpu.memory_space<vmem>>
    %dma_start3A_93 = arith.constant 0 : i32
    %dma_start3A_94 = tpu.memref_slice %arg6[%dma_start3A_85, %dma_start3A_86, %dma_start3A_87, %dma_start3A_93] : memref<2x4x2x128xi32, #tpu.memory_space<vmem>> -> memref<1x1x1x128xi32, #tpu.memory_space<vmem>>
    %dma_start3A_95 = tpu.memref_squeeze %dma_start3A_94 : memref<1x1x1x128xi32, #tpu.memory_space<vmem>> -> memref<128xi32, #tpu.memory_space<vmem>>
    %dma_start3A_96 = arith.constant 0 : i32
    %dma_start3A_97 = arith.constant 0 : i32
    %dma_start3A_98 = tpu.memref_slice %arg2[%dma_start3A_96, %dma_start3A_97] : memref<10000x128xf32, #tpu.memory_space<hbm>> -> memref<10000x128xf32, #tpu.memory_space<hbm>>
    tpu.enqueue_indirect_dma source(%dma_start3A_98 : memref<10000x128xf32, #tpu.memory_space<hbm>>) target(%dma_start3A_92 : memref<128x128xf32, #tpu.memory_space<vmem>>) offsets(%dma_start3A_95 : memref<128xi32, #tpu.memory_space<vmem>>) semaphore(%arg9 : memref<!tpu.dma_semaphore, #tpu.memory_space<semaphore_mem>>)
    %barrier3A = arith.constant 0 : index
    tpu.barrier barrier_id(%barrier3A)
    %scan3A = arith.constant 0 : i32
    %scan3A_99 = arith.constant 0 : i32
    %scan3A_100 = arith.constant 5 : i32
    %scan3A_101 = arith.addi %scan3A_99, %scan3A_100 : i32
    %scan3A_102 = arith.constant 1 : i32
    scf.for %scan3A_142 = %scan3A_99 to %scan3A_101 step %scan3A_102  : i32 {
      %mul3A_143 = arith.constant 2 : i32
      %mul3A_144 = arith.muli %scan3A_142, %mul3A_143 : i32
      %dma_start3A_145 = arith.constant 0 : i32
      %dma_start3A_146 = arith.constant 1 : i32
      %dma_start3A_147 = arith.constant 0 : i32
      %dma_start3A_148 = arith.constant 1 : i32
      %dma_start3A_149 = arith.constant 0 : i32
      %dma_start3A_150 = arith.constant 0 : i32
      %dma_start3A_151 = tpu.memref_slice %arg7[%dma_start3A_148, %dma_start3A_149, %dma_start3A_150] : memref<2x128x128xf32, #tpu.memory_space<vmem>> -> memref<1x128x128xf32, #tpu.memory_space<vmem>>
      %dma_start3A_152 = tpu.memref_squeeze %dma_start3A_151 : memref<1x128x128xf32, #tpu.memory_space<vmem>> -> memref<128x128xf32, #tpu.memory_space<vmem>>
      %dma_start3A_153 = arith.constant 0 : i32
      %dma_start3A_154 = tpu.memref_slice %arg6[%dma_start3A_145, %dma_start3A_146, %dma_start3A_147, %dma_start3A_153] : memref<2x4x2x128xi32, #tpu.memory_space<vmem>> -> memref<1x1x1x128xi32, #tpu.memory_space<vmem>>
      %dma_start3A_155 = tpu.memref_squeeze %dma_start3A_154 : memref<1x1x1x128xi32, #tpu.memory_space<vmem>> -> memref<128xi32, #tpu.memory_space<vmem>>
      %dma_start3A_156 = arith.constant 0 : i32
      %dma_start3A_157 = arith.constant 0 : i32
      %dma_start3A_158 = tpu.memref_slice %arg2[%dma_start3A_156, %dma_start3A_157] : memref<10000x128xf32, #tpu.memory_space<hbm>> -> memref<10000x128xf32, #tpu.memory_space<hbm>>
      tpu.enqueue_indirect_dma source(%dma_start3A_158 : memref<10000x128xf32, #tpu.memory_space<hbm>>) target(%dma_start3A_152 : memref<128x128xf32, #tpu.memory_space<vmem>>) offsets(%dma_start3A_155 : memref<128xi32, #tpu.memory_space<vmem>>) semaphore(%arg10 : memref<!tpu.dma_semaphore, #tpu.memory_space<semaphore_mem>>)
      %dma_wait3A_159 = arith.constant 0 : i32
      %dma_wait3A_160 = arith.constant 0 : i32
      %dma_wait3A_161 = arith.constant 0 : i32
      %dma_wait3A_162 = arith.constant 0 : i32
      %dma_wait3A_163 = arith.constant 0 : i32
      %dma_wait3A_164 = arith.constant 0 : i32
      %dma_wait3A_165 = tpu.memref_slice %arg7[%dma_wait3A_162, %dma_wait3A_163, %dma_wait3A_164] : memref<2x128x128xf32, #tpu.memory_space<vmem>> -> memref<1x128x128xf32, #tpu.memory_space<vmem>>
      %dma_wait3A_166 = tpu.memref_squeeze %dma_wait3A_165 : memref<1x128x128xf32, #tpu.memory_space<vmem>> -> memref<128x128xf32, #tpu.memory_space<vmem>>
      %dma_wait3A_167 = arith.constant 0 : i32
      %dma_wait3A_168 = tpu.memref_slice %arg6[%dma_wait3A_159, %dma_wait3A_160, %dma_wait3A_161, %dma_wait3A_167] : memref<2x4x2x128xi32, #tpu.memory_space<vmem>> -> memref<1x1x1x128xi32, #tpu.memory_space<vmem>>
      %dma_wait3A_169 = tpu.memref_squeeze %dma_wait3A_168 : memref<1x1x1x128xi32, #tpu.memory_space<vmem>> -> memref<128xi32, #tpu.memory_space<vmem>>
      %dma_wait3A_170 = arith.constant 0 : i32
      %dma_wait3A_171 = arith.constant 0 : i32
      %dma_wait3A_172 = tpu.memref_slice %arg2[%dma_wait3A_170, %dma_wait3A_171] : memref<10000x128xf32, #tpu.memory_space<hbm>> -> memref<10000x128xf32, #tpu.memory_space<hbm>>
      tpu.wait_indirect_dma semaphore(%arg9 : memref<!tpu.dma_semaphore, #tpu.memory_space<semaphore_mem>>) src(%dma_wait3A_172 : memref<10000x128xf32, #tpu.memory_space<hbm>>) dst(%dma_wait3A_166 : memref<128x128xf32, #tpu.memory_space<vmem>>)
      %run_scoped3A = arith.constant 0 : i32
      %run_scoped3A_173 = arith.constant 0 : i32
      %run_scoped3A_174 = arith.constant 0 : i32
      %run_scoped3A_175 = arith.constant 1 : i32
      "tpu.region"() ({
        %run_scoped3A_502 = tpu.sem_alloc : memref<!tpu.dma_semaphore, #tpu.memory_space<semaphore_mem>>
        %dma_start3A_503 = arith.constant 0 : i32
        %dma_start3A_504 = arith.constant 0 : i32
        %dma_start3A_505 = tpu.memref_slice %arg7[%run_scoped3A, %dma_start3A_503, %dma_start3A_504] : memref<2x128x128xf32, #tpu.memory_space<vmem>> -> memref<1x128x128xf32, #tpu.memory_space<vmem>>
        %dma_start3A_506 = tpu.memref_squeeze %dma_start3A_505 : memref<1x128x128xf32, #tpu.memory_space<vmem>> -> memref<128x128xf32, #tpu.memory_space<vmem>>
        %dma_start3A_507 = arith.constant 0 : i32
        %dma_start3A_508 = tpu.memref_slice %arg6[%run_scoped3A_173, %run_scoped3A_174, %run_scoped3A_175, %dma_start3A_507] : memref<2x4x2x128xi32, #tpu.memory_space<vmem>> -> memref<1x1x1x128xi32, #tpu.memory_space<vmem>>
        %dma_start3A_509 = tpu.memref_squeeze %dma_start3A_508 : memref<1x1x1x128xi32, #tpu.memory_space<vmem>> -> memref<128xi32, #tpu.memory_space<vmem>>
        %dma_start3A_510 = arith.constant 0 : i32
        %dma_start3A_511 = arith.constant 0 : i32
        %dma_start3A_512 = tpu.memref_slice %arg8[%dma_start3A_510, %dma_start3A_511] : memref<10240x128xf32, #tpu.memory_space<vmem_shared>> -> memref<10240x128xf32, #tpu.memory_space<vmem_shared>>
        tpu.enqueue_indirect_dma source(%dma_start3A_506 : memref<128x128xf32, #tpu.memory_space<vmem>>) target(%dma_start3A_512 : memref<10240x128xf32, #tpu.memory_space<vmem_shared>>) offsets(%dma_start3A_509 : memref<128xi32, #tpu.memory_space<vmem>>) semaphore(%run_scoped3A_502 : memref<!tpu.dma_semaphore, #tpu.memory_space<semaphore_mem>>) {add = true}
        %dma_wait3A_513 = arith.constant 0 : i32
        %dma_wait3A_514 = arith.constant 0 : i32
        %dma_wait3A_515 = tpu.memref_slice %arg7[%run_scoped3A, %dma_wait3A_513, %dma_wait3A_514] : memref<2x128x128xf32, #tpu.memory_space<vmem>> -> memref<1x128x128xf32, #tpu.memory_space<vmem>>
        %dma_wait3A_516 = tpu.memref_squeeze %dma_wait3A_515 : memref<1x128x128xf32, #tpu.memory_space<vmem>> -> memref<128x128xf32, #tpu.memory_space<vmem>>
        %dma_wait3A_517 = arith.constant 0 : i32
        %dma_wait3A_518 = tpu.memref_slice %arg6[%run_scoped3A_173, %run_scoped3A_174, %run_scoped3A_175, %dma_wait3A_517] : memref<2x4x2x128xi32, #tpu.memory_space<vmem>> -> memref<1x1x1x128xi32, #tpu.memory_space<vmem>>
        %dma_wait3A_519 = tpu.memref_squeeze %dma_wait3A_518 : memref<1x1x1x128xi32, #tpu.memory_space<vmem>> -> memref<128xi32, #tpu.memory_space<vmem>>
        %dma_wait3A_520 = arith.constant 0 : i32
        %dma_wait3A_521 = arith.constant 0 : i32
        %dma_wait3A_522 = tpu.memref_slice %arg8[%dma_wait3A_520, %dma_wait3A_521] : memref<10240x128xf32, #tpu.memory_space<vmem_shared>> -> memref<10240x128xf32, #tpu.memory_space<vmem_shared>>
        tpu.wait_indirect_dma semaphore(%run_scoped3A_502 : memref<!tpu.dma_semaphore, #tpu.memory_space<semaphore_mem>>) src(%dma_wait3A_516 : memref<128x128xf32, #tpu.memory_space<vmem>>) dst(%dma_wait3A_522 : memref<10240x128xf32, #tpu.memory_space<vmem_shared>>)
        tpu.yield
      }) : () -> ()
      %dma_start3A_176 = arith.constant 0 : i32
      %dma_start3A_177 = arith.constant 2 : i32
      %dma_start3A_178 = arith.constant 0 : i32
      %dma_start3A_179 = arith.constant 0 : i32
      %dma_start3A_180 = arith.constant 0 : i32
      %dma_start3A_181 = arith.constant 0 : i32
      %dma_start3A_182 = tpu.memref_slice %arg7[%dma_start3A_179, %dma_start3A_180, %dma_start3A_181] : memref<2x128x128xf32, #tpu.memory_space<vmem>> -> memref<1x128x128xf32, #tpu.memory_space<vmem>>
      %dma_start3A_183 = tpu.memref_squeeze %dma_start3A_182 : memref<1x128x128xf32, #tpu.memory_space<vmem>> -> memref<128x128xf32, #tpu.memory_space<vmem>>
      %dma_start3A_184 = arith.constant 0 : i32
      %dma_start3A_185 = tpu.memref_slice %arg6[%dma_start3A_176, %dma_start3A_177, %dma_start3A_178, %dma_start3A_184] : memref<2x4x2x128xi32, #tpu.memory_space<vmem>> -> memref<1x1x1x128xi32, #tpu.memory_space<vmem>>
      %dma_start3A_186 = tpu.memref_squeeze %dma_start3A_185 : memref<1x1x1x128xi32, #tpu.memory_space<vmem>> -> memref<128xi32, #tpu.memory_space<vmem>>
      %dma_start3A_187 = arith.constant 0 : i32
      %dma_start3A_188 = arith.constant 0 : i32
      %dma_start3A_189 = tpu.memref_slice %arg2[%dma_start3A_187, %dma_start3A_188] : memref<10000x128xf32, #tpu.memory_space<hbm>> -> memref<10000x128xf32, #tpu.memory_space<hbm>>
      tpu.enqueue_indirect_dma source(%dma_start3A_189 : memref<10000x128xf32, #tpu.memory_space<hbm>>) target(%dma_start3A_183 : memref<128x128xf32, #tpu.memory_space<vmem>>) offsets(%dma_start3A_186 : memref<128xi32, #tpu.memory_space<vmem>>) semaphore(%arg9 : memref<!tpu.dma_semaphore, #tpu.memory_space<semaphore_mem>>)
      %dma_wait3A_190 = arith.constant 0 : i32
      %dma_wait3A_191 = arith.constant 1 : i32
      %dma_wait3A_192 = arith.constant 0 : i32
      %dma_wait3A_193 = arith.constant 1 : i32
      %dma_wait3A_194 = arith.constant 0 : i32
      %dma_wait3A_195 = arith.constant 0 : i32
      %dma_wait3A_196 = tpu.memref_slice %arg7[%dma_wait3A_193, %dma_wait3A_194, %dma_wait3A_195] : memref<2x128x128xf32, #tpu.memory_space<vmem>> -> memref<1x128x128xf32, #tpu.memory_space<vmem>>
      %dma_wait3A_197 = tpu.memref_squeeze %dma_wait3A_196 : memref<1x128x128xf32, #tpu.memory_space<vmem>> -> memref<128x128xf32, #tpu.memory_space<vmem>>
      %dma_wait3A_198 = arith.constant 0 : i32
      %dma_wait3A_199 = tpu.memref_slice %arg6[%dma_wait3A_190, %dma_wait3A_191, %dma_wait3A_192, %dma_wait3A_198] : memref<2x4x2x128xi32, #tpu.memory_space<vmem>> -> memref<1x1x1x128xi32, #tpu.memory_space<vmem>>
      %dma_wait3A_200 = tpu.memref_squeeze %dma_wait3A_199 : memref<1x1x1x128xi32, #tpu.memory_space<vmem>> -> memref<128xi32, #tpu.memory_space<vmem>>
      %dma_wait3A_201 = arith.constant 0 : i32
      %dma_wait3A_202 = arith.constant 0 : i32
      %dma_wait3A_203 = tpu.memref_slice %arg2[%dma_wait3A_201, %dma_wait3A_202] : memref<10000x128xf32, #tpu.memory_space<hbm>> -> memref<10000x128xf32, #tpu.memory_space<hbm>>
      tpu.wait_indirect_dma semaphore(%arg10 : memref<!tpu.dma_semaphore, #tpu.memory_space<semaphore_mem>>) src(%dma_wait3A_203 : memref<10000x128xf32, #tpu.memory_space<hbm>>) dst(%dma_wait3A_197 : memref<128x128xf32, #tpu.memory_space<vmem>>)
      %run_scoped3A_204 = arith.constant 1 : i32
      %run_scoped3A_205 = arith.constant 0 : i32
      %run_scoped3A_206 = arith.constant 1 : i32
      %run_scoped3A_207 = arith.constant 1 : i32
      "tpu.region"() ({
        %run_scoped3A_502 = tpu.sem_alloc : memref<!tpu.dma_semaphore, #tpu.memory_space<semaphore_mem>>
        %dma_start3A_503 = arith.constant 0 : i32
        %dma_start3A_504 = arith.constant 0 : i32
        %dma_start3A_505 = tpu.memref_slice %arg7[%run_scoped3A_204, %dma_start3A_503, %dma_start3A_504] : memref<2x128x128xf32, #tpu.memory_space<vmem>> -> memref<1x128x128xf32, #tpu.memory_space<vmem>>
        %dma_start3A_506 = tpu.memref_squeeze %dma_start3A_505 : memref<1x128x128xf32, #tpu.memory_space<vmem>> -> memref<128x128xf32, #tpu.memory_space<vmem>>
        %dma_start3A_507 = arith.constant 0 : i32
        %dma_start3A_508 = tpu.memref_slice %arg6[%run_scoped3A_205, %run_scoped3A_206, %run_scoped3A_207, %dma_start3A_507] : memref<2x4x2x128xi32, #tpu.memory_space<vmem>> -> memref<1x1x1x128xi32, #tpu.memory_space<vmem>>
        %dma_start3A_509 = tpu.memref_squeeze %dma_start3A_508 : memref<1x1x1x128xi32, #tpu.memory_space<vmem>> -> memref<128xi32, #tpu.memory_space<vmem>>
        %dma_start3A_510 = arith.constant 0 : i32
        %dma_start3A_511 = arith.constant 0 : i32
        %dma_start3A_512 = tpu.memref_slice %arg8[%dma_start3A_510, %dma_start3A_511] : memref<10240x128xf32, #tpu.memory_space<vmem_shared>> -> memref<10240x128xf32, #tpu.memory_space<vmem_shared>>
        tpu.enqueue_indirect_dma source(%dma_start3A_506 : memref<128x128xf32, #tpu.memory_space<vmem>>) target(%dma_start3A_512 : memref<10240x128xf32, #tpu.memory_space<vmem_shared>>) offsets(%dma_start3A_509 : memref<128xi32, #tpu.memory_space<vmem>>) semaphore(%run_scoped3A_502 : memref<!tpu.dma_semaphore, #tpu.memory_space<semaphore_mem>>) {add = true}
        %dma_wait3A_513 = arith.constant 0 : i32
        %dma_wait3A_514 = arith.constant 0 : i32
        %dma_wait3A_515 = tpu.memref_slice %arg7[%run_scoped3A_204, %dma_wait3A_513, %dma_wait3A_514] : memref<2x128x128xf32, #tpu.memory_space<vmem>> -> memref<1x128x128xf32, #tpu.memory_space<vmem>>
        %dma_wait3A_516 = tpu.memref_squeeze %dma_wait3A_515 : memref<1x128x128xf32, #tpu.memory_space<vmem>> -> memref<128x128xf32, #tpu.memory_space<vmem>>
        %dma_wait3A_517 = arith.constant 0 : i32
        %dma_wait3A_518 = tpu.memref_slice %arg6[%run_scoped3A_205, %run_scoped3A_206, %run_scoped3A_207, %dma_wait3A_517] : memref<2x4x2x128xi32, #tpu.memory_space<vmem>> -> memref<1x1x1x128xi32, #tpu.memory_space<vmem>>
        %dma_wait3A_519 = tpu.memref_squeeze %dma_wait3A_518 : memref<1x1x1x128xi32, #tpu.memory_space<vmem>> -> memref<128xi32, #tpu.memory_space<vmem>>
        %dma_wait3A_520 = arith.constant 0 : i32
        %dma_wait3A_521 = arith.constant 0 : i32
        %dma_wait3A_522 = tpu.memref_slice %arg8[%dma_wait3A_520, %dma_wait3A_521] : memref<10240x128xf32, #tpu.memory_space<vmem_shared>> -> memref<10240x128xf32, #tpu.memory_space<vmem_shared>>
        tpu.wait_indirect_dma semaphore(%run_scoped3A_502 : memref<!tpu.dma_semaphore, #tpu.memory_space<semaphore_mem>>) src(%dma_wait3A_516 : memref<128x128xf32, #tpu.memory_space<vmem>>) dst(%dma_wait3A_522 : memref<10240x128xf32, #tpu.memory_space<vmem_shared>>)
        tpu.yield
      }) : () -> ()
      %dma_start3A_208 = arith.constant 0 : i32
      %dma_start3A_209 = arith.constant 3 : i32
      %dma_start3A_210 = arith.constant 0 : i32
      %dma_start3A_211 = arith.constant 1 : i32
      %dma_start3A_212 = arith.constant 0 : i32
      %dma_start3A_213 = arith.constant 0 : i32
      %dma_start3A_214 = tpu.memref_slice %arg7[%dma_start3A_211, %dma_start3A_212, %dma_start3A_213] : memref<2x128x128xf32, #tpu.memory_space<vmem>> -> memref<1x128x128xf32, #tpu.memory_space<vmem>>
      %dma_start3A_215 = tpu.memref_squeeze %dma_start3A_214 : memref<1x128x128xf32, #tpu.memory_space<vmem>> -> memref<128x128xf32, #tpu.memory_space<vmem>>
      %dma_start3A_216 = arith.constant 0 : i32
      %dma_start3A_217 = tpu.memref_slice %arg6[%dma_start3A_208, %dma_start3A_209, %dma_start3A_210, %dma_start3A_216] : memref<2x4x2x128xi32, #tpu.memory_space<vmem>> -> memref<1x1x1x128xi32, #tpu.memory_space<vmem>>
      %dma_start3A_218 = tpu.memref_squeeze %dma_start3A_217 : memref<1x1x1x128xi32, #tpu.memory_space<vmem>> -> memref<128xi32, #tpu.memory_space<vmem>>
      %dma_start3A_219 = arith.constant 0 : i32
      %dma_start3A_220 = arith.constant 0 : i32
      %dma_start3A_221 = tpu.memref_slice %arg2[%dma_start3A_219, %dma_start3A_220] : memref<10000x128xf32, #tpu.memory_space<hbm>> -> memref<10000x128xf32, #tpu.memory_space<hbm>>
      tpu.enqueue_indirect_dma source(%dma_start3A_221 : memref<10000x128xf32, #tpu.memory_space<hbm>>) target(%dma_start3A_215 : memref<128x128xf32, #tpu.memory_space<vmem>>) offsets(%dma_start3A_218 : memref<128xi32, #tpu.memory_space<vmem>>) semaphore(%arg10 : memref<!tpu.dma_semaphore, #tpu.memory_space<semaphore_mem>>)
      %dma_wait3A_222 = arith.constant 0 : i32
      %dma_wait3A_223 = arith.constant 2 : i32
      %dma_wait3A_224 = arith.constant 0 : i32
      %dma_wait3A_225 = arith.constant 0 : i32
      %dma_wait3A_226 = arith.constant 0 : i32
      %dma_wait3A_227 = arith.constant 0 : i32
      %dma_wait3A_228 = tpu.memref_slice %arg7[%dma_wait3A_225, %dma_wait3A_226, %dma_wait3A_227] : memref<2x128x128xf32, #tpu.memory_space<vmem>> -> memref<1x128x128xf32, #tpu.memory_space<vmem>>
      %dma_wait3A_229 = tpu.memref_squeeze %dma_wait3A_228 : memref<1x128x128xf32, #tpu.memory_space<vmem>> -> memref<128x128xf32, #tpu.memory_space<vmem>>
      %dma_wait3A_230 = arith.constant 0 : i32
      %dma_wait3A_231 = tpu.memref_slice %arg6[%dma_wait3A_222, %dma_wait3A_223, %dma_wait3A_224, %dma_wait3A_230] : memref<2x4x2x128xi32, #tpu.memory_space<vmem>> -> memref<1x1x1x128xi32, #tpu.memory_space<vmem>>
      %dma_wait3A_232 = tpu.memref_squeeze %dma_wait3A_231 : memref<1x1x1x128xi32, #tpu.memory_space<vmem>> -> memref<128xi32, #tpu.memory_space<vmem>>
      %dma_wait3A_233 = arith.constant 0 : i32
      %dma_wait3A_234 = arith.constant 0 : i32
      %dma_wait3A_235 = tpu.memref_slice %arg2[%dma_wait3A_233, %dma_wait3A_234] : memref<10000x128xf32, #tpu.memory_space<hbm>> -> memref<10000x128xf32, #tpu.memory_space<hbm>>
      tpu.wait_indirect_dma semaphore(%arg9 : memref<!tpu.dma_semaphore, #tpu.memory_space<semaphore_mem>>) src(%dma_wait3A_235 : memref<10000x128xf32, #tpu.memory_space<hbm>>) dst(%dma_wait3A_229 : memref<128x128xf32, #tpu.memory_space<vmem>>)
      %run_scoped3A_236 = arith.constant 0 : i32
      %run_scoped3A_237 = arith.constant 0 : i32
      %run_scoped3A_238 = arith.constant 2 : i32
      %run_scoped3A_239 = arith.constant 1 : i32
      "tpu.region"() ({
        %run_scoped3A_502 = tpu.sem_alloc : memref<!tpu.dma_semaphore, #tpu.memory_space<semaphore_mem>>
        %dma_start3A_503 = arith.constant 0 : i32
        %dma_start3A_504 = arith.constant 0 : i32
        %dma_start3A_505 = tpu.memref_slice %arg7[%run_scoped3A_236, %dma_start3A_503, %dma_start3A_504] : memref<2x128x128xf32, #tpu.memory_space<vmem>> -> memref<1x128x128xf32, #tpu.memory_space<vmem>>
        %dma_start3A_506 = tpu.memref_squeeze %dma_start3A_505 : memref<1x128x128xf32, #tpu.memory_space<vmem>> -> memref<128x128xf32, #tpu.memory_space<vmem>>
        %dma_start3A_507 = arith.constant 0 : i32
        %dma_start3A_508 = tpu.memref_slice %arg6[%run_scoped3A_237, %run_scoped3A_238, %run_scoped3A_239, %dma_start3A_507] : memref<2x4x2x128xi32, #tpu.memory_space<vmem>> -> memref<1x1x1x128xi32, #tpu.memory_space<vmem>>
        %dma_start3A_509 = tpu.memref_squeeze %dma_start3A_508 : memref<1x1x1x128xi32, #tpu.memory_space<vmem>> -> memref<128xi32, #tpu.memory_space<vmem>>
        %dma_start3A_510 = arith.constant 0 : i32
        %dma_start3A_511 = arith.constant 0 : i32
        %dma_start3A_512 = tpu.memref_slice %arg8[%dma_start3A_510, %dma_start3A_511] : memref<10240x128xf32, #tpu.memory_space<vmem_shared>> -> memref<10240x128xf32, #tpu.memory_space<vmem_shared>>
        tpu.enqueue_indirect_dma source(%dma_start3A_506 : memref<128x128xf32, #tpu.memory_space<vmem>>) target(%dma_start3A_512 : memref<10240x128xf32, #tpu.memory_space<vmem_shared>>) offsets(%dma_start3A_509 : memref<128xi32, #tpu.memory_space<vmem>>) semaphore(%run_scoped3A_502 : memref<!tpu.dma_semaphore, #tpu.memory_space<semaphore_mem>>) {add = true}
        %dma_wait3A_513 = arith.constant 0 : i32
        %dma_wait3A_514 = arith.constant 0 : i32
        %dma_wait3A_515 = tpu.memref_slice %arg7[%run_scoped3A_236, %dma_wait3A_513, %dma_wait3A_514] : memref<2x128x128xf32, #tpu.memory_space<vmem>> -> memref<1x128x128xf32, #tpu.memory_space<vmem>>
        %dma_wait3A_516 = tpu.memref_squeeze %dma_wait3A_515 : memref<1x128x128xf32, #tpu.memory_space<vmem>> -> memref<128x128xf32, #tpu.memory_space<vmem>>
        %dma_wait3A_517 = arith.constant 0 : i32
        %dma_wait3A_518 = tpu.memref_slice %arg6[%run_scoped3A_237, %run_scoped3A_238, %run_scoped3A_239, %dma_wait3A_517] : memref<2x4x2x128xi32, #tpu.memory_space<vmem>> -> memref<1x1x1x128xi32, #tpu.memory_space<vmem>>
        %dma_wait3A_519 = tpu.memref_squeeze %dma_wait3A_518 : memref<1x1x1x128xi32, #tpu.memory_space<vmem>> -> memref<128xi32, #tpu.memory_space<vmem>>
        %dma_wait3A_520 = arith.constant 0 : i32
        %dma_wait3A_521 = arith.constant 0 : i32
        %dma_wait3A_522 = tpu.memref_slice %arg8[%dma_wait3A_520, %dma_wait3A_521] : memref<10240x128xf32, #tpu.memory_space<vmem_shared>> -> memref<10240x128xf32, #tpu.memory_space<vmem_shared>>
        tpu.wait_indirect_dma semaphore(%run_scoped3A_502 : memref<!tpu.dma_semaphore, #tpu.memory_space<semaphore_mem>>) src(%dma_wait3A_516 : memref<128x128xf32, #tpu.memory_space<vmem>>) dst(%dma_wait3A_522 : memref<10240x128xf32, #tpu.memory_space<vmem_shared>>)
        tpu.yield
      }) : () -> ()
      %add3A_240 = arith.constant 1 : i32
      %add3A_241 = arith.addi %mul3A_144, %add3A_240 : i32
      %mul3A_242 = arith.constant 4 : i32
      %mul3A_243 = arith.muli %add3A_241, %mul3A_242 : i32
      %add3A_244 = arith.addi %select_n3A, %mul3A_243 : i32
      %dma_wait3A_245 = arith.constant 0 : i32
      %dma_wait3A_246 = arith.constant 1 : i32
      %dma_wait3A_247 = arith.constant 0 : i32
      %dma_wait3A_248 = arith.constant 0 : i32
      %dma_wait3A_249 = arith.constant 0 : i32
      %dma_wait3A_250 = tpu.memref_slice %arg6[%dma_wait3A_246, %dma_wait3A_247, %dma_wait3A_248, %dma_wait3A_249] : memref<2x4x2x128xi32, #tpu.memory_space<vmem>> -> memref<1x4x2x128xi32, #tpu.memory_space<vmem>>
      %dma_wait3A_251 = tpu.memref_squeeze %dma_wait3A_250 : memref<1x4x2x128xi32, #tpu.memory_space<vmem>> -> memref<4x2x128xi32, #tpu.memory_space<vmem>>
      %dma_wait3A_252 = arith.constant 0 : i32
      %dma_wait3A_253 = arith.constant 0 : i32
      %dma_wait3A_254 = tpu.memref_slice %arg3[%dma_wait3A_245, %add3A_244, %dma_wait3A_252, %dma_wait3A_253] : memref<1x1288x2x128xi32, #tpu.memory_space<hbm>> -> memref<1x4x2x128xi32, #tpu.memory_space<hbm>>
      %dma_wait3A_255 = tpu.memref_squeeze %dma_wait3A_254 : memref<1x4x2x128xi32, #tpu.memory_space<hbm>> -> memref<4x2x128xi32, #tpu.memory_space<hbm>>
      %dma_wait3A_256 = arith.constant 0 : i32
      %dma_wait3A_257 = arith.constant 0 : i32
      %dma_wait3A_258 = arith.constant 0 : i32
      %dma_wait3A_259 = tpu.memref_slice %arg6[%dma_wait3A_246, %dma_wait3A_256, %dma_wait3A_257, %dma_wait3A_258] : memref<2x4x2x128xi32, #tpu.memory_space<vmem>> -> memref<1x4x2x128xi32, #tpu.memory_space<vmem>>
      %dma_wait3A_260 = tpu.memref_squeeze %dma_wait3A_259 : memref<1x4x2x128xi32, #tpu.memory_space<vmem>> -> memref<4x2x128xi32, #tpu.memory_space<vmem>>
      %dma_wait3A_261 = arith.constant 0 : i32
      %dma_wait3A_262 = arith.constant 0 : i32
      %dma_wait3A_263 = tpu.memref_slice %arg3[%dma_wait3A_245, %add3A_244, %dma_wait3A_261, %dma_wait3A_262] : memref<1x1288x2x128xi32, #tpu.memory_space<hbm>> -> memref<1x4x2x128xi32, #tpu.memory_space<hbm>>
      %dma_wait3A_264 = tpu.memref_squeeze %dma_wait3A_263 : memref<1x4x2x128xi32, #tpu.memory_space<hbm>> -> memref<4x2x128xi32, #tpu.memory_space<hbm>>
      tpu.wait_dma2 semaphore(%arg12 : memref<!tpu.dma_semaphore, #tpu.memory_space<semaphore_mem>>) src(%dma_wait3A_264 : memref<4x2x128xi32, #tpu.memory_space<hbm>>) dst(%dma_wait3A_260 : memref<4x2x128xi32, #tpu.memory_space<vmem>>)
      %dma_start3A_265 = arith.constant 1 : i32
      %dma_start3A_266 = arith.constant 0 : i32
      %dma_start3A_267 = arith.constant 0 : i32
      %dma_start3A_268 = arith.constant 0 : i32
      %dma_start3A_269 = arith.constant 0 : i32
      %dma_start3A_270 = arith.constant 0 : i32
      %dma_start3A_271 = tpu.memref_slice %arg7[%dma_start3A_268, %dma_start3A_269, %dma_start3A_270] : memref<2x128x128xf32, #tpu.memory_space<vmem>> -> memref<1x128x128xf32, #tpu.memory_space<vmem>>
      %dma_start3A_272 = tpu.memref_squeeze %dma_start3A_271 : memref<1x128x128xf32, #tpu.memory_space<vmem>> -> memref<128x128xf32, #tpu.memory_space<vmem>>
      %dma_start3A_273 = arith.constant 0 : i32
      %dma_start3A_274 = tpu.memref_slice %arg6[%dma_start3A_265, %dma_start3A_266, %dma_start3A_267, %dma_start3A_273] : memref<2x4x2x128xi32, #tpu.memory_space<vmem>> -> memref<1x1x1x128xi32, #tpu.memory_space<vmem>>
      %dma_start3A_275 = tpu.memref_squeeze %dma_start3A_274 : memref<1x1x1x128xi32, #tpu.memory_space<vmem>> -> memref<128xi32, #tpu.memory_space<vmem>>
      %dma_start3A_276 = arith.constant 0 : i32
      %dma_start3A_277 = arith.constant 0 : i32
      %dma_start3A_278 = tpu.memref_slice %arg2[%dma_start3A_276, %dma_start3A_277] : memref<10000x128xf32, #tpu.memory_space<hbm>> -> memref<10000x128xf32, #tpu.memory_space<hbm>>
      tpu.enqueue_indirect_dma source(%dma_start3A_278 : memref<10000x128xf32, #tpu.memory_space<hbm>>) target(%dma_start3A_272 : memref<128x128xf32, #tpu.memory_space<vmem>>) offsets(%dma_start3A_275 : memref<128xi32, #tpu.memory_space<vmem>>) semaphore(%arg9 : memref<!tpu.dma_semaphore, #tpu.memory_space<semaphore_mem>>)
      %dma_wait3A_279 = arith.constant 0 : i32
      %dma_wait3A_280 = arith.constant 3 : i32
      %dma_wait3A_281 = arith.constant 0 : i32
      %dma_wait3A_282 = arith.constant 1 : i32
      %dma_wait3A_283 = arith.constant 0 : i32
      %dma_wait3A_284 = arith.constant 0 : i32
      %dma_wait3A_285 = tpu.memref_slice %arg7[%dma_wait3A_282, %dma_wait3A_283, %dma_wait3A_284] : memref<2x128x128xf32, #tpu.memory_space<vmem>> -> memref<1x128x128xf32, #tpu.memory_space<vmem>>
      %dma_wait3A_286 = tpu.memref_squeeze %dma_wait3A_285 : memref<1x128x128xf32, #tpu.memory_space<vmem>> -> memref<128x128xf32, #tpu.memory_space<vmem>>
      %dma_wait3A_287 = arith.constant 0 : i32
      %dma_wait3A_288 = tpu.memref_slice %arg6[%dma_wait3A_279, %dma_wait3A_280, %dma_wait3A_281, %dma_wait3A_287] : memref<2x4x2x128xi32, #tpu.memory_space<vmem>> -> memref<1x1x1x128xi32, #tpu.memory_space<vmem>>
      %dma_wait3A_289 = tpu.memref_squeeze %dma_wait3A_288 : memref<1x1x1x128xi32, #tpu.memory_space<vmem>> -> memref<128xi32, #tpu.memory_space<vmem>>
      %dma_wait3A_290 = arith.constant 0 : i32
      %dma_wait3A_291 = arith.constant 0 : i32
      %dma_wait3A_292 = tpu.memref_slice %arg2[%dma_wait3A_290, %dma_wait3A_291] : memref<10000x128xf32, #tpu.memory_space<hbm>> -> memref<10000x128xf32, #tpu.memory_space<hbm>>
      tpu.wait_indirect_dma semaphore(%arg10 : memref<!tpu.dma_semaphore, #tpu.memory_space<semaphore_mem>>) src(%dma_wait3A_292 : memref<10000x128xf32, #tpu.memory_space<hbm>>) dst(%dma_wait3A_286 : memref<128x128xf32, #tpu.memory_space<vmem>>)
      %run_scoped3A_293 = arith.constant 1 : i32
      %run_scoped3A_294 = arith.constant 0 : i32
      %run_scoped3A_295 = arith.constant 3 : i32
      %run_scoped3A_296 = arith.constant 1 : i32
      "tpu.region"() ({
        %run_scoped3A_502 = tpu.sem_alloc : memref<!tpu.dma_semaphore, #tpu.memory_space<semaphore_mem>>
        %dma_start3A_503 = arith.constant 0 : i32
        %dma_start3A_504 = arith.constant 0 : i32
        %dma_start3A_505 = tpu.memref_slice %arg7[%run_scoped3A_293, %dma_start3A_503, %dma_start3A_504] : memref<2x128x128xf32, #tpu.memory_space<vmem>> -> memref<1x128x128xf32, #tpu.memory_space<vmem>>
        %dma_start3A_506 = tpu.memref_squeeze %dma_start3A_505 : memref<1x128x128xf32, #tpu.memory_space<vmem>> -> memref<128x128xf32, #tpu.memory_space<vmem>>
        %dma_start3A_507 = arith.constant 0 : i32
        %dma_start3A_508 = tpu.memref_slice %arg6[%run_scoped3A_294, %run_scoped3A_295, %run_scoped3A_296, %dma_start3A_507] : memref<2x4x2x128xi32, #tpu.memory_space<vmem>> -> memref<1x1x1x128xi32, #tpu.memory_space<vmem>>
        %dma_start3A_509 = tpu.memref_squeeze %dma_start3A_508 : memref<1x1x1x128xi32, #tpu.memory_space<vmem>> -> memref<128xi32, #tpu.memory_space<vmem>>
        %dma_start3A_510 = arith.constant 0 : i32
        %dma_start3A_511 = arith.constant 0 : i32
        %dma_start3A_512 = tpu.memref_slice %arg8[%dma_start3A_510, %dma_start3A_511] : memref<10240x128xf32, #tpu.memory_space<vmem_shared>> -> memref<10240x128xf32, #tpu.memory_space<vmem_shared>>
        tpu.enqueue_indirect_dma source(%dma_start3A_506 : memref<128x128xf32, #tpu.memory_space<vmem>>) target(%dma_start3A_512 : memref<10240x128xf32, #tpu.memory_space<vmem_shared>>) offsets(%dma_start3A_509 : memref<128xi32, #tpu.memory_space<vmem>>) semaphore(%run_scoped3A_502 : memref<!tpu.dma_semaphore, #tpu.memory_space<semaphore_mem>>) {add = true}
        %dma_wait3A_513 = arith.constant 0 : i32
        %dma_wait3A_514 = arith.constant 0 : i32
        %dma_wait3A_515 = tpu.memref_slice %arg7[%run_scoped3A_293, %dma_wait3A_513, %dma_wait3A_514] : memref<2x128x128xf32, #tpu.memory_space<vmem>> -> memref<1x128x128xf32, #tpu.memory_space<vmem>>
        %dma_wait3A_516 = tpu.memref_squeeze %dma_wait3A_515 : memref<1x128x128xf32, #tpu.memory_space<vmem>> -> memref<128x128xf32, #tpu.memory_space<vmem>>
        %dma_wait3A_517 = arith.constant 0 : i32
        %dma_wait3A_518 = tpu.memref_slice %arg6[%run_scoped3A_294, %run_scoped3A_295, %run_scoped3A_296, %dma_wait3A_517] : memref<2x4x2x128xi32, #tpu.memory_space<vmem>> -> memref<1x1x1x128xi32, #tpu.memory_space<vmem>>
        %dma_wait3A_519 = tpu.memref_squeeze %dma_wait3A_518 : memref<1x1x1x128xi32, #tpu.memory_space<vmem>> -> memref<128xi32, #tpu.memory_space<vmem>>
        %dma_wait3A_520 = arith.constant 0 : i32
        %dma_wait3A_521 = arith.constant 0 : i32
        %dma_wait3A_522 = tpu.memref_slice %arg8[%dma_wait3A_520, %dma_wait3A_521] : memref<10240x128xf32, #tpu.memory_space<vmem_shared>> -> memref<10240x128xf32, #tpu.memory_space<vmem_shared>>
        tpu.wait_indirect_dma semaphore(%run_scoped3A_502 : memref<!tpu.dma_semaphore, #tpu.memory_space<semaphore_mem>>) src(%dma_wait3A_516 : memref<128x128xf32, #tpu.memory_space<vmem>>) dst(%dma_wait3A_522 : memref<10240x128xf32, #tpu.memory_space<vmem_shared>>)
        tpu.yield
      }) : () -> ()
      %add3A_297 = arith.constant 2 : i32
      %add3A_298 = arith.addi %mul3A_144, %add3A_297 : i32
      %mul3A_299 = arith.constant 4 : i32
      %mul3A_300 = arith.muli %add3A_298, %mul3A_299 : i32
      %add3A_301 = arith.addi %select_n3A, %mul3A_300 : i32
      %dma_start3A_302 = arith.constant 0 : i32
      %dma_start3A_303 = arith.constant 0 : i32
      %dma_start3A_304 = arith.constant 0 : i32
      %dma_start3A_305 = arith.constant 0 : i32
      %dma_start3A_306 = arith.constant 0 : i32
      %dma_start3A_307 = tpu.memref_slice %arg6[%dma_start3A_303, %dma_start3A_304, %dma_start3A_305, %dma_start3A_306] : memref<2x4x2x128xi32, #tpu.memory_space<vmem>> -> memref<1x4x2x128xi32, #tpu.memory_space<vmem>>
      %dma_start3A_308 = tpu.memref_squeeze %dma_start3A_307 : memref<1x4x2x128xi32, #tpu.memory_space<vmem>> -> memref<4x2x128xi32, #tpu.memory_space<vmem>>
      %dma_start3A_309 = arith.constant 0 : i32
      %dma_start3A_310 = arith.constant 0 : i32
      %dma_start3A_311 = tpu.memref_slice %arg3[%dma_start3A_302, %add3A_301, %dma_start3A_309, %dma_start3A_310] : memref<1x1288x2x128xi32, #tpu.memory_space<hbm>> -> memref<1x4x2x128xi32, #tpu.memory_space<hbm>>
      %dma_start3A_312 = tpu.memref_squeeze %dma_start3A_311 : memref<1x4x2x128xi32, #tpu.memory_space<hbm>> -> memref<4x2x128xi32, #tpu.memory_space<hbm>>
      %dma_start3A_313 = arith.constant 0 : i32
      %dma_start3A_314 = arith.constant 0 : i32
      %dma_start3A_315 = arith.constant 0 : i32
      %dma_start3A_316 = tpu.memref_slice %arg6[%dma_start3A_303, %dma_start3A_313, %dma_start3A_314, %dma_start3A_315] : memref<2x4x2x128xi32, #tpu.memory_space<vmem>> -> memref<1x4x2x128xi32, #tpu.memory_space<vmem>>
      %dma_start3A_317 = tpu.memref_squeeze %dma_start3A_316 : memref<1x4x2x128xi32, #tpu.memory_space<vmem>> -> memref<4x2x128xi32, #tpu.memory_space<vmem>>
      %dma_start3A_318 = arith.constant 0 : i32
      %dma_start3A_319 = arith.constant 0 : i32
      %dma_start3A_320 = tpu.memref_slice %arg3[%dma_start3A_302, %add3A_301, %dma_start3A_318, %dma_start3A_319] : memref<1x1288x2x128xi32, #tpu.memory_space<hbm>> -> memref<1x4x2x128xi32, #tpu.memory_space<hbm>>
      %dma_start3A_321 = tpu.memref_squeeze %dma_start3A_320 : memref<1x4x2x128xi32, #tpu.memory_space<hbm>> -> memref<4x2x128xi32, #tpu.memory_space<hbm>>
      tpu.enqueue_dma source(%dma_start3A_321 : memref<4x2x128xi32, #tpu.memory_space<hbm>>) target(%dma_start3A_317 : memref<4x2x128xi32, #tpu.memory_space<vmem>>) target_semaphore(%arg11 : memref<!tpu.dma_semaphore, #tpu.memory_space<semaphore_mem>>)
      %add3A_322 = arith.constant 1 : i32
      %add3A_323 = arith.addi %mul3A_144, %add3A_322 : i32
      %dma_start3A_324 = arith.constant 1 : i32
      %dma_start3A_325 = arith.constant 1 : i32
      %dma_start3A_326 = arith.constant 0 : i32
      %dma_start3A_327 = arith.constant 1 : i32
      %dma_start3A_328 = arith.constant 0 : i32
      %dma_start3A_329 = arith.constant 0 : i32
      %dma_start3A_330 = tpu.memref_slice %arg7[%dma_start3A_327, %dma_start3A_328, %dma_start3A_329] : memref<2x128x128xf32, #tpu.memory_space<vmem>> -> memref<1x128x128xf32, #tpu.memory_space<vmem>>
      %dma_start3A_331 = tpu.memref_squeeze %dma_start3A_330 : memref<1x128x128xf32, #tpu.memory_space<vmem>> -> memref<128x128xf32, #tpu.memory_space<vmem>>
      %dma_start3A_332 = arith.constant 0 : i32
      %dma_start3A_333 = tpu.memref_slice %arg6[%dma_start3A_324, %dma_start3A_325, %dma_start3A_326, %dma_start3A_332] : memref<2x4x2x128xi32, #tpu.memory_space<vmem>> -> memref<1x1x1x128xi32, #tpu.memory_space<vmem>>
      %dma_start3A_334 = tpu.memref_squeeze %dma_start3A_333 : memref<1x1x1x128xi32, #tpu.memory_space<vmem>> -> memref<128xi32, #tpu.memory_space<vmem>>
      %dma_start3A_335 = arith.constant 0 : i32
      %dma_start3A_336 = arith.constant 0 : i32
      %dma_start3A_337 = tpu.memref_slice %arg2[%dma_start3A_335, %dma_start3A_336] : memref<10000x128xf32, #tpu.memory_space<hbm>> -> memref<10000x128xf32, #tpu.memory_space<hbm>>
      tpu.enqueue_indirect_dma source(%dma_start3A_337 : memref<10000x128xf32, #tpu.memory_space<hbm>>) target(%dma_start3A_331 : memref<128x128xf32, #tpu.memory_space<vmem>>) offsets(%dma_start3A_334 : memref<128xi32, #tpu.memory_space<vmem>>) semaphore(%arg10 : memref<!tpu.dma_semaphore, #tpu.memory_space<semaphore_mem>>)
      %dma_wait3A_338 = arith.constant 1 : i32
      %dma_wait3A_339 = arith.constant 0 : i32
      %dma_wait3A_340 = arith.constant 0 : i32
      %dma_wait3A_341 = arith.constant 0 : i32
      %dma_wait3A_342 = arith.constant 0 : i32
      %dma_wait3A_343 = arith.constant 0 : i32
      %dma_wait3A_344 = tpu.memref_slice %arg7[%dma_wait3A_341, %dma_wait3A_342, %dma_wait3A_343] : memref<2x128x128xf32, #tpu.memory_space<vmem>> -> memref<1x128x128xf32, #tpu.memory_space<vmem>>
      %dma_wait3A_345 = tpu.memref_squeeze %dma_wait3A_344 : memref<1x128x128xf32, #tpu.memory_space<vmem>> -> memref<128x128xf32, #tpu.memory_space<vmem>>
      %dma_wait3A_346 = arith.constant 0 : i32
      %dma_wait3A_347 = tpu.memref_slice %arg6[%dma_wait3A_338, %dma_wait3A_339, %dma_wait3A_340, %dma_wait3A_346] : memref<2x4x2x128xi32, #tpu.memory_space<vmem>> -> memref<1x1x1x128xi32, #tpu.memory_space<vmem>>
      %dma_wait3A_348 = tpu.memref_squeeze %dma_wait3A_347 : memref<1x1x1x128xi32, #tpu.memory_space<vmem>> -> memref<128xi32, #tpu.memory_space<vmem>>
      %dma_wait3A_349 = arith.constant 0 : i32
      %dma_wait3A_350 = arith.constant 0 : i32
      %dma_wait3A_351 = tpu.memref_slice %arg2[%dma_wait3A_349, %dma_wait3A_350] : memref<10000x128xf32, #tpu.memory_space<hbm>> -> memref<10000x128xf32, #tpu.memory_space<hbm>>
      tpu.wait_indirect_dma semaphore(%arg9 : memref<!tpu.dma_semaphore, #tpu.memory_space<semaphore_mem>>) src(%dma_wait3A_351 : memref<10000x128xf32, #tpu.memory_space<hbm>>) dst(%dma_wait3A_345 : memref<128x128xf32, #tpu.memory_space<vmem>>)
      %run_scoped3A_352 = arith.constant 0 : i32
      %run_scoped3A_353 = arith.constant 1 : i32
      %run_scoped3A_354 = arith.constant 0 : i32
      %run_scoped3A_355 = arith.constant 1 : i32
      "tpu.region"() ({
        %run_scoped3A_502 = tpu.sem_alloc : memref<!tpu.dma_semaphore, #tpu.memory_space<semaphore_mem>>
        %dma_start3A_503 = arith.constant 0 : i32
        %dma_start3A_504 = arith.constant 0 : i32
        %dma_start3A_505 = tpu.memref_slice %arg7[%run_scoped3A_352, %dma_start3A_503, %dma_start3A_504] : memref<2x128x128xf32, #tpu.memory_space<vmem>> -> memref<1x128x128xf32, #tpu.memory_space<vmem>>
        %dma_start3A_506 = tpu.memref_squeeze %dma_start3A_505 : memref<1x128x128xf32, #tpu.memory_space<vmem>> -> memref<128x128xf32, #tpu.memory_space<vmem>>
        %dma_start3A_507 = arith.constant 0 : i32
        %dma_start3A_508 = tpu.memref_slice %arg6[%run_scoped3A_353, %run_scoped3A_354, %run_scoped3A_355, %dma_start3A_507] : memref<2x4x2x128xi32, #tpu.memory_space<vmem>> -> memref<1x1x1x128xi32, #tpu.memory_space<vmem>>
        %dma_start3A_509 = tpu.memref_squeeze %dma_start3A_508 : memref<1x1x1x128xi32, #tpu.memory_space<vmem>> -> memref<128xi32, #tpu.memory_space<vmem>>
        %dma_start3A_510 = arith.constant 0 : i32
        %dma_start3A_511 = arith.constant 0 : i32
        %dma_start3A_512 = tpu.memref_slice %arg8[%dma_start3A_510, %dma_start3A_511] : memref<10240x128xf32, #tpu.memory_space<vmem_shared>> -> memref<10240x128xf32, #tpu.memory_space<vmem_shared>>
        tpu.enqueue_indirect_dma source(%dma_start3A_506 : memref<128x128xf32, #tpu.memory_space<vmem>>) target(%dma_start3A_512 : memref<10240x128xf32, #tpu.memory_space<vmem_shared>>) offsets(%dma_start3A_509 : memref<128xi32, #tpu.memory_space<vmem>>) semaphore(%run_scoped3A_502 : memref<!tpu.dma_semaphore, #tpu.memory_space<semaphore_mem>>) {add = true}
        %dma_wait3A_513 = arith.constant 0 : i32
        %dma_wait3A_514 = arith.constant 0 : i32
        %dma_wait3A_515 = tpu.memref_slice %arg7[%run_scoped3A_352, %dma_wait3A_513, %dma_wait3A_514] : memref<2x128x128xf32, #tpu.memory_space<vmem>> -> memref<1x128x128xf32, #tpu.memory_space<vmem>>
        %dma_wait3A_516 = tpu.memref_squeeze %dma_wait3A_515 : memref<1x128x128xf32, #tpu.memory_space<vmem>> -> memref<128x128xf32, #tpu.memory_space<vmem>>
        %dma_wait3A_517 = arith.constant 0 : i32
        %dma_wait3A_518 = tpu.memref_slice %arg6[%run_scoped3A_353, %run_scoped3A_354, %run_scoped3A_355, %dma_wait3A_517] : memref<2x4x2x128xi32, #tpu.memory_space<vmem>> -> memref<1x1x1x128xi32, #tpu.memory_space<vmem>>
        %dma_wait3A_519 = tpu.memref_squeeze %dma_wait3A_518 : memref<1x1x1x128xi32, #tpu.memory_space<vmem>> -> memref<128xi32, #tpu.memory_space<vmem>>
        %dma_wait3A_520 = arith.constant 0 : i32
        %dma_wait3A_521 = arith.constant 0 : i32
        %dma_wait3A_522 = tpu.memref_slice %arg8[%dma_wait3A_520, %dma_wait3A_521] : memref<10240x128xf32, #tpu.memory_space<vmem_shared>> -> memref<10240x128xf32, #tpu.memory_space<vmem_shared>>
        tpu.wait_indirect_dma semaphore(%run_scoped3A_502 : memref<!tpu.dma_semaphore, #tpu.memory_space<semaphore_mem>>) src(%dma_wait3A_516 : memref<128x128xf32, #tpu.memory_space<vmem>>) dst(%dma_wait3A_522 : memref<10240x128xf32, #tpu.memory_space<vmem_shared>>)
        tpu.yield
      }) : () -> ()
      %dma_start3A_356 = arith.constant 1 : i32
      %dma_start3A_357 = arith.constant 2 : i32
      %dma_start3A_358 = arith.constant 0 : i32
      %dma_start3A_359 = arith.constant 0 : i32
      %dma_start3A_360 = arith.constant 0 : i32
      %dma_start3A_361 = arith.constant 0 : i32
      %dma_start3A_362 = tpu.memref_slice %arg7[%dma_start3A_359, %dma_start3A_360, %dma_start3A_361] : memref<2x128x128xf32, #tpu.memory_space<vmem>> -> memref<1x128x128xf32, #tpu.memory_space<vmem>>
      %dma_start3A_363 = tpu.memref_squeeze %dma_start3A_362 : memref<1x128x128xf32, #tpu.memory_space<vmem>> -> memref<128x128xf32, #tpu.memory_space<vmem>>
      %dma_start3A_364 = arith.constant 0 : i32
      %dma_start3A_365 = tpu.memref_slice %arg6[%dma_start3A_356, %dma_start3A_357, %dma_start3A_358, %dma_start3A_364] : memref<2x4x2x128xi32, #tpu.memory_space<vmem>> -> memref<1x1x1x128xi32, #tpu.memory_space<vmem>>
      %dma_start3A_366 = tpu.memref_squeeze %dma_start3A_365 : memref<1x1x1x128xi32, #tpu.memory_space<vmem>> -> memref<128xi32, #tpu.memory_space<vmem>>
      %dma_start3A_367 = arith.constant 0 : i32
      %dma_start3A_368 = arith.constant 0 : i32
      %dma_start3A_369 = tpu.memref_slice %arg2[%dma_start3A_367, %dma_start3A_368] : memref<10000x128xf32, #tpu.memory_space<hbm>> -> memref<10000x128xf32, #tpu.memory_space<hbm>>
      tpu.enqueue_indirect_dma source(%dma_start3A_369 : memref<10000x128xf32, #tpu.memory_space<hbm>>) target(%dma_start3A_363 : memref<128x128xf32, #tpu.memory_space<vmem>>) offsets(%dma_start3A_366 : memref<128xi32, #tpu.memory_space<vmem>>) semaphore(%arg9 : memref<!tpu.dma_semaphore, #tpu.memory_space<semaphore_mem>>)
      %dma_wait3A_370 = arith.constant 1 : i32
      %dma_wait3A_371 = arith.constant 1 : i32
      %dma_wait3A_372 = arith.constant 0 : i32
      %dma_wait3A_373 = arith.constant 1 : i32
      %dma_wait3A_374 = arith.constant 0 : i32
      %dma_wait3A_375 = arith.constant 0 : i32
      %dma_wait3A_376 = tpu.memref_slice %arg7[%dma_wait3A_373, %dma_wait3A_374, %dma_wait3A_375] : memref<2x128x128xf32, #tpu.memory_space<vmem>> -> memref<1x128x128xf32, #tpu.memory_space<vmem>>
      %dma_wait3A_377 = tpu.memref_squeeze %dma_wait3A_376 : memref<1x128x128xf32, #tpu.memory_space<vmem>> -> memref<128x128xf32, #tpu.memory_space<vmem>>
      %dma_wait3A_378 = arith.constant 0 : i32
      %dma_wait3A_379 = tpu.memref_slice %arg6[%dma_wait3A_370, %dma_wait3A_371, %dma_wait3A_372, %dma_wait3A_378] : memref<2x4x2x128xi32, #tpu.memory_space<vmem>> -> memref<1x1x1x128xi32, #tpu.memory_space<vmem>>
      %dma_wait3A_380 = tpu.memref_squeeze %dma_wait3A_379 : memref<1x1x1x128xi32, #tpu.memory_space<vmem>> -> memref<128xi32, #tpu.memory_space<vmem>>
      %dma_wait3A_381 = arith.constant 0 : i32
      %dma_wait3A_382 = arith.constant 0 : i32
      %dma_wait3A_383 = tpu.memref_slice %arg2[%dma_wait3A_381, %dma_wait3A_382] : memref<10000x128xf32, #tpu.memory_space<hbm>> -> memref<10000x128xf32, #tpu.memory_space<hbm>>
      tpu.wait_indirect_dma semaphore(%arg10 : memref<!tpu.dma_semaphore, #tpu.memory_space<semaphore_mem>>) src(%dma_wait3A_383 : memref<10000x128xf32, #tpu.memory_space<hbm>>) dst(%dma_wait3A_377 : memref<128x128xf32, #tpu.memory_space<vmem>>)
      %run_scoped3A_384 = arith.constant 1 : i32
      %run_scoped3A_385 = arith.constant 1 : i32
      %run_scoped3A_386 = arith.constant 1 : i32
      %run_scoped3A_387 = arith.constant 1 : i32
      "tpu.region"() ({
        %run_scoped3A_502 = tpu.sem_alloc : memref<!tpu.dma_semaphore, #tpu.memory_space<semaphore_mem>>
        %dma_start3A_503 = arith.constant 0 : i32
        %dma_start3A_504 = arith.constant 0 : i32
        %dma_start3A_505 = tpu.memref_slice %arg7[%run_scoped3A_384, %dma_start3A_503, %dma_start3A_504] : memref<2x128x128xf32, #tpu.memory_space<vmem>> -> memref<1x128x128xf32, #tpu.memory_space<vmem>>
        %dma_start3A_506 = tpu.memref_squeeze %dma_start3A_505 : memref<1x128x128xf32, #tpu.memory_space<vmem>> -> memref<128x128xf32, #tpu.memory_space<vmem>>
        %dma_start3A_507 = arith.constant 0 : i32
        %dma_start3A_508 = tpu.memref_slice %arg6[%run_scoped3A_385, %run_scoped3A_386, %run_scoped3A_387, %dma_start3A_507] : memref<2x4x2x128xi32, #tpu.memory_space<vmem>> -> memref<1x1x1x128xi32, #tpu.memory_space<vmem>>
        %dma_start3A_509 = tpu.memref_squeeze %dma_start3A_508 : memref<1x1x1x128xi32, #tpu.memory_space<vmem>> -> memref<128xi32, #tpu.memory_space<vmem>>
        %dma_start3A_510 = arith.constant 0 : i32
        %dma_start3A_511 = arith.constant 0 : i32
        %dma_start3A_512 = tpu.memref_slice %arg8[%dma_start3A_510, %dma_start3A_511] : memref<10240x128xf32, #tpu.memory_space<vmem_shared>> -> memref<10240x128xf32, #tpu.memory_space<vmem_shared>>
        tpu.enqueue_indirect_dma source(%dma_start3A_506 : memref<128x128xf32, #tpu.memory_space<vmem>>) target(%dma_start3A_512 : memref<10240x128xf32, #tpu.memory_space<vmem_shared>>) offsets(%dma_start3A_509 : memref<128xi32, #tpu.memory_space<vmem>>) semaphore(%run_scoped3A_502 : memref<!tpu.dma_semaphore, #tpu.memory_space<semaphore_mem>>) {add = true}
        %dma_wait3A_513 = arith.constant 0 : i32
        %dma_wait3A_514 = arith.constant 0 : i32
        %dma_wait3A_515 = tpu.memref_slice %arg7[%run_scoped3A_384, %dma_wait3A_513, %dma_wait3A_514] : memref<2x128x128xf32, #tpu.memory_space<vmem>> -> memref<1x128x128xf32, #tpu.memory_space<vmem>>
        %dma_wait3A_516 = tpu.memref_squeeze %dma_wait3A_515 : memref<1x128x128xf32, #tpu.memory_space<vmem>> -> memref<128x128xf32, #tpu.memory_space<vmem>>
        %dma_wait3A_517 = arith.constant 0 : i32
        %dma_wait3A_518 = tpu.memref_slice %arg6[%run_scoped3A_385, %run_scoped3A_386, %run_scoped3A_387, %dma_wait3A_517] : memref<2x4x2x128xi32, #tpu.memory_space<vmem>> -> memref<1x1x1x128xi32, #tpu.memory_space<vmem>>
        %dma_wait3A_519 = tpu.memref_squeeze %dma_wait3A_518 : memref<1x1x1x128xi32, #tpu.memory_space<vmem>> -> memref<128xi32, #tpu.memory_space<vmem>>
        %dma_wait3A_520 = arith.constant 0 : i32
        %dma_wait3A_521 = arith.constant 0 : i32
        %dma_wait3A_522 = tpu.memref_slice %arg8[%dma_wait3A_520, %dma_wait3A_521] : memref<10240x128xf32, #tpu.memory_space<vmem_shared>> -> memref<10240x128xf32, #tpu.memory_space<vmem_shared>>
        tpu.wait_indirect_dma semaphore(%run_scoped3A_502 : memref<!tpu.dma_semaphore, #tpu.memory_space<semaphore_mem>>) src(%dma_wait3A_516 : memref<128x128xf32, #tpu.memory_space<vmem>>) dst(%dma_wait3A_522 : memref<10240x128xf32, #tpu.memory_space<vmem_shared>>)
        tpu.yield
      }) : () -> ()
      %dma_start3A_388 = arith.constant 1 : i32
      %dma_start3A_389 = arith.constant 3 : i32
      %dma_start3A_390 = arith.constant 0 : i32
      %dma_start3A_391 = arith.constant 1 : i32
      %dma_start3A_392 = arith.constant 0 : i32
      %dma_start3A_393 = arith.constant 0 : i32
      %dma_start3A_394 = tpu.memref_slice %arg7[%dma_start3A_391, %dma_start3A_392, %dma_start3A_393] : memref<2x128x128xf32, #tpu.memory_space<vmem>> -> memref<1x128x128xf32, #tpu.memory_space<vmem>>
      %dma_start3A_395 = tpu.memref_squeeze %dma_start3A_394 : memref<1x128x128xf32, #tpu.memory_space<vmem>> -> memref<128x128xf32, #tpu.memory_space<vmem>>
      %dma_start3A_396 = arith.constant 0 : i32
      %dma_start3A_397 = tpu.memref_slice %arg6[%dma_start3A_388, %dma_start3A_389, %dma_start3A_390, %dma_start3A_396] : memref<2x4x2x128xi32, #tpu.memory_space<vmem>> -> memref<1x1x1x128xi32, #tpu.memory_space<vmem>>
      %dma_start3A_398 = tpu.memref_squeeze %dma_start3A_397 : memref<1x1x1x128xi32, #tpu.memory_space<vmem>> -> memref<128xi32, #tpu.memory_space<vmem>>
      %dma_start3A_399 = arith.constant 0 : i32
      %dma_start3A_400 = arith.constant 0 : i32
      %dma_start3A_401 = tpu.memref_slice %arg2[%dma_start3A_399, %dma_start3A_400] : memref<10000x128xf32, #tpu.memory_space<hbm>> -> memref<10000x128xf32, #tpu.memory_space<hbm>>
      tpu.enqueue_indirect_dma source(%dma_start3A_401 : memref<10000x128xf32, #tpu.memory_space<hbm>>) target(%dma_start3A_395 : memref<128x128xf32, #tpu.memory_space<vmem>>) offsets(%dma_start3A_398 : memref<128xi32, #tpu.memory_space<vmem>>) semaphore(%arg10 : memref<!tpu.dma_semaphore, #tpu.memory_space<semaphore_mem>>)
      %dma_wait3A_402 = arith.constant 1 : i32
      %dma_wait3A_403 = arith.constant 2 : i32
      %dma_wait3A_404 = arith.constant 0 : i32
      %dma_wait3A_405 = arith.constant 0 : i32
      %dma_wait3A_406 = arith.constant 0 : i32
      %dma_wait3A_407 = arith.constant 0 : i32
      %dma_wait3A_408 = tpu.memref_slice %arg7[%dma_wait3A_405, %dma_wait3A_406, %dma_wait3A_407] : memref<2x128x128xf32, #tpu.memory_space<vmem>> -> memref<1x128x128xf32, #tpu.memory_space<vmem>>
      %dma_wait3A_409 = tpu.memref_squeeze %dma_wait3A_408 : memref<1x128x128xf32, #tpu.memory_space<vmem>> -> memref<128x128xf32, #tpu.memory_space<vmem>>
      %dma_wait3A_410 = arith.constant 0 : i32
      %dma_wait3A_411 = tpu.memref_slice %arg6[%dma_wait3A_402, %dma_wait3A_403, %dma_wait3A_404, %dma_wait3A_410] : memref<2x4x2x128xi32, #tpu.memory_space<vmem>> -> memref<1x1x1x128xi32, #tpu.memory_space<vmem>>
      %dma_wait3A_412 = tpu.memref_squeeze %dma_wait3A_411 : memref<1x1x1x128xi32, #tpu.memory_space<vmem>> -> memref<128xi32, #tpu.memory_space<vmem>>
      %dma_wait3A_413 = arith.constant 0 : i32
      %dma_wait3A_414 = arith.constant 0 : i32
      %dma_wait3A_415 = tpu.memref_slice %arg2[%dma_wait3A_413, %dma_wait3A_414] : memref<10000x128xf32, #tpu.memory_space<hbm>> -> memref<10000x128xf32, #tpu.memory_space<hbm>>
      tpu.wait_indirect_dma semaphore(%arg9 : memref<!tpu.dma_semaphore, #tpu.memory_space<semaphore_mem>>) src(%dma_wait3A_415 : memref<10000x128xf32, #tpu.memory_space<hbm>>) dst(%dma_wait3A_409 : memref<128x128xf32, #tpu.memory_space<vmem>>)
      %run_scoped3A_416 = arith.constant 0 : i32
      %run_scoped3A_417 = arith.constant 1 : i32
      %run_scoped3A_418 = arith.constant 2 : i32
      %run_scoped3A_419 = arith.constant 1 : i32
      "tpu.region"() ({
        %run_scoped3A_502 = tpu.sem_alloc : memref<!tpu.dma_semaphore, #tpu.memory_space<semaphore_mem>>
        %dma_start3A_503 = arith.constant 0 : i32
        %dma_start3A_504 = arith.constant 0 : i32
        %dma_start3A_505 = tpu.memref_slice %arg7[%run_scoped3A_416, %dma_start3A_503, %dma_start3A_504] : memref<2x128x128xf32, #tpu.memory_space<vmem>> -> memref<1x128x128xf32, #tpu.memory_space<vmem>>
        %dma_start3A_506 = tpu.memref_squeeze %dma_start3A_505 : memref<1x128x128xf32, #tpu.memory_space<vmem>> -> memref<128x128xf32, #tpu.memory_space<vmem>>
        %dma_start3A_507 = arith.constant 0 : i32
        %dma_start3A_508 = tpu.memref_slice %arg6[%run_scoped3A_417, %run_scoped3A_418, %run_scoped3A_419, %dma_start3A_507] : memref<2x4x2x128xi32, #tpu.memory_space<vmem>> -> memref<1x1x1x128xi32, #tpu.memory_space<vmem>>
        %dma_start3A_509 = tpu.memref_squeeze %dma_start3A_508 : memref<1x1x1x128xi32, #tpu.memory_space<vmem>> -> memref<128xi32, #tpu.memory_space<vmem>>
        %dma_start3A_510 = arith.constant 0 : i32
        %dma_start3A_511 = arith.constant 0 : i32
        %dma_start3A_512 = tpu.memref_slice %arg8[%dma_start3A_510, %dma_start3A_511] : memref<10240x128xf32, #tpu.memory_space<vmem_shared>> -> memref<10240x128xf32, #tpu.memory_space<vmem_shared>>
        tpu.enqueue_indirect_dma source(%dma_start3A_506 : memref<128x128xf32, #tpu.memory_space<vmem>>) target(%dma_start3A_512 : memref<10240x128xf32, #tpu.memory_space<vmem_shared>>) offsets(%dma_start3A_509 : memref<128xi32, #tpu.memory_space<vmem>>) semaphore(%run_scoped3A_502 : memref<!tpu.dma_semaphore, #tpu.memory_space<semaphore_mem>>) {add = true}
        %dma_wait3A_513 = arith.constant 0 : i32
        %dma_wait3A_514 = arith.constant 0 : i32
        %dma_wait3A_515 = tpu.memref_slice %arg7[%run_scoped3A_416, %dma_wait3A_513, %dma_wait3A_514] : memref<2x128x128xf32, #tpu.memory_space<vmem>> -> memref<1x128x128xf32, #tpu.memory_space<vmem>>
        %dma_wait3A_516 = tpu.memref_squeeze %dma_wait3A_515 : memref<1x128x128xf32, #tpu.memory_space<vmem>> -> memref<128x128xf32, #tpu.memory_space<vmem>>
        %dma_wait3A_517 = arith.constant 0 : i32
        %dma_wait3A_518 = tpu.memref_slice %arg6[%run_scoped3A_417, %run_scoped3A_418, %run_scoped3A_419, %dma_wait3A_517] : memref<2x4x2x128xi32, #tpu.memory_space<vmem>> -> memref<1x1x1x128xi32, #tpu.memory_space<vmem>>
        %dma_wait3A_519 = tpu.memref_squeeze %dma_wait3A_518 : memref<1x1x1x128xi32, #tpu.memory_space<vmem>> -> memref<128xi32, #tpu.memory_space<vmem>>
        %dma_wait3A_520 = arith.constant 0 : i32
        %dma_wait3A_521 = arith.constant 0 : i32
        %dma_wait3A_522 = tpu.memref_slice %arg8[%dma_wait3A_520, %dma_wait3A_521] : memref<10240x128xf32, #tpu.memory_space<vmem_shared>> -> memref<10240x128xf32, #tpu.memory_space<vmem_shared>>
        tpu.wait_indirect_dma semaphore(%run_scoped3A_502 : memref<!tpu.dma_semaphore, #tpu.memory_space<semaphore_mem>>) src(%dma_wait3A_516 : memref<128x128xf32, #tpu.memory_space<vmem>>) dst(%dma_wait3A_522 : memref<10240x128xf32, #tpu.memory_space<vmem_shared>>)
        tpu.yield
      }) : () -> ()
      %add3A_420 = arith.constant 1 : i32
      %add3A_421 = arith.addi %add3A_323, %add3A_420 : i32
      %mul3A_422 = arith.constant 4 : i32
      %mul3A_423 = arith.muli %add3A_421, %mul3A_422 : i32
      %add3A_424 = arith.addi %select_n3A, %mul3A_423 : i32
      %dma_wait3A_425 = arith.constant 0 : i32
      %dma_wait3A_426 = arith.constant 0 : i32
      %dma_wait3A_427 = arith.constant 0 : i32
      %dma_wait3A_428 = arith.constant 0 : i32
      %dma_wait3A_429 = arith.constant 0 : i32
      %dma_wait3A_430 = tpu.memref_slice %arg6[%dma_wait3A_426, %dma_wait3A_427, %dma_wait3A_428, %dma_wait3A_429] : memref<2x4x2x128xi32, #tpu.memory_space<vmem>> -> memref<1x4x2x128xi32, #tpu.memory_space<vmem>>
      %dma_wait3A_431 = tpu.memref_squeeze %dma_wait3A_430 : memref<1x4x2x128xi32, #tpu.memory_space<vmem>> -> memref<4x2x128xi32, #tpu.memory_space<vmem>>
      %dma_wait3A_432 = arith.constant 0 : i32
      %dma_wait3A_433 = arith.constant 0 : i32
      %dma_wait3A_434 = tpu.memref_slice %arg3[%dma_wait3A_425, %add3A_424, %dma_wait3A_432, %dma_wait3A_433] : memref<1x1288x2x128xi32, #tpu.memory_space<hbm>> -> memref<1x4x2x128xi32, #tpu.memory_space<hbm>>
      %dma_wait3A_435 = tpu.memref_squeeze %dma_wait3A_434 : memref<1x4x2x128xi32, #tpu.memory_space<hbm>> -> memref<4x2x128xi32, #tpu.memory_space<hbm>>
      %dma_wait3A_436 = arith.constant 0 : i32
      %dma_wait3A_437 = arith.constant 0 : i32
      %dma_wait3A_438 = arith.constant 0 : i32
      %dma_wait3A_439 = tpu.memref_slice %arg6[%dma_wait3A_426, %dma_wait3A_436, %dma_wait3A_437, %dma_wait3A_438] : memref<2x4x2x128xi32, #tpu.memory_space<vmem>> -> memref<1x4x2x128xi32, #tpu.memory_space<vmem>>
      %dma_wait3A_440 = tpu.memref_squeeze %dma_wait3A_439 : memref<1x4x2x128xi32, #tpu.memory_space<vmem>> -> memref<4x2x128xi32, #tpu.memory_space<vmem>>
      %dma_wait3A_441 = arith.constant 0 : i32
      %dma_wait3A_442 = arith.constant 0 : i32
      %dma_wait3A_443 = tpu.memref_slice %arg3[%dma_wait3A_425, %add3A_424, %dma_wait3A_441, %dma_wait3A_442] : memref<1x1288x2x128xi32, #tpu.memory_space<hbm>> -> memref<1x4x2x128xi32, #tpu.memory_space<hbm>>
      %dma_wait3A_444 = tpu.memref_squeeze %dma_wait3A_443 : memref<1x4x2x128xi32, #tpu.memory_space<hbm>> -> memref<4x2x128xi32, #tpu.memory_space<hbm>>
      tpu.wait_dma2 semaphore(%arg11 : memref<!tpu.dma_semaphore, #tpu.memory_space<semaphore_mem>>) src(%dma_wait3A_444 : memref<4x2x128xi32, #tpu.memory_space<hbm>>) dst(%dma_wait3A_440 : memref<4x2x128xi32, #tpu.memory_space<vmem>>)
      %dma_start3A_445 = arith.constant 0 : i32
      %dma_start3A_446 = arith.constant 0 : i32
      %dma_start3A_447 = arith.constant 0 : i32
      %dma_start3A_448 = arith.constant 0 : i32
      %dma_start3A_449 = arith.constant 0 : i32
      %dma_start3A_450 = arith.constant 0 : i32
      %dma_start3A_451 = tpu.memref_slice %arg7[%dma_start3A_448, %dma_start3A_449, %dma_start3A_450] : memref<2x128x128xf32, #tpu.memory_space<vmem>> -> memref<1x128x128xf32, #tpu.memory_space<vmem>>
      %dma_start3A_452 = tpu.memref_squeeze %dma_start3A_451 : memref<1x128x128xf32, #tpu.memory_space<vmem>> -> memref<128x128xf32, #tpu.memory_space<vmem>>
      %dma_start3A_453 = arith.constant 0 : i32
      %dma_start3A_454 = tpu.memref_slice %arg6[%dma_start3A_445, %dma_start3A_446, %dma_start3A_447, %dma_start3A_453] : memref<2x4x2x128xi32, #tpu.memory_space<vmem>> -> memref<1x1x1x128xi32, #tpu.memory_space<vmem>>
      %dma_start3A_455 = tpu.memref_squeeze %dma_start3A_454 : memref<1x1x1x128xi32, #tpu.memory_space<vmem>> -> memref<128xi32, #tpu.memory_space<vmem>>
      %dma_start3A_456 = arith.constant 0 : i32
      %dma_start3A_457 = arith.constant 0 : i32
      %dma_start3A_458 = tpu.memref_slice %arg2[%dma_start3A_456, %dma_start3A_457] : memref<10000x128xf32, #tpu.memory_space<hbm>> -> memref<10000x128xf32, #tpu.memory_space<hbm>>
      tpu.enqueue_indirect_dma source(%dma_start3A_458 : memref<10000x128xf32, #tpu.memory_space<hbm>>) target(%dma_start3A_452 : memref<128x128xf32, #tpu.memory_space<vmem>>) offsets(%dma_start3A_455 : memref<128xi32, #tpu.memory_space<vmem>>) semaphore(%arg9 : memref<!tpu.dma_semaphore, #tpu.memory_space<semaphore_mem>>)
      %dma_wait3A_459 = arith.constant 1 : i32
      %dma_wait3A_460 = arith.constant 3 : i32
      %dma_wait3A_461 = arith.constant 0 : i32
      %dma_wait3A_462 = arith.constant 1 : i32
      %dma_wait3A_463 = arith.constant 0 : i32
      %dma_wait3A_464 = arith.constant 0 : i32
      %dma_wait3A_465 = tpu.memref_slice %arg7[%dma_wait3A_462, %dma_wait3A_463, %dma_wait3A_464] : memref<2x128x128xf32, #tpu.memory_space<vmem>> -> memref<1x128x128xf32, #tpu.memory_space<vmem>>
      %dma_wait3A_466 = tpu.memref_squeeze %dma_wait3A_465 : memref<1x128x128xf32, #tpu.memory_space<vmem>> -> memref<128x128xf32, #tpu.memory_space<vmem>>
      %dma_wait3A_467 = arith.constant 0 : i32
      %dma_wait3A_468 = tpu.memref_slice %arg6[%dma_wait3A_459, %dma_wait3A_460, %dma_wait3A_461, %dma_wait3A_467] : memref<2x4x2x128xi32, #tpu.memory_space<vmem>> -> memref<1x1x1x128xi32, #tpu.memory_space<vmem>>
      %dma_wait3A_469 = tpu.memref_squeeze %dma_wait3A_468 : memref<1x1x1x128xi32, #tpu.memory_space<vmem>> -> memref<128xi32, #tpu.memory_space<vmem>>
      %dma_wait3A_470 = arith.constant 0 : i32
      %dma_wait3A_471 = arith.constant 0 : i32
      %dma_wait3A_472 = tpu.memref_slice %arg2[%dma_wait3A_470, %dma_wait3A_471] : memref<10000x128xf32, #tpu.memory_space<hbm>> -> memref<10000x128xf32, #tpu.memory_space<hbm>>
      tpu.wait_indirect_dma semaphore(%arg10 : memref<!tpu.dma_semaphore, #tpu.memory_space<semaphore_mem>>) src(%dma_wait3A_472 : memref<10000x128xf32, #tpu.memory_space<hbm>>) dst(%dma_wait3A_466 : memref<128x128xf32, #tpu.memory_space<vmem>>)
      %run_scoped3A_473 = arith.constant 1 : i32
      %run_scoped3A_474 = arith.constant 1 : i32
      %run_scoped3A_475 = arith.constant 3 : i32
      %run_scoped3A_476 = arith.constant 1 : i32
      "tpu.region"() ({
        %run_scoped3A_502 = tpu.sem_alloc : memref<!tpu.dma_semaphore, #tpu.memory_space<semaphore_mem>>
        %dma_start3A_503 = arith.constant 0 : i32
        %dma_start3A_504 = arith.constant 0 : i32
        %dma_start3A_505 = tpu.memref_slice %arg7[%run_scoped3A_473, %dma_start3A_503, %dma_start3A_504] : memref<2x128x128xf32, #tpu.memory_space<vmem>> -> memref<1x128x128xf32, #tpu.memory_space<vmem>>
        %dma_start3A_506 = tpu.memref_squeeze %dma_start3A_505 : memref<1x128x128xf32, #tpu.memory_space<vmem>> -> memref<128x128xf32, #tpu.memory_space<vmem>>
        %dma_start3A_507 = arith.constant 0 : i32
        %dma_start3A_508 = tpu.memref_slice %arg6[%run_scoped3A_474, %run_scoped3A_475, %run_scoped3A_476, %dma_start3A_507] : memref<2x4x2x128xi32, #tpu.memory_space<vmem>> -> memref<1x1x1x128xi32, #tpu.memory_space<vmem>>
        %dma_start3A_509 = tpu.memref_squeeze %dma_start3A_508 : memref<1x1x1x128xi32, #tpu.memory_space<vmem>> -> memref<128xi32, #tpu.memory_space<vmem>>
        %dma_start3A_510 = arith.constant 0 : i32
        %dma_start3A_511 = arith.constant 0 : i32
        %dma_start3A_512 = tpu.memref_slice %arg8[%dma_start3A_510, %dma_start3A_511] : memref<10240x128xf32, #tpu.memory_space<vmem_shared>> -> memref<10240x128xf32, #tpu.memory_space<vmem_shared>>
        tpu.enqueue_indirect_dma source(%dma_start3A_506 : memref<128x128xf32, #tpu.memory_space<vmem>>) target(%dma_start3A_512 : memref<10240x128xf32, #tpu.memory_space<vmem_shared>>) offsets(%dma_start3A_509 : memref<128xi32, #tpu.memory_space<vmem>>) semaphore(%run_scoped3A_502 : memref<!tpu.dma_semaphore, #tpu.memory_space<semaphore_mem>>) {add = true}
        %dma_wait3A_513 = arith.constant 0 : i32
        %dma_wait3A_514 = arith.constant 0 : i32
        %dma_wait3A_515 = tpu.memref_slice %arg7[%run_scoped3A_473, %dma_wait3A_513, %dma_wait3A_514] : memref<2x128x128xf32, #tpu.memory_space<vmem>> -> memref<1x128x128xf32, #tpu.memory_space<vmem>>
        %dma_wait3A_516 = tpu.memref_squeeze %dma_wait3A_515 : memref<1x128x128xf32, #tpu.memory_space<vmem>> -> memref<128x128xf32, #tpu.memory_space<vmem>>
        %dma_wait3A_517 = arith.constant 0 : i32
        %dma_wait3A_518 = tpu.memref_slice %arg6[%run_scoped3A_474, %run_scoped3A_475, %run_scoped3A_476, %dma_wait3A_517] : memref<2x4x2x128xi32, #tpu.memory_space<vmem>> -> memref<1x1x1x128xi32, #tpu.memory_space<vmem>>
        %dma_wait3A_519 = tpu.memref_squeeze %dma_wait3A_518 : memref<1x1x1x128xi32, #tpu.memory_space<vmem>> -> memref<128xi32, #tpu.memory_space<vmem>>
        %dma_wait3A_520 = arith.constant 0 : i32
        %dma_wait3A_521 = arith.constant 0 : i32
        %dma_wait3A_522 = tpu.memref_slice %arg8[%dma_wait3A_520, %dma_wait3A_521] : memref<10240x128xf32, #tpu.memory_space<vmem_shared>> -> memref<10240x128xf32, #tpu.memory_space<vmem_shared>>
        tpu.wait_indirect_dma semaphore(%run_scoped3A_502 : memref<!tpu.dma_semaphore, #tpu.memory_space<semaphore_mem>>) src(%dma_wait3A_516 : memref<128x128xf32, #tpu.memory_space<vmem>>) dst(%dma_wait3A_522 : memref<10240x128xf32, #tpu.memory_space<vmem_shared>>)
        tpu.yield
      }) : () -> ()
      %add3A_477 = arith.constant 2 : i32
      %add3A_478 = arith.addi %add3A_323, %add3A_477 : i32
      %mul3A_479 = arith.constant 4 : i32
      %mul3A_480 = arith.muli %add3A_478, %mul3A_479 : i32
      %add3A_481 = arith.addi %select_n3A, %mul3A_480 : i32
      %dma_start3A_482 = arith.constant 0 : i32
      %dma_start3A_483 = arith.constant 1 : i32
      %dma_start3A_484 = arith.constant 0 : i32
      %dma_start3A_485 = arith.constant 0 : i32
      %dma_start3A_486 = arith.constant 0 : i32
      %dma_start3A_487 = tpu.memref_slice %arg6[%dma_start3A_483, %dma_start3A_484, %dma_start3A_485, %dma_start3A_486] : memref<2x4x2x128xi32, #tpu.memory_space<vmem>> -> memref<1x4x2x128xi32, #tpu.memory_space<vmem>>
      %dma_start3A_488 = tpu.memref_squeeze %dma_start3A_487 : memref<1x4x2x128xi32, #tpu.memory_space<vmem>> -> memref<4x2x128xi32, #tpu.memory_space<vmem>>
      %dma_start3A_489 = arith.constant 0 : i32
      %dma_start3A_490 = arith.constant 0 : i32
      %dma_start3A_491 = tpu.memref_slice %arg3[%dma_start3A_482, %add3A_481, %dma_start3A_489, %dma_start3A_490] : memref<1x1288x2x128xi32, #tpu.memory_space<hbm>> -> memref<1x4x2x128xi32, #tpu.memory_space<hbm>>
      %dma_start3A_492 = tpu.memref_squeeze %dma_start3A_491 : memref<1x4x2x128xi32, #tpu.memory_space<hbm>> -> memref<4x2x128xi32, #tpu.memory_space<hbm>>
      %dma_start3A_493 = arith.constant 0 : i32
      %dma_start3A_494 = arith.constant 0 : i32
      %dma_start3A_495 = arith.constant 0 : i32
      %dma_start3A_496 = tpu.memref_slice %arg6[%dma_start3A_483, %dma_start3A_493, %dma_start3A_494, %dma_start3A_495] : memref<2x4x2x128xi32, #tpu.memory_space<vmem>> -> memref<1x4x2x128xi32, #tpu.memory_space<vmem>>
      %dma_start3A_497 = tpu.memref_squeeze %dma_start3A_496 : memref<1x4x2x128xi32, #tpu.memory_space<vmem>> -> memref<4x2x128xi32, #tpu.memory_space<vmem>>
      %dma_start3A_498 = arith.constant 0 : i32
      %dma_start3A_499 = arith.constant 0 : i32
      %dma_start3A_500 = tpu.memref_slice %arg3[%dma_start3A_482, %add3A_481, %dma_start3A_498, %dma_start3A_499] : memref<1x1288x2x128xi32, #tpu.memory_space<hbm>> -> memref<1x4x2x128xi32, #tpu.memory_space<hbm>>
      %dma_start3A_501 = tpu.memref_squeeze %dma_start3A_500 : memref<1x4x2x128xi32, #tpu.memory_space<hbm>> -> memref<4x2x128xi32, #tpu.memory_space<hbm>>
      tpu.enqueue_dma source(%dma_start3A_501 : memref<4x2x128xi32, #tpu.memory_space<hbm>>) target(%dma_start3A_497 : memref<4x2x128xi32, #tpu.memory_space<vmem>>) target_semaphore(%arg12 : memref<!tpu.dma_semaphore, #tpu.memory_space<semaphore_mem>>)
    }
    %scan3A_103 = arith.constant 5 : i32
    %dma_wait3A_104 = arith.constant 0 : i32
    %dma_wait3A_105 = arith.constant 0 : i32
    %dma_wait3A_106 = arith.constant 0 : i32
    %dma_wait3A_107 = arith.constant 0 : i32
    %dma_wait3A_108 = arith.constant 0 : i32
    %dma_wait3A_109 = arith.constant 0 : i32
    %dma_wait3A_110 = tpu.memref_slice %arg7[%dma_wait3A_107, %dma_wait3A_108, %dma_wait3A_109] : memref<2x128x128xf32, #tpu.memory_space<vmem>> -> memref<1x128x128xf32, #tpu.memory_space<vmem>>
    %dma_wait3A_111 = tpu.memref_squeeze %dma_wait3A_110 : memref<1x128x128xf32, #tpu.memory_space<vmem>> -> memref<128x128xf32, #tpu.memory_space<vmem>>
    %dma_wait3A_112 = arith.constant 0 : i32
    %dma_wait3A_113 = tpu.memref_slice %arg6[%dma_wait3A_104, %dma_wait3A_105, %dma_wait3A_106, %dma_wait3A_112] : memref<2x4x2x128xi32, #tpu.memory_space<vmem>> -> memref<1x1x1x128xi32, #tpu.memory_space<vmem>>
    %dma_wait3A_114 = tpu.memref_squeeze %dma_wait3A_113 : memref<1x1x1x128xi32, #tpu.memory_space<vmem>> -> memref<128xi32, #tpu.memory_space<vmem>>
    %dma_wait3A_115 = arith.constant 0 : i32
    %dma_wait3A_116 = arith.constant 0 : i32
    %dma_wait3A_117 = tpu.memref_slice %arg2[%dma_wait3A_115, %dma_wait3A_116] : memref<10000x128xf32, #tpu.memory_space<hbm>> -> memref<10000x128xf32, #tpu.memory_space<hbm>>
    tpu.wait_indirect_dma semaphore(%arg9 : memref<!tpu.dma_semaphore, #tpu.memory_space<semaphore_mem>>) src(%dma_wait3A_117 : memref<10000x128xf32, #tpu.memory_space<hbm>>) dst(%dma_wait3A_111 : memref<128x128xf32, #tpu.memory_space<vmem>>)
    %add3A_118 = arith.constant 44 : i32
    %add3A_119 = arith.addi %select_n3A, %add3A_118 : i32
    %dma_wait3A_120 = arith.constant 0 : i32
    %dma_wait3A_121 = arith.constant 1 : i32
    %dma_wait3A_122 = arith.constant 0 : i32
    %dma_wait3A_123 = arith.constant 0 : i32
    %dma_wait3A_124 = arith.constant 0 : i32
    %dma_wait3A_125 = tpu.memref_slice %arg6[%dma_wait3A_121, %dma_wait3A_122, %dma_wait3A_123, %dma_wait3A_124] : memref<2x4x2x128xi32, #tpu.memory_space<vmem>> -> memref<1x4x2x128xi32, #tpu.memory_space<vmem>>
    %dma_wait3A_126 = tpu.memref_squeeze %dma_wait3A_125 : memref<1x4x2x128xi32, #tpu.memory_space<vmem>> -> memref<4x2x128xi32, #tpu.memory_space<vmem>>
    %dma_wait3A_127 = arith.constant 0 : i32
    %dma_wait3A_128 = arith.constant 0 : i32
    %dma_wait3A_129 = tpu.memref_slice %arg3[%dma_wait3A_120, %add3A_119, %dma_wait3A_127, %dma_wait3A_128] : memref<1x1288x2x128xi32, #tpu.memory_space<hbm>> -> memref<1x4x2x128xi32, #tpu.memory_space<hbm>>
    %dma_wait3A_130 = tpu.memref_squeeze %dma_wait3A_129 : memref<1x4x2x128xi32, #tpu.memory_space<hbm>> -> memref<4x2x128xi32, #tpu.memory_space<hbm>>
    %dma_wait3A_131 = arith.constant 0 : i32
    %dma_wait3A_132 = arith.constant 0 : i32
    %dma_wait3A_133 = arith.constant 0 : i32
    %dma_wait3A_134 = tpu.memref_slice %arg6[%dma_wait3A_121, %dma_wait3A_131, %dma_wait3A_132, %dma_wait3A_133] : memref<2x4x2x128xi32, #tpu.memory_space<vmem>> -> memref<1x4x2x128xi32, #tpu.memory_space<vmem>>
    %dma_wait3A_135 = tpu.memref_squeeze %dma_wait3A_134 : memref<1x4x2x128xi32, #tpu.memory_space<vmem>> -> memref<4x2x128xi32, #tpu.memory_space<vmem>>
    %dma_wait3A_136 = arith.constant 0 : i32
    %dma_wait3A_137 = arith.constant 0 : i32
    %dma_wait3A_138 = tpu.memref_slice %arg3[%dma_wait3A_120, %add3A_119, %dma_wait3A_136, %dma_wait3A_137] : memref<1x1288x2x128xi32, #tpu.memory_space<hbm>> -> memref<1x4x2x128xi32, #tpu.memory_space<hbm>>
    %dma_wait3A_139 = tpu.memref_squeeze %dma_wait3A_138 : memref<1x4x2x128xi32, #tpu.memory_space<hbm>> -> memref<4x2x128xi32, #tpu.memory_space<hbm>>
    tpu.wait_dma2 semaphore(%arg12 : memref<!tpu.dma_semaphore, #tpu.memory_space<semaphore_mem>>) src(%dma_wait3A_139 : memref<4x2x128xi32, #tpu.memory_space<hbm>>) dst(%dma_wait3A_135 : memref<4x2x128xi32, #tpu.memory_space<vmem>>)
    %barrier3A_140 = arith.constant 0 : index
    tpu.barrier barrier_id(%barrier3A_140)
    "tpu.region"() ({
      %run_scoped3A = tpu.sem_alloc : memref<!tpu.dma_semaphore, #tpu.memory_space<semaphore_mem>>
      %dma_start3A_142 = arith.constant 0 : i32
      %dma_start3A_143 = tpu.memref_slice %arg5[%arg0, %mul3A_0, %dma_start3A_142] : memref<2x10240x128xf32, #tpu.memory_space<hbm>> -> memref<1x640x128xf32, #tpu.memory_space<hbm>>
      %dma_start3A_144 = tpu.memref_squeeze %dma_start3A_143 : memref<1x640x128xf32, #tpu.memory_space<hbm>> -> memref<640x128xf32, #tpu.memory_space<hbm>>
      %dma_start3A_145 = arith.constant 0 : i32
      %dma_start3A_146 = tpu.memref_slice %arg8[%mul3A_0, %dma_start3A_145] : memref<10240x128xf32, #tpu.memory_space<vmem_shared>> -> memref<640x128xf32, #tpu.memory_space<vmem_shared>>
      tpu.enqueue_dma source(%dma_start3A_146 : memref<640x128xf32, #tpu.memory_space<vmem_shared>>) target(%dma_start3A_144 : memref<640x128xf32, #tpu.memory_space<hbm>>) target_semaphore(%run_scoped3A : memref<!tpu.dma_semaphore, #tpu.memory_space<semaphore_mem>>)
      %dma_wait3A_147 = arith.constant 0 : i32
      %dma_wait3A_148 = tpu.memref_slice %arg5[%arg0, %mul3A_0, %dma_wait3A_147] : memref<2x10240x128xf32, #tpu.memory_space<hbm>> -> memref<1x640x128xf32, #tpu.memory_space<hbm>>
      %dma_wait3A_149 = tpu.memref_squeeze %dma_wait3A_148 : memref<1x640x128xf32, #tpu.memory_space<hbm>> -> memref<640x128xf32, #tpu.memory_space<hbm>>
      %dma_wait3A_150 = arith.constant 0 : i32
      %dma_wait3A_151 = tpu.memref_slice %arg8[%mul3A_0, %dma_wait3A_150] : memref<10240x128xf32, #tpu.memory_space<vmem_shared>> -> memref<640x128xf32, #tpu.memory_space<vmem_shared>>
      tpu.wait_dma2 semaphore(%run_scoped3A : memref<!tpu.dma_semaphore, #tpu.memory_space<semaphore_mem>>) src(%dma_wait3A_151 : memref<640x128xf32, #tpu.memory_space<vmem_shared>>) dst(%dma_wait3A_149 : memref<640x128xf32, #tpu.memory_space<hbm>>)
      tpu.yield
    }) : () -> ()
    %barrier3A_141 = arith.constant 0 : index
    tpu.barrier barrier_id(%barrier3A_141)
    return
  }
}

#map = affine_map<(d0, d1) -> (0, 0)>
#map1 = affine_map<(d0, d1) -> (0, 0, 0, 0)>
#map2 = affine_map<(d0, d1) -> (0, 0, 0)>
module attributes {stable_mosaic.version = 14 : i64} {
  func.func @agg_kernel(%arg0: i32, %arg1: i32, %arg2: memref<40000x128xf32, #tpu.memory_space<hbm>>, %arg3: memref<4x1288x2x128xi32, #tpu.memory_space<hbm>>, %arg4: memref<10240x128xf32, #tpu.memory_space<hbm>>, %arg5: memref<4x10240x128xf32, #tpu.memory_space<hbm>>, %arg6: memref<2x4x2x128xi32, #tpu.memory_space<vmem>>, %arg7: memref<2x128x128xf32, #tpu.memory_space<vmem>>, %arg8: memref<10240x128xf32, #tpu.memory_space<vmem_shared>>, %arg9: memref<!tpu.dma_semaphore, #tpu.memory_space<semaphore_mem>>, %arg10: memref<!tpu.dma_semaphore, #tpu.memory_space<semaphore_mem>>, %arg11: memref<!tpu.dma_semaphore, #tpu.memory_space<semaphore_mem>>, %arg12: memref<!tpu.dma_semaphore, #tpu.memory_space<semaphore_mem>>) attributes {dimension_semantics = [#tpu.dimension_semantics<core_parallel>, #tpu.dimension_semantics<subcore_parallel>], iteration_bounds = array<i64: 2, 16>, scalar_prefetch = 0 : i64, scratch_operands = 7 : i64, tpu.core_type = #tpu.core_type<sc_vector_subcore>, window_params = [{transform_indices = #map}, {transform_indices = #map1}, {transform_indices = #map}, {transform_indices = #map2}]} {
    %mul3A = arith.constant 640 : i32
    %mul3A_0 = arith.muli %arg1, %mul3A : i32
    %mul3A_1 = arith.constant 10240 : i32
    %mul3A_2 = arith.muli %arg1, %mul3A_1 : i32
    %jit3A = arith.constant 128 : i32
    %div3A = arith.divsi %mul3A_2, %jit3A : i32
    %sign3A = arith.constant 0 : i32
    %sign3A_3 = arith.cmpi sgt, %mul3A_2, %sign3A : i32
    %sign3A_4 = arith.extui %sign3A_3 : i1 to i32
    %sign3A_5 = arith.constant 0 : i32
    %sign3A_6 = arith.cmpi slt, %mul3A_2, %sign3A_5 : i32
    %sign3A_7 = arith.extui %sign3A_6 : i1 to i32
    %sign3A_8 = arith.subi %sign3A_4, %sign3A_7 : i32
    %sign3A_9 = arith.constant 0 : i32
    %sign3A_10 = arith.cmpi sgt, %jit3A, %sign3A_9 : i32
    %sign3A_11 = arith.extui %sign3A_10 : i1 to i32
    %sign3A_12 = arith.constant 0 : i32
    %sign3A_13 = arith.cmpi slt, %jit3A, %sign3A_12 : i32
    %sign3A_14 = arith.extui %sign3A_13 : i1 to i32
    %sign3A_15 = arith.subi %sign3A_11, %sign3A_14 : i32
    %ne3A = arith.cmpi ne, %sign3A_8, %sign3A_15 : i32
    %rem3A = arith.remsi %mul3A_2, %jit3A : i32
    %ne3A_16 = arith.constant 0 : i32
    %ne3A_17 = arith.cmpi ne, %rem3A, %ne3A_16 : i32
    %and3A = arith.andi %ne3A, %ne3A_17 : i1
    %sub3A = arith.constant 1 : i32
    %sub3A_18 = arith.subi %div3A, %sub3A : i32
    %select_n3A = arith.select %and3A, %sub3A_18, %div3A : i32
    %add3A = arith.constant 0 : i32
    %add3A_19 = arith.addi %add3A, %arg0 : i32
    "tpu.region"() ({
      %run_scoped3A = tpu.sem_alloc : memref<!tpu.dma_semaphore, #tpu.memory_space<semaphore_mem>>
      %dma_start3A_260 = arith.constant 0 : i32
      %dma_start3A_261 = tpu.memref_slice %arg8[%mul3A_0, %dma_start3A_260] : memref<10240x128xf32, #tpu.memory_space<vmem_shared>> -> memref<640x128xf32, #tpu.memory_space<vmem_shared>>
      %dma_start3A_262 = arith.constant 0 : i32
      %dma_start3A_263 = tpu.memref_slice %arg4[%mul3A_0, %dma_start3A_262] : memref<10240x128xf32, #tpu.memory_space<hbm>> -> memref<640x128xf32, #tpu.memory_space<hbm>>
      tpu.enqueue_dma source(%dma_start3A_263 : memref<640x128xf32, #tpu.memory_space<hbm>>) target(%dma_start3A_261 : memref<640x128xf32, #tpu.memory_space<vmem_shared>>) target_semaphore(%run_scoped3A : memref<!tpu.dma_semaphore, #tpu.memory_space<semaphore_mem>>)
      %dma_wait3A_264 = arith.constant 0 : i32
      %dma_wait3A_265 = tpu.memref_slice %arg8[%mul3A_0, %dma_wait3A_264] : memref<10240x128xf32, #tpu.memory_space<vmem_shared>> -> memref<640x128xf32, #tpu.memory_space<vmem_shared>>
      %dma_wait3A_266 = arith.constant 0 : i32
      %dma_wait3A_267 = tpu.memref_slice %arg4[%mul3A_0, %dma_wait3A_266] : memref<10240x128xf32, #tpu.memory_space<hbm>> -> memref<640x128xf32, #tpu.memory_space<hbm>>
      tpu.wait_dma2 semaphore(%run_scoped3A : memref<!tpu.dma_semaphore, #tpu.memory_space<semaphore_mem>>) src(%dma_wait3A_267 : memref<640x128xf32, #tpu.memory_space<hbm>>) dst(%dma_wait3A_265 : memref<640x128xf32, #tpu.memory_space<vmem_shared>>)
      tpu.yield
    }) : () -> ()
    %add3A_20 = arith.constant 0 : i32
    %add3A_21 = arith.addi %select_n3A, %add3A_20 : i32
    %dma_start3A = arith.constant 0 : i32
    %dma_start3A_22 = arith.constant 0 : i32
    %dma_start3A_23 = arith.constant 0 : i32
    %dma_start3A_24 = arith.constant 0 : i32
    %dma_start3A_25 = tpu.memref_slice %arg6[%dma_start3A, %dma_start3A_22, %dma_start3A_23, %dma_start3A_24] : memref<2x4x2x128xi32, #tpu.memory_space<vmem>> -> memref<1x4x2x128xi32, #tpu.memory_space<vmem>>
    %dma_start3A_26 = tpu.memref_squeeze %dma_start3A_25 : memref<1x4x2x128xi32, #tpu.memory_space<vmem>> -> memref<4x2x128xi32, #tpu.memory_space<vmem>>
    %dma_start3A_27 = arith.constant 0 : i32
    %dma_start3A_28 = arith.constant 0 : i32
    %dma_start3A_29 = tpu.memref_slice %arg3[%add3A_19, %add3A_21, %dma_start3A_27, %dma_start3A_28] : memref<4x1288x2x128xi32, #tpu.memory_space<hbm>> -> memref<1x4x2x128xi32, #tpu.memory_space<hbm>>
    %dma_start3A_30 = tpu.memref_squeeze %dma_start3A_29 : memref<1x4x2x128xi32, #tpu.memory_space<hbm>> -> memref<4x2x128xi32, #tpu.memory_space<hbm>>
    %dma_start3A_31 = arith.constant 0 : i32
    %dma_start3A_32 = arith.constant 0 : i32
    %dma_start3A_33 = arith.constant 0 : i32
    %dma_start3A_34 = tpu.memref_slice %arg6[%dma_start3A, %dma_start3A_31, %dma_start3A_32, %dma_start3A_33] : memref<2x4x2x128xi32, #tpu.memory_space<vmem>> -> memref<1x4x2x128xi32, #tpu.memory_space<vmem>>
    %dma_start3A_35 = tpu.memref_squeeze %dma_start3A_34 : memref<1x4x2x128xi32, #tpu.memory_space<vmem>> -> memref<4x2x128xi32, #tpu.memory_space<vmem>>
    %dma_start3A_36 = arith.constant 0 : i32
    %dma_start3A_37 = arith.constant 0 : i32
    %dma_start3A_38 = tpu.memref_slice %arg3[%add3A_19, %add3A_21, %dma_start3A_36, %dma_start3A_37] : memref<4x1288x2x128xi32, #tpu.memory_space<hbm>> -> memref<1x4x2x128xi32, #tpu.memory_space<hbm>>
    %dma_start3A_39 = tpu.memref_squeeze %dma_start3A_38 : memref<1x4x2x128xi32, #tpu.memory_space<hbm>> -> memref<4x2x128xi32, #tpu.memory_space<hbm>>
    tpu.enqueue_dma source(%dma_start3A_39 : memref<4x2x128xi32, #tpu.memory_space<hbm>>) target(%dma_start3A_35 : memref<4x2x128xi32, #tpu.memory_space<vmem>>) target_semaphore(%arg11 : memref<!tpu.dma_semaphore, #tpu.memory_space<semaphore_mem>>)
    %add3A_40 = arith.constant 4 : i32
    %add3A_41 = arith.addi %select_n3A, %add3A_40 : i32
    %dma_start3A_42 = arith.constant 1 : i32
    %dma_start3A_43 = arith.constant 0 : i32
    %dma_start3A_44 = arith.constant 0 : i32
    %dma_start3A_45 = arith.constant 0 : i32
    %dma_start3A_46 = tpu.memref_slice %arg6[%dma_start3A_42, %dma_start3A_43, %dma_start3A_44, %dma_start3A_45] : memref<2x4x2x128xi32, #tpu.memory_space<vmem>> -> memref<1x4x2x128xi32, #tpu.memory_space<vmem>>
    %dma_start3A_47 = tpu.memref_squeeze %dma_start3A_46 : memref<1x4x2x128xi32, #tpu.memory_space<vmem>> -> memref<4x2x128xi32, #tpu.memory_space<vmem>>
    %dma_start3A_48 = arith.constant 0 : i32
    %dma_start3A_49 = arith.constant 0 : i32
    %dma_start3A_50 = tpu.memref_slice %arg3[%add3A_19, %add3A_41, %dma_start3A_48, %dma_start3A_49] : memref<4x1288x2x128xi32, #tpu.memory_space<hbm>> -> memref<1x4x2x128xi32, #tpu.memory_space<hbm>>
    %dma_start3A_51 = tpu.memref_squeeze %dma_start3A_50 : memref<1x4x2x128xi32, #tpu.memory_space<hbm>> -> memref<4x2x128xi32, #tpu.memory_space<hbm>>
    %dma_start3A_52 = arith.constant 0 : i32
    %dma_start3A_53 = arith.constant 0 : i32
    %dma_start3A_54 = arith.constant 0 : i32
    %dma_start3A_55 = tpu.memref_slice %arg6[%dma_start3A_42, %dma_start3A_52, %dma_start3A_53, %dma_start3A_54] : memref<2x4x2x128xi32, #tpu.memory_space<vmem>> -> memref<1x4x2x128xi32, #tpu.memory_space<vmem>>
    %dma_start3A_56 = tpu.memref_squeeze %dma_start3A_55 : memref<1x4x2x128xi32, #tpu.memory_space<vmem>> -> memref<4x2x128xi32, #tpu.memory_space<vmem>>
    %dma_start3A_57 = arith.constant 0 : i32
    %dma_start3A_58 = arith.constant 0 : i32
    %dma_start3A_59 = tpu.memref_slice %arg3[%add3A_19, %add3A_41, %dma_start3A_57, %dma_start3A_58] : memref<4x1288x2x128xi32, #tpu.memory_space<hbm>> -> memref<1x4x2x128xi32, #tpu.memory_space<hbm>>
    %dma_start3A_60 = tpu.memref_squeeze %dma_start3A_59 : memref<1x4x2x128xi32, #tpu.memory_space<hbm>> -> memref<4x2x128xi32, #tpu.memory_space<hbm>>
    tpu.enqueue_dma source(%dma_start3A_60 : memref<4x2x128xi32, #tpu.memory_space<hbm>>) target(%dma_start3A_56 : memref<4x2x128xi32, #tpu.memory_space<vmem>>) target_semaphore(%arg12 : memref<!tpu.dma_semaphore, #tpu.memory_space<semaphore_mem>>)
    %add3A_61 = arith.constant 0 : i32
    %add3A_62 = arith.addi %select_n3A, %add3A_61 : i32
    %dma_wait3A = arith.constant 0 : i32
    %dma_wait3A_63 = arith.constant 0 : i32
    %dma_wait3A_64 = arith.constant 0 : i32
    %dma_wait3A_65 = arith.constant 0 : i32
    %dma_wait3A_66 = tpu.memref_slice %arg6[%dma_wait3A, %dma_wait3A_63, %dma_wait3A_64, %dma_wait3A_65] : memref<2x4x2x128xi32, #tpu.memory_space<vmem>> -> memref<1x4x2x128xi32, #tpu.memory_space<vmem>>
    %dma_wait3A_67 = tpu.memref_squeeze %dma_wait3A_66 : memref<1x4x2x128xi32, #tpu.memory_space<vmem>> -> memref<4x2x128xi32, #tpu.memory_space<vmem>>
    %dma_wait3A_68 = arith.constant 0 : i32
    %dma_wait3A_69 = arith.constant 0 : i32
    %dma_wait3A_70 = tpu.memref_slice %arg3[%add3A_19, %add3A_62, %dma_wait3A_68, %dma_wait3A_69] : memref<4x1288x2x128xi32, #tpu.memory_space<hbm>> -> memref<1x4x2x128xi32, #tpu.memory_space<hbm>>
    %dma_wait3A_71 = tpu.memref_squeeze %dma_wait3A_70 : memref<1x4x2x128xi32, #tpu.memory_space<hbm>> -> memref<4x2x128xi32, #tpu.memory_space<hbm>>
    %dma_wait3A_72 = arith.constant 0 : i32
    %dma_wait3A_73 = arith.constant 0 : i32
    %dma_wait3A_74 = arith.constant 0 : i32
    %dma_wait3A_75 = tpu.memref_slice %arg6[%dma_wait3A, %dma_wait3A_72, %dma_wait3A_73, %dma_wait3A_74] : memref<2x4x2x128xi32, #tpu.memory_space<vmem>> -> memref<1x4x2x128xi32, #tpu.memory_space<vmem>>
    %dma_wait3A_76 = tpu.memref_squeeze %dma_wait3A_75 : memref<1x4x2x128xi32, #tpu.memory_space<vmem>> -> memref<4x2x128xi32, #tpu.memory_space<vmem>>
    %dma_wait3A_77 = arith.constant 0 : i32
    %dma_wait3A_78 = arith.constant 0 : i32
    %dma_wait3A_79 = tpu.memref_slice %arg3[%add3A_19, %add3A_62, %dma_wait3A_77, %dma_wait3A_78] : memref<4x1288x2x128xi32, #tpu.memory_space<hbm>> -> memref<1x4x2x128xi32, #tpu.memory_space<hbm>>
    %dma_wait3A_80 = tpu.memref_squeeze %dma_wait3A_79 : memref<1x4x2x128xi32, #tpu.memory_space<hbm>> -> memref<4x2x128xi32, #tpu.memory_space<hbm>>
    tpu.wait_dma2 semaphore(%arg11 : memref<!tpu.dma_semaphore, #tpu.memory_space<semaphore_mem>>) src(%dma_wait3A_80 : memref<4x2x128xi32, #tpu.memory_space<hbm>>) dst(%dma_wait3A_76 : memref<4x2x128xi32, #tpu.memory_space<vmem>>)
    %dma_start3A_81 = arith.constant 0 : i32
    %dma_start3A_82 = arith.constant 0 : i32
    %dma_start3A_83 = arith.constant 0 : i32
    %dma_start3A_84 = arith.constant 0 : i32
    %dma_start3A_85 = arith.constant 0 : i32
    %dma_start3A_86 = arith.constant 0 : i32
    %dma_start3A_87 = tpu.memref_slice %arg7[%dma_start3A_84, %dma_start3A_85, %dma_start3A_86] : memref<2x128x128xf32, #tpu.memory_space<vmem>> -> memref<1x128x128xf32, #tpu.memory_space<vmem>>
    %dma_start3A_88 = tpu.memref_squeeze %dma_start3A_87 : memref<1x128x128xf32, #tpu.memory_space<vmem>> -> memref<128x128xf32, #tpu.memory_space<vmem>>
    %dma_start3A_89 = arith.constant 0 : i32
    %dma_start3A_90 = tpu.memref_slice %arg6[%dma_start3A_81, %dma_start3A_82, %dma_start3A_83, %dma_start3A_89] : memref<2x4x2x128xi32, #tpu.memory_space<vmem>> -> memref<1x1x1x128xi32, #tpu.memory_space<vmem>>
    %dma_start3A_91 = tpu.memref_squeeze %dma_start3A_90 : memref<1x1x1x128xi32, #tpu.memory_space<vmem>> -> memref<128xi32, #tpu.memory_space<vmem>>
    %dma_start3A_92 = arith.constant 0 : i32
    %dma_start3A_93 = arith.constant 0 : i32
    %dma_start3A_94 = tpu.memref_slice %arg2[%dma_start3A_92, %dma_start3A_93] : memref<40000x128xf32, #tpu.memory_space<hbm>> -> memref<40000x128xf32, #tpu.memory_space<hbm>>
    tpu.enqueue_indirect_dma source(%dma_start3A_94 : memref<40000x128xf32, #tpu.memory_space<hbm>>) target(%dma_start3A_88 : memref<128x128xf32, #tpu.memory_space<vmem>>) offsets(%dma_start3A_91 : memref<128xi32, #tpu.memory_space<vmem>>) semaphore(%arg9 : memref<!tpu.dma_semaphore, #tpu.memory_space<semaphore_mem>>)
    %barrier3A = arith.constant 0 : index
    tpu.barrier barrier_id(%barrier3A)
    %scan3A = arith.constant 0 : i32
    %scan3A_95 = arith.constant 0 : i32
    %scan3A_96 = arith.constant 10 : i32
    %scan3A_97 = arith.addi %scan3A_95, %scan3A_96 : i32
    %scan3A_98 = arith.constant 1 : i32
    scf.for %scan3A_260 = %scan3A_95 to %scan3A_97 step %scan3A_98  : i32 {
      %mul3A_261 = arith.constant 2 : i32
      %mul3A_262 = arith.muli %scan3A_260, %mul3A_261 : i32
      %dma_start3A_263 = arith.constant 0 : i32
      %dma_start3A_264 = arith.constant 1 : i32
      %dma_start3A_265 = arith.constant 0 : i32
      %dma_start3A_266 = arith.constant 1 : i32
      %dma_start3A_267 = arith.constant 0 : i32
      %dma_start3A_268 = arith.constant 0 : i32
      %dma_start3A_269 = tpu.memref_slice %arg7[%dma_start3A_266, %dma_start3A_267, %dma_start3A_268] : memref<2x128x128xf32, #tpu.memory_space<vmem>> -> memref<1x128x128xf32, #tpu.memory_space<vmem>>
      %dma_start3A_270 = tpu.memref_squeeze %dma_start3A_269 : memref<1x128x128xf32, #tpu.memory_space<vmem>> -> memref<128x128xf32, #tpu.memory_space<vmem>>
      %dma_start3A_271 = arith.constant 0 : i32
      %dma_start3A_272 = tpu.memref_slice %arg6[%dma_start3A_263, %dma_start3A_264, %dma_start3A_265, %dma_start3A_271] : memref<2x4x2x128xi32, #tpu.memory_space<vmem>> -> memref<1x1x1x128xi32, #tpu.memory_space<vmem>>
      %dma_start3A_273 = tpu.memref_squeeze %dma_start3A_272 : memref<1x1x1x128xi32, #tpu.memory_space<vmem>> -> memref<128xi32, #tpu.memory_space<vmem>>
      %dma_start3A_274 = arith.constant 0 : i32
      %dma_start3A_275 = arith.constant 0 : i32
      %dma_start3A_276 = tpu.memref_slice %arg2[%dma_start3A_274, %dma_start3A_275] : memref<40000x128xf32, #tpu.memory_space<hbm>> -> memref<40000x128xf32, #tpu.memory_space<hbm>>
      tpu.enqueue_indirect_dma source(%dma_start3A_276 : memref<40000x128xf32, #tpu.memory_space<hbm>>) target(%dma_start3A_270 : memref<128x128xf32, #tpu.memory_space<vmem>>) offsets(%dma_start3A_273 : memref<128xi32, #tpu.memory_space<vmem>>) semaphore(%arg10 : memref<!tpu.dma_semaphore, #tpu.memory_space<semaphore_mem>>)
      %dma_wait3A_277 = arith.constant 0 : i32
      %dma_wait3A_278 = arith.constant 0 : i32
      %dma_wait3A_279 = arith.constant 0 : i32
      %dma_wait3A_280 = arith.constant 0 : i32
      %dma_wait3A_281 = arith.constant 0 : i32
      %dma_wait3A_282 = arith.constant 0 : i32
      %dma_wait3A_283 = tpu.memref_slice %arg7[%dma_wait3A_280, %dma_wait3A_281, %dma_wait3A_282] : memref<2x128x128xf32, #tpu.memory_space<vmem>> -> memref<1x128x128xf32, #tpu.memory_space<vmem>>
      %dma_wait3A_284 = tpu.memref_squeeze %dma_wait3A_283 : memref<1x128x128xf32, #tpu.memory_space<vmem>> -> memref<128x128xf32, #tpu.memory_space<vmem>>
      %dma_wait3A_285 = arith.constant 0 : i32
      %dma_wait3A_286 = tpu.memref_slice %arg6[%dma_wait3A_277, %dma_wait3A_278, %dma_wait3A_279, %dma_wait3A_285] : memref<2x4x2x128xi32, #tpu.memory_space<vmem>> -> memref<1x1x1x128xi32, #tpu.memory_space<vmem>>
      %dma_wait3A_287 = tpu.memref_squeeze %dma_wait3A_286 : memref<1x1x1x128xi32, #tpu.memory_space<vmem>> -> memref<128xi32, #tpu.memory_space<vmem>>
      %dma_wait3A_288 = arith.constant 0 : i32
      %dma_wait3A_289 = arith.constant 0 : i32
      %dma_wait3A_290 = tpu.memref_slice %arg2[%dma_wait3A_288, %dma_wait3A_289] : memref<40000x128xf32, #tpu.memory_space<hbm>> -> memref<40000x128xf32, #tpu.memory_space<hbm>>
      tpu.wait_indirect_dma semaphore(%arg9 : memref<!tpu.dma_semaphore, #tpu.memory_space<semaphore_mem>>) src(%dma_wait3A_290 : memref<40000x128xf32, #tpu.memory_space<hbm>>) dst(%dma_wait3A_284 : memref<128x128xf32, #tpu.memory_space<vmem>>)
      %run_scoped3A = arith.constant 0 : i32
      %run_scoped3A_291 = arith.constant 0 : i32
      %run_scoped3A_292 = arith.constant 0 : i32
      %run_scoped3A_293 = arith.constant 1 : i32
      "tpu.region"() ({
        %run_scoped3A_616 = tpu.sem_alloc : memref<!tpu.dma_semaphore, #tpu.memory_space<semaphore_mem>>
        %dma_start3A_617 = arith.constant 0 : i32
        %dma_start3A_618 = arith.constant 0 : i32
        %dma_start3A_619 = tpu.memref_slice %arg7[%run_scoped3A, %dma_start3A_617, %dma_start3A_618] : memref<2x128x128xf32, #tpu.memory_space<vmem>> -> memref<1x128x128xf32, #tpu.memory_space<vmem>>
        %dma_start3A_620 = tpu.memref_squeeze %dma_start3A_619 : memref<1x128x128xf32, #tpu.memory_space<vmem>> -> memref<128x128xf32, #tpu.memory_space<vmem>>
        %dma_start3A_621 = arith.constant 0 : i32
        %dma_start3A_622 = tpu.memref_slice %arg6[%run_scoped3A_291, %run_scoped3A_292, %run_scoped3A_293, %dma_start3A_621] : memref<2x4x2x128xi32, #tpu.memory_space<vmem>> -> memref<1x1x1x128xi32, #tpu.memory_space<vmem>>
        %dma_start3A_623 = tpu.memref_squeeze %dma_start3A_622 : memref<1x1x1x128xi32, #tpu.memory_space<vmem>> -> memref<128xi32, #tpu.memory_space<vmem>>
        %dma_start3A_624 = arith.constant 0 : i32
        %dma_start3A_625 = arith.constant 0 : i32
        %dma_start3A_626 = tpu.memref_slice %arg8[%dma_start3A_624, %dma_start3A_625] : memref<10240x128xf32, #tpu.memory_space<vmem_shared>> -> memref<10240x128xf32, #tpu.memory_space<vmem_shared>>
        tpu.enqueue_indirect_dma source(%dma_start3A_620 : memref<128x128xf32, #tpu.memory_space<vmem>>) target(%dma_start3A_626 : memref<10240x128xf32, #tpu.memory_space<vmem_shared>>) offsets(%dma_start3A_623 : memref<128xi32, #tpu.memory_space<vmem>>) semaphore(%run_scoped3A_616 : memref<!tpu.dma_semaphore, #tpu.memory_space<semaphore_mem>>) {add = true}
        %dma_wait3A_627 = arith.constant 0 : i32
        %dma_wait3A_628 = arith.constant 0 : i32
        %dma_wait3A_629 = tpu.memref_slice %arg7[%run_scoped3A, %dma_wait3A_627, %dma_wait3A_628] : memref<2x128x128xf32, #tpu.memory_space<vmem>> -> memref<1x128x128xf32, #tpu.memory_space<vmem>>
        %dma_wait3A_630 = tpu.memref_squeeze %dma_wait3A_629 : memref<1x128x128xf32, #tpu.memory_space<vmem>> -> memref<128x128xf32, #tpu.memory_space<vmem>>
        %dma_wait3A_631 = arith.constant 0 : i32
        %dma_wait3A_632 = tpu.memref_slice %arg6[%run_scoped3A_291, %run_scoped3A_292, %run_scoped3A_293, %dma_wait3A_631] : memref<2x4x2x128xi32, #tpu.memory_space<vmem>> -> memref<1x1x1x128xi32, #tpu.memory_space<vmem>>
        %dma_wait3A_633 = tpu.memref_squeeze %dma_wait3A_632 : memref<1x1x1x128xi32, #tpu.memory_space<vmem>> -> memref<128xi32, #tpu.memory_space<vmem>>
        %dma_wait3A_634 = arith.constant 0 : i32
        %dma_wait3A_635 = arith.constant 0 : i32
        %dma_wait3A_636 = tpu.memref_slice %arg8[%dma_wait3A_634, %dma_wait3A_635] : memref<10240x128xf32, #tpu.memory_space<vmem_shared>> -> memref<10240x128xf32, #tpu.memory_space<vmem_shared>>
        tpu.wait_indirect_dma semaphore(%run_scoped3A_616 : memref<!tpu.dma_semaphore, #tpu.memory_space<semaphore_mem>>) src(%dma_wait3A_630 : memref<128x128xf32, #tpu.memory_space<vmem>>) dst(%dma_wait3A_636 : memref<10240x128xf32, #tpu.memory_space<vmem_shared>>)
        tpu.yield
      }) : () -> ()
      %dma_start3A_294 = arith.constant 0 : i32
      %dma_start3A_295 = arith.constant 2 : i32
      %dma_start3A_296 = arith.constant 0 : i32
      %dma_start3A_297 = arith.constant 0 : i32
      %dma_start3A_298 = arith.constant 0 : i32
      %dma_start3A_299 = arith.constant 0 : i32
      %dma_start3A_300 = tpu.memref_slice %arg7[%dma_start3A_297, %dma_start3A_298, %dma_start3A_299] : memref<2x128x128xf32, #tpu.memory_space<vmem>> -> memref<1x128x128xf32, #tpu.memory_space<vmem>>
      %dma_start3A_301 = tpu.memref_squeeze %dma_start3A_300 : memref<1x128x128xf32, #tpu.memory_space<vmem>> -> memref<128x128xf32, #tpu.memory_space<vmem>>
      %dma_start3A_302 = arith.constant 0 : i32
      %dma_start3A_303 = tpu.memref_slice %arg6[%dma_start3A_294, %dma_start3A_295, %dma_start3A_296, %dma_start3A_302] : memref<2x4x2x128xi32, #tpu.memory_space<vmem>> -> memref<1x1x1x128xi32, #tpu.memory_space<vmem>>
      %dma_start3A_304 = tpu.memref_squeeze %dma_start3A_303 : memref<1x1x1x128xi32, #tpu.memory_space<vmem>> -> memref<128xi32, #tpu.memory_space<vmem>>
      %dma_start3A_305 = arith.constant 0 : i32
      %dma_start3A_306 = arith.constant 0 : i32
      %dma_start3A_307 = tpu.memref_slice %arg2[%dma_start3A_305, %dma_start3A_306] : memref<40000x128xf32, #tpu.memory_space<hbm>> -> memref<40000x128xf32, #tpu.memory_space<hbm>>
      tpu.enqueue_indirect_dma source(%dma_start3A_307 : memref<40000x128xf32, #tpu.memory_space<hbm>>) target(%dma_start3A_301 : memref<128x128xf32, #tpu.memory_space<vmem>>) offsets(%dma_start3A_304 : memref<128xi32, #tpu.memory_space<vmem>>) semaphore(%arg9 : memref<!tpu.dma_semaphore, #tpu.memory_space<semaphore_mem>>)
      %dma_wait3A_308 = arith.constant 0 : i32
      %dma_wait3A_309 = arith.constant 1 : i32
      %dma_wait3A_310 = arith.constant 0 : i32
      %dma_wait3A_311 = arith.constant 1 : i32
      %dma_wait3A_312 = arith.constant 0 : i32
      %dma_wait3A_313 = arith.constant 0 : i32
      %dma_wait3A_314 = tpu.memref_slice %arg7[%dma_wait3A_311, %dma_wait3A_312, %dma_wait3A_313] : memref<2x128x128xf32, #tpu.memory_space<vmem>> -> memref<1x128x128xf32, #tpu.memory_space<vmem>>
      %dma_wait3A_315 = tpu.memref_squeeze %dma_wait3A_314 : memref<1x128x128xf32, #tpu.memory_space<vmem>> -> memref<128x128xf32, #tpu.memory_space<vmem>>
      %dma_wait3A_316 = arith.constant 0 : i32
      %dma_wait3A_317 = tpu.memref_slice %arg6[%dma_wait3A_308, %dma_wait3A_309, %dma_wait3A_310, %dma_wait3A_316] : memref<2x4x2x128xi32, #tpu.memory_space<vmem>> -> memref<1x1x1x128xi32, #tpu.memory_space<vmem>>
      %dma_wait3A_318 = tpu.memref_squeeze %dma_wait3A_317 : memref<1x1x1x128xi32, #tpu.memory_space<vmem>> -> memref<128xi32, #tpu.memory_space<vmem>>
      %dma_wait3A_319 = arith.constant 0 : i32
      %dma_wait3A_320 = arith.constant 0 : i32
      %dma_wait3A_321 = tpu.memref_slice %arg2[%dma_wait3A_319, %dma_wait3A_320] : memref<40000x128xf32, #tpu.memory_space<hbm>> -> memref<40000x128xf32, #tpu.memory_space<hbm>>
      tpu.wait_indirect_dma semaphore(%arg10 : memref<!tpu.dma_semaphore, #tpu.memory_space<semaphore_mem>>) src(%dma_wait3A_321 : memref<40000x128xf32, #tpu.memory_space<hbm>>) dst(%dma_wait3A_315 : memref<128x128xf32, #tpu.memory_space<vmem>>)
      %run_scoped3A_322 = arith.constant 1 : i32
      %run_scoped3A_323 = arith.constant 0 : i32
      %run_scoped3A_324 = arith.constant 1 : i32
      %run_scoped3A_325 = arith.constant 1 : i32
      "tpu.region"() ({
        %run_scoped3A_616 = tpu.sem_alloc : memref<!tpu.dma_semaphore, #tpu.memory_space<semaphore_mem>>
        %dma_start3A_617 = arith.constant 0 : i32
        %dma_start3A_618 = arith.constant 0 : i32
        %dma_start3A_619 = tpu.memref_slice %arg7[%run_scoped3A_322, %dma_start3A_617, %dma_start3A_618] : memref<2x128x128xf32, #tpu.memory_space<vmem>> -> memref<1x128x128xf32, #tpu.memory_space<vmem>>
        %dma_start3A_620 = tpu.memref_squeeze %dma_start3A_619 : memref<1x128x128xf32, #tpu.memory_space<vmem>> -> memref<128x128xf32, #tpu.memory_space<vmem>>
        %dma_start3A_621 = arith.constant 0 : i32
        %dma_start3A_622 = tpu.memref_slice %arg6[%run_scoped3A_323, %run_scoped3A_324, %run_scoped3A_325, %dma_start3A_621] : memref<2x4x2x128xi32, #tpu.memory_space<vmem>> -> memref<1x1x1x128xi32, #tpu.memory_space<vmem>>
        %dma_start3A_623 = tpu.memref_squeeze %dma_start3A_622 : memref<1x1x1x128xi32, #tpu.memory_space<vmem>> -> memref<128xi32, #tpu.memory_space<vmem>>
        %dma_start3A_624 = arith.constant 0 : i32
        %dma_start3A_625 = arith.constant 0 : i32
        %dma_start3A_626 = tpu.memref_slice %arg8[%dma_start3A_624, %dma_start3A_625] : memref<10240x128xf32, #tpu.memory_space<vmem_shared>> -> memref<10240x128xf32, #tpu.memory_space<vmem_shared>>
        tpu.enqueue_indirect_dma source(%dma_start3A_620 : memref<128x128xf32, #tpu.memory_space<vmem>>) target(%dma_start3A_626 : memref<10240x128xf32, #tpu.memory_space<vmem_shared>>) offsets(%dma_start3A_623 : memref<128xi32, #tpu.memory_space<vmem>>) semaphore(%run_scoped3A_616 : memref<!tpu.dma_semaphore, #tpu.memory_space<semaphore_mem>>) {add = true}
        %dma_wait3A_627 = arith.constant 0 : i32
        %dma_wait3A_628 = arith.constant 0 : i32
        %dma_wait3A_629 = tpu.memref_slice %arg7[%run_scoped3A_322, %dma_wait3A_627, %dma_wait3A_628] : memref<2x128x128xf32, #tpu.memory_space<vmem>> -> memref<1x128x128xf32, #tpu.memory_space<vmem>>
        %dma_wait3A_630 = tpu.memref_squeeze %dma_wait3A_629 : memref<1x128x128xf32, #tpu.memory_space<vmem>> -> memref<128x128xf32, #tpu.memory_space<vmem>>
        %dma_wait3A_631 = arith.constant 0 : i32
        %dma_wait3A_632 = tpu.memref_slice %arg6[%run_scoped3A_323, %run_scoped3A_324, %run_scoped3A_325, %dma_wait3A_631] : memref<2x4x2x128xi32, #tpu.memory_space<vmem>> -> memref<1x1x1x128xi32, #tpu.memory_space<vmem>>
        %dma_wait3A_633 = tpu.memref_squeeze %dma_wait3A_632 : memref<1x1x1x128xi32, #tpu.memory_space<vmem>> -> memref<128xi32, #tpu.memory_space<vmem>>
        %dma_wait3A_634 = arith.constant 0 : i32
        %dma_wait3A_635 = arith.constant 0 : i32
        %dma_wait3A_636 = tpu.memref_slice %arg8[%dma_wait3A_634, %dma_wait3A_635] : memref<10240x128xf32, #tpu.memory_space<vmem_shared>> -> memref<10240x128xf32, #tpu.memory_space<vmem_shared>>
        tpu.wait_indirect_dma semaphore(%run_scoped3A_616 : memref<!tpu.dma_semaphore, #tpu.memory_space<semaphore_mem>>) src(%dma_wait3A_630 : memref<128x128xf32, #tpu.memory_space<vmem>>) dst(%dma_wait3A_636 : memref<10240x128xf32, #tpu.memory_space<vmem_shared>>)
        tpu.yield
      }) : () -> ()
      %dma_start3A_326 = arith.constant 0 : i32
      %dma_start3A_327 = arith.constant 3 : i32
      %dma_start3A_328 = arith.constant 0 : i32
      %dma_start3A_329 = arith.constant 1 : i32
      %dma_start3A_330 = arith.constant 0 : i32
      %dma_start3A_331 = arith.constant 0 : i32
      %dma_start3A_332 = tpu.memref_slice %arg7[%dma_start3A_329, %dma_start3A_330, %dma_start3A_331] : memref<2x128x128xf32, #tpu.memory_space<vmem>> -> memref<1x128x128xf32, #tpu.memory_space<vmem>>
      %dma_start3A_333 = tpu.memref_squeeze %dma_start3A_332 : memref<1x128x128xf32, #tpu.memory_space<vmem>> -> memref<128x128xf32, #tpu.memory_space<vmem>>
      %dma_start3A_334 = arith.constant 0 : i32
      %dma_start3A_335 = tpu.memref_slice %arg6[%dma_start3A_326, %dma_start3A_327, %dma_start3A_328, %dma_start3A_334] : memref<2x4x2x128xi32, #tpu.memory_space<vmem>> -> memref<1x1x1x128xi32, #tpu.memory_space<vmem>>
      %dma_start3A_336 = tpu.memref_squeeze %dma_start3A_335 : memref<1x1x1x128xi32, #tpu.memory_space<vmem>> -> memref<128xi32, #tpu.memory_space<vmem>>
      %dma_start3A_337 = arith.constant 0 : i32
      %dma_start3A_338 = arith.constant 0 : i32
      %dma_start3A_339 = tpu.memref_slice %arg2[%dma_start3A_337, %dma_start3A_338] : memref<40000x128xf32, #tpu.memory_space<hbm>> -> memref<40000x128xf32, #tpu.memory_space<hbm>>
      tpu.enqueue_indirect_dma source(%dma_start3A_339 : memref<40000x128xf32, #tpu.memory_space<hbm>>) target(%dma_start3A_333 : memref<128x128xf32, #tpu.memory_space<vmem>>) offsets(%dma_start3A_336 : memref<128xi32, #tpu.memory_space<vmem>>) semaphore(%arg10 : memref<!tpu.dma_semaphore, #tpu.memory_space<semaphore_mem>>)
      %dma_wait3A_340 = arith.constant 0 : i32
      %dma_wait3A_341 = arith.constant 2 : i32
      %dma_wait3A_342 = arith.constant 0 : i32
      %dma_wait3A_343 = arith.constant 0 : i32
      %dma_wait3A_344 = arith.constant 0 : i32
      %dma_wait3A_345 = arith.constant 0 : i32
      %dma_wait3A_346 = tpu.memref_slice %arg7[%dma_wait3A_343, %dma_wait3A_344, %dma_wait3A_345] : memref<2x128x128xf32, #tpu.memory_space<vmem>> -> memref<1x128x128xf32, #tpu.memory_space<vmem>>
      %dma_wait3A_347 = tpu.memref_squeeze %dma_wait3A_346 : memref<1x128x128xf32, #tpu.memory_space<vmem>> -> memref<128x128xf32, #tpu.memory_space<vmem>>
      %dma_wait3A_348 = arith.constant 0 : i32
      %dma_wait3A_349 = tpu.memref_slice %arg6[%dma_wait3A_340, %dma_wait3A_341, %dma_wait3A_342, %dma_wait3A_348] : memref<2x4x2x128xi32, #tpu.memory_space<vmem>> -> memref<1x1x1x128xi32, #tpu.memory_space<vmem>>
      %dma_wait3A_350 = tpu.memref_squeeze %dma_wait3A_349 : memref<1x1x1x128xi32, #tpu.memory_space<vmem>> -> memref<128xi32, #tpu.memory_space<vmem>>
      %dma_wait3A_351 = arith.constant 0 : i32
      %dma_wait3A_352 = arith.constant 0 : i32
      %dma_wait3A_353 = tpu.memref_slice %arg2[%dma_wait3A_351, %dma_wait3A_352] : memref<40000x128xf32, #tpu.memory_space<hbm>> -> memref<40000x128xf32, #tpu.memory_space<hbm>>
      tpu.wait_indirect_dma semaphore(%arg9 : memref<!tpu.dma_semaphore, #tpu.memory_space<semaphore_mem>>) src(%dma_wait3A_353 : memref<40000x128xf32, #tpu.memory_space<hbm>>) dst(%dma_wait3A_347 : memref<128x128xf32, #tpu.memory_space<vmem>>)
      %run_scoped3A_354 = arith.constant 0 : i32
      %run_scoped3A_355 = arith.constant 0 : i32
      %run_scoped3A_356 = arith.constant 2 : i32
      %run_scoped3A_357 = arith.constant 1 : i32
      "tpu.region"() ({
        %run_scoped3A_616 = tpu.sem_alloc : memref<!tpu.dma_semaphore, #tpu.memory_space<semaphore_mem>>
        %dma_start3A_617 = arith.constant 0 : i32
        %dma_start3A_618 = arith.constant 0 : i32
        %dma_start3A_619 = tpu.memref_slice %arg7[%run_scoped3A_354, %dma_start3A_617, %dma_start3A_618] : memref<2x128x128xf32, #tpu.memory_space<vmem>> -> memref<1x128x128xf32, #tpu.memory_space<vmem>>
        %dma_start3A_620 = tpu.memref_squeeze %dma_start3A_619 : memref<1x128x128xf32, #tpu.memory_space<vmem>> -> memref<128x128xf32, #tpu.memory_space<vmem>>
        %dma_start3A_621 = arith.constant 0 : i32
        %dma_start3A_622 = tpu.memref_slice %arg6[%run_scoped3A_355, %run_scoped3A_356, %run_scoped3A_357, %dma_start3A_621] : memref<2x4x2x128xi32, #tpu.memory_space<vmem>> -> memref<1x1x1x128xi32, #tpu.memory_space<vmem>>
        %dma_start3A_623 = tpu.memref_squeeze %dma_start3A_622 : memref<1x1x1x128xi32, #tpu.memory_space<vmem>> -> memref<128xi32, #tpu.memory_space<vmem>>
        %dma_start3A_624 = arith.constant 0 : i32
        %dma_start3A_625 = arith.constant 0 : i32
        %dma_start3A_626 = tpu.memref_slice %arg8[%dma_start3A_624, %dma_start3A_625] : memref<10240x128xf32, #tpu.memory_space<vmem_shared>> -> memref<10240x128xf32, #tpu.memory_space<vmem_shared>>
        tpu.enqueue_indirect_dma source(%dma_start3A_620 : memref<128x128xf32, #tpu.memory_space<vmem>>) target(%dma_start3A_626 : memref<10240x128xf32, #tpu.memory_space<vmem_shared>>) offsets(%dma_start3A_623 : memref<128xi32, #tpu.memory_space<vmem>>) semaphore(%run_scoped3A_616 : memref<!tpu.dma_semaphore, #tpu.memory_space<semaphore_mem>>) {add = true}
        %dma_wait3A_627 = arith.constant 0 : i32
        %dma_wait3A_628 = arith.constant 0 : i32
        %dma_wait3A_629 = tpu.memref_slice %arg7[%run_scoped3A_354, %dma_wait3A_627, %dma_wait3A_628] : memref<2x128x128xf32, #tpu.memory_space<vmem>> -> memref<1x128x128xf32, #tpu.memory_space<vmem>>
        %dma_wait3A_630 = tpu.memref_squeeze %dma_wait3A_629 : memref<1x128x128xf32, #tpu.memory_space<vmem>> -> memref<128x128xf32, #tpu.memory_space<vmem>>
        %dma_wait3A_631 = arith.constant 0 : i32
        %dma_wait3A_632 = tpu.memref_slice %arg6[%run_scoped3A_355, %run_scoped3A_356, %run_scoped3A_357, %dma_wait3A_631] : memref<2x4x2x128xi32, #tpu.memory_space<vmem>> -> memref<1x1x1x128xi32, #tpu.memory_space<vmem>>
        %dma_wait3A_633 = tpu.memref_squeeze %dma_wait3A_632 : memref<1x1x1x128xi32, #tpu.memory_space<vmem>> -> memref<128xi32, #tpu.memory_space<vmem>>
        %dma_wait3A_634 = arith.constant 0 : i32
        %dma_wait3A_635 = arith.constant 0 : i32
        %dma_wait3A_636 = tpu.memref_slice %arg8[%dma_wait3A_634, %dma_wait3A_635] : memref<10240x128xf32, #tpu.memory_space<vmem_shared>> -> memref<10240x128xf32, #tpu.memory_space<vmem_shared>>
        tpu.wait_indirect_dma semaphore(%run_scoped3A_616 : memref<!tpu.dma_semaphore, #tpu.memory_space<semaphore_mem>>) src(%dma_wait3A_630 : memref<128x128xf32, #tpu.memory_space<vmem>>) dst(%dma_wait3A_636 : memref<10240x128xf32, #tpu.memory_space<vmem_shared>>)
        tpu.yield
      }) : () -> ()
      %add3A_358 = arith.constant 1 : i32
      %add3A_359 = arith.addi %mul3A_262, %add3A_358 : i32
      %mul3A_360 = arith.constant 4 : i32
      %mul3A_361 = arith.muli %add3A_359, %mul3A_360 : i32
      %add3A_362 = arith.addi %select_n3A, %mul3A_361 : i32
      %dma_wait3A_363 = arith.constant 1 : i32
      %dma_wait3A_364 = arith.constant 0 : i32
      %dma_wait3A_365 = arith.constant 0 : i32
      %dma_wait3A_366 = arith.constant 0 : i32
      %dma_wait3A_367 = tpu.memref_slice %arg6[%dma_wait3A_363, %dma_wait3A_364, %dma_wait3A_365, %dma_wait3A_366] : memref<2x4x2x128xi32, #tpu.memory_space<vmem>> -> memref<1x4x2x128xi32, #tpu.memory_space<vmem>>
      %dma_wait3A_368 = tpu.memref_squeeze %dma_wait3A_367 : memref<1x4x2x128xi32, #tpu.memory_space<vmem>> -> memref<4x2x128xi32, #tpu.memory_space<vmem>>
      %dma_wait3A_369 = arith.constant 0 : i32
      %dma_wait3A_370 = arith.constant 0 : i32
      %dma_wait3A_371 = tpu.memref_slice %arg3[%add3A_19, %add3A_362, %dma_wait3A_369, %dma_wait3A_370] : memref<4x1288x2x128xi32, #tpu.memory_space<hbm>> -> memref<1x4x2x128xi32, #tpu.memory_space<hbm>>
      %dma_wait3A_372 = tpu.memref_squeeze %dma_wait3A_371 : memref<1x4x2x128xi32, #tpu.memory_space<hbm>> -> memref<4x2x128xi32, #tpu.memory_space<hbm>>
      %dma_wait3A_373 = arith.constant 0 : i32
      %dma_wait3A_374 = arith.constant 0 : i32
      %dma_wait3A_375 = arith.constant 0 : i32
      %dma_wait3A_376 = tpu.memref_slice %arg6[%dma_wait3A_363, %dma_wait3A_373, %dma_wait3A_374, %dma_wait3A_375] : memref<2x4x2x128xi32, #tpu.memory_space<vmem>> -> memref<1x4x2x128xi32, #tpu.memory_space<vmem>>
      %dma_wait3A_377 = tpu.memref_squeeze %dma_wait3A_376 : memref<1x4x2x128xi32, #tpu.memory_space<vmem>> -> memref<4x2x128xi32, #tpu.memory_space<vmem>>
      %dma_wait3A_378 = arith.constant 0 : i32
      %dma_wait3A_379 = arith.constant 0 : i32
      %dma_wait3A_380 = tpu.memref_slice %arg3[%add3A_19, %add3A_362, %dma_wait3A_378, %dma_wait3A_379] : memref<4x1288x2x128xi32, #tpu.memory_space<hbm>> -> memref<1x4x2x128xi32, #tpu.memory_space<hbm>>
      %dma_wait3A_381 = tpu.memref_squeeze %dma_wait3A_380 : memref<1x4x2x128xi32, #tpu.memory_space<hbm>> -> memref<4x2x128xi32, #tpu.memory_space<hbm>>
      tpu.wait_dma2 semaphore(%arg12 : memref<!tpu.dma_semaphore, #tpu.memory_space<semaphore_mem>>) src(%dma_wait3A_381 : memref<4x2x128xi32, #tpu.memory_space<hbm>>) dst(%dma_wait3A_377 : memref<4x2x128xi32, #tpu.memory_space<vmem>>)
      %dma_start3A_382 = arith.constant 1 : i32
      %dma_start3A_383 = arith.constant 0 : i32
      %dma_start3A_384 = arith.constant 0 : i32
      %dma_start3A_385 = arith.constant 0 : i32
      %dma_start3A_386 = arith.constant 0 : i32
      %dma_start3A_387 = arith.constant 0 : i32
      %dma_start3A_388 = tpu.memref_slice %arg7[%dma_start3A_385, %dma_start3A_386, %dma_start3A_387] : memref<2x128x128xf32, #tpu.memory_space<vmem>> -> memref<1x128x128xf32, #tpu.memory_space<vmem>>
      %dma_start3A_389 = tpu.memref_squeeze %dma_start3A_388 : memref<1x128x128xf32, #tpu.memory_space<vmem>> -> memref<128x128xf32, #tpu.memory_space<vmem>>
      %dma_start3A_390 = arith.constant 0 : i32
      %dma_start3A_391 = tpu.memref_slice %arg6[%dma_start3A_382, %dma_start3A_383, %dma_start3A_384, %dma_start3A_390] : memref<2x4x2x128xi32, #tpu.memory_space<vmem>> -> memref<1x1x1x128xi32, #tpu.memory_space<vmem>>
      %dma_start3A_392 = tpu.memref_squeeze %dma_start3A_391 : memref<1x1x1x128xi32, #tpu.memory_space<vmem>> -> memref<128xi32, #tpu.memory_space<vmem>>
      %dma_start3A_393 = arith.constant 0 : i32
      %dma_start3A_394 = arith.constant 0 : i32
      %dma_start3A_395 = tpu.memref_slice %arg2[%dma_start3A_393, %dma_start3A_394] : memref<40000x128xf32, #tpu.memory_space<hbm>> -> memref<40000x128xf32, #tpu.memory_space<hbm>>
      tpu.enqueue_indirect_dma source(%dma_start3A_395 : memref<40000x128xf32, #tpu.memory_space<hbm>>) target(%dma_start3A_389 : memref<128x128xf32, #tpu.memory_space<vmem>>) offsets(%dma_start3A_392 : memref<128xi32, #tpu.memory_space<vmem>>) semaphore(%arg9 : memref<!tpu.dma_semaphore, #tpu.memory_space<semaphore_mem>>)
      %dma_wait3A_396 = arith.constant 0 : i32
      %dma_wait3A_397 = arith.constant 3 : i32
      %dma_wait3A_398 = arith.constant 0 : i32
      %dma_wait3A_399 = arith.constant 1 : i32
      %dma_wait3A_400 = arith.constant 0 : i32
      %dma_wait3A_401 = arith.constant 0 : i32
      %dma_wait3A_402 = tpu.memref_slice %arg7[%dma_wait3A_399, %dma_wait3A_400, %dma_wait3A_401] : memref<2x128x128xf32, #tpu.memory_space<vmem>> -> memref<1x128x128xf32, #tpu.memory_space<vmem>>
      %dma_wait3A_403 = tpu.memref_squeeze %dma_wait3A_402 : memref<1x128x128xf32, #tpu.memory_space<vmem>> -> memref<128x128xf32, #tpu.memory_space<vmem>>
      %dma_wait3A_404 = arith.constant 0 : i32
      %dma_wait3A_405 = tpu.memref_slice %arg6[%dma_wait3A_396, %dma_wait3A_397, %dma_wait3A_398, %dma_wait3A_404] : memref<2x4x2x128xi32, #tpu.memory_space<vmem>> -> memref<1x1x1x128xi32, #tpu.memory_space<vmem>>
      %dma_wait3A_406 = tpu.memref_squeeze %dma_wait3A_405 : memref<1x1x1x128xi32, #tpu.memory_space<vmem>> -> memref<128xi32, #tpu.memory_space<vmem>>
      %dma_wait3A_407 = arith.constant 0 : i32
      %dma_wait3A_408 = arith.constant 0 : i32
      %dma_wait3A_409 = tpu.memref_slice %arg2[%dma_wait3A_407, %dma_wait3A_408] : memref<40000x128xf32, #tpu.memory_space<hbm>> -> memref<40000x128xf32, #tpu.memory_space<hbm>>
      tpu.wait_indirect_dma semaphore(%arg10 : memref<!tpu.dma_semaphore, #tpu.memory_space<semaphore_mem>>) src(%dma_wait3A_409 : memref<40000x128xf32, #tpu.memory_space<hbm>>) dst(%dma_wait3A_403 : memref<128x128xf32, #tpu.memory_space<vmem>>)
      %run_scoped3A_410 = arith.constant 1 : i32
      %run_scoped3A_411 = arith.constant 0 : i32
      %run_scoped3A_412 = arith.constant 3 : i32
      %run_scoped3A_413 = arith.constant 1 : i32
      "tpu.region"() ({
        %run_scoped3A_616 = tpu.sem_alloc : memref<!tpu.dma_semaphore, #tpu.memory_space<semaphore_mem>>
        %dma_start3A_617 = arith.constant 0 : i32
        %dma_start3A_618 = arith.constant 0 : i32
        %dma_start3A_619 = tpu.memref_slice %arg7[%run_scoped3A_410, %dma_start3A_617, %dma_start3A_618] : memref<2x128x128xf32, #tpu.memory_space<vmem>> -> memref<1x128x128xf32, #tpu.memory_space<vmem>>
        %dma_start3A_620 = tpu.memref_squeeze %dma_start3A_619 : memref<1x128x128xf32, #tpu.memory_space<vmem>> -> memref<128x128xf32, #tpu.memory_space<vmem>>
        %dma_start3A_621 = arith.constant 0 : i32
        %dma_start3A_622 = tpu.memref_slice %arg6[%run_scoped3A_411, %run_scoped3A_412, %run_scoped3A_413, %dma_start3A_621] : memref<2x4x2x128xi32, #tpu.memory_space<vmem>> -> memref<1x1x1x128xi32, #tpu.memory_space<vmem>>
        %dma_start3A_623 = tpu.memref_squeeze %dma_start3A_622 : memref<1x1x1x128xi32, #tpu.memory_space<vmem>> -> memref<128xi32, #tpu.memory_space<vmem>>
        %dma_start3A_624 = arith.constant 0 : i32
        %dma_start3A_625 = arith.constant 0 : i32
        %dma_start3A_626 = tpu.memref_slice %arg8[%dma_start3A_624, %dma_start3A_625] : memref<10240x128xf32, #tpu.memory_space<vmem_shared>> -> memref<10240x128xf32, #tpu.memory_space<vmem_shared>>
        tpu.enqueue_indirect_dma source(%dma_start3A_620 : memref<128x128xf32, #tpu.memory_space<vmem>>) target(%dma_start3A_626 : memref<10240x128xf32, #tpu.memory_space<vmem_shared>>) offsets(%dma_start3A_623 : memref<128xi32, #tpu.memory_space<vmem>>) semaphore(%run_scoped3A_616 : memref<!tpu.dma_semaphore, #tpu.memory_space<semaphore_mem>>) {add = true}
        %dma_wait3A_627 = arith.constant 0 : i32
        %dma_wait3A_628 = arith.constant 0 : i32
        %dma_wait3A_629 = tpu.memref_slice %arg7[%run_scoped3A_410, %dma_wait3A_627, %dma_wait3A_628] : memref<2x128x128xf32, #tpu.memory_space<vmem>> -> memref<1x128x128xf32, #tpu.memory_space<vmem>>
        %dma_wait3A_630 = tpu.memref_squeeze %dma_wait3A_629 : memref<1x128x128xf32, #tpu.memory_space<vmem>> -> memref<128x128xf32, #tpu.memory_space<vmem>>
        %dma_wait3A_631 = arith.constant 0 : i32
        %dma_wait3A_632 = tpu.memref_slice %arg6[%run_scoped3A_411, %run_scoped3A_412, %run_scoped3A_413, %dma_wait3A_631] : memref<2x4x2x128xi32, #tpu.memory_space<vmem>> -> memref<1x1x1x128xi32, #tpu.memory_space<vmem>>
        %dma_wait3A_633 = tpu.memref_squeeze %dma_wait3A_632 : memref<1x1x1x128xi32, #tpu.memory_space<vmem>> -> memref<128xi32, #tpu.memory_space<vmem>>
        %dma_wait3A_634 = arith.constant 0 : i32
        %dma_wait3A_635 = arith.constant 0 : i32
        %dma_wait3A_636 = tpu.memref_slice %arg8[%dma_wait3A_634, %dma_wait3A_635] : memref<10240x128xf32, #tpu.memory_space<vmem_shared>> -> memref<10240x128xf32, #tpu.memory_space<vmem_shared>>
        tpu.wait_indirect_dma semaphore(%run_scoped3A_616 : memref<!tpu.dma_semaphore, #tpu.memory_space<semaphore_mem>>) src(%dma_wait3A_630 : memref<128x128xf32, #tpu.memory_space<vmem>>) dst(%dma_wait3A_636 : memref<10240x128xf32, #tpu.memory_space<vmem_shared>>)
        tpu.yield
      }) : () -> ()
      %add3A_414 = arith.constant 2 : i32
      %add3A_415 = arith.addi %mul3A_262, %add3A_414 : i32
      %mul3A_416 = arith.constant 4 : i32
      %mul3A_417 = arith.muli %add3A_415, %mul3A_416 : i32
      %add3A_418 = arith.addi %select_n3A, %mul3A_417 : i32
      %dma_start3A_419 = arith.constant 0 : i32
      %dma_start3A_420 = arith.constant 0 : i32
      %dma_start3A_421 = arith.constant 0 : i32
      %dma_start3A_422 = arith.constant 0 : i32
      %dma_start3A_423 = tpu.memref_slice %arg6[%dma_start3A_419, %dma_start3A_420, %dma_start3A_421, %dma_start3A_422] : memref<2x4x2x128xi32, #tpu.memory_space<vmem>> -> memref<1x4x2x128xi32, #tpu.memory_space<vmem>>
      %dma_start3A_424 = tpu.memref_squeeze %dma_start3A_423 : memref<1x4x2x128xi32, #tpu.memory_space<vmem>> -> memref<4x2x128xi32, #tpu.memory_space<vmem>>
      %dma_start3A_425 = arith.constant 0 : i32
      %dma_start3A_426 = arith.constant 0 : i32
      %dma_start3A_427 = tpu.memref_slice %arg3[%add3A_19, %add3A_418, %dma_start3A_425, %dma_start3A_426] : memref<4x1288x2x128xi32, #tpu.memory_space<hbm>> -> memref<1x4x2x128xi32, #tpu.memory_space<hbm>>
      %dma_start3A_428 = tpu.memref_squeeze %dma_start3A_427 : memref<1x4x2x128xi32, #tpu.memory_space<hbm>> -> memref<4x2x128xi32, #tpu.memory_space<hbm>>
      %dma_start3A_429 = arith.constant 0 : i32
      %dma_start3A_430 = arith.constant 0 : i32
      %dma_start3A_431 = arith.constant 0 : i32
      %dma_start3A_432 = tpu.memref_slice %arg6[%dma_start3A_419, %dma_start3A_429, %dma_start3A_430, %dma_start3A_431] : memref<2x4x2x128xi32, #tpu.memory_space<vmem>> -> memref<1x4x2x128xi32, #tpu.memory_space<vmem>>
      %dma_start3A_433 = tpu.memref_squeeze %dma_start3A_432 : memref<1x4x2x128xi32, #tpu.memory_space<vmem>> -> memref<4x2x128xi32, #tpu.memory_space<vmem>>
      %dma_start3A_434 = arith.constant 0 : i32
      %dma_start3A_435 = arith.constant 0 : i32
      %dma_start3A_436 = tpu.memref_slice %arg3[%add3A_19, %add3A_418, %dma_start3A_434, %dma_start3A_435] : memref<4x1288x2x128xi32, #tpu.memory_space<hbm>> -> memref<1x4x2x128xi32, #tpu.memory_space<hbm>>
      %dma_start3A_437 = tpu.memref_squeeze %dma_start3A_436 : memref<1x4x2x128xi32, #tpu.memory_space<hbm>> -> memref<4x2x128xi32, #tpu.memory_space<hbm>>
      tpu.enqueue_dma source(%dma_start3A_437 : memref<4x2x128xi32, #tpu.memory_space<hbm>>) target(%dma_start3A_433 : memref<4x2x128xi32, #tpu.memory_space<vmem>>) target_semaphore(%arg11 : memref<!tpu.dma_semaphore, #tpu.memory_space<semaphore_mem>>)
      %add3A_438 = arith.constant 1 : i32
      %add3A_439 = arith.addi %mul3A_262, %add3A_438 : i32
      %dma_start3A_440 = arith.constant 1 : i32
      %dma_start3A_441 = arith.constant 1 : i32
      %dma_start3A_442 = arith.constant 0 : i32
      %dma_start3A_443 = arith.constant 1 : i32
      %dma_start3A_444 = arith.constant 0 : i32
      %dma_start3A_445 = arith.constant 0 : i32
      %dma_start3A_446 = tpu.memref_slice %arg7[%dma_start3A_443, %dma_start3A_444, %dma_start3A_445] : memref<2x128x128xf32, #tpu.memory_space<vmem>> -> memref<1x128x128xf32, #tpu.memory_space<vmem>>
      %dma_start3A_447 = tpu.memref_squeeze %dma_start3A_446 : memref<1x128x128xf32, #tpu.memory_space<vmem>> -> memref<128x128xf32, #tpu.memory_space<vmem>>
      %dma_start3A_448 = arith.constant 0 : i32
      %dma_start3A_449 = tpu.memref_slice %arg6[%dma_start3A_440, %dma_start3A_441, %dma_start3A_442, %dma_start3A_448] : memref<2x4x2x128xi32, #tpu.memory_space<vmem>> -> memref<1x1x1x128xi32, #tpu.memory_space<vmem>>
      %dma_start3A_450 = tpu.memref_squeeze %dma_start3A_449 : memref<1x1x1x128xi32, #tpu.memory_space<vmem>> -> memref<128xi32, #tpu.memory_space<vmem>>
      %dma_start3A_451 = arith.constant 0 : i32
      %dma_start3A_452 = arith.constant 0 : i32
      %dma_start3A_453 = tpu.memref_slice %arg2[%dma_start3A_451, %dma_start3A_452] : memref<40000x128xf32, #tpu.memory_space<hbm>> -> memref<40000x128xf32, #tpu.memory_space<hbm>>
      tpu.enqueue_indirect_dma source(%dma_start3A_453 : memref<40000x128xf32, #tpu.memory_space<hbm>>) target(%dma_start3A_447 : memref<128x128xf32, #tpu.memory_space<vmem>>) offsets(%dma_start3A_450 : memref<128xi32, #tpu.memory_space<vmem>>) semaphore(%arg10 : memref<!tpu.dma_semaphore, #tpu.memory_space<semaphore_mem>>)
      %dma_wait3A_454 = arith.constant 1 : i32
      %dma_wait3A_455 = arith.constant 0 : i32
      %dma_wait3A_456 = arith.constant 0 : i32
      %dma_wait3A_457 = arith.constant 0 : i32
      %dma_wait3A_458 = arith.constant 0 : i32
      %dma_wait3A_459 = arith.constant 0 : i32
      %dma_wait3A_460 = tpu.memref_slice %arg7[%dma_wait3A_457, %dma_wait3A_458, %dma_wait3A_459] : memref<2x128x128xf32, #tpu.memory_space<vmem>> -> memref<1x128x128xf32, #tpu.memory_space<vmem>>
      %dma_wait3A_461 = tpu.memref_squeeze %dma_wait3A_460 : memref<1x128x128xf32, #tpu.memory_space<vmem>> -> memref<128x128xf32, #tpu.memory_space<vmem>>
      %dma_wait3A_462 = arith.constant 0 : i32
      %dma_wait3A_463 = tpu.memref_slice %arg6[%dma_wait3A_454, %dma_wait3A_455, %dma_wait3A_456, %dma_wait3A_462] : memref<2x4x2x128xi32, #tpu.memory_space<vmem>> -> memref<1x1x1x128xi32, #tpu.memory_space<vmem>>
      %dma_wait3A_464 = tpu.memref_squeeze %dma_wait3A_463 : memref<1x1x1x128xi32, #tpu.memory_space<vmem>> -> memref<128xi32, #tpu.memory_space<vmem>>
      %dma_wait3A_465 = arith.constant 0 : i32
      %dma_wait3A_466 = arith.constant 0 : i32
      %dma_wait3A_467 = tpu.memref_slice %arg2[%dma_wait3A_465, %dma_wait3A_466] : memref<40000x128xf32, #tpu.memory_space<hbm>> -> memref<40000x128xf32, #tpu.memory_space<hbm>>
      tpu.wait_indirect_dma semaphore(%arg9 : memref<!tpu.dma_semaphore, #tpu.memory_space<semaphore_mem>>) src(%dma_wait3A_467 : memref<40000x128xf32, #tpu.memory_space<hbm>>) dst(%dma_wait3A_461 : memref<128x128xf32, #tpu.memory_space<vmem>>)
      %run_scoped3A_468 = arith.constant 0 : i32
      %run_scoped3A_469 = arith.constant 1 : i32
      %run_scoped3A_470 = arith.constant 0 : i32
      %run_scoped3A_471 = arith.constant 1 : i32
      "tpu.region"() ({
        %run_scoped3A_616 = tpu.sem_alloc : memref<!tpu.dma_semaphore, #tpu.memory_space<semaphore_mem>>
        %dma_start3A_617 = arith.constant 0 : i32
        %dma_start3A_618 = arith.constant 0 : i32
        %dma_start3A_619 = tpu.memref_slice %arg7[%run_scoped3A_468, %dma_start3A_617, %dma_start3A_618] : memref<2x128x128xf32, #tpu.memory_space<vmem>> -> memref<1x128x128xf32, #tpu.memory_space<vmem>>
        %dma_start3A_620 = tpu.memref_squeeze %dma_start3A_619 : memref<1x128x128xf32, #tpu.memory_space<vmem>> -> memref<128x128xf32, #tpu.memory_space<vmem>>
        %dma_start3A_621 = arith.constant 0 : i32
        %dma_start3A_622 = tpu.memref_slice %arg6[%run_scoped3A_469, %run_scoped3A_470, %run_scoped3A_471, %dma_start3A_621] : memref<2x4x2x128xi32, #tpu.memory_space<vmem>> -> memref<1x1x1x128xi32, #tpu.memory_space<vmem>>
        %dma_start3A_623 = tpu.memref_squeeze %dma_start3A_622 : memref<1x1x1x128xi32, #tpu.memory_space<vmem>> -> memref<128xi32, #tpu.memory_space<vmem>>
        %dma_start3A_624 = arith.constant 0 : i32
        %dma_start3A_625 = arith.constant 0 : i32
        %dma_start3A_626 = tpu.memref_slice %arg8[%dma_start3A_624, %dma_start3A_625] : memref<10240x128xf32, #tpu.memory_space<vmem_shared>> -> memref<10240x128xf32, #tpu.memory_space<vmem_shared>>
        tpu.enqueue_indirect_dma source(%dma_start3A_620 : memref<128x128xf32, #tpu.memory_space<vmem>>) target(%dma_start3A_626 : memref<10240x128xf32, #tpu.memory_space<vmem_shared>>) offsets(%dma_start3A_623 : memref<128xi32, #tpu.memory_space<vmem>>) semaphore(%run_scoped3A_616 : memref<!tpu.dma_semaphore, #tpu.memory_space<semaphore_mem>>) {add = true}
        %dma_wait3A_627 = arith.constant 0 : i32
        %dma_wait3A_628 = arith.constant 0 : i32
        %dma_wait3A_629 = tpu.memref_slice %arg7[%run_scoped3A_468, %dma_wait3A_627, %dma_wait3A_628] : memref<2x128x128xf32, #tpu.memory_space<vmem>> -> memref<1x128x128xf32, #tpu.memory_space<vmem>>
        %dma_wait3A_630 = tpu.memref_squeeze %dma_wait3A_629 : memref<1x128x128xf32, #tpu.memory_space<vmem>> -> memref<128x128xf32, #tpu.memory_space<vmem>>
        %dma_wait3A_631 = arith.constant 0 : i32
        %dma_wait3A_632 = tpu.memref_slice %arg6[%run_scoped3A_469, %run_scoped3A_470, %run_scoped3A_471, %dma_wait3A_631] : memref<2x4x2x128xi32, #tpu.memory_space<vmem>> -> memref<1x1x1x128xi32, #tpu.memory_space<vmem>>
        %dma_wait3A_633 = tpu.memref_squeeze %dma_wait3A_632 : memref<1x1x1x128xi32, #tpu.memory_space<vmem>> -> memref<128xi32, #tpu.memory_space<vmem>>
        %dma_wait3A_634 = arith.constant 0 : i32
        %dma_wait3A_635 = arith.constant 0 : i32
        %dma_wait3A_636 = tpu.memref_slice %arg8[%dma_wait3A_634, %dma_wait3A_635] : memref<10240x128xf32, #tpu.memory_space<vmem_shared>> -> memref<10240x128xf32, #tpu.memory_space<vmem_shared>>
        tpu.wait_indirect_dma semaphore(%run_scoped3A_616 : memref<!tpu.dma_semaphore, #tpu.memory_space<semaphore_mem>>) src(%dma_wait3A_630 : memref<128x128xf32, #tpu.memory_space<vmem>>) dst(%dma_wait3A_636 : memref<10240x128xf32, #tpu.memory_space<vmem_shared>>)
        tpu.yield
      }) : () -> ()
      %dma_start3A_472 = arith.constant 1 : i32
      %dma_start3A_473 = arith.constant 2 : i32
      %dma_start3A_474 = arith.constant 0 : i32
      %dma_start3A_475 = arith.constant 0 : i32
      %dma_start3A_476 = arith.constant 0 : i32
      %dma_start3A_477 = arith.constant 0 : i32
      %dma_start3A_478 = tpu.memref_slice %arg7[%dma_start3A_475, %dma_start3A_476, %dma_start3A_477] : memref<2x128x128xf32, #tpu.memory_space<vmem>> -> memref<1x128x128xf32, #tpu.memory_space<vmem>>
      %dma_start3A_479 = tpu.memref_squeeze %dma_start3A_478 : memref<1x128x128xf32, #tpu.memory_space<vmem>> -> memref<128x128xf32, #tpu.memory_space<vmem>>
      %dma_start3A_480 = arith.constant 0 : i32
      %dma_start3A_481 = tpu.memref_slice %arg6[%dma_start3A_472, %dma_start3A_473, %dma_start3A_474, %dma_start3A_480] : memref<2x4x2x128xi32, #tpu.memory_space<vmem>> -> memref<1x1x1x128xi32, #tpu.memory_space<vmem>>
      %dma_start3A_482 = tpu.memref_squeeze %dma_start3A_481 : memref<1x1x1x128xi32, #tpu.memory_space<vmem>> -> memref<128xi32, #tpu.memory_space<vmem>>
      %dma_start3A_483 = arith.constant 0 : i32
      %dma_start3A_484 = arith.constant 0 : i32
      %dma_start3A_485 = tpu.memref_slice %arg2[%dma_start3A_483, %dma_start3A_484] : memref<40000x128xf32, #tpu.memory_space<hbm>> -> memref<40000x128xf32, #tpu.memory_space<hbm>>
      tpu.enqueue_indirect_dma source(%dma_start3A_485 : memref<40000x128xf32, #tpu.memory_space<hbm>>) target(%dma_start3A_479 : memref<128x128xf32, #tpu.memory_space<vmem>>) offsets(%dma_start3A_482 : memref<128xi32, #tpu.memory_space<vmem>>) semaphore(%arg9 : memref<!tpu.dma_semaphore, #tpu.memory_space<semaphore_mem>>)
      %dma_wait3A_486 = arith.constant 1 : i32
      %dma_wait3A_487 = arith.constant 1 : i32
      %dma_wait3A_488 = arith.constant 0 : i32
      %dma_wait3A_489 = arith.constant 1 : i32
      %dma_wait3A_490 = arith.constant 0 : i32
      %dma_wait3A_491 = arith.constant 0 : i32
      %dma_wait3A_492 = tpu.memref_slice %arg7[%dma_wait3A_489, %dma_wait3A_490, %dma_wait3A_491] : memref<2x128x128xf32, #tpu.memory_space<vmem>> -> memref<1x128x128xf32, #tpu.memory_space<vmem>>
      %dma_wait3A_493 = tpu.memref_squeeze %dma_wait3A_492 : memref<1x128x128xf32, #tpu.memory_space<vmem>> -> memref<128x128xf32, #tpu.memory_space<vmem>>
      %dma_wait3A_494 = arith.constant 0 : i32
      %dma_wait3A_495 = tpu.memref_slice %arg6[%dma_wait3A_486, %dma_wait3A_487, %dma_wait3A_488, %dma_wait3A_494] : memref<2x4x2x128xi32, #tpu.memory_space<vmem>> -> memref<1x1x1x128xi32, #tpu.memory_space<vmem>>
      %dma_wait3A_496 = tpu.memref_squeeze %dma_wait3A_495 : memref<1x1x1x128xi32, #tpu.memory_space<vmem>> -> memref<128xi32, #tpu.memory_space<vmem>>
      %dma_wait3A_497 = arith.constant 0 : i32
      %dma_wait3A_498 = arith.constant 0 : i32
      %dma_wait3A_499 = tpu.memref_slice %arg2[%dma_wait3A_497, %dma_wait3A_498] : memref<40000x128xf32, #tpu.memory_space<hbm>> -> memref<40000x128xf32, #tpu.memory_space<hbm>>
      tpu.wait_indirect_dma semaphore(%arg10 : memref<!tpu.dma_semaphore, #tpu.memory_space<semaphore_mem>>) src(%dma_wait3A_499 : memref<40000x128xf32, #tpu.memory_space<hbm>>) dst(%dma_wait3A_493 : memref<128x128xf32, #tpu.memory_space<vmem>>)
      %run_scoped3A_500 = arith.constant 1 : i32
      %run_scoped3A_501 = arith.constant 1 : i32
      %run_scoped3A_502 = arith.constant 1 : i32
      %run_scoped3A_503 = arith.constant 1 : i32
      "tpu.region"() ({
        %run_scoped3A_616 = tpu.sem_alloc : memref<!tpu.dma_semaphore, #tpu.memory_space<semaphore_mem>>
        %dma_start3A_617 = arith.constant 0 : i32
        %dma_start3A_618 = arith.constant 0 : i32
        %dma_start3A_619 = tpu.memref_slice %arg7[%run_scoped3A_500, %dma_start3A_617, %dma_start3A_618] : memref<2x128x128xf32, #tpu.memory_space<vmem>> -> memref<1x128x128xf32, #tpu.memory_space<vmem>>
        %dma_start3A_620 = tpu.memref_squeeze %dma_start3A_619 : memref<1x128x128xf32, #tpu.memory_space<vmem>> -> memref<128x128xf32, #tpu.memory_space<vmem>>
        %dma_start3A_621 = arith.constant 0 : i32
        %dma_start3A_622 = tpu.memref_slice %arg6[%run_scoped3A_501, %run_scoped3A_502, %run_scoped3A_503, %dma_start3A_621] : memref<2x4x2x128xi32, #tpu.memory_space<vmem>> -> memref<1x1x1x128xi32, #tpu.memory_space<vmem>>
        %dma_start3A_623 = tpu.memref_squeeze %dma_start3A_622 : memref<1x1x1x128xi32, #tpu.memory_space<vmem>> -> memref<128xi32, #tpu.memory_space<vmem>>
        %dma_start3A_624 = arith.constant 0 : i32
        %dma_start3A_625 = arith.constant 0 : i32
        %dma_start3A_626 = tpu.memref_slice %arg8[%dma_start3A_624, %dma_start3A_625] : memref<10240x128xf32, #tpu.memory_space<vmem_shared>> -> memref<10240x128xf32, #tpu.memory_space<vmem_shared>>
        tpu.enqueue_indirect_dma source(%dma_start3A_620 : memref<128x128xf32, #tpu.memory_space<vmem>>) target(%dma_start3A_626 : memref<10240x128xf32, #tpu.memory_space<vmem_shared>>) offsets(%dma_start3A_623 : memref<128xi32, #tpu.memory_space<vmem>>) semaphore(%run_scoped3A_616 : memref<!tpu.dma_semaphore, #tpu.memory_space<semaphore_mem>>) {add = true}
        %dma_wait3A_627 = arith.constant 0 : i32
        %dma_wait3A_628 = arith.constant 0 : i32
        %dma_wait3A_629 = tpu.memref_slice %arg7[%run_scoped3A_500, %dma_wait3A_627, %dma_wait3A_628] : memref<2x128x128xf32, #tpu.memory_space<vmem>> -> memref<1x128x128xf32, #tpu.memory_space<vmem>>
        %dma_wait3A_630 = tpu.memref_squeeze %dma_wait3A_629 : memref<1x128x128xf32, #tpu.memory_space<vmem>> -> memref<128x128xf32, #tpu.memory_space<vmem>>
        %dma_wait3A_631 = arith.constant 0 : i32
        %dma_wait3A_632 = tpu.memref_slice %arg6[%run_scoped3A_501, %run_scoped3A_502, %run_scoped3A_503, %dma_wait3A_631] : memref<2x4x2x128xi32, #tpu.memory_space<vmem>> -> memref<1x1x1x128xi32, #tpu.memory_space<vmem>>
        %dma_wait3A_633 = tpu.memref_squeeze %dma_wait3A_632 : memref<1x1x1x128xi32, #tpu.memory_space<vmem>> -> memref<128xi32, #tpu.memory_space<vmem>>
        %dma_wait3A_634 = arith.constant 0 : i32
        %dma_wait3A_635 = arith.constant 0 : i32
        %dma_wait3A_636 = tpu.memref_slice %arg8[%dma_wait3A_634, %dma_wait3A_635] : memref<10240x128xf32, #tpu.memory_space<vmem_shared>> -> memref<10240x128xf32, #tpu.memory_space<vmem_shared>>
        tpu.wait_indirect_dma semaphore(%run_scoped3A_616 : memref<!tpu.dma_semaphore, #tpu.memory_space<semaphore_mem>>) src(%dma_wait3A_630 : memref<128x128xf32, #tpu.memory_space<vmem>>) dst(%dma_wait3A_636 : memref<10240x128xf32, #tpu.memory_space<vmem_shared>>)
        tpu.yield
      }) : () -> ()
      %dma_start3A_504 = arith.constant 1 : i32
      %dma_start3A_505 = arith.constant 3 : i32
      %dma_start3A_506 = arith.constant 0 : i32
      %dma_start3A_507 = arith.constant 1 : i32
      %dma_start3A_508 = arith.constant 0 : i32
      %dma_start3A_509 = arith.constant 0 : i32
      %dma_start3A_510 = tpu.memref_slice %arg7[%dma_start3A_507, %dma_start3A_508, %dma_start3A_509] : memref<2x128x128xf32, #tpu.memory_space<vmem>> -> memref<1x128x128xf32, #tpu.memory_space<vmem>>
      %dma_start3A_511 = tpu.memref_squeeze %dma_start3A_510 : memref<1x128x128xf32, #tpu.memory_space<vmem>> -> memref<128x128xf32, #tpu.memory_space<vmem>>
      %dma_start3A_512 = arith.constant 0 : i32
      %dma_start3A_513 = tpu.memref_slice %arg6[%dma_start3A_504, %dma_start3A_505, %dma_start3A_506, %dma_start3A_512] : memref<2x4x2x128xi32, #tpu.memory_space<vmem>> -> memref<1x1x1x128xi32, #tpu.memory_space<vmem>>
      %dma_start3A_514 = tpu.memref_squeeze %dma_start3A_513 : memref<1x1x1x128xi32, #tpu.memory_space<vmem>> -> memref<128xi32, #tpu.memory_space<vmem>>
      %dma_start3A_515 = arith.constant 0 : i32
      %dma_start3A_516 = arith.constant 0 : i32
      %dma_start3A_517 = tpu.memref_slice %arg2[%dma_start3A_515, %dma_start3A_516] : memref<40000x128xf32, #tpu.memory_space<hbm>> -> memref<40000x128xf32, #tpu.memory_space<hbm>>
      tpu.enqueue_indirect_dma source(%dma_start3A_517 : memref<40000x128xf32, #tpu.memory_space<hbm>>) target(%dma_start3A_511 : memref<128x128xf32, #tpu.memory_space<vmem>>) offsets(%dma_start3A_514 : memref<128xi32, #tpu.memory_space<vmem>>) semaphore(%arg10 : memref<!tpu.dma_semaphore, #tpu.memory_space<semaphore_mem>>)
      %dma_wait3A_518 = arith.constant 1 : i32
      %dma_wait3A_519 = arith.constant 2 : i32
      %dma_wait3A_520 = arith.constant 0 : i32
      %dma_wait3A_521 = arith.constant 0 : i32
      %dma_wait3A_522 = arith.constant 0 : i32
      %dma_wait3A_523 = arith.constant 0 : i32
      %dma_wait3A_524 = tpu.memref_slice %arg7[%dma_wait3A_521, %dma_wait3A_522, %dma_wait3A_523] : memref<2x128x128xf32, #tpu.memory_space<vmem>> -> memref<1x128x128xf32, #tpu.memory_space<vmem>>
      %dma_wait3A_525 = tpu.memref_squeeze %dma_wait3A_524 : memref<1x128x128xf32, #tpu.memory_space<vmem>> -> memref<128x128xf32, #tpu.memory_space<vmem>>
      %dma_wait3A_526 = arith.constant 0 : i32
      %dma_wait3A_527 = tpu.memref_slice %arg6[%dma_wait3A_518, %dma_wait3A_519, %dma_wait3A_520, %dma_wait3A_526] : memref<2x4x2x128xi32, #tpu.memory_space<vmem>> -> memref<1x1x1x128xi32, #tpu.memory_space<vmem>>
      %dma_wait3A_528 = tpu.memref_squeeze %dma_wait3A_527 : memref<1x1x1x128xi32, #tpu.memory_space<vmem>> -> memref<128xi32, #tpu.memory_space<vmem>>
      %dma_wait3A_529 = arith.constant 0 : i32
      %dma_wait3A_530 = arith.constant 0 : i32
      %dma_wait3A_531 = tpu.memref_slice %arg2[%dma_wait3A_529, %dma_wait3A_530] : memref<40000x128xf32, #tpu.memory_space<hbm>> -> memref<40000x128xf32, #tpu.memory_space<hbm>>
      tpu.wait_indirect_dma semaphore(%arg9 : memref<!tpu.dma_semaphore, #tpu.memory_space<semaphore_mem>>) src(%dma_wait3A_531 : memref<40000x128xf32, #tpu.memory_space<hbm>>) dst(%dma_wait3A_525 : memref<128x128xf32, #tpu.memory_space<vmem>>)
      %run_scoped3A_532 = arith.constant 0 : i32
      %run_scoped3A_533 = arith.constant 1 : i32
      %run_scoped3A_534 = arith.constant 2 : i32
      %run_scoped3A_535 = arith.constant 1 : i32
      "tpu.region"() ({
        %run_scoped3A_616 = tpu.sem_alloc : memref<!tpu.dma_semaphore, #tpu.memory_space<semaphore_mem>>
        %dma_start3A_617 = arith.constant 0 : i32
        %dma_start3A_618 = arith.constant 0 : i32
        %dma_start3A_619 = tpu.memref_slice %arg7[%run_scoped3A_532, %dma_start3A_617, %dma_start3A_618] : memref<2x128x128xf32, #tpu.memory_space<vmem>> -> memref<1x128x128xf32, #tpu.memory_space<vmem>>
        %dma_start3A_620 = tpu.memref_squeeze %dma_start3A_619 : memref<1x128x128xf32, #tpu.memory_space<vmem>> -> memref<128x128xf32, #tpu.memory_space<vmem>>
        %dma_start3A_621 = arith.constant 0 : i32
        %dma_start3A_622 = tpu.memref_slice %arg6[%run_scoped3A_533, %run_scoped3A_534, %run_scoped3A_535, %dma_start3A_621] : memref<2x4x2x128xi32, #tpu.memory_space<vmem>> -> memref<1x1x1x128xi32, #tpu.memory_space<vmem>>
        %dma_start3A_623 = tpu.memref_squeeze %dma_start3A_622 : memref<1x1x1x128xi32, #tpu.memory_space<vmem>> -> memref<128xi32, #tpu.memory_space<vmem>>
        %dma_start3A_624 = arith.constant 0 : i32
        %dma_start3A_625 = arith.constant 0 : i32
        %dma_start3A_626 = tpu.memref_slice %arg8[%dma_start3A_624, %dma_start3A_625] : memref<10240x128xf32, #tpu.memory_space<vmem_shared>> -> memref<10240x128xf32, #tpu.memory_space<vmem_shared>>
        tpu.enqueue_indirect_dma source(%dma_start3A_620 : memref<128x128xf32, #tpu.memory_space<vmem>>) target(%dma_start3A_626 : memref<10240x128xf32, #tpu.memory_space<vmem_shared>>) offsets(%dma_start3A_623 : memref<128xi32, #tpu.memory_space<vmem>>) semaphore(%run_scoped3A_616 : memref<!tpu.dma_semaphore, #tpu.memory_space<semaphore_mem>>) {add = true}
        %dma_wait3A_627 = arith.constant 0 : i32
        %dma_wait3A_628 = arith.constant 0 : i32
        %dma_wait3A_629 = tpu.memref_slice %arg7[%run_scoped3A_532, %dma_wait3A_627, %dma_wait3A_628] : memref<2x128x128xf32, #tpu.memory_space<vmem>> -> memref<1x128x128xf32, #tpu.memory_space<vmem>>
        %dma_wait3A_630 = tpu.memref_squeeze %dma_wait3A_629 : memref<1x128x128xf32, #tpu.memory_space<vmem>> -> memref<128x128xf32, #tpu.memory_space<vmem>>
        %dma_wait3A_631 = arith.constant 0 : i32
        %dma_wait3A_632 = tpu.memref_slice %arg6[%run_scoped3A_533, %run_scoped3A_534, %run_scoped3A_535, %dma_wait3A_631] : memref<2x4x2x128xi32, #tpu.memory_space<vmem>> -> memref<1x1x1x128xi32, #tpu.memory_space<vmem>>
        %dma_wait3A_633 = tpu.memref_squeeze %dma_wait3A_632 : memref<1x1x1x128xi32, #tpu.memory_space<vmem>> -> memref<128xi32, #tpu.memory_space<vmem>>
        %dma_wait3A_634 = arith.constant 0 : i32
        %dma_wait3A_635 = arith.constant 0 : i32
        %dma_wait3A_636 = tpu.memref_slice %arg8[%dma_wait3A_634, %dma_wait3A_635] : memref<10240x128xf32, #tpu.memory_space<vmem_shared>> -> memref<10240x128xf32, #tpu.memory_space<vmem_shared>>
        tpu.wait_indirect_dma semaphore(%run_scoped3A_616 : memref<!tpu.dma_semaphore, #tpu.memory_space<semaphore_mem>>) src(%dma_wait3A_630 : memref<128x128xf32, #tpu.memory_space<vmem>>) dst(%dma_wait3A_636 : memref<10240x128xf32, #tpu.memory_space<vmem_shared>>)
        tpu.yield
      }) : () -> ()
      %add3A_536 = arith.constant 1 : i32
      %add3A_537 = arith.addi %add3A_439, %add3A_536 : i32
      %mul3A_538 = arith.constant 4 : i32
      %mul3A_539 = arith.muli %add3A_537, %mul3A_538 : i32
      %add3A_540 = arith.addi %select_n3A, %mul3A_539 : i32
      %dma_wait3A_541 = arith.constant 0 : i32
      %dma_wait3A_542 = arith.constant 0 : i32
      %dma_wait3A_543 = arith.constant 0 : i32
      %dma_wait3A_544 = arith.constant 0 : i32
      %dma_wait3A_545 = tpu.memref_slice %arg6[%dma_wait3A_541, %dma_wait3A_542, %dma_wait3A_543, %dma_wait3A_544] : memref<2x4x2x128xi32, #tpu.memory_space<vmem>> -> memref<1x4x2x128xi32, #tpu.memory_space<vmem>>
      %dma_wait3A_546 = tpu.memref_squeeze %dma_wait3A_545 : memref<1x4x2x128xi32, #tpu.memory_space<vmem>> -> memref<4x2x128xi32, #tpu.memory_space<vmem>>
      %dma_wait3A_547 = arith.constant 0 : i32
      %dma_wait3A_548 = arith.constant 0 : i32
      %dma_wait3A_549 = tpu.memref_slice %arg3[%add3A_19, %add3A_540, %dma_wait3A_547, %dma_wait3A_548] : memref<4x1288x2x128xi32, #tpu.memory_space<hbm>> -> memref<1x4x2x128xi32, #tpu.memory_space<hbm>>
      %dma_wait3A_550 = tpu.memref_squeeze %dma_wait3A_549 : memref<1x4x2x128xi32, #tpu.memory_space<hbm>> -> memref<4x2x128xi32, #tpu.memory_space<hbm>>
      %dma_wait3A_551 = arith.constant 0 : i32
      %dma_wait3A_552 = arith.constant 0 : i32
      %dma_wait3A_553 = arith.constant 0 : i32
      %dma_wait3A_554 = tpu.memref_slice %arg6[%dma_wait3A_541, %dma_wait3A_551, %dma_wait3A_552, %dma_wait3A_553] : memref<2x4x2x128xi32, #tpu.memory_space<vmem>> -> memref<1x4x2x128xi32, #tpu.memory_space<vmem>>
      %dma_wait3A_555 = tpu.memref_squeeze %dma_wait3A_554 : memref<1x4x2x128xi32, #tpu.memory_space<vmem>> -> memref<4x2x128xi32, #tpu.memory_space<vmem>>
      %dma_wait3A_556 = arith.constant 0 : i32
      %dma_wait3A_557 = arith.constant 0 : i32
      %dma_wait3A_558 = tpu.memref_slice %arg3[%add3A_19, %add3A_540, %dma_wait3A_556, %dma_wait3A_557] : memref<4x1288x2x128xi32, #tpu.memory_space<hbm>> -> memref<1x4x2x128xi32, #tpu.memory_space<hbm>>
      %dma_wait3A_559 = tpu.memref_squeeze %dma_wait3A_558 : memref<1x4x2x128xi32, #tpu.memory_space<hbm>> -> memref<4x2x128xi32, #tpu.memory_space<hbm>>
      tpu.wait_dma2 semaphore(%arg11 : memref<!tpu.dma_semaphore, #tpu.memory_space<semaphore_mem>>) src(%dma_wait3A_559 : memref<4x2x128xi32, #tpu.memory_space<hbm>>) dst(%dma_wait3A_555 : memref<4x2x128xi32, #tpu.memory_space<vmem>>)
      %dma_start3A_560 = arith.constant 0 : i32
      %dma_start3A_561 = arith.constant 0 : i32
      %dma_start3A_562 = arith.constant 0 : i32
      %dma_start3A_563 = arith.constant 0 : i32
      %dma_start3A_564 = arith.constant 0 : i32
      %dma_start3A_565 = arith.constant 0 : i32
      %dma_start3A_566 = tpu.memref_slice %arg7[%dma_start3A_563, %dma_start3A_564, %dma_start3A_565] : memref<2x128x128xf32, #tpu.memory_space<vmem>> -> memref<1x128x128xf32, #tpu.memory_space<vmem>>
      %dma_start3A_567 = tpu.memref_squeeze %dma_start3A_566 : memref<1x128x128xf32, #tpu.memory_space<vmem>> -> memref<128x128xf32, #tpu.memory_space<vmem>>
      %dma_start3A_568 = arith.constant 0 : i32
      %dma_start3A_569 = tpu.memref_slice %arg6[%dma_start3A_560, %dma_start3A_561, %dma_start3A_562, %dma_start3A_568] : memref<2x4x2x128xi32, #tpu.memory_space<vmem>> -> memref<1x1x1x128xi32, #tpu.memory_space<vmem>>
      %dma_start3A_570 = tpu.memref_squeeze %dma_start3A_569 : memref<1x1x1x128xi32, #tpu.memory_space<vmem>> -> memref<128xi32, #tpu.memory_space<vmem>>
      %dma_start3A_571 = arith.constant 0 : i32
      %dma_start3A_572 = arith.constant 0 : i32
      %dma_start3A_573 = tpu.memref_slice %arg2[%dma_start3A_571, %dma_start3A_572] : memref<40000x128xf32, #tpu.memory_space<hbm>> -> memref<40000x128xf32, #tpu.memory_space<hbm>>
      tpu.enqueue_indirect_dma source(%dma_start3A_573 : memref<40000x128xf32, #tpu.memory_space<hbm>>) target(%dma_start3A_567 : memref<128x128xf32, #tpu.memory_space<vmem>>) offsets(%dma_start3A_570 : memref<128xi32, #tpu.memory_space<vmem>>) semaphore(%arg9 : memref<!tpu.dma_semaphore, #tpu.memory_space<semaphore_mem>>)
      %dma_wait3A_574 = arith.constant 1 : i32
      %dma_wait3A_575 = arith.constant 3 : i32
      %dma_wait3A_576 = arith.constant 0 : i32
      %dma_wait3A_577 = arith.constant 1 : i32
      %dma_wait3A_578 = arith.constant 0 : i32
      %dma_wait3A_579 = arith.constant 0 : i32
      %dma_wait3A_580 = tpu.memref_slice %arg7[%dma_wait3A_577, %dma_wait3A_578, %dma_wait3A_579] : memref<2x128x128xf32, #tpu.memory_space<vmem>> -> memref<1x128x128xf32, #tpu.memory_space<vmem>>
      %dma_wait3A_581 = tpu.memref_squeeze %dma_wait3A_580 : memref<1x128x128xf32, #tpu.memory_space<vmem>> -> memref<128x128xf32, #tpu.memory_space<vmem>>
      %dma_wait3A_582 = arith.constant 0 : i32
      %dma_wait3A_583 = tpu.memref_slice %arg6[%dma_wait3A_574, %dma_wait3A_575, %dma_wait3A_576, %dma_wait3A_582] : memref<2x4x2x128xi32, #tpu.memory_space<vmem>> -> memref<1x1x1x128xi32, #tpu.memory_space<vmem>>
      %dma_wait3A_584 = tpu.memref_squeeze %dma_wait3A_583 : memref<1x1x1x128xi32, #tpu.memory_space<vmem>> -> memref<128xi32, #tpu.memory_space<vmem>>
      %dma_wait3A_585 = arith.constant 0 : i32
      %dma_wait3A_586 = arith.constant 0 : i32
      %dma_wait3A_587 = tpu.memref_slice %arg2[%dma_wait3A_585, %dma_wait3A_586] : memref<40000x128xf32, #tpu.memory_space<hbm>> -> memref<40000x128xf32, #tpu.memory_space<hbm>>
      tpu.wait_indirect_dma semaphore(%arg10 : memref<!tpu.dma_semaphore, #tpu.memory_space<semaphore_mem>>) src(%dma_wait3A_587 : memref<40000x128xf32, #tpu.memory_space<hbm>>) dst(%dma_wait3A_581 : memref<128x128xf32, #tpu.memory_space<vmem>>)
      %run_scoped3A_588 = arith.constant 1 : i32
      %run_scoped3A_589 = arith.constant 1 : i32
      %run_scoped3A_590 = arith.constant 3 : i32
      %run_scoped3A_591 = arith.constant 1 : i32
      "tpu.region"() ({
        %run_scoped3A_616 = tpu.sem_alloc : memref<!tpu.dma_semaphore, #tpu.memory_space<semaphore_mem>>
        %dma_start3A_617 = arith.constant 0 : i32
        %dma_start3A_618 = arith.constant 0 : i32
        %dma_start3A_619 = tpu.memref_slice %arg7[%run_scoped3A_588, %dma_start3A_617, %dma_start3A_618] : memref<2x128x128xf32, #tpu.memory_space<vmem>> -> memref<1x128x128xf32, #tpu.memory_space<vmem>>
        %dma_start3A_620 = tpu.memref_squeeze %dma_start3A_619 : memref<1x128x128xf32, #tpu.memory_space<vmem>> -> memref<128x128xf32, #tpu.memory_space<vmem>>
        %dma_start3A_621 = arith.constant 0 : i32
        %dma_start3A_622 = tpu.memref_slice %arg6[%run_scoped3A_589, %run_scoped3A_590, %run_scoped3A_591, %dma_start3A_621] : memref<2x4x2x128xi32, #tpu.memory_space<vmem>> -> memref<1x1x1x128xi32, #tpu.memory_space<vmem>>
        %dma_start3A_623 = tpu.memref_squeeze %dma_start3A_622 : memref<1x1x1x128xi32, #tpu.memory_space<vmem>> -> memref<128xi32, #tpu.memory_space<vmem>>
        %dma_start3A_624 = arith.constant 0 : i32
        %dma_start3A_625 = arith.constant 0 : i32
        %dma_start3A_626 = tpu.memref_slice %arg8[%dma_start3A_624, %dma_start3A_625] : memref<10240x128xf32, #tpu.memory_space<vmem_shared>> -> memref<10240x128xf32, #tpu.memory_space<vmem_shared>>
        tpu.enqueue_indirect_dma source(%dma_start3A_620 : memref<128x128xf32, #tpu.memory_space<vmem>>) target(%dma_start3A_626 : memref<10240x128xf32, #tpu.memory_space<vmem_shared>>) offsets(%dma_start3A_623 : memref<128xi32, #tpu.memory_space<vmem>>) semaphore(%run_scoped3A_616 : memref<!tpu.dma_semaphore, #tpu.memory_space<semaphore_mem>>) {add = true}
        %dma_wait3A_627 = arith.constant 0 : i32
        %dma_wait3A_628 = arith.constant 0 : i32
        %dma_wait3A_629 = tpu.memref_slice %arg7[%run_scoped3A_588, %dma_wait3A_627, %dma_wait3A_628] : memref<2x128x128xf32, #tpu.memory_space<vmem>> -> memref<1x128x128xf32, #tpu.memory_space<vmem>>
        %dma_wait3A_630 = tpu.memref_squeeze %dma_wait3A_629 : memref<1x128x128xf32, #tpu.memory_space<vmem>> -> memref<128x128xf32, #tpu.memory_space<vmem>>
        %dma_wait3A_631 = arith.constant 0 : i32
        %dma_wait3A_632 = tpu.memref_slice %arg6[%run_scoped3A_589, %run_scoped3A_590, %run_scoped3A_591, %dma_wait3A_631] : memref<2x4x2x128xi32, #tpu.memory_space<vmem>> -> memref<1x1x1x128xi32, #tpu.memory_space<vmem>>
        %dma_wait3A_633 = tpu.memref_squeeze %dma_wait3A_632 : memref<1x1x1x128xi32, #tpu.memory_space<vmem>> -> memref<128xi32, #tpu.memory_space<vmem>>
        %dma_wait3A_634 = arith.constant 0 : i32
        %dma_wait3A_635 = arith.constant 0 : i32
        %dma_wait3A_636 = tpu.memref_slice %arg8[%dma_wait3A_634, %dma_wait3A_635] : memref<10240x128xf32, #tpu.memory_space<vmem_shared>> -> memref<10240x128xf32, #tpu.memory_space<vmem_shared>>
        tpu.wait_indirect_dma semaphore(%run_scoped3A_616 : memref<!tpu.dma_semaphore, #tpu.memory_space<semaphore_mem>>) src(%dma_wait3A_630 : memref<128x128xf32, #tpu.memory_space<vmem>>) dst(%dma_wait3A_636 : memref<10240x128xf32, #tpu.memory_space<vmem_shared>>)
        tpu.yield
      }) : () -> ()
      %add3A_592 = arith.constant 2 : i32
      %add3A_593 = arith.addi %add3A_439, %add3A_592 : i32
      %mul3A_594 = arith.constant 4 : i32
      %mul3A_595 = arith.muli %add3A_593, %mul3A_594 : i32
      %add3A_596 = arith.addi %select_n3A, %mul3A_595 : i32
      %dma_start3A_597 = arith.constant 1 : i32
      %dma_start3A_598 = arith.constant 0 : i32
      %dma_start3A_599 = arith.constant 0 : i32
      %dma_start3A_600 = arith.constant 0 : i32
      %dma_start3A_601 = tpu.memref_slice %arg6[%dma_start3A_597, %dma_start3A_598, %dma_start3A_599, %dma_start3A_600] : memref<2x4x2x128xi32, #tpu.memory_space<vmem>> -> memref<1x4x2x128xi32, #tpu.memory_space<vmem>>
      %dma_start3A_602 = tpu.memref_squeeze %dma_start3A_601 : memref<1x4x2x128xi32, #tpu.memory_space<vmem>> -> memref<4x2x128xi32, #tpu.memory_space<vmem>>
      %dma_start3A_603 = arith.constant 0 : i32
      %dma_start3A_604 = arith.constant 0 : i32
      %dma_start3A_605 = tpu.memref_slice %arg3[%add3A_19, %add3A_596, %dma_start3A_603, %dma_start3A_604] : memref<4x1288x2x128xi32, #tpu.memory_space<hbm>> -> memref<1x4x2x128xi32, #tpu.memory_space<hbm>>
      %dma_start3A_606 = tpu.memref_squeeze %dma_start3A_605 : memref<1x4x2x128xi32, #tpu.memory_space<hbm>> -> memref<4x2x128xi32, #tpu.memory_space<hbm>>
      %dma_start3A_607 = arith.constant 0 : i32
      %dma_start3A_608 = arith.constant 0 : i32
      %dma_start3A_609 = arith.constant 0 : i32
      %dma_start3A_610 = tpu.memref_slice %arg6[%dma_start3A_597, %dma_start3A_607, %dma_start3A_608, %dma_start3A_609] : memref<2x4x2x128xi32, #tpu.memory_space<vmem>> -> memref<1x4x2x128xi32, #tpu.memory_space<vmem>>
      %dma_start3A_611 = tpu.memref_squeeze %dma_start3A_610 : memref<1x4x2x128xi32, #tpu.memory_space<vmem>> -> memref<4x2x128xi32, #tpu.memory_space<vmem>>
      %dma_start3A_612 = arith.constant 0 : i32
      %dma_start3A_613 = arith.constant 0 : i32
      %dma_start3A_614 = tpu.memref_slice %arg3[%add3A_19, %add3A_596, %dma_start3A_612, %dma_start3A_613] : memref<4x1288x2x128xi32, #tpu.memory_space<hbm>> -> memref<1x4x2x128xi32, #tpu.memory_space<hbm>>
      %dma_start3A_615 = tpu.memref_squeeze %dma_start3A_614 : memref<1x4x2x128xi32, #tpu.memory_space<hbm>> -> memref<4x2x128xi32, #tpu.memory_space<hbm>>
      tpu.enqueue_dma source(%dma_start3A_615 : memref<4x2x128xi32, #tpu.memory_space<hbm>>) target(%dma_start3A_611 : memref<4x2x128xi32, #tpu.memory_space<vmem>>) target_semaphore(%arg12 : memref<!tpu.dma_semaphore, #tpu.memory_space<semaphore_mem>>)
    }
    %scan3A_99 = arith.constant 10 : i32
    %dma_wait3A_100 = arith.constant 0 : i32
    %dma_wait3A_101 = arith.constant 0 : i32
    %dma_wait3A_102 = arith.constant 0 : i32
    %dma_wait3A_103 = arith.constant 0 : i32
    %dma_wait3A_104 = arith.constant 0 : i32
    %dma_wait3A_105 = arith.constant 0 : i32
    %dma_wait3A_106 = tpu.memref_slice %arg7[%dma_wait3A_103, %dma_wait3A_104, %dma_wait3A_105] : memref<2x128x128xf32, #tpu.memory_space<vmem>> -> memref<1x128x128xf32, #tpu.memory_space<vmem>>
    %dma_wait3A_107 = tpu.memref_squeeze %dma_wait3A_106 : memref<1x128x128xf32, #tpu.memory_space<vmem>> -> memref<128x128xf32, #tpu.memory_space<vmem>>
    %dma_wait3A_108 = arith.constant 0 : i32
    %dma_wait3A_109 = tpu.memref_slice %arg6[%dma_wait3A_100, %dma_wait3A_101, %dma_wait3A_102, %dma_wait3A_108] : memref<2x4x2x128xi32, #tpu.memory_space<vmem>> -> memref<1x1x1x128xi32, #tpu.memory_space<vmem>>
    %dma_wait3A_110 = tpu.memref_squeeze %dma_wait3A_109 : memref<1x1x1x128xi32, #tpu.memory_space<vmem>> -> memref<128xi32, #tpu.memory_space<vmem>>
    %dma_wait3A_111 = arith.constant 0 : i32
    %dma_wait3A_112 = arith.constant 0 : i32
    %dma_wait3A_113 = tpu.memref_slice %arg2[%dma_wait3A_111, %dma_wait3A_112] : memref<40000x128xf32, #tpu.memory_space<hbm>> -> memref<40000x128xf32, #tpu.memory_space<hbm>>
    tpu.wait_indirect_dma semaphore(%arg9 : memref<!tpu.dma_semaphore, #tpu.memory_space<semaphore_mem>>) src(%dma_wait3A_113 : memref<40000x128xf32, #tpu.memory_space<hbm>>) dst(%dma_wait3A_107 : memref<128x128xf32, #tpu.memory_space<vmem>>)
    %add3A_114 = arith.constant 84 : i32
    %add3A_115 = arith.addi %select_n3A, %add3A_114 : i32
    %dma_wait3A_116 = arith.constant 1 : i32
    %dma_wait3A_117 = arith.constant 0 : i32
    %dma_wait3A_118 = arith.constant 0 : i32
    %dma_wait3A_119 = arith.constant 0 : i32
    %dma_wait3A_120 = tpu.memref_slice %arg6[%dma_wait3A_116, %dma_wait3A_117, %dma_wait3A_118, %dma_wait3A_119] : memref<2x4x2x128xi32, #tpu.memory_space<vmem>> -> memref<1x4x2x128xi32, #tpu.memory_space<vmem>>
    %dma_wait3A_121 = tpu.memref_squeeze %dma_wait3A_120 : memref<1x4x2x128xi32, #tpu.memory_space<vmem>> -> memref<4x2x128xi32, #tpu.memory_space<vmem>>
    %dma_wait3A_122 = arith.constant 0 : i32
    %dma_wait3A_123 = arith.constant 0 : i32
    %dma_wait3A_124 = tpu.memref_slice %arg3[%add3A_19, %add3A_115, %dma_wait3A_122, %dma_wait3A_123] : memref<4x1288x2x128xi32, #tpu.memory_space<hbm>> -> memref<1x4x2x128xi32, #tpu.memory_space<hbm>>
    %dma_wait3A_125 = tpu.memref_squeeze %dma_wait3A_124 : memref<1x4x2x128xi32, #tpu.memory_space<hbm>> -> memref<4x2x128xi32, #tpu.memory_space<hbm>>
    %dma_wait3A_126 = arith.constant 0 : i32
    %dma_wait3A_127 = arith.constant 0 : i32
    %dma_wait3A_128 = arith.constant 0 : i32
    %dma_wait3A_129 = tpu.memref_slice %arg6[%dma_wait3A_116, %dma_wait3A_126, %dma_wait3A_127, %dma_wait3A_128] : memref<2x4x2x128xi32, #tpu.memory_space<vmem>> -> memref<1x4x2x128xi32, #tpu.memory_space<vmem>>
    %dma_wait3A_130 = tpu.memref_squeeze %dma_wait3A_129 : memref<1x4x2x128xi32, #tpu.memory_space<vmem>> -> memref<4x2x128xi32, #tpu.memory_space<vmem>>
    %dma_wait3A_131 = arith.constant 0 : i32
    %dma_wait3A_132 = arith.constant 0 : i32
    %dma_wait3A_133 = tpu.memref_slice %arg3[%add3A_19, %add3A_115, %dma_wait3A_131, %dma_wait3A_132] : memref<4x1288x2x128xi32, #tpu.memory_space<hbm>> -> memref<1x4x2x128xi32, #tpu.memory_space<hbm>>
    %dma_wait3A_134 = tpu.memref_squeeze %dma_wait3A_133 : memref<1x4x2x128xi32, #tpu.memory_space<hbm>> -> memref<4x2x128xi32, #tpu.memory_space<hbm>>
    tpu.wait_dma2 semaphore(%arg12 : memref<!tpu.dma_semaphore, #tpu.memory_space<semaphore_mem>>) src(%dma_wait3A_134 : memref<4x2x128xi32, #tpu.memory_space<hbm>>) dst(%dma_wait3A_130 : memref<4x2x128xi32, #tpu.memory_space<vmem>>)
    %barrier3A_135 = arith.constant 0 : index
    tpu.barrier barrier_id(%barrier3A_135)
    "tpu.region"() ({
      %run_scoped3A = tpu.sem_alloc : memref<!tpu.dma_semaphore, #tpu.memory_space<semaphore_mem>>
      %dma_start3A_260 = arith.constant 0 : i32
      %dma_start3A_261 = tpu.memref_slice %arg5[%add3A_19, %mul3A_0, %dma_start3A_260] : memref<4x10240x128xf32, #tpu.memory_space<hbm>> -> memref<1x640x128xf32, #tpu.memory_space<hbm>>
      %dma_start3A_262 = tpu.memref_squeeze %dma_start3A_261 : memref<1x640x128xf32, #tpu.memory_space<hbm>> -> memref<640x128xf32, #tpu.memory_space<hbm>>
      %dma_start3A_263 = arith.constant 0 : i32
      %dma_start3A_264 = tpu.memref_slice %arg8[%mul3A_0, %dma_start3A_263] : memref<10240x128xf32, #tpu.memory_space<vmem_shared>> -> memref<640x128xf32, #tpu.memory_space<vmem_shared>>
      tpu.enqueue_dma source(%dma_start3A_264 : memref<640x128xf32, #tpu.memory_space<vmem_shared>>) target(%dma_start3A_262 : memref<640x128xf32, #tpu.memory_space<hbm>>) target_semaphore(%run_scoped3A : memref<!tpu.dma_semaphore, #tpu.memory_space<semaphore_mem>>)
      %dma_wait3A_265 = arith.constant 0 : i32
      %dma_wait3A_266 = tpu.memref_slice %arg5[%add3A_19, %mul3A_0, %dma_wait3A_265] : memref<4x10240x128xf32, #tpu.memory_space<hbm>> -> memref<1x640x128xf32, #tpu.memory_space<hbm>>
      %dma_wait3A_267 = tpu.memref_squeeze %dma_wait3A_266 : memref<1x640x128xf32, #tpu.memory_space<hbm>> -> memref<640x128xf32, #tpu.memory_space<hbm>>
      %dma_wait3A_268 = arith.constant 0 : i32
      %dma_wait3A_269 = tpu.memref_slice %arg8[%mul3A_0, %dma_wait3A_268] : memref<10240x128xf32, #tpu.memory_space<vmem_shared>> -> memref<640x128xf32, #tpu.memory_space<vmem_shared>>
      tpu.wait_dma2 semaphore(%run_scoped3A : memref<!tpu.dma_semaphore, #tpu.memory_space<semaphore_mem>>) src(%dma_wait3A_269 : memref<640x128xf32, #tpu.memory_space<vmem_shared>>) dst(%dma_wait3A_267 : memref<640x128xf32, #tpu.memory_space<hbm>>)
      tpu.yield
    }) : () -> ()
    %barrier3A_136 = arith.constant 0 : index
    tpu.barrier barrier_id(%barrier3A_136)
    %add3A_137 = arith.constant 2 : i32
    %add3A_138 = arith.addi %add3A_137, %arg0 : i32
    "tpu.region"() ({
      %run_scoped3A = tpu.sem_alloc : memref<!tpu.dma_semaphore, #tpu.memory_space<semaphore_mem>>
      %dma_start3A_260 = arith.constant 0 : i32
      %dma_start3A_261 = tpu.memref_slice %arg8[%mul3A_0, %dma_start3A_260] : memref<10240x128xf32, #tpu.memory_space<vmem_shared>> -> memref<640x128xf32, #tpu.memory_space<vmem_shared>>
      %dma_start3A_262 = arith.constant 0 : i32
      %dma_start3A_263 = tpu.memref_slice %arg4[%mul3A_0, %dma_start3A_262] : memref<10240x128xf32, #tpu.memory_space<hbm>> -> memref<640x128xf32, #tpu.memory_space<hbm>>
      tpu.enqueue_dma source(%dma_start3A_263 : memref<640x128xf32, #tpu.memory_space<hbm>>) target(%dma_start3A_261 : memref<640x128xf32, #tpu.memory_space<vmem_shared>>) target_semaphore(%run_scoped3A : memref<!tpu.dma_semaphore, #tpu.memory_space<semaphore_mem>>)
      %dma_wait3A_264 = arith.constant 0 : i32
      %dma_wait3A_265 = tpu.memref_slice %arg8[%mul3A_0, %dma_wait3A_264] : memref<10240x128xf32, #tpu.memory_space<vmem_shared>> -> memref<640x128xf32, #tpu.memory_space<vmem_shared>>
      %dma_wait3A_266 = arith.constant 0 : i32
      %dma_wait3A_267 = tpu.memref_slice %arg4[%mul3A_0, %dma_wait3A_266] : memref<10240x128xf32, #tpu.memory_space<hbm>> -> memref<640x128xf32, #tpu.memory_space<hbm>>
      tpu.wait_dma2 semaphore(%run_scoped3A : memref<!tpu.dma_semaphore, #tpu.memory_space<semaphore_mem>>) src(%dma_wait3A_267 : memref<640x128xf32, #tpu.memory_space<hbm>>) dst(%dma_wait3A_265 : memref<640x128xf32, #tpu.memory_space<vmem_shared>>)
      tpu.yield
    }) : () -> ()
    %add3A_139 = arith.constant 0 : i32
    %add3A_140 = arith.addi %select_n3A, %add3A_139 : i32
    %dma_start3A_141 = arith.constant 0 : i32
    %dma_start3A_142 = arith.constant 0 : i32
    %dma_start3A_143 = arith.constant 0 : i32
    %dma_start3A_144 = arith.constant 0 : i32
    %dma_start3A_145 = tpu.memref_slice %arg6[%dma_start3A_141, %dma_start3A_142, %dma_start3A_143, %dma_start3A_144] : memref<2x4x2x128xi32, #tpu.memory_space<vmem>> -> memref<1x4x2x128xi32, #tpu.memory_space<vmem>>
    %dma_start3A_146 = tpu.memref_squeeze %dma_start3A_145 : memref<1x4x2x128xi32, #tpu.memory_space<vmem>> -> memref<4x2x128xi32, #tpu.memory_space<vmem>>
    %dma_start3A_147 = arith.constant 0 : i32
    %dma_start3A_148 = arith.constant 0 : i32
    %dma_start3A_149 = tpu.memref_slice %arg3[%add3A_138, %add3A_140, %dma_start3A_147, %dma_start3A_148] : memref<4x1288x2x128xi32, #tpu.memory_space<hbm>> -> memref<1x4x2x128xi32, #tpu.memory_space<hbm>>
    %dma_start3A_150 = tpu.memref_squeeze %dma_start3A_149 : memref<1x4x2x128xi32, #tpu.memory_space<hbm>> -> memref<4x2x128xi32, #tpu.memory_space<hbm>>
    %dma_start3A_151 = arith.constant 0 : i32
    %dma_start3A_152 = arith.constant 0 : i32
    %dma_start3A_153 = arith.constant 0 : i32
    %dma_start3A_154 = tpu.memref_slice %arg6[%dma_start3A_141, %dma_start3A_151, %dma_start3A_152, %dma_start3A_153] : memref<2x4x2x128xi32, #tpu.memory_space<vmem>> -> memref<1x4x2x128xi32, #tpu.memory_space<vmem>>
    %dma_start3A_155 = tpu.memref_squeeze %dma_start3A_154 : memref<1x4x2x128xi32, #tpu.memory_space<vmem>> -> memref<4x2x128xi32, #tpu.memory_space<vmem>>
    %dma_start3A_156 = arith.constant 0 : i32
    %dma_start3A_157 = arith.constant 0 : i32
    %dma_start3A_158 = tpu.memref_slice %arg3[%add3A_138, %add3A_140, %dma_start3A_156, %dma_start3A_157] : memref<4x1288x2x128xi32, #tpu.memory_space<hbm>> -> memref<1x4x2x128xi32, #tpu.memory_space<hbm>>
    %dma_start3A_159 = tpu.memref_squeeze %dma_start3A_158 : memref<1x4x2x128xi32, #tpu.memory_space<hbm>> -> memref<4x2x128xi32, #tpu.memory_space<hbm>>
    tpu.enqueue_dma source(%dma_start3A_159 : memref<4x2x128xi32, #tpu.memory_space<hbm>>) target(%dma_start3A_155 : memref<4x2x128xi32, #tpu.memory_space<vmem>>) target_semaphore(%arg11 : memref<!tpu.dma_semaphore, #tpu.memory_space<semaphore_mem>>)
    %add3A_160 = arith.constant 4 : i32
    %add3A_161 = arith.addi %select_n3A, %add3A_160 : i32
    %dma_start3A_162 = arith.constant 1 : i32
    %dma_start3A_163 = arith.constant 0 : i32
    %dma_start3A_164 = arith.constant 0 : i32
    %dma_start3A_165 = arith.constant 0 : i32
    %dma_start3A_166 = tpu.memref_slice %arg6[%dma_start3A_162, %dma_start3A_163, %dma_start3A_164, %dma_start3A_165] : memref<2x4x2x128xi32, #tpu.memory_space<vmem>> -> memref<1x4x2x128xi32, #tpu.memory_space<vmem>>
    %dma_start3A_167 = tpu.memref_squeeze %dma_start3A_166 : memref<1x4x2x128xi32, #tpu.memory_space<vmem>> -> memref<4x2x128xi32, #tpu.memory_space<vmem>>
    %dma_start3A_168 = arith.constant 0 : i32
    %dma_start3A_169 = arith.constant 0 : i32
    %dma_start3A_170 = tpu.memref_slice %arg3[%add3A_138, %add3A_161, %dma_start3A_168, %dma_start3A_169] : memref<4x1288x2x128xi32, #tpu.memory_space<hbm>> -> memref<1x4x2x128xi32, #tpu.memory_space<hbm>>
    %dma_start3A_171 = tpu.memref_squeeze %dma_start3A_170 : memref<1x4x2x128xi32, #tpu.memory_space<hbm>> -> memref<4x2x128xi32, #tpu.memory_space<hbm>>
    %dma_start3A_172 = arith.constant 0 : i32
    %dma_start3A_173 = arith.constant 0 : i32
    %dma_start3A_174 = arith.constant 0 : i32
    %dma_start3A_175 = tpu.memref_slice %arg6[%dma_start3A_162, %dma_start3A_172, %dma_start3A_173, %dma_start3A_174] : memref<2x4x2x128xi32, #tpu.memory_space<vmem>> -> memref<1x4x2x128xi32, #tpu.memory_space<vmem>>
    %dma_start3A_176 = tpu.memref_squeeze %dma_start3A_175 : memref<1x4x2x128xi32, #tpu.memory_space<vmem>> -> memref<4x2x128xi32, #tpu.memory_space<vmem>>
    %dma_start3A_177 = arith.constant 0 : i32
    %dma_start3A_178 = arith.constant 0 : i32
    %dma_start3A_179 = tpu.memref_slice %arg3[%add3A_138, %add3A_161, %dma_start3A_177, %dma_start3A_178] : memref<4x1288x2x128xi32, #tpu.memory_space<hbm>> -> memref<1x4x2x128xi32, #tpu.memory_space<hbm>>
    %dma_start3A_180 = tpu.memref_squeeze %dma_start3A_179 : memref<1x4x2x128xi32, #tpu.memory_space<hbm>> -> memref<4x2x128xi32, #tpu.memory_space<hbm>>
    tpu.enqueue_dma source(%dma_start3A_180 : memref<4x2x128xi32, #tpu.memory_space<hbm>>) target(%dma_start3A_176 : memref<4x2x128xi32, #tpu.memory_space<vmem>>) target_semaphore(%arg12 : memref<!tpu.dma_semaphore, #tpu.memory_space<semaphore_mem>>)
    %add3A_181 = arith.constant 0 : i32
    %add3A_182 = arith.addi %select_n3A, %add3A_181 : i32
    %dma_wait3A_183 = arith.constant 0 : i32
    %dma_wait3A_184 = arith.constant 0 : i32
    %dma_wait3A_185 = arith.constant 0 : i32
    %dma_wait3A_186 = arith.constant 0 : i32
    %dma_wait3A_187 = tpu.memref_slice %arg6[%dma_wait3A_183, %dma_wait3A_184, %dma_wait3A_185, %dma_wait3A_186] : memref<2x4x2x128xi32, #tpu.memory_space<vmem>> -> memref<1x4x2x128xi32, #tpu.memory_space<vmem>>
    %dma_wait3A_188 = tpu.memref_squeeze %dma_wait3A_187 : memref<1x4x2x128xi32, #tpu.memory_space<vmem>> -> memref<4x2x128xi32, #tpu.memory_space<vmem>>
    %dma_wait3A_189 = arith.constant 0 : i32
    %dma_wait3A_190 = arith.constant 0 : i32
    %dma_wait3A_191 = tpu.memref_slice %arg3[%add3A_138, %add3A_182, %dma_wait3A_189, %dma_wait3A_190] : memref<4x1288x2x128xi32, #tpu.memory_space<hbm>> -> memref<1x4x2x128xi32, #tpu.memory_space<hbm>>
    %dma_wait3A_192 = tpu.memref_squeeze %dma_wait3A_191 : memref<1x4x2x128xi32, #tpu.memory_space<hbm>> -> memref<4x2x128xi32, #tpu.memory_space<hbm>>
    %dma_wait3A_193 = arith.constant 0 : i32
    %dma_wait3A_194 = arith.constant 0 : i32
    %dma_wait3A_195 = arith.constant 0 : i32
    %dma_wait3A_196 = tpu.memref_slice %arg6[%dma_wait3A_183, %dma_wait3A_193, %dma_wait3A_194, %dma_wait3A_195] : memref<2x4x2x128xi32, #tpu.memory_space<vmem>> -> memref<1x4x2x128xi32, #tpu.memory_space<vmem>>
    %dma_wait3A_197 = tpu.memref_squeeze %dma_wait3A_196 : memref<1x4x2x128xi32, #tpu.memory_space<vmem>> -> memref<4x2x128xi32, #tpu.memory_space<vmem>>
    %dma_wait3A_198 = arith.constant 0 : i32
    %dma_wait3A_199 = arith.constant 0 : i32
    %dma_wait3A_200 = tpu.memref_slice %arg3[%add3A_138, %add3A_182, %dma_wait3A_198, %dma_wait3A_199] : memref<4x1288x2x128xi32, #tpu.memory_space<hbm>> -> memref<1x4x2x128xi32, #tpu.memory_space<hbm>>
    %dma_wait3A_201 = tpu.memref_squeeze %dma_wait3A_200 : memref<1x4x2x128xi32, #tpu.memory_space<hbm>> -> memref<4x2x128xi32, #tpu.memory_space<hbm>>
    tpu.wait_dma2 semaphore(%arg11 : memref<!tpu.dma_semaphore, #tpu.memory_space<semaphore_mem>>) src(%dma_wait3A_201 : memref<4x2x128xi32, #tpu.memory_space<hbm>>) dst(%dma_wait3A_197 : memref<4x2x128xi32, #tpu.memory_space<vmem>>)
    %dma_start3A_202 = arith.constant 0 : i32
    %dma_start3A_203 = arith.constant 0 : i32
    %dma_start3A_204 = arith.constant 0 : i32
    %dma_start3A_205 = arith.constant 0 : i32
    %dma_start3A_206 = arith.constant 0 : i32
    %dma_start3A_207 = arith.constant 0 : i32
    %dma_start3A_208 = tpu.memref_slice %arg7[%dma_start3A_205, %dma_start3A_206, %dma_start3A_207] : memref<2x128x128xf32, #tpu.memory_space<vmem>> -> memref<1x128x128xf32, #tpu.memory_space<vmem>>
    %dma_start3A_209 = tpu.memref_squeeze %dma_start3A_208 : memref<1x128x128xf32, #tpu.memory_space<vmem>> -> memref<128x128xf32, #tpu.memory_space<vmem>>
    %dma_start3A_210 = arith.constant 0 : i32
    %dma_start3A_211 = tpu.memref_slice %arg6[%dma_start3A_202, %dma_start3A_203, %dma_start3A_204, %dma_start3A_210] : memref<2x4x2x128xi32, #tpu.memory_space<vmem>> -> memref<1x1x1x128xi32, #tpu.memory_space<vmem>>
    %dma_start3A_212 = tpu.memref_squeeze %dma_start3A_211 : memref<1x1x1x128xi32, #tpu.memory_space<vmem>> -> memref<128xi32, #tpu.memory_space<vmem>>
    %dma_start3A_213 = arith.constant 0 : i32
    %dma_start3A_214 = arith.constant 0 : i32
    %dma_start3A_215 = tpu.memref_slice %arg2[%dma_start3A_213, %dma_start3A_214] : memref<40000x128xf32, #tpu.memory_space<hbm>> -> memref<40000x128xf32, #tpu.memory_space<hbm>>
    tpu.enqueue_indirect_dma source(%dma_start3A_215 : memref<40000x128xf32, #tpu.memory_space<hbm>>) target(%dma_start3A_209 : memref<128x128xf32, #tpu.memory_space<vmem>>) offsets(%dma_start3A_212 : memref<128xi32, #tpu.memory_space<vmem>>) semaphore(%arg9 : memref<!tpu.dma_semaphore, #tpu.memory_space<semaphore_mem>>)
    %barrier3A_216 = arith.constant 0 : index
    tpu.barrier barrier_id(%barrier3A_216)
    %scan3A_217 = arith.constant 0 : i32
    %scan3A_218 = arith.constant 0 : i32
    %scan3A_219 = arith.constant 10 : i32
    %scan3A_220 = arith.addi %scan3A_218, %scan3A_219 : i32
    %scan3A_221 = arith.constant 1 : i32
    scf.for %scan3A_260 = %scan3A_218 to %scan3A_220 step %scan3A_221  : i32 {
      %mul3A_261 = arith.constant 2 : i32
      %mul3A_262 = arith.muli %scan3A_260, %mul3A_261 : i32
      %dma_start3A_263 = arith.constant 0 : i32
      %dma_start3A_264 = arith.constant 1 : i32
      %dma_start3A_265 = arith.constant 0 : i32
      %dma_start3A_266 = arith.constant 1 : i32
      %dma_start3A_267 = arith.constant 0 : i32
      %dma_start3A_268 = arith.constant 0 : i32
      %dma_start3A_269 = tpu.memref_slice %arg7[%dma_start3A_266, %dma_start3A_267, %dma_start3A_268] : memref<2x128x128xf32, #tpu.memory_space<vmem>> -> memref<1x128x128xf32, #tpu.memory_space<vmem>>
      %dma_start3A_270 = tpu.memref_squeeze %dma_start3A_269 : memref<1x128x128xf32, #tpu.memory_space<vmem>> -> memref<128x128xf32, #tpu.memory_space<vmem>>
      %dma_start3A_271 = arith.constant 0 : i32
      %dma_start3A_272 = tpu.memref_slice %arg6[%dma_start3A_263, %dma_start3A_264, %dma_start3A_265, %dma_start3A_271] : memref<2x4x2x128xi32, #tpu.memory_space<vmem>> -> memref<1x1x1x128xi32, #tpu.memory_space<vmem>>
      %dma_start3A_273 = tpu.memref_squeeze %dma_start3A_272 : memref<1x1x1x128xi32, #tpu.memory_space<vmem>> -> memref<128xi32, #tpu.memory_space<vmem>>
      %dma_start3A_274 = arith.constant 0 : i32
      %dma_start3A_275 = arith.constant 0 : i32
      %dma_start3A_276 = tpu.memref_slice %arg2[%dma_start3A_274, %dma_start3A_275] : memref<40000x128xf32, #tpu.memory_space<hbm>> -> memref<40000x128xf32, #tpu.memory_space<hbm>>
      tpu.enqueue_indirect_dma source(%dma_start3A_276 : memref<40000x128xf32, #tpu.memory_space<hbm>>) target(%dma_start3A_270 : memref<128x128xf32, #tpu.memory_space<vmem>>) offsets(%dma_start3A_273 : memref<128xi32, #tpu.memory_space<vmem>>) semaphore(%arg10 : memref<!tpu.dma_semaphore, #tpu.memory_space<semaphore_mem>>)
      %dma_wait3A_277 = arith.constant 0 : i32
      %dma_wait3A_278 = arith.constant 0 : i32
      %dma_wait3A_279 = arith.constant 0 : i32
      %dma_wait3A_280 = arith.constant 0 : i32
      %dma_wait3A_281 = arith.constant 0 : i32
      %dma_wait3A_282 = arith.constant 0 : i32
      %dma_wait3A_283 = tpu.memref_slice %arg7[%dma_wait3A_280, %dma_wait3A_281, %dma_wait3A_282] : memref<2x128x128xf32, #tpu.memory_space<vmem>> -> memref<1x128x128xf32, #tpu.memory_space<vmem>>
      %dma_wait3A_284 = tpu.memref_squeeze %dma_wait3A_283 : memref<1x128x128xf32, #tpu.memory_space<vmem>> -> memref<128x128xf32, #tpu.memory_space<vmem>>
      %dma_wait3A_285 = arith.constant 0 : i32
      %dma_wait3A_286 = tpu.memref_slice %arg6[%dma_wait3A_277, %dma_wait3A_278, %dma_wait3A_279, %dma_wait3A_285] : memref<2x4x2x128xi32, #tpu.memory_space<vmem>> -> memref<1x1x1x128xi32, #tpu.memory_space<vmem>>
      %dma_wait3A_287 = tpu.memref_squeeze %dma_wait3A_286 : memref<1x1x1x128xi32, #tpu.memory_space<vmem>> -> memref<128xi32, #tpu.memory_space<vmem>>
      %dma_wait3A_288 = arith.constant 0 : i32
      %dma_wait3A_289 = arith.constant 0 : i32
      %dma_wait3A_290 = tpu.memref_slice %arg2[%dma_wait3A_288, %dma_wait3A_289] : memref<40000x128xf32, #tpu.memory_space<hbm>> -> memref<40000x128xf32, #tpu.memory_space<hbm>>
      tpu.wait_indirect_dma semaphore(%arg9 : memref<!tpu.dma_semaphore, #tpu.memory_space<semaphore_mem>>) src(%dma_wait3A_290 : memref<40000x128xf32, #tpu.memory_space<hbm>>) dst(%dma_wait3A_284 : memref<128x128xf32, #tpu.memory_space<vmem>>)
      %run_scoped3A = arith.constant 0 : i32
      %run_scoped3A_291 = arith.constant 0 : i32
      %run_scoped3A_292 = arith.constant 0 : i32
      %run_scoped3A_293 = arith.constant 1 : i32
      "tpu.region"() ({
        %run_scoped3A_616 = tpu.sem_alloc : memref<!tpu.dma_semaphore, #tpu.memory_space<semaphore_mem>>
        %dma_start3A_617 = arith.constant 0 : i32
        %dma_start3A_618 = arith.constant 0 : i32
        %dma_start3A_619 = tpu.memref_slice %arg7[%run_scoped3A, %dma_start3A_617, %dma_start3A_618] : memref<2x128x128xf32, #tpu.memory_space<vmem>> -> memref<1x128x128xf32, #tpu.memory_space<vmem>>
        %dma_start3A_620 = tpu.memref_squeeze %dma_start3A_619 : memref<1x128x128xf32, #tpu.memory_space<vmem>> -> memref<128x128xf32, #tpu.memory_space<vmem>>
        %dma_start3A_621 = arith.constant 0 : i32
        %dma_start3A_622 = tpu.memref_slice %arg6[%run_scoped3A_291, %run_scoped3A_292, %run_scoped3A_293, %dma_start3A_621] : memref<2x4x2x128xi32, #tpu.memory_space<vmem>> -> memref<1x1x1x128xi32, #tpu.memory_space<vmem>>
        %dma_start3A_623 = tpu.memref_squeeze %dma_start3A_622 : memref<1x1x1x128xi32, #tpu.memory_space<vmem>> -> memref<128xi32, #tpu.memory_space<vmem>>
        %dma_start3A_624 = arith.constant 0 : i32
        %dma_start3A_625 = arith.constant 0 : i32
        %dma_start3A_626 = tpu.memref_slice %arg8[%dma_start3A_624, %dma_start3A_625] : memref<10240x128xf32, #tpu.memory_space<vmem_shared>> -> memref<10240x128xf32, #tpu.memory_space<vmem_shared>>
        tpu.enqueue_indirect_dma source(%dma_start3A_620 : memref<128x128xf32, #tpu.memory_space<vmem>>) target(%dma_start3A_626 : memref<10240x128xf32, #tpu.memory_space<vmem_shared>>) offsets(%dma_start3A_623 : memref<128xi32, #tpu.memory_space<vmem>>) semaphore(%run_scoped3A_616 : memref<!tpu.dma_semaphore, #tpu.memory_space<semaphore_mem>>) {add = true}
        %dma_wait3A_627 = arith.constant 0 : i32
        %dma_wait3A_628 = arith.constant 0 : i32
        %dma_wait3A_629 = tpu.memref_slice %arg7[%run_scoped3A, %dma_wait3A_627, %dma_wait3A_628] : memref<2x128x128xf32, #tpu.memory_space<vmem>> -> memref<1x128x128xf32, #tpu.memory_space<vmem>>
        %dma_wait3A_630 = tpu.memref_squeeze %dma_wait3A_629 : memref<1x128x128xf32, #tpu.memory_space<vmem>> -> memref<128x128xf32, #tpu.memory_space<vmem>>
        %dma_wait3A_631 = arith.constant 0 : i32
        %dma_wait3A_632 = tpu.memref_slice %arg6[%run_scoped3A_291, %run_scoped3A_292, %run_scoped3A_293, %dma_wait3A_631] : memref<2x4x2x128xi32, #tpu.memory_space<vmem>> -> memref<1x1x1x128xi32, #tpu.memory_space<vmem>>
        %dma_wait3A_633 = tpu.memref_squeeze %dma_wait3A_632 : memref<1x1x1x128xi32, #tpu.memory_space<vmem>> -> memref<128xi32, #tpu.memory_space<vmem>>
        %dma_wait3A_634 = arith.constant 0 : i32
        %dma_wait3A_635 = arith.constant 0 : i32
        %dma_wait3A_636 = tpu.memref_slice %arg8[%dma_wait3A_634, %dma_wait3A_635] : memref<10240x128xf32, #tpu.memory_space<vmem_shared>> -> memref<10240x128xf32, #tpu.memory_space<vmem_shared>>
        tpu.wait_indirect_dma semaphore(%run_scoped3A_616 : memref<!tpu.dma_semaphore, #tpu.memory_space<semaphore_mem>>) src(%dma_wait3A_630 : memref<128x128xf32, #tpu.memory_space<vmem>>) dst(%dma_wait3A_636 : memref<10240x128xf32, #tpu.memory_space<vmem_shared>>)
        tpu.yield
      }) : () -> ()
      %dma_start3A_294 = arith.constant 0 : i32
      %dma_start3A_295 = arith.constant 2 : i32
      %dma_start3A_296 = arith.constant 0 : i32
      %dma_start3A_297 = arith.constant 0 : i32
      %dma_start3A_298 = arith.constant 0 : i32
      %dma_start3A_299 = arith.constant 0 : i32
      %dma_start3A_300 = tpu.memref_slice %arg7[%dma_start3A_297, %dma_start3A_298, %dma_start3A_299] : memref<2x128x128xf32, #tpu.memory_space<vmem>> -> memref<1x128x128xf32, #tpu.memory_space<vmem>>
      %dma_start3A_301 = tpu.memref_squeeze %dma_start3A_300 : memref<1x128x128xf32, #tpu.memory_space<vmem>> -> memref<128x128xf32, #tpu.memory_space<vmem>>
      %dma_start3A_302 = arith.constant 0 : i32
      %dma_start3A_303 = tpu.memref_slice %arg6[%dma_start3A_294, %dma_start3A_295, %dma_start3A_296, %dma_start3A_302] : memref<2x4x2x128xi32, #tpu.memory_space<vmem>> -> memref<1x1x1x128xi32, #tpu.memory_space<vmem>>
      %dma_start3A_304 = tpu.memref_squeeze %dma_start3A_303 : memref<1x1x1x128xi32, #tpu.memory_space<vmem>> -> memref<128xi32, #tpu.memory_space<vmem>>
      %dma_start3A_305 = arith.constant 0 : i32
      %dma_start3A_306 = arith.constant 0 : i32
      %dma_start3A_307 = tpu.memref_slice %arg2[%dma_start3A_305, %dma_start3A_306] : memref<40000x128xf32, #tpu.memory_space<hbm>> -> memref<40000x128xf32, #tpu.memory_space<hbm>>
      tpu.enqueue_indirect_dma source(%dma_start3A_307 : memref<40000x128xf32, #tpu.memory_space<hbm>>) target(%dma_start3A_301 : memref<128x128xf32, #tpu.memory_space<vmem>>) offsets(%dma_start3A_304 : memref<128xi32, #tpu.memory_space<vmem>>) semaphore(%arg9 : memref<!tpu.dma_semaphore, #tpu.memory_space<semaphore_mem>>)
      %dma_wait3A_308 = arith.constant 0 : i32
      %dma_wait3A_309 = arith.constant 1 : i32
      %dma_wait3A_310 = arith.constant 0 : i32
      %dma_wait3A_311 = arith.constant 1 : i32
      %dma_wait3A_312 = arith.constant 0 : i32
      %dma_wait3A_313 = arith.constant 0 : i32
      %dma_wait3A_314 = tpu.memref_slice %arg7[%dma_wait3A_311, %dma_wait3A_312, %dma_wait3A_313] : memref<2x128x128xf32, #tpu.memory_space<vmem>> -> memref<1x128x128xf32, #tpu.memory_space<vmem>>
      %dma_wait3A_315 = tpu.memref_squeeze %dma_wait3A_314 : memref<1x128x128xf32, #tpu.memory_space<vmem>> -> memref<128x128xf32, #tpu.memory_space<vmem>>
      %dma_wait3A_316 = arith.constant 0 : i32
      %dma_wait3A_317 = tpu.memref_slice %arg6[%dma_wait3A_308, %dma_wait3A_309, %dma_wait3A_310, %dma_wait3A_316] : memref<2x4x2x128xi32, #tpu.memory_space<vmem>> -> memref<1x1x1x128xi32, #tpu.memory_space<vmem>>
      %dma_wait3A_318 = tpu.memref_squeeze %dma_wait3A_317 : memref<1x1x1x128xi32, #tpu.memory_space<vmem>> -> memref<128xi32, #tpu.memory_space<vmem>>
      %dma_wait3A_319 = arith.constant 0 : i32
      %dma_wait3A_320 = arith.constant 0 : i32
      %dma_wait3A_321 = tpu.memref_slice %arg2[%dma_wait3A_319, %dma_wait3A_320] : memref<40000x128xf32, #tpu.memory_space<hbm>> -> memref<40000x128xf32, #tpu.memory_space<hbm>>
      tpu.wait_indirect_dma semaphore(%arg10 : memref<!tpu.dma_semaphore, #tpu.memory_space<semaphore_mem>>) src(%dma_wait3A_321 : memref<40000x128xf32, #tpu.memory_space<hbm>>) dst(%dma_wait3A_315 : memref<128x128xf32, #tpu.memory_space<vmem>>)
      %run_scoped3A_322 = arith.constant 1 : i32
      %run_scoped3A_323 = arith.constant 0 : i32
      %run_scoped3A_324 = arith.constant 1 : i32
      %run_scoped3A_325 = arith.constant 1 : i32
      "tpu.region"() ({
        %run_scoped3A_616 = tpu.sem_alloc : memref<!tpu.dma_semaphore, #tpu.memory_space<semaphore_mem>>
        %dma_start3A_617 = arith.constant 0 : i32
        %dma_start3A_618 = arith.constant 0 : i32
        %dma_start3A_619 = tpu.memref_slice %arg7[%run_scoped3A_322, %dma_start3A_617, %dma_start3A_618] : memref<2x128x128xf32, #tpu.memory_space<vmem>> -> memref<1x128x128xf32, #tpu.memory_space<vmem>>
        %dma_start3A_620 = tpu.memref_squeeze %dma_start3A_619 : memref<1x128x128xf32, #tpu.memory_space<vmem>> -> memref<128x128xf32, #tpu.memory_space<vmem>>
        %dma_start3A_621 = arith.constant 0 : i32
        %dma_start3A_622 = tpu.memref_slice %arg6[%run_scoped3A_323, %run_scoped3A_324, %run_scoped3A_325, %dma_start3A_621] : memref<2x4x2x128xi32, #tpu.memory_space<vmem>> -> memref<1x1x1x128xi32, #tpu.memory_space<vmem>>
        %dma_start3A_623 = tpu.memref_squeeze %dma_start3A_622 : memref<1x1x1x128xi32, #tpu.memory_space<vmem>> -> memref<128xi32, #tpu.memory_space<vmem>>
        %dma_start3A_624 = arith.constant 0 : i32
        %dma_start3A_625 = arith.constant 0 : i32
        %dma_start3A_626 = tpu.memref_slice %arg8[%dma_start3A_624, %dma_start3A_625] : memref<10240x128xf32, #tpu.memory_space<vmem_shared>> -> memref<10240x128xf32, #tpu.memory_space<vmem_shared>>
        tpu.enqueue_indirect_dma source(%dma_start3A_620 : memref<128x128xf32, #tpu.memory_space<vmem>>) target(%dma_start3A_626 : memref<10240x128xf32, #tpu.memory_space<vmem_shared>>) offsets(%dma_start3A_623 : memref<128xi32, #tpu.memory_space<vmem>>) semaphore(%run_scoped3A_616 : memref<!tpu.dma_semaphore, #tpu.memory_space<semaphore_mem>>) {add = true}
        %dma_wait3A_627 = arith.constant 0 : i32
        %dma_wait3A_628 = arith.constant 0 : i32
        %dma_wait3A_629 = tpu.memref_slice %arg7[%run_scoped3A_322, %dma_wait3A_627, %dma_wait3A_628] : memref<2x128x128xf32, #tpu.memory_space<vmem>> -> memref<1x128x128xf32, #tpu.memory_space<vmem>>
        %dma_wait3A_630 = tpu.memref_squeeze %dma_wait3A_629 : memref<1x128x128xf32, #tpu.memory_space<vmem>> -> memref<128x128xf32, #tpu.memory_space<vmem>>
        %dma_wait3A_631 = arith.constant 0 : i32
        %dma_wait3A_632 = tpu.memref_slice %arg6[%run_scoped3A_323, %run_scoped3A_324, %run_scoped3A_325, %dma_wait3A_631] : memref<2x4x2x128xi32, #tpu.memory_space<vmem>> -> memref<1x1x1x128xi32, #tpu.memory_space<vmem>>
        %dma_wait3A_633 = tpu.memref_squeeze %dma_wait3A_632 : memref<1x1x1x128xi32, #tpu.memory_space<vmem>> -> memref<128xi32, #tpu.memory_space<vmem>>
        %dma_wait3A_634 = arith.constant 0 : i32
        %dma_wait3A_635 = arith.constant 0 : i32
        %dma_wait3A_636 = tpu.memref_slice %arg8[%dma_wait3A_634, %dma_wait3A_635] : memref<10240x128xf32, #tpu.memory_space<vmem_shared>> -> memref<10240x128xf32, #tpu.memory_space<vmem_shared>>
        tpu.wait_indirect_dma semaphore(%run_scoped3A_616 : memref<!tpu.dma_semaphore, #tpu.memory_space<semaphore_mem>>) src(%dma_wait3A_630 : memref<128x128xf32, #tpu.memory_space<vmem>>) dst(%dma_wait3A_636 : memref<10240x128xf32, #tpu.memory_space<vmem_shared>>)
        tpu.yield
      }) : () -> ()
      %dma_start3A_326 = arith.constant 0 : i32
      %dma_start3A_327 = arith.constant 3 : i32
      %dma_start3A_328 = arith.constant 0 : i32
      %dma_start3A_329 = arith.constant 1 : i32
      %dma_start3A_330 = arith.constant 0 : i32
      %dma_start3A_331 = arith.constant 0 : i32
      %dma_start3A_332 = tpu.memref_slice %arg7[%dma_start3A_329, %dma_start3A_330, %dma_start3A_331] : memref<2x128x128xf32, #tpu.memory_space<vmem>> -> memref<1x128x128xf32, #tpu.memory_space<vmem>>
      %dma_start3A_333 = tpu.memref_squeeze %dma_start3A_332 : memref<1x128x128xf32, #tpu.memory_space<vmem>> -> memref<128x128xf32, #tpu.memory_space<vmem>>
      %dma_start3A_334 = arith.constant 0 : i32
      %dma_start3A_335 = tpu.memref_slice %arg6[%dma_start3A_326, %dma_start3A_327, %dma_start3A_328, %dma_start3A_334] : memref<2x4x2x128xi32, #tpu.memory_space<vmem>> -> memref<1x1x1x128xi32, #tpu.memory_space<vmem>>
      %dma_start3A_336 = tpu.memref_squeeze %dma_start3A_335 : memref<1x1x1x128xi32, #tpu.memory_space<vmem>> -> memref<128xi32, #tpu.memory_space<vmem>>
      %dma_start3A_337 = arith.constant 0 : i32
      %dma_start3A_338 = arith.constant 0 : i32
      %dma_start3A_339 = tpu.memref_slice %arg2[%dma_start3A_337, %dma_start3A_338] : memref<40000x128xf32, #tpu.memory_space<hbm>> -> memref<40000x128xf32, #tpu.memory_space<hbm>>
      tpu.enqueue_indirect_dma source(%dma_start3A_339 : memref<40000x128xf32, #tpu.memory_space<hbm>>) target(%dma_start3A_333 : memref<128x128xf32, #tpu.memory_space<vmem>>) offsets(%dma_start3A_336 : memref<128xi32, #tpu.memory_space<vmem>>) semaphore(%arg10 : memref<!tpu.dma_semaphore, #tpu.memory_space<semaphore_mem>>)
      %dma_wait3A_340 = arith.constant 0 : i32
      %dma_wait3A_341 = arith.constant 2 : i32
      %dma_wait3A_342 = arith.constant 0 : i32
      %dma_wait3A_343 = arith.constant 0 : i32
      %dma_wait3A_344 = arith.constant 0 : i32
      %dma_wait3A_345 = arith.constant 0 : i32
      %dma_wait3A_346 = tpu.memref_slice %arg7[%dma_wait3A_343, %dma_wait3A_344, %dma_wait3A_345] : memref<2x128x128xf32, #tpu.memory_space<vmem>> -> memref<1x128x128xf32, #tpu.memory_space<vmem>>
      %dma_wait3A_347 = tpu.memref_squeeze %dma_wait3A_346 : memref<1x128x128xf32, #tpu.memory_space<vmem>> -> memref<128x128xf32, #tpu.memory_space<vmem>>
      %dma_wait3A_348 = arith.constant 0 : i32
      %dma_wait3A_349 = tpu.memref_slice %arg6[%dma_wait3A_340, %dma_wait3A_341, %dma_wait3A_342, %dma_wait3A_348] : memref<2x4x2x128xi32, #tpu.memory_space<vmem>> -> memref<1x1x1x128xi32, #tpu.memory_space<vmem>>
      %dma_wait3A_350 = tpu.memref_squeeze %dma_wait3A_349 : memref<1x1x1x128xi32, #tpu.memory_space<vmem>> -> memref<128xi32, #tpu.memory_space<vmem>>
      %dma_wait3A_351 = arith.constant 0 : i32
      %dma_wait3A_352 = arith.constant 0 : i32
      %dma_wait3A_353 = tpu.memref_slice %arg2[%dma_wait3A_351, %dma_wait3A_352] : memref<40000x128xf32, #tpu.memory_space<hbm>> -> memref<40000x128xf32, #tpu.memory_space<hbm>>
      tpu.wait_indirect_dma semaphore(%arg9 : memref<!tpu.dma_semaphore, #tpu.memory_space<semaphore_mem>>) src(%dma_wait3A_353 : memref<40000x128xf32, #tpu.memory_space<hbm>>) dst(%dma_wait3A_347 : memref<128x128xf32, #tpu.memory_space<vmem>>)
      %run_scoped3A_354 = arith.constant 0 : i32
      %run_scoped3A_355 = arith.constant 0 : i32
      %run_scoped3A_356 = arith.constant 2 : i32
      %run_scoped3A_357 = arith.constant 1 : i32
      "tpu.region"() ({
        %run_scoped3A_616 = tpu.sem_alloc : memref<!tpu.dma_semaphore, #tpu.memory_space<semaphore_mem>>
        %dma_start3A_617 = arith.constant 0 : i32
        %dma_start3A_618 = arith.constant 0 : i32
        %dma_start3A_619 = tpu.memref_slice %arg7[%run_scoped3A_354, %dma_start3A_617, %dma_start3A_618] : memref<2x128x128xf32, #tpu.memory_space<vmem>> -> memref<1x128x128xf32, #tpu.memory_space<vmem>>
        %dma_start3A_620 = tpu.memref_squeeze %dma_start3A_619 : memref<1x128x128xf32, #tpu.memory_space<vmem>> -> memref<128x128xf32, #tpu.memory_space<vmem>>
        %dma_start3A_621 = arith.constant 0 : i32
        %dma_start3A_622 = tpu.memref_slice %arg6[%run_scoped3A_355, %run_scoped3A_356, %run_scoped3A_357, %dma_start3A_621] : memref<2x4x2x128xi32, #tpu.memory_space<vmem>> -> memref<1x1x1x128xi32, #tpu.memory_space<vmem>>
        %dma_start3A_623 = tpu.memref_squeeze %dma_start3A_622 : memref<1x1x1x128xi32, #tpu.memory_space<vmem>> -> memref<128xi32, #tpu.memory_space<vmem>>
        %dma_start3A_624 = arith.constant 0 : i32
        %dma_start3A_625 = arith.constant 0 : i32
        %dma_start3A_626 = tpu.memref_slice %arg8[%dma_start3A_624, %dma_start3A_625] : memref<10240x128xf32, #tpu.memory_space<vmem_shared>> -> memref<10240x128xf32, #tpu.memory_space<vmem_shared>>
        tpu.enqueue_indirect_dma source(%dma_start3A_620 : memref<128x128xf32, #tpu.memory_space<vmem>>) target(%dma_start3A_626 : memref<10240x128xf32, #tpu.memory_space<vmem_shared>>) offsets(%dma_start3A_623 : memref<128xi32, #tpu.memory_space<vmem>>) semaphore(%run_scoped3A_616 : memref<!tpu.dma_semaphore, #tpu.memory_space<semaphore_mem>>) {add = true}
        %dma_wait3A_627 = arith.constant 0 : i32
        %dma_wait3A_628 = arith.constant 0 : i32
        %dma_wait3A_629 = tpu.memref_slice %arg7[%run_scoped3A_354, %dma_wait3A_627, %dma_wait3A_628] : memref<2x128x128xf32, #tpu.memory_space<vmem>> -> memref<1x128x128xf32, #tpu.memory_space<vmem>>
        %dma_wait3A_630 = tpu.memref_squeeze %dma_wait3A_629 : memref<1x128x128xf32, #tpu.memory_space<vmem>> -> memref<128x128xf32, #tpu.memory_space<vmem>>
        %dma_wait3A_631 = arith.constant 0 : i32
        %dma_wait3A_632 = tpu.memref_slice %arg6[%run_scoped3A_355, %run_scoped3A_356, %run_scoped3A_357, %dma_wait3A_631] : memref<2x4x2x128xi32, #tpu.memory_space<vmem>> -> memref<1x1x1x128xi32, #tpu.memory_space<vmem>>
        %dma_wait3A_633 = tpu.memref_squeeze %dma_wait3A_632 : memref<1x1x1x128xi32, #tpu.memory_space<vmem>> -> memref<128xi32, #tpu.memory_space<vmem>>
        %dma_wait3A_634 = arith.constant 0 : i32
        %dma_wait3A_635 = arith.constant 0 : i32
        %dma_wait3A_636 = tpu.memref_slice %arg8[%dma_wait3A_634, %dma_wait3A_635] : memref<10240x128xf32, #tpu.memory_space<vmem_shared>> -> memref<10240x128xf32, #tpu.memory_space<vmem_shared>>
        tpu.wait_indirect_dma semaphore(%run_scoped3A_616 : memref<!tpu.dma_semaphore, #tpu.memory_space<semaphore_mem>>) src(%dma_wait3A_630 : memref<128x128xf32, #tpu.memory_space<vmem>>) dst(%dma_wait3A_636 : memref<10240x128xf32, #tpu.memory_space<vmem_shared>>)
        tpu.yield
      }) : () -> ()
      %add3A_358 = arith.constant 1 : i32
      %add3A_359 = arith.addi %mul3A_262, %add3A_358 : i32
      %mul3A_360 = arith.constant 4 : i32
      %mul3A_361 = arith.muli %add3A_359, %mul3A_360 : i32
      %add3A_362 = arith.addi %select_n3A, %mul3A_361 : i32
      %dma_wait3A_363 = arith.constant 1 : i32
      %dma_wait3A_364 = arith.constant 0 : i32
      %dma_wait3A_365 = arith.constant 0 : i32
      %dma_wait3A_366 = arith.constant 0 : i32
      %dma_wait3A_367 = tpu.memref_slice %arg6[%dma_wait3A_363, %dma_wait3A_364, %dma_wait3A_365, %dma_wait3A_366] : memref<2x4x2x128xi32, #tpu.memory_space<vmem>> -> memref<1x4x2x128xi32, #tpu.memory_space<vmem>>
      %dma_wait3A_368 = tpu.memref_squeeze %dma_wait3A_367 : memref<1x4x2x128xi32, #tpu.memory_space<vmem>> -> memref<4x2x128xi32, #tpu.memory_space<vmem>>
      %dma_wait3A_369 = arith.constant 0 : i32
      %dma_wait3A_370 = arith.constant 0 : i32
      %dma_wait3A_371 = tpu.memref_slice %arg3[%add3A_138, %add3A_362, %dma_wait3A_369, %dma_wait3A_370] : memref<4x1288x2x128xi32, #tpu.memory_space<hbm>> -> memref<1x4x2x128xi32, #tpu.memory_space<hbm>>
      %dma_wait3A_372 = tpu.memref_squeeze %dma_wait3A_371 : memref<1x4x2x128xi32, #tpu.memory_space<hbm>> -> memref<4x2x128xi32, #tpu.memory_space<hbm>>
      %dma_wait3A_373 = arith.constant 0 : i32
      %dma_wait3A_374 = arith.constant 0 : i32
      %dma_wait3A_375 = arith.constant 0 : i32
      %dma_wait3A_376 = tpu.memref_slice %arg6[%dma_wait3A_363, %dma_wait3A_373, %dma_wait3A_374, %dma_wait3A_375] : memref<2x4x2x128xi32, #tpu.memory_space<vmem>> -> memref<1x4x2x128xi32, #tpu.memory_space<vmem>>
      %dma_wait3A_377 = tpu.memref_squeeze %dma_wait3A_376 : memref<1x4x2x128xi32, #tpu.memory_space<vmem>> -> memref<4x2x128xi32, #tpu.memory_space<vmem>>
      %dma_wait3A_378 = arith.constant 0 : i32
      %dma_wait3A_379 = arith.constant 0 : i32
      %dma_wait3A_380 = tpu.memref_slice %arg3[%add3A_138, %add3A_362, %dma_wait3A_378, %dma_wait3A_379] : memref<4x1288x2x128xi32, #tpu.memory_space<hbm>> -> memref<1x4x2x128xi32, #tpu.memory_space<hbm>>
      %dma_wait3A_381 = tpu.memref_squeeze %dma_wait3A_380 : memref<1x4x2x128xi32, #tpu.memory_space<hbm>> -> memref<4x2x128xi32, #tpu.memory_space<hbm>>
      tpu.wait_dma2 semaphore(%arg12 : memref<!tpu.dma_semaphore, #tpu.memory_space<semaphore_mem>>) src(%dma_wait3A_381 : memref<4x2x128xi32, #tpu.memory_space<hbm>>) dst(%dma_wait3A_377 : memref<4x2x128xi32, #tpu.memory_space<vmem>>)
      %dma_start3A_382 = arith.constant 1 : i32
      %dma_start3A_383 = arith.constant 0 : i32
      %dma_start3A_384 = arith.constant 0 : i32
      %dma_start3A_385 = arith.constant 0 : i32
      %dma_start3A_386 = arith.constant 0 : i32
      %dma_start3A_387 = arith.constant 0 : i32
      %dma_start3A_388 = tpu.memref_slice %arg7[%dma_start3A_385, %dma_start3A_386, %dma_start3A_387] : memref<2x128x128xf32, #tpu.memory_space<vmem>> -> memref<1x128x128xf32, #tpu.memory_space<vmem>>
      %dma_start3A_389 = tpu.memref_squeeze %dma_start3A_388 : memref<1x128x128xf32, #tpu.memory_space<vmem>> -> memref<128x128xf32, #tpu.memory_space<vmem>>
      %dma_start3A_390 = arith.constant 0 : i32
      %dma_start3A_391 = tpu.memref_slice %arg6[%dma_start3A_382, %dma_start3A_383, %dma_start3A_384, %dma_start3A_390] : memref<2x4x2x128xi32, #tpu.memory_space<vmem>> -> memref<1x1x1x128xi32, #tpu.memory_space<vmem>>
      %dma_start3A_392 = tpu.memref_squeeze %dma_start3A_391 : memref<1x1x1x128xi32, #tpu.memory_space<vmem>> -> memref<128xi32, #tpu.memory_space<vmem>>
      %dma_start3A_393 = arith.constant 0 : i32
      %dma_start3A_394 = arith.constant 0 : i32
      %dma_start3A_395 = tpu.memref_slice %arg2[%dma_start3A_393, %dma_start3A_394] : memref<40000x128xf32, #tpu.memory_space<hbm>> -> memref<40000x128xf32, #tpu.memory_space<hbm>>
      tpu.enqueue_indirect_dma source(%dma_start3A_395 : memref<40000x128xf32, #tpu.memory_space<hbm>>) target(%dma_start3A_389 : memref<128x128xf32, #tpu.memory_space<vmem>>) offsets(%dma_start3A_392 : memref<128xi32, #tpu.memory_space<vmem>>) semaphore(%arg9 : memref<!tpu.dma_semaphore, #tpu.memory_space<semaphore_mem>>)
      %dma_wait3A_396 = arith.constant 0 : i32
      %dma_wait3A_397 = arith.constant 3 : i32
      %dma_wait3A_398 = arith.constant 0 : i32
      %dma_wait3A_399 = arith.constant 1 : i32
      %dma_wait3A_400 = arith.constant 0 : i32
      %dma_wait3A_401 = arith.constant 0 : i32
      %dma_wait3A_402 = tpu.memref_slice %arg7[%dma_wait3A_399, %dma_wait3A_400, %dma_wait3A_401] : memref<2x128x128xf32, #tpu.memory_space<vmem>> -> memref<1x128x128xf32, #tpu.memory_space<vmem>>
      %dma_wait3A_403 = tpu.memref_squeeze %dma_wait3A_402 : memref<1x128x128xf32, #tpu.memory_space<vmem>> -> memref<128x128xf32, #tpu.memory_space<vmem>>
      %dma_wait3A_404 = arith.constant 0 : i32
      %dma_wait3A_405 = tpu.memref_slice %arg6[%dma_wait3A_396, %dma_wait3A_397, %dma_wait3A_398, %dma_wait3A_404] : memref<2x4x2x128xi32, #tpu.memory_space<vmem>> -> memref<1x1x1x128xi32, #tpu.memory_space<vmem>>
      %dma_wait3A_406 = tpu.memref_squeeze %dma_wait3A_405 : memref<1x1x1x128xi32, #tpu.memory_space<vmem>> -> memref<128xi32, #tpu.memory_space<vmem>>
      %dma_wait3A_407 = arith.constant 0 : i32
      %dma_wait3A_408 = arith.constant 0 : i32
      %dma_wait3A_409 = tpu.memref_slice %arg2[%dma_wait3A_407, %dma_wait3A_408] : memref<40000x128xf32, #tpu.memory_space<hbm>> -> memref<40000x128xf32, #tpu.memory_space<hbm>>
      tpu.wait_indirect_dma semaphore(%arg10 : memref<!tpu.dma_semaphore, #tpu.memory_space<semaphore_mem>>) src(%dma_wait3A_409 : memref<40000x128xf32, #tpu.memory_space<hbm>>) dst(%dma_wait3A_403 : memref<128x128xf32, #tpu.memory_space<vmem>>)
      %run_scoped3A_410 = arith.constant 1 : i32
      %run_scoped3A_411 = arith.constant 0 : i32
      %run_scoped3A_412 = arith.constant 3 : i32
      %run_scoped3A_413 = arith.constant 1 : i32
      "tpu.region"() ({
        %run_scoped3A_616 = tpu.sem_alloc : memref<!tpu.dma_semaphore, #tpu.memory_space<semaphore_mem>>
        %dma_start3A_617 = arith.constant 0 : i32
        %dma_start3A_618 = arith.constant 0 : i32
        %dma_start3A_619 = tpu.memref_slice %arg7[%run_scoped3A_410, %dma_start3A_617, %dma_start3A_618] : memref<2x128x128xf32, #tpu.memory_space<vmem>> -> memref<1x128x128xf32, #tpu.memory_space<vmem>>
        %dma_start3A_620 = tpu.memref_squeeze %dma_start3A_619 : memref<1x128x128xf32, #tpu.memory_space<vmem>> -> memref<128x128xf32, #tpu.memory_space<vmem>>
        %dma_start3A_621 = arith.constant 0 : i32
        %dma_start3A_622 = tpu.memref_slice %arg6[%run_scoped3A_411, %run_scoped3A_412, %run_scoped3A_413, %dma_start3A_621] : memref<2x4x2x128xi32, #tpu.memory_space<vmem>> -> memref<1x1x1x128xi32, #tpu.memory_space<vmem>>
        %dma_start3A_623 = tpu.memref_squeeze %dma_start3A_622 : memref<1x1x1x128xi32, #tpu.memory_space<vmem>> -> memref<128xi32, #tpu.memory_space<vmem>>
        %dma_start3A_624 = arith.constant 0 : i32
        %dma_start3A_625 = arith.constant 0 : i32
        %dma_start3A_626 = tpu.memref_slice %arg8[%dma_start3A_624, %dma_start3A_625] : memref<10240x128xf32, #tpu.memory_space<vmem_shared>> -> memref<10240x128xf32, #tpu.memory_space<vmem_shared>>
        tpu.enqueue_indirect_dma source(%dma_start3A_620 : memref<128x128xf32, #tpu.memory_space<vmem>>) target(%dma_start3A_626 : memref<10240x128xf32, #tpu.memory_space<vmem_shared>>) offsets(%dma_start3A_623 : memref<128xi32, #tpu.memory_space<vmem>>) semaphore(%run_scoped3A_616 : memref<!tpu.dma_semaphore, #tpu.memory_space<semaphore_mem>>) {add = true}
        %dma_wait3A_627 = arith.constant 0 : i32
        %dma_wait3A_628 = arith.constant 0 : i32
        %dma_wait3A_629 = tpu.memref_slice %arg7[%run_scoped3A_410, %dma_wait3A_627, %dma_wait3A_628] : memref<2x128x128xf32, #tpu.memory_space<vmem>> -> memref<1x128x128xf32, #tpu.memory_space<vmem>>
        %dma_wait3A_630 = tpu.memref_squeeze %dma_wait3A_629 : memref<1x128x128xf32, #tpu.memory_space<vmem>> -> memref<128x128xf32, #tpu.memory_space<vmem>>
        %dma_wait3A_631 = arith.constant 0 : i32
        %dma_wait3A_632 = tpu.memref_slice %arg6[%run_scoped3A_411, %run_scoped3A_412, %run_scoped3A_413, %dma_wait3A_631] : memref<2x4x2x128xi32, #tpu.memory_space<vmem>> -> memref<1x1x1x128xi32, #tpu.memory_space<vmem>>
        %dma_wait3A_633 = tpu.memref_squeeze %dma_wait3A_632 : memref<1x1x1x128xi32, #tpu.memory_space<vmem>> -> memref<128xi32, #tpu.memory_space<vmem>>
        %dma_wait3A_634 = arith.constant 0 : i32
        %dma_wait3A_635 = arith.constant 0 : i32
        %dma_wait3A_636 = tpu.memref_slice %arg8[%dma_wait3A_634, %dma_wait3A_635] : memref<10240x128xf32, #tpu.memory_space<vmem_shared>> -> memref<10240x128xf32, #tpu.memory_space<vmem_shared>>
        tpu.wait_indirect_dma semaphore(%run_scoped3A_616 : memref<!tpu.dma_semaphore, #tpu.memory_space<semaphore_mem>>) src(%dma_wait3A_630 : memref<128x128xf32, #tpu.memory_space<vmem>>) dst(%dma_wait3A_636 : memref<10240x128xf32, #tpu.memory_space<vmem_shared>>)
        tpu.yield
      }) : () -> ()
      %add3A_414 = arith.constant 2 : i32
      %add3A_415 = arith.addi %mul3A_262, %add3A_414 : i32
      %mul3A_416 = arith.constant 4 : i32
      %mul3A_417 = arith.muli %add3A_415, %mul3A_416 : i32
      %add3A_418 = arith.addi %select_n3A, %mul3A_417 : i32
      %dma_start3A_419 = arith.constant 0 : i32
      %dma_start3A_420 = arith.constant 0 : i32
      %dma_start3A_421 = arith.constant 0 : i32
      %dma_start3A_422 = arith.constant 0 : i32
      %dma_start3A_423 = tpu.memref_slice %arg6[%dma_start3A_419, %dma_start3A_420, %dma_start3A_421, %dma_start3A_422] : memref<2x4x2x128xi32, #tpu.memory_space<vmem>> -> memref<1x4x2x128xi32, #tpu.memory_space<vmem>>
      %dma_start3A_424 = tpu.memref_squeeze %dma_start3A_423 : memref<1x4x2x128xi32, #tpu.memory_space<vmem>> -> memref<4x2x128xi32, #tpu.memory_space<vmem>>
      %dma_start3A_425 = arith.constant 0 : i32
      %dma_start3A_426 = arith.constant 0 : i32
      %dma_start3A_427 = tpu.memref_slice %arg3[%add3A_138, %add3A_418, %dma_start3A_425, %dma_start3A_426] : memref<4x1288x2x128xi32, #tpu.memory_space<hbm>> -> memref<1x4x2x128xi32, #tpu.memory_space<hbm>>
      %dma_start3A_428 = tpu.memref_squeeze %dma_start3A_427 : memref<1x4x2x128xi32, #tpu.memory_space<hbm>> -> memref<4x2x128xi32, #tpu.memory_space<hbm>>
      %dma_start3A_429 = arith.constant 0 : i32
      %dma_start3A_430 = arith.constant 0 : i32
      %dma_start3A_431 = arith.constant 0 : i32
      %dma_start3A_432 = tpu.memref_slice %arg6[%dma_start3A_419, %dma_start3A_429, %dma_start3A_430, %dma_start3A_431] : memref<2x4x2x128xi32, #tpu.memory_space<vmem>> -> memref<1x4x2x128xi32, #tpu.memory_space<vmem>>
      %dma_start3A_433 = tpu.memref_squeeze %dma_start3A_432 : memref<1x4x2x128xi32, #tpu.memory_space<vmem>> -> memref<4x2x128xi32, #tpu.memory_space<vmem>>
      %dma_start3A_434 = arith.constant 0 : i32
      %dma_start3A_435 = arith.constant 0 : i32
      %dma_start3A_436 = tpu.memref_slice %arg3[%add3A_138, %add3A_418, %dma_start3A_434, %dma_start3A_435] : memref<4x1288x2x128xi32, #tpu.memory_space<hbm>> -> memref<1x4x2x128xi32, #tpu.memory_space<hbm>>
      %dma_start3A_437 = tpu.memref_squeeze %dma_start3A_436 : memref<1x4x2x128xi32, #tpu.memory_space<hbm>> -> memref<4x2x128xi32, #tpu.memory_space<hbm>>
      tpu.enqueue_dma source(%dma_start3A_437 : memref<4x2x128xi32, #tpu.memory_space<hbm>>) target(%dma_start3A_433 : memref<4x2x128xi32, #tpu.memory_space<vmem>>) target_semaphore(%arg11 : memref<!tpu.dma_semaphore, #tpu.memory_space<semaphore_mem>>)
      %add3A_438 = arith.constant 1 : i32
      %add3A_439 = arith.addi %mul3A_262, %add3A_438 : i32
      %dma_start3A_440 = arith.constant 1 : i32
      %dma_start3A_441 = arith.constant 1 : i32
      %dma_start3A_442 = arith.constant 0 : i32
      %dma_start3A_443 = arith.constant 1 : i32
      %dma_start3A_444 = arith.constant 0 : i32
      %dma_start3A_445 = arith.constant 0 : i32
      %dma_start3A_446 = tpu.memref_slice %arg7[%dma_start3A_443, %dma_start3A_444, %dma_start3A_445] : memref<2x128x128xf32, #tpu.memory_space<vmem>> -> memref<1x128x128xf32, #tpu.memory_space<vmem>>
      %dma_start3A_447 = tpu.memref_squeeze %dma_start3A_446 : memref<1x128x128xf32, #tpu.memory_space<vmem>> -> memref<128x128xf32, #tpu.memory_space<vmem>>
      %dma_start3A_448 = arith.constant 0 : i32
      %dma_start3A_449 = tpu.memref_slice %arg6[%dma_start3A_440, %dma_start3A_441, %dma_start3A_442, %dma_start3A_448] : memref<2x4x2x128xi32, #tpu.memory_space<vmem>> -> memref<1x1x1x128xi32, #tpu.memory_space<vmem>>
      %dma_start3A_450 = tpu.memref_squeeze %dma_start3A_449 : memref<1x1x1x128xi32, #tpu.memory_space<vmem>> -> memref<128xi32, #tpu.memory_space<vmem>>
      %dma_start3A_451 = arith.constant 0 : i32
      %dma_start3A_452 = arith.constant 0 : i32
      %dma_start3A_453 = tpu.memref_slice %arg2[%dma_start3A_451, %dma_start3A_452] : memref<40000x128xf32, #tpu.memory_space<hbm>> -> memref<40000x128xf32, #tpu.memory_space<hbm>>
      tpu.enqueue_indirect_dma source(%dma_start3A_453 : memref<40000x128xf32, #tpu.memory_space<hbm>>) target(%dma_start3A_447 : memref<128x128xf32, #tpu.memory_space<vmem>>) offsets(%dma_start3A_450 : memref<128xi32, #tpu.memory_space<vmem>>) semaphore(%arg10 : memref<!tpu.dma_semaphore, #tpu.memory_space<semaphore_mem>>)
      %dma_wait3A_454 = arith.constant 1 : i32
      %dma_wait3A_455 = arith.constant 0 : i32
      %dma_wait3A_456 = arith.constant 0 : i32
      %dma_wait3A_457 = arith.constant 0 : i32
      %dma_wait3A_458 = arith.constant 0 : i32
      %dma_wait3A_459 = arith.constant 0 : i32
      %dma_wait3A_460 = tpu.memref_slice %arg7[%dma_wait3A_457, %dma_wait3A_458, %dma_wait3A_459] : memref<2x128x128xf32, #tpu.memory_space<vmem>> -> memref<1x128x128xf32, #tpu.memory_space<vmem>>
      %dma_wait3A_461 = tpu.memref_squeeze %dma_wait3A_460 : memref<1x128x128xf32, #tpu.memory_space<vmem>> -> memref<128x128xf32, #tpu.memory_space<vmem>>
      %dma_wait3A_462 = arith.constant 0 : i32
      %dma_wait3A_463 = tpu.memref_slice %arg6[%dma_wait3A_454, %dma_wait3A_455, %dma_wait3A_456, %dma_wait3A_462] : memref<2x4x2x128xi32, #tpu.memory_space<vmem>> -> memref<1x1x1x128xi32, #tpu.memory_space<vmem>>
      %dma_wait3A_464 = tpu.memref_squeeze %dma_wait3A_463 : memref<1x1x1x128xi32, #tpu.memory_space<vmem>> -> memref<128xi32, #tpu.memory_space<vmem>>
      %dma_wait3A_465 = arith.constant 0 : i32
      %dma_wait3A_466 = arith.constant 0 : i32
      %dma_wait3A_467 = tpu.memref_slice %arg2[%dma_wait3A_465, %dma_wait3A_466] : memref<40000x128xf32, #tpu.memory_space<hbm>> -> memref<40000x128xf32, #tpu.memory_space<hbm>>
      tpu.wait_indirect_dma semaphore(%arg9 : memref<!tpu.dma_semaphore, #tpu.memory_space<semaphore_mem>>) src(%dma_wait3A_467 : memref<40000x128xf32, #tpu.memory_space<hbm>>) dst(%dma_wait3A_461 : memref<128x128xf32, #tpu.memory_space<vmem>>)
      %run_scoped3A_468 = arith.constant 0 : i32
      %run_scoped3A_469 = arith.constant 1 : i32
      %run_scoped3A_470 = arith.constant 0 : i32
      %run_scoped3A_471 = arith.constant 1 : i32
      "tpu.region"() ({
        %run_scoped3A_616 = tpu.sem_alloc : memref<!tpu.dma_semaphore, #tpu.memory_space<semaphore_mem>>
        %dma_start3A_617 = arith.constant 0 : i32
        %dma_start3A_618 = arith.constant 0 : i32
        %dma_start3A_619 = tpu.memref_slice %arg7[%run_scoped3A_468, %dma_start3A_617, %dma_start3A_618] : memref<2x128x128xf32, #tpu.memory_space<vmem>> -> memref<1x128x128xf32, #tpu.memory_space<vmem>>
        %dma_start3A_620 = tpu.memref_squeeze %dma_start3A_619 : memref<1x128x128xf32, #tpu.memory_space<vmem>> -> memref<128x128xf32, #tpu.memory_space<vmem>>
        %dma_start3A_621 = arith.constant 0 : i32
        %dma_start3A_622 = tpu.memref_slice %arg6[%run_scoped3A_469, %run_scoped3A_470, %run_scoped3A_471, %dma_start3A_621] : memref<2x4x2x128xi32, #tpu.memory_space<vmem>> -> memref<1x1x1x128xi32, #tpu.memory_space<vmem>>
        %dma_start3A_623 = tpu.memref_squeeze %dma_start3A_622 : memref<1x1x1x128xi32, #tpu.memory_space<vmem>> -> memref<128xi32, #tpu.memory_space<vmem>>
        %dma_start3A_624 = arith.constant 0 : i32
        %dma_start3A_625 = arith.constant 0 : i32
        %dma_start3A_626 = tpu.memref_slice %arg8[%dma_start3A_624, %dma_start3A_625] : memref<10240x128xf32, #tpu.memory_space<vmem_shared>> -> memref<10240x128xf32, #tpu.memory_space<vmem_shared>>
        tpu.enqueue_indirect_dma source(%dma_start3A_620 : memref<128x128xf32, #tpu.memory_space<vmem>>) target(%dma_start3A_626 : memref<10240x128xf32, #tpu.memory_space<vmem_shared>>) offsets(%dma_start3A_623 : memref<128xi32, #tpu.memory_space<vmem>>) semaphore(%run_scoped3A_616 : memref<!tpu.dma_semaphore, #tpu.memory_space<semaphore_mem>>) {add = true}
        %dma_wait3A_627 = arith.constant 0 : i32
        %dma_wait3A_628 = arith.constant 0 : i32
        %dma_wait3A_629 = tpu.memref_slice %arg7[%run_scoped3A_468, %dma_wait3A_627, %dma_wait3A_628] : memref<2x128x128xf32, #tpu.memory_space<vmem>> -> memref<1x128x128xf32, #tpu.memory_space<vmem>>
        %dma_wait3A_630 = tpu.memref_squeeze %dma_wait3A_629 : memref<1x128x128xf32, #tpu.memory_space<vmem>> -> memref<128x128xf32, #tpu.memory_space<vmem>>
        %dma_wait3A_631 = arith.constant 0 : i32
        %dma_wait3A_632 = tpu.memref_slice %arg6[%run_scoped3A_469, %run_scoped3A_470, %run_scoped3A_471, %dma_wait3A_631] : memref<2x4x2x128xi32, #tpu.memory_space<vmem>> -> memref<1x1x1x128xi32, #tpu.memory_space<vmem>>
        %dma_wait3A_633 = tpu.memref_squeeze %dma_wait3A_632 : memref<1x1x1x128xi32, #tpu.memory_space<vmem>> -> memref<128xi32, #tpu.memory_space<vmem>>
        %dma_wait3A_634 = arith.constant 0 : i32
        %dma_wait3A_635 = arith.constant 0 : i32
        %dma_wait3A_636 = tpu.memref_slice %arg8[%dma_wait3A_634, %dma_wait3A_635] : memref<10240x128xf32, #tpu.memory_space<vmem_shared>> -> memref<10240x128xf32, #tpu.memory_space<vmem_shared>>
        tpu.wait_indirect_dma semaphore(%run_scoped3A_616 : memref<!tpu.dma_semaphore, #tpu.memory_space<semaphore_mem>>) src(%dma_wait3A_630 : memref<128x128xf32, #tpu.memory_space<vmem>>) dst(%dma_wait3A_636 : memref<10240x128xf32, #tpu.memory_space<vmem_shared>>)
        tpu.yield
      }) : () -> ()
      %dma_start3A_472 = arith.constant 1 : i32
      %dma_start3A_473 = arith.constant 2 : i32
      %dma_start3A_474 = arith.constant 0 : i32
      %dma_start3A_475 = arith.constant 0 : i32
      %dma_start3A_476 = arith.constant 0 : i32
      %dma_start3A_477 = arith.constant 0 : i32
      %dma_start3A_478 = tpu.memref_slice %arg7[%dma_start3A_475, %dma_start3A_476, %dma_start3A_477] : memref<2x128x128xf32, #tpu.memory_space<vmem>> -> memref<1x128x128xf32, #tpu.memory_space<vmem>>
      %dma_start3A_479 = tpu.memref_squeeze %dma_start3A_478 : memref<1x128x128xf32, #tpu.memory_space<vmem>> -> memref<128x128xf32, #tpu.memory_space<vmem>>
      %dma_start3A_480 = arith.constant 0 : i32
      %dma_start3A_481 = tpu.memref_slice %arg6[%dma_start3A_472, %dma_start3A_473, %dma_start3A_474, %dma_start3A_480] : memref<2x4x2x128xi32, #tpu.memory_space<vmem>> -> memref<1x1x1x128xi32, #tpu.memory_space<vmem>>
      %dma_start3A_482 = tpu.memref_squeeze %dma_start3A_481 : memref<1x1x1x128xi32, #tpu.memory_space<vmem>> -> memref<128xi32, #tpu.memory_space<vmem>>
      %dma_start3A_483 = arith.constant 0 : i32
      %dma_start3A_484 = arith.constant 0 : i32
      %dma_start3A_485 = tpu.memref_slice %arg2[%dma_start3A_483, %dma_start3A_484] : memref<40000x128xf32, #tpu.memory_space<hbm>> -> memref<40000x128xf32, #tpu.memory_space<hbm>>
      tpu.enqueue_indirect_dma source(%dma_start3A_485 : memref<40000x128xf32, #tpu.memory_space<hbm>>) target(%dma_start3A_479 : memref<128x128xf32, #tpu.memory_space<vmem>>) offsets(%dma_start3A_482 : memref<128xi32, #tpu.memory_space<vmem>>) semaphore(%arg9 : memref<!tpu.dma_semaphore, #tpu.memory_space<semaphore_mem>>)
      %dma_wait3A_486 = arith.constant 1 : i32
      %dma_wait3A_487 = arith.constant 1 : i32
      %dma_wait3A_488 = arith.constant 0 : i32
      %dma_wait3A_489 = arith.constant 1 : i32
      %dma_wait3A_490 = arith.constant 0 : i32
      %dma_wait3A_491 = arith.constant 0 : i32
      %dma_wait3A_492 = tpu.memref_slice %arg7[%dma_wait3A_489, %dma_wait3A_490, %dma_wait3A_491] : memref<2x128x128xf32, #tpu.memory_space<vmem>> -> memref<1x128x128xf32, #tpu.memory_space<vmem>>
      %dma_wait3A_493 = tpu.memref_squeeze %dma_wait3A_492 : memref<1x128x128xf32, #tpu.memory_space<vmem>> -> memref<128x128xf32, #tpu.memory_space<vmem>>
      %dma_wait3A_494 = arith.constant 0 : i32
      %dma_wait3A_495 = tpu.memref_slice %arg6[%dma_wait3A_486, %dma_wait3A_487, %dma_wait3A_488, %dma_wait3A_494] : memref<2x4x2x128xi32, #tpu.memory_space<vmem>> -> memref<1x1x1x128xi32, #tpu.memory_space<vmem>>
      %dma_wait3A_496 = tpu.memref_squeeze %dma_wait3A_495 : memref<1x1x1x128xi32, #tpu.memory_space<vmem>> -> memref<128xi32, #tpu.memory_space<vmem>>
      %dma_wait3A_497 = arith.constant 0 : i32
      %dma_wait3A_498 = arith.constant 0 : i32
      %dma_wait3A_499 = tpu.memref_slice %arg2[%dma_wait3A_497, %dma_wait3A_498] : memref<40000x128xf32, #tpu.memory_space<hbm>> -> memref<40000x128xf32, #tpu.memory_space<hbm>>
      tpu.wait_indirect_dma semaphore(%arg10 : memref<!tpu.dma_semaphore, #tpu.memory_space<semaphore_mem>>) src(%dma_wait3A_499 : memref<40000x128xf32, #tpu.memory_space<hbm>>) dst(%dma_wait3A_493 : memref<128x128xf32, #tpu.memory_space<vmem>>)
      %run_scoped3A_500 = arith.constant 1 : i32
      %run_scoped3A_501 = arith.constant 1 : i32
      %run_scoped3A_502 = arith.constant 1 : i32
      %run_scoped3A_503 = arith.constant 1 : i32
      "tpu.region"() ({
        %run_scoped3A_616 = tpu.sem_alloc : memref<!tpu.dma_semaphore, #tpu.memory_space<semaphore_mem>>
        %dma_start3A_617 = arith.constant 0 : i32
        %dma_start3A_618 = arith.constant 0 : i32
        %dma_start3A_619 = tpu.memref_slice %arg7[%run_scoped3A_500, %dma_start3A_617, %dma_start3A_618] : memref<2x128x128xf32, #tpu.memory_space<vmem>> -> memref<1x128x128xf32, #tpu.memory_space<vmem>>
        %dma_start3A_620 = tpu.memref_squeeze %dma_start3A_619 : memref<1x128x128xf32, #tpu.memory_space<vmem>> -> memref<128x128xf32, #tpu.memory_space<vmem>>
        %dma_start3A_621 = arith.constant 0 : i32
        %dma_start3A_622 = tpu.memref_slice %arg6[%run_scoped3A_501, %run_scoped3A_502, %run_scoped3A_503, %dma_start3A_621] : memref<2x4x2x128xi32, #tpu.memory_space<vmem>> -> memref<1x1x1x128xi32, #tpu.memory_space<vmem>>
        %dma_start3A_623 = tpu.memref_squeeze %dma_start3A_622 : memref<1x1x1x128xi32, #tpu.memory_space<vmem>> -> memref<128xi32, #tpu.memory_space<vmem>>
        %dma_start3A_624 = arith.constant 0 : i32
        %dma_start3A_625 = arith.constant 0 : i32
        %dma_start3A_626 = tpu.memref_slice %arg8[%dma_start3A_624, %dma_start3A_625] : memref<10240x128xf32, #tpu.memory_space<vmem_shared>> -> memref<10240x128xf32, #tpu.memory_space<vmem_shared>>
        tpu.enqueue_indirect_dma source(%dma_start3A_620 : memref<128x128xf32, #tpu.memory_space<vmem>>) target(%dma_start3A_626 : memref<10240x128xf32, #tpu.memory_space<vmem_shared>>) offsets(%dma_start3A_623 : memref<128xi32, #tpu.memory_space<vmem>>) semaphore(%run_scoped3A_616 : memref<!tpu.dma_semaphore, #tpu.memory_space<semaphore_mem>>) {add = true}
        %dma_wait3A_627 = arith.constant 0 : i32
        %dma_wait3A_628 = arith.constant 0 : i32
        %dma_wait3A_629 = tpu.memref_slice %arg7[%run_scoped3A_500, %dma_wait3A_627, %dma_wait3A_628] : memref<2x128x128xf32, #tpu.memory_space<vmem>> -> memref<1x128x128xf32, #tpu.memory_space<vmem>>
        %dma_wait3A_630 = tpu.memref_squeeze %dma_wait3A_629 : memref<1x128x128xf32, #tpu.memory_space<vmem>> -> memref<128x128xf32, #tpu.memory_space<vmem>>
        %dma_wait3A_631 = arith.constant 0 : i32
        %dma_wait3A_632 = tpu.memref_slice %arg6[%run_scoped3A_501, %run_scoped3A_502, %run_scoped3A_503, %dma_wait3A_631] : memref<2x4x2x128xi32, #tpu.memory_space<vmem>> -> memref<1x1x1x128xi32, #tpu.memory_space<vmem>>
        %dma_wait3A_633 = tpu.memref_squeeze %dma_wait3A_632 : memref<1x1x1x128xi32, #tpu.memory_space<vmem>> -> memref<128xi32, #tpu.memory_space<vmem>>
        %dma_wait3A_634 = arith.constant 0 : i32
        %dma_wait3A_635 = arith.constant 0 : i32
        %dma_wait3A_636 = tpu.memref_slice %arg8[%dma_wait3A_634, %dma_wait3A_635] : memref<10240x128xf32, #tpu.memory_space<vmem_shared>> -> memref<10240x128xf32, #tpu.memory_space<vmem_shared>>
        tpu.wait_indirect_dma semaphore(%run_scoped3A_616 : memref<!tpu.dma_semaphore, #tpu.memory_space<semaphore_mem>>) src(%dma_wait3A_630 : memref<128x128xf32, #tpu.memory_space<vmem>>) dst(%dma_wait3A_636 : memref<10240x128xf32, #tpu.memory_space<vmem_shared>>)
        tpu.yield
      }) : () -> ()
      %dma_start3A_504 = arith.constant 1 : i32
      %dma_start3A_505 = arith.constant 3 : i32
      %dma_start3A_506 = arith.constant 0 : i32
      %dma_start3A_507 = arith.constant 1 : i32
      %dma_start3A_508 = arith.constant 0 : i32
      %dma_start3A_509 = arith.constant 0 : i32
      %dma_start3A_510 = tpu.memref_slice %arg7[%dma_start3A_507, %dma_start3A_508, %dma_start3A_509] : memref<2x128x128xf32, #tpu.memory_space<vmem>> -> memref<1x128x128xf32, #tpu.memory_space<vmem>>
      %dma_start3A_511 = tpu.memref_squeeze %dma_start3A_510 : memref<1x128x128xf32, #tpu.memory_space<vmem>> -> memref<128x128xf32, #tpu.memory_space<vmem>>
      %dma_start3A_512 = arith.constant 0 : i32
      %dma_start3A_513 = tpu.memref_slice %arg6[%dma_start3A_504, %dma_start3A_505, %dma_start3A_506, %dma_start3A_512] : memref<2x4x2x128xi32, #tpu.memory_space<vmem>> -> memref<1x1x1x128xi32, #tpu.memory_space<vmem>>
      %dma_start3A_514 = tpu.memref_squeeze %dma_start3A_513 : memref<1x1x1x128xi32, #tpu.memory_space<vmem>> -> memref<128xi32, #tpu.memory_space<vmem>>
      %dma_start3A_515 = arith.constant 0 : i32
      %dma_start3A_516 = arith.constant 0 : i32
      %dma_start3A_517 = tpu.memref_slice %arg2[%dma_start3A_515, %dma_start3A_516] : memref<40000x128xf32, #tpu.memory_space<hbm>> -> memref<40000x128xf32, #tpu.memory_space<hbm>>
      tpu.enqueue_indirect_dma source(%dma_start3A_517 : memref<40000x128xf32, #tpu.memory_space<hbm>>) target(%dma_start3A_511 : memref<128x128xf32, #tpu.memory_space<vmem>>) offsets(%dma_start3A_514 : memref<128xi32, #tpu.memory_space<vmem>>) semaphore(%arg10 : memref<!tpu.dma_semaphore, #tpu.memory_space<semaphore_mem>>)
      %dma_wait3A_518 = arith.constant 1 : i32
      %dma_wait3A_519 = arith.constant 2 : i32
      %dma_wait3A_520 = arith.constant 0 : i32
      %dma_wait3A_521 = arith.constant 0 : i32
      %dma_wait3A_522 = arith.constant 0 : i32
      %dma_wait3A_523 = arith.constant 0 : i32
      %dma_wait3A_524 = tpu.memref_slice %arg7[%dma_wait3A_521, %dma_wait3A_522, %dma_wait3A_523] : memref<2x128x128xf32, #tpu.memory_space<vmem>> -> memref<1x128x128xf32, #tpu.memory_space<vmem>>
      %dma_wait3A_525 = tpu.memref_squeeze %dma_wait3A_524 : memref<1x128x128xf32, #tpu.memory_space<vmem>> -> memref<128x128xf32, #tpu.memory_space<vmem>>
      %dma_wait3A_526 = arith.constant 0 : i32
      %dma_wait3A_527 = tpu.memref_slice %arg6[%dma_wait3A_518, %dma_wait3A_519, %dma_wait3A_520, %dma_wait3A_526] : memref<2x4x2x128xi32, #tpu.memory_space<vmem>> -> memref<1x1x1x128xi32, #tpu.memory_space<vmem>>
      %dma_wait3A_528 = tpu.memref_squeeze %dma_wait3A_527 : memref<1x1x1x128xi32, #tpu.memory_space<vmem>> -> memref<128xi32, #tpu.memory_space<vmem>>
      %dma_wait3A_529 = arith.constant 0 : i32
      %dma_wait3A_530 = arith.constant 0 : i32
      %dma_wait3A_531 = tpu.memref_slice %arg2[%dma_wait3A_529, %dma_wait3A_530] : memref<40000x128xf32, #tpu.memory_space<hbm>> -> memref<40000x128xf32, #tpu.memory_space<hbm>>
      tpu.wait_indirect_dma semaphore(%arg9 : memref<!tpu.dma_semaphore, #tpu.memory_space<semaphore_mem>>) src(%dma_wait3A_531 : memref<40000x128xf32, #tpu.memory_space<hbm>>) dst(%dma_wait3A_525 : memref<128x128xf32, #tpu.memory_space<vmem>>)
      %run_scoped3A_532 = arith.constant 0 : i32
      %run_scoped3A_533 = arith.constant 1 : i32
      %run_scoped3A_534 = arith.constant 2 : i32
      %run_scoped3A_535 = arith.constant 1 : i32
      "tpu.region"() ({
        %run_scoped3A_616 = tpu.sem_alloc : memref<!tpu.dma_semaphore, #tpu.memory_space<semaphore_mem>>
        %dma_start3A_617 = arith.constant 0 : i32
        %dma_start3A_618 = arith.constant 0 : i32
        %dma_start3A_619 = tpu.memref_slice %arg7[%run_scoped3A_532, %dma_start3A_617, %dma_start3A_618] : memref<2x128x128xf32, #tpu.memory_space<vmem>> -> memref<1x128x128xf32, #tpu.memory_space<vmem>>
        %dma_start3A_620 = tpu.memref_squeeze %dma_start3A_619 : memref<1x128x128xf32, #tpu.memory_space<vmem>> -> memref<128x128xf32, #tpu.memory_space<vmem>>
        %dma_start3A_621 = arith.constant 0 : i32
        %dma_start3A_622 = tpu.memref_slice %arg6[%run_scoped3A_533, %run_scoped3A_534, %run_scoped3A_535, %dma_start3A_621] : memref<2x4x2x128xi32, #tpu.memory_space<vmem>> -> memref<1x1x1x128xi32, #tpu.memory_space<vmem>>
        %dma_start3A_623 = tpu.memref_squeeze %dma_start3A_622 : memref<1x1x1x128xi32, #tpu.memory_space<vmem>> -> memref<128xi32, #tpu.memory_space<vmem>>
        %dma_start3A_624 = arith.constant 0 : i32
        %dma_start3A_625 = arith.constant 0 : i32
        %dma_start3A_626 = tpu.memref_slice %arg8[%dma_start3A_624, %dma_start3A_625] : memref<10240x128xf32, #tpu.memory_space<vmem_shared>> -> memref<10240x128xf32, #tpu.memory_space<vmem_shared>>
        tpu.enqueue_indirect_dma source(%dma_start3A_620 : memref<128x128xf32, #tpu.memory_space<vmem>>) target(%dma_start3A_626 : memref<10240x128xf32, #tpu.memory_space<vmem_shared>>) offsets(%dma_start3A_623 : memref<128xi32, #tpu.memory_space<vmem>>) semaphore(%run_scoped3A_616 : memref<!tpu.dma_semaphore, #tpu.memory_space<semaphore_mem>>) {add = true}
        %dma_wait3A_627 = arith.constant 0 : i32
        %dma_wait3A_628 = arith.constant 0 : i32
        %dma_wait3A_629 = tpu.memref_slice %arg7[%run_scoped3A_532, %dma_wait3A_627, %dma_wait3A_628] : memref<2x128x128xf32, #tpu.memory_space<vmem>> -> memref<1x128x128xf32, #tpu.memory_space<vmem>>
        %dma_wait3A_630 = tpu.memref_squeeze %dma_wait3A_629 : memref<1x128x128xf32, #tpu.memory_space<vmem>> -> memref<128x128xf32, #tpu.memory_space<vmem>>
        %dma_wait3A_631 = arith.constant 0 : i32
        %dma_wait3A_632 = tpu.memref_slice %arg6[%run_scoped3A_533, %run_scoped3A_534, %run_scoped3A_535, %dma_wait3A_631] : memref<2x4x2x128xi32, #tpu.memory_space<vmem>> -> memref<1x1x1x128xi32, #tpu.memory_space<vmem>>
        %dma_wait3A_633 = tpu.memref_squeeze %dma_wait3A_632 : memref<1x1x1x128xi32, #tpu.memory_space<vmem>> -> memref<128xi32, #tpu.memory_space<vmem>>
        %dma_wait3A_634 = arith.constant 0 : i32
        %dma_wait3A_635 = arith.constant 0 : i32
        %dma_wait3A_636 = tpu.memref_slice %arg8[%dma_wait3A_634, %dma_wait3A_635] : memref<10240x128xf32, #tpu.memory_space<vmem_shared>> -> memref<10240x128xf32, #tpu.memory_space<vmem_shared>>
        tpu.wait_indirect_dma semaphore(%run_scoped3A_616 : memref<!tpu.dma_semaphore, #tpu.memory_space<semaphore_mem>>) src(%dma_wait3A_630 : memref<128x128xf32, #tpu.memory_space<vmem>>) dst(%dma_wait3A_636 : memref<10240x128xf32, #tpu.memory_space<vmem_shared>>)
        tpu.yield
      }) : () -> ()
      %add3A_536 = arith.constant 1 : i32
      %add3A_537 = arith.addi %add3A_439, %add3A_536 : i32
      %mul3A_538 = arith.constant 4 : i32
      %mul3A_539 = arith.muli %add3A_537, %mul3A_538 : i32
      %add3A_540 = arith.addi %select_n3A, %mul3A_539 : i32
      %dma_wait3A_541 = arith.constant 0 : i32
      %dma_wait3A_542 = arith.constant 0 : i32
      %dma_wait3A_543 = arith.constant 0 : i32
      %dma_wait3A_544 = arith.constant 0 : i32
      %dma_wait3A_545 = tpu.memref_slice %arg6[%dma_wait3A_541, %dma_wait3A_542, %dma_wait3A_543, %dma_wait3A_544] : memref<2x4x2x128xi32, #tpu.memory_space<vmem>> -> memref<1x4x2x128xi32, #tpu.memory_space<vmem>>
      %dma_wait3A_546 = tpu.memref_squeeze %dma_wait3A_545 : memref<1x4x2x128xi32, #tpu.memory_space<vmem>> -> memref<4x2x128xi32, #tpu.memory_space<vmem>>
      %dma_wait3A_547 = arith.constant 0 : i32
      %dma_wait3A_548 = arith.constant 0 : i32
      %dma_wait3A_549 = tpu.memref_slice %arg3[%add3A_138, %add3A_540, %dma_wait3A_547, %dma_wait3A_548] : memref<4x1288x2x128xi32, #tpu.memory_space<hbm>> -> memref<1x4x2x128xi32, #tpu.memory_space<hbm>>
      %dma_wait3A_550 = tpu.memref_squeeze %dma_wait3A_549 : memref<1x4x2x128xi32, #tpu.memory_space<hbm>> -> memref<4x2x128xi32, #tpu.memory_space<hbm>>
      %dma_wait3A_551 = arith.constant 0 : i32
      %dma_wait3A_552 = arith.constant 0 : i32
      %dma_wait3A_553 = arith.constant 0 : i32
      %dma_wait3A_554 = tpu.memref_slice %arg6[%dma_wait3A_541, %dma_wait3A_551, %dma_wait3A_552, %dma_wait3A_553] : memref<2x4x2x128xi32, #tpu.memory_space<vmem>> -> memref<1x4x2x128xi32, #tpu.memory_space<vmem>>
      %dma_wait3A_555 = tpu.memref_squeeze %dma_wait3A_554 : memref<1x4x2x128xi32, #tpu.memory_space<vmem>> -> memref<4x2x128xi32, #tpu.memory_space<vmem>>
      %dma_wait3A_556 = arith.constant 0 : i32
      %dma_wait3A_557 = arith.constant 0 : i32
      %dma_wait3A_558 = tpu.memref_slice %arg3[%add3A_138, %add3A_540, %dma_wait3A_556, %dma_wait3A_557] : memref<4x1288x2x128xi32, #tpu.memory_space<hbm>> -> memref<1x4x2x128xi32, #tpu.memory_space<hbm>>
      %dma_wait3A_559 = tpu.memref_squeeze %dma_wait3A_558 : memref<1x4x2x128xi32, #tpu.memory_space<hbm>> -> memref<4x2x128xi32, #tpu.memory_space<hbm>>
      tpu.wait_dma2 semaphore(%arg11 : memref<!tpu.dma_semaphore, #tpu.memory_space<semaphore_mem>>) src(%dma_wait3A_559 : memref<4x2x128xi32, #tpu.memory_space<hbm>>) dst(%dma_wait3A_555 : memref<4x2x128xi32, #tpu.memory_space<vmem>>)
      %dma_start3A_560 = arith.constant 0 : i32
      %dma_start3A_561 = arith.constant 0 : i32
      %dma_start3A_562 = arith.constant 0 : i32
      %dma_start3A_563 = arith.constant 0 : i32
      %dma_start3A_564 = arith.constant 0 : i32
      %dma_start3A_565 = arith.constant 0 : i32
      %dma_start3A_566 = tpu.memref_slice %arg7[%dma_start3A_563, %dma_start3A_564, %dma_start3A_565] : memref<2x128x128xf32, #tpu.memory_space<vmem>> -> memref<1x128x128xf32, #tpu.memory_space<vmem>>
      %dma_start3A_567 = tpu.memref_squeeze %dma_start3A_566 : memref<1x128x128xf32, #tpu.memory_space<vmem>> -> memref<128x128xf32, #tpu.memory_space<vmem>>
      %dma_start3A_568 = arith.constant 0 : i32
      %dma_start3A_569 = tpu.memref_slice %arg6[%dma_start3A_560, %dma_start3A_561, %dma_start3A_562, %dma_start3A_568] : memref<2x4x2x128xi32, #tpu.memory_space<vmem>> -> memref<1x1x1x128xi32, #tpu.memory_space<vmem>>
      %dma_start3A_570 = tpu.memref_squeeze %dma_start3A_569 : memref<1x1x1x128xi32, #tpu.memory_space<vmem>> -> memref<128xi32, #tpu.memory_space<vmem>>
      %dma_start3A_571 = arith.constant 0 : i32
      %dma_start3A_572 = arith.constant 0 : i32
      %dma_start3A_573 = tpu.memref_slice %arg2[%dma_start3A_571, %dma_start3A_572] : memref<40000x128xf32, #tpu.memory_space<hbm>> -> memref<40000x128xf32, #tpu.memory_space<hbm>>
      tpu.enqueue_indirect_dma source(%dma_start3A_573 : memref<40000x128xf32, #tpu.memory_space<hbm>>) target(%dma_start3A_567 : memref<128x128xf32, #tpu.memory_space<vmem>>) offsets(%dma_start3A_570 : memref<128xi32, #tpu.memory_space<vmem>>) semaphore(%arg9 : memref<!tpu.dma_semaphore, #tpu.memory_space<semaphore_mem>>)
      %dma_wait3A_574 = arith.constant 1 : i32
      %dma_wait3A_575 = arith.constant 3 : i32
      %dma_wait3A_576 = arith.constant 0 : i32
      %dma_wait3A_577 = arith.constant 1 : i32
      %dma_wait3A_578 = arith.constant 0 : i32
      %dma_wait3A_579 = arith.constant 0 : i32
      %dma_wait3A_580 = tpu.memref_slice %arg7[%dma_wait3A_577, %dma_wait3A_578, %dma_wait3A_579] : memref<2x128x128xf32, #tpu.memory_space<vmem>> -> memref<1x128x128xf32, #tpu.memory_space<vmem>>
      %dma_wait3A_581 = tpu.memref_squeeze %dma_wait3A_580 : memref<1x128x128xf32, #tpu.memory_space<vmem>> -> memref<128x128xf32, #tpu.memory_space<vmem>>
      %dma_wait3A_582 = arith.constant 0 : i32
      %dma_wait3A_583 = tpu.memref_slice %arg6[%dma_wait3A_574, %dma_wait3A_575, %dma_wait3A_576, %dma_wait3A_582] : memref<2x4x2x128xi32, #tpu.memory_space<vmem>> -> memref<1x1x1x128xi32, #tpu.memory_space<vmem>>
      %dma_wait3A_584 = tpu.memref_squeeze %dma_wait3A_583 : memref<1x1x1x128xi32, #tpu.memory_space<vmem>> -> memref<128xi32, #tpu.memory_space<vmem>>
      %dma_wait3A_585 = arith.constant 0 : i32
      %dma_wait3A_586 = arith.constant 0 : i32
      %dma_wait3A_587 = tpu.memref_slice %arg2[%dma_wait3A_585, %dma_wait3A_586] : memref<40000x128xf32, #tpu.memory_space<hbm>> -> memref<40000x128xf32, #tpu.memory_space<hbm>>
      tpu.wait_indirect_dma semaphore(%arg10 : memref<!tpu.dma_semaphore, #tpu.memory_space<semaphore_mem>>) src(%dma_wait3A_587 : memref<40000x128xf32, #tpu.memory_space<hbm>>) dst(%dma_wait3A_581 : memref<128x128xf32, #tpu.memory_space<vmem>>)
      %run_scoped3A_588 = arith.constant 1 : i32
      %run_scoped3A_589 = arith.constant 1 : i32
      %run_scoped3A_590 = arith.constant 3 : i32
      %run_scoped3A_591 = arith.constant 1 : i32
      "tpu.region"() ({
        %run_scoped3A_616 = tpu.sem_alloc : memref<!tpu.dma_semaphore, #tpu.memory_space<semaphore_mem>>
        %dma_start3A_617 = arith.constant 0 : i32
        %dma_start3A_618 = arith.constant 0 : i32
        %dma_start3A_619 = tpu.memref_slice %arg7[%run_scoped3A_588, %dma_start3A_617, %dma_start3A_618] : memref<2x128x128xf32, #tpu.memory_space<vmem>> -> memref<1x128x128xf32, #tpu.memory_space<vmem>>
        %dma_start3A_620 = tpu.memref_squeeze %dma_start3A_619 : memref<1x128x128xf32, #tpu.memory_space<vmem>> -> memref<128x128xf32, #tpu.memory_space<vmem>>
        %dma_start3A_621 = arith.constant 0 : i32
        %dma_start3A_622 = tpu.memref_slice %arg6[%run_scoped3A_589, %run_scoped3A_590, %run_scoped3A_591, %dma_start3A_621] : memref<2x4x2x128xi32, #tpu.memory_space<vmem>> -> memref<1x1x1x128xi32, #tpu.memory_space<vmem>>
        %dma_start3A_623 = tpu.memref_squeeze %dma_start3A_622 : memref<1x1x1x128xi32, #tpu.memory_space<vmem>> -> memref<128xi32, #tpu.memory_space<vmem>>
        %dma_start3A_624 = arith.constant 0 : i32
        %dma_start3A_625 = arith.constant 0 : i32
        %dma_start3A_626 = tpu.memref_slice %arg8[%dma_start3A_624, %dma_start3A_625] : memref<10240x128xf32, #tpu.memory_space<vmem_shared>> -> memref<10240x128xf32, #tpu.memory_space<vmem_shared>>
        tpu.enqueue_indirect_dma source(%dma_start3A_620 : memref<128x128xf32, #tpu.memory_space<vmem>>) target(%dma_start3A_626 : memref<10240x128xf32, #tpu.memory_space<vmem_shared>>) offsets(%dma_start3A_623 : memref<128xi32, #tpu.memory_space<vmem>>) semaphore(%run_scoped3A_616 : memref<!tpu.dma_semaphore, #tpu.memory_space<semaphore_mem>>) {add = true}
        %dma_wait3A_627 = arith.constant 0 : i32
        %dma_wait3A_628 = arith.constant 0 : i32
        %dma_wait3A_629 = tpu.memref_slice %arg7[%run_scoped3A_588, %dma_wait3A_627, %dma_wait3A_628] : memref<2x128x128xf32, #tpu.memory_space<vmem>> -> memref<1x128x128xf32, #tpu.memory_space<vmem>>
        %dma_wait3A_630 = tpu.memref_squeeze %dma_wait3A_629 : memref<1x128x128xf32, #tpu.memory_space<vmem>> -> memref<128x128xf32, #tpu.memory_space<vmem>>
        %dma_wait3A_631 = arith.constant 0 : i32
        %dma_wait3A_632 = tpu.memref_slice %arg6[%run_scoped3A_589, %run_scoped3A_590, %run_scoped3A_591, %dma_wait3A_631] : memref<2x4x2x128xi32, #tpu.memory_space<vmem>> -> memref<1x1x1x128xi32, #tpu.memory_space<vmem>>
        %dma_wait3A_633 = tpu.memref_squeeze %dma_wait3A_632 : memref<1x1x1x128xi32, #tpu.memory_space<vmem>> -> memref<128xi32, #tpu.memory_space<vmem>>
        %dma_wait3A_634 = arith.constant 0 : i32
        %dma_wait3A_635 = arith.constant 0 : i32
        %dma_wait3A_636 = tpu.memref_slice %arg8[%dma_wait3A_634, %dma_wait3A_635] : memref<10240x128xf32, #tpu.memory_space<vmem_shared>> -> memref<10240x128xf32, #tpu.memory_space<vmem_shared>>
        tpu.wait_indirect_dma semaphore(%run_scoped3A_616 : memref<!tpu.dma_semaphore, #tpu.memory_space<semaphore_mem>>) src(%dma_wait3A_630 : memref<128x128xf32, #tpu.memory_space<vmem>>) dst(%dma_wait3A_636 : memref<10240x128xf32, #tpu.memory_space<vmem_shared>>)
        tpu.yield
      }) : () -> ()
      %add3A_592 = arith.constant 2 : i32
      %add3A_593 = arith.addi %add3A_439, %add3A_592 : i32
      %mul3A_594 = arith.constant 4 : i32
      %mul3A_595 = arith.muli %add3A_593, %mul3A_594 : i32
      %add3A_596 = arith.addi %select_n3A, %mul3A_595 : i32
      %dma_start3A_597 = arith.constant 1 : i32
      %dma_start3A_598 = arith.constant 0 : i32
      %dma_start3A_599 = arith.constant 0 : i32
      %dma_start3A_600 = arith.constant 0 : i32
      %dma_start3A_601 = tpu.memref_slice %arg6[%dma_start3A_597, %dma_start3A_598, %dma_start3A_599, %dma_start3A_600] : memref<2x4x2x128xi32, #tpu.memory_space<vmem>> -> memref<1x4x2x128xi32, #tpu.memory_space<vmem>>
      %dma_start3A_602 = tpu.memref_squeeze %dma_start3A_601 : memref<1x4x2x128xi32, #tpu.memory_space<vmem>> -> memref<4x2x128xi32, #tpu.memory_space<vmem>>
      %dma_start3A_603 = arith.constant 0 : i32
      %dma_start3A_604 = arith.constant 0 : i32
      %dma_start3A_605 = tpu.memref_slice %arg3[%add3A_138, %add3A_596, %dma_start3A_603, %dma_start3A_604] : memref<4x1288x2x128xi32, #tpu.memory_space<hbm>> -> memref<1x4x2x128xi32, #tpu.memory_space<hbm>>
      %dma_start3A_606 = tpu.memref_squeeze %dma_start3A_605 : memref<1x4x2x128xi32, #tpu.memory_space<hbm>> -> memref<4x2x128xi32, #tpu.memory_space<hbm>>
      %dma_start3A_607 = arith.constant 0 : i32
      %dma_start3A_608 = arith.constant 0 : i32
      %dma_start3A_609 = arith.constant 0 : i32
      %dma_start3A_610 = tpu.memref_slice %arg6[%dma_start3A_597, %dma_start3A_607, %dma_start3A_608, %dma_start3A_609] : memref<2x4x2x128xi32, #tpu.memory_space<vmem>> -> memref<1x4x2x128xi32, #tpu.memory_space<vmem>>
      %dma_start3A_611 = tpu.memref_squeeze %dma_start3A_610 : memref<1x4x2x128xi32, #tpu.memory_space<vmem>> -> memref<4x2x128xi32, #tpu.memory_space<vmem>>
      %dma_start3A_612 = arith.constant 0 : i32
      %dma_start3A_613 = arith.constant 0 : i32
      %dma_start3A_614 = tpu.memref_slice %arg3[%add3A_138, %add3A_596, %dma_start3A_612, %dma_start3A_613] : memref<4x1288x2x128xi32, #tpu.memory_space<hbm>> -> memref<1x4x2x128xi32, #tpu.memory_space<hbm>>
      %dma_start3A_615 = tpu.memref_squeeze %dma_start3A_614 : memref<1x4x2x128xi32, #tpu.memory_space<hbm>> -> memref<4x2x128xi32, #tpu.memory_space<hbm>>
      tpu.enqueue_dma source(%dma_start3A_615 : memref<4x2x128xi32, #tpu.memory_space<hbm>>) target(%dma_start3A_611 : memref<4x2x128xi32, #tpu.memory_space<vmem>>) target_semaphore(%arg12 : memref<!tpu.dma_semaphore, #tpu.memory_space<semaphore_mem>>)
    }
    %scan3A_222 = arith.constant 10 : i32
    %dma_wait3A_223 = arith.constant 0 : i32
    %dma_wait3A_224 = arith.constant 0 : i32
    %dma_wait3A_225 = arith.constant 0 : i32
    %dma_wait3A_226 = arith.constant 0 : i32
    %dma_wait3A_227 = arith.constant 0 : i32
    %dma_wait3A_228 = arith.constant 0 : i32
    %dma_wait3A_229 = tpu.memref_slice %arg7[%dma_wait3A_226, %dma_wait3A_227, %dma_wait3A_228] : memref<2x128x128xf32, #tpu.memory_space<vmem>> -> memref<1x128x128xf32, #tpu.memory_space<vmem>>
    %dma_wait3A_230 = tpu.memref_squeeze %dma_wait3A_229 : memref<1x128x128xf32, #tpu.memory_space<vmem>> -> memref<128x128xf32, #tpu.memory_space<vmem>>
    %dma_wait3A_231 = arith.constant 0 : i32
    %dma_wait3A_232 = tpu.memref_slice %arg6[%dma_wait3A_223, %dma_wait3A_224, %dma_wait3A_225, %dma_wait3A_231] : memref<2x4x2x128xi32, #tpu.memory_space<vmem>> -> memref<1x1x1x128xi32, #tpu.memory_space<vmem>>
    %dma_wait3A_233 = tpu.memref_squeeze %dma_wait3A_232 : memref<1x1x1x128xi32, #tpu.memory_space<vmem>> -> memref<128xi32, #tpu.memory_space<vmem>>
    %dma_wait3A_234 = arith.constant 0 : i32
    %dma_wait3A_235 = arith.constant 0 : i32
    %dma_wait3A_236 = tpu.memref_slice %arg2[%dma_wait3A_234, %dma_wait3A_235] : memref<40000x128xf32, #tpu.memory_space<hbm>> -> memref<40000x128xf32, #tpu.memory_space<hbm>>
    tpu.wait_indirect_dma semaphore(%arg9 : memref<!tpu.dma_semaphore, #tpu.memory_space<semaphore_mem>>) src(%dma_wait3A_236 : memref<40000x128xf32, #tpu.memory_space<hbm>>) dst(%dma_wait3A_230 : memref<128x128xf32, #tpu.memory_space<vmem>>)
    %add3A_237 = arith.constant 84 : i32
    %add3A_238 = arith.addi %select_n3A, %add3A_237 : i32
    %dma_wait3A_239 = arith.constant 1 : i32
    %dma_wait3A_240 = arith.constant 0 : i32
    %dma_wait3A_241 = arith.constant 0 : i32
    %dma_wait3A_242 = arith.constant 0 : i32
    %dma_wait3A_243 = tpu.memref_slice %arg6[%dma_wait3A_239, %dma_wait3A_240, %dma_wait3A_241, %dma_wait3A_242] : memref<2x4x2x128xi32, #tpu.memory_space<vmem>> -> memref<1x4x2x128xi32, #tpu.memory_space<vmem>>
    %dma_wait3A_244 = tpu.memref_squeeze %dma_wait3A_243 : memref<1x4x2x128xi32, #tpu.memory_space<vmem>> -> memref<4x2x128xi32, #tpu.memory_space<vmem>>
    %dma_wait3A_245 = arith.constant 0 : i32
    %dma_wait3A_246 = arith.constant 0 : i32
    %dma_wait3A_247 = tpu.memref_slice %arg3[%add3A_138, %add3A_238, %dma_wait3A_245, %dma_wait3A_246] : memref<4x1288x2x128xi32, #tpu.memory_space<hbm>> -> memref<1x4x2x128xi32, #tpu.memory_space<hbm>>
    %dma_wait3A_248 = tpu.memref_squeeze %dma_wait3A_247 : memref<1x4x2x128xi32, #tpu.memory_space<hbm>> -> memref<4x2x128xi32, #tpu.memory_space<hbm>>
    %dma_wait3A_249 = arith.constant 0 : i32
    %dma_wait3A_250 = arith.constant 0 : i32
    %dma_wait3A_251 = arith.constant 0 : i32
    %dma_wait3A_252 = tpu.memref_slice %arg6[%dma_wait3A_239, %dma_wait3A_249, %dma_wait3A_250, %dma_wait3A_251] : memref<2x4x2x128xi32, #tpu.memory_space<vmem>> -> memref<1x4x2x128xi32, #tpu.memory_space<vmem>>
    %dma_wait3A_253 = tpu.memref_squeeze %dma_wait3A_252 : memref<1x4x2x128xi32, #tpu.memory_space<vmem>> -> memref<4x2x128xi32, #tpu.memory_space<vmem>>
    %dma_wait3A_254 = arith.constant 0 : i32
    %dma_wait3A_255 = arith.constant 0 : i32
    %dma_wait3A_256 = tpu.memref_slice %arg3[%add3A_138, %add3A_238, %dma_wait3A_254, %dma_wait3A_255] : memref<4x1288x2x128xi32, #tpu.memory_space<hbm>> -> memref<1x4x2x128xi32, #tpu.memory_space<hbm>>
    %dma_wait3A_257 = tpu.memref_squeeze %dma_wait3A_256 : memref<1x4x2x128xi32, #tpu.memory_space<hbm>> -> memref<4x2x128xi32, #tpu.memory_space<hbm>>
    tpu.wait_dma2 semaphore(%arg12 : memref<!tpu.dma_semaphore, #tpu.memory_space<semaphore_mem>>) src(%dma_wait3A_257 : memref<4x2x128xi32, #tpu.memory_space<hbm>>) dst(%dma_wait3A_253 : memref<4x2x128xi32, #tpu.memory_space<vmem>>)
    %barrier3A_258 = arith.constant 0 : index
    tpu.barrier barrier_id(%barrier3A_258)
    "tpu.region"() ({
      %run_scoped3A = tpu.sem_alloc : memref<!tpu.dma_semaphore, #tpu.memory_space<semaphore_mem>>
      %dma_start3A_260 = arith.constant 0 : i32
      %dma_start3A_261 = tpu.memref_slice %arg5[%add3A_138, %mul3A_0, %dma_start3A_260] : memref<4x10240x128xf32, #tpu.memory_space<hbm>> -> memref<1x640x128xf32, #tpu.memory_space<hbm>>
      %dma_start3A_262 = tpu.memref_squeeze %dma_start3A_261 : memref<1x640x128xf32, #tpu.memory_space<hbm>> -> memref<640x128xf32, #tpu.memory_space<hbm>>
      %dma_start3A_263 = arith.constant 0 : i32
      %dma_start3A_264 = tpu.memref_slice %arg8[%mul3A_0, %dma_start3A_263] : memref<10240x128xf32, #tpu.memory_space<vmem_shared>> -> memref<640x128xf32, #tpu.memory_space<vmem_shared>>
      tpu.enqueue_dma source(%dma_start3A_264 : memref<640x128xf32, #tpu.memory_space<vmem_shared>>) target(%dma_start3A_262 : memref<640x128xf32, #tpu.memory_space<hbm>>) target_semaphore(%run_scoped3A : memref<!tpu.dma_semaphore, #tpu.memory_space<semaphore_mem>>)
      %dma_wait3A_265 = arith.constant 0 : i32
      %dma_wait3A_266 = tpu.memref_slice %arg5[%add3A_138, %mul3A_0, %dma_wait3A_265] : memref<4x10240x128xf32, #tpu.memory_space<hbm>> -> memref<1x640x128xf32, #tpu.memory_space<hbm>>
      %dma_wait3A_267 = tpu.memref_squeeze %dma_wait3A_266 : memref<1x640x128xf32, #tpu.memory_space<hbm>> -> memref<640x128xf32, #tpu.memory_space<hbm>>
      %dma_wait3A_268 = arith.constant 0 : i32
      %dma_wait3A_269 = tpu.memref_slice %arg8[%mul3A_0, %dma_wait3A_268] : memref<10240x128xf32, #tpu.memory_space<vmem_shared>> -> memref<640x128xf32, #tpu.memory_space<vmem_shared>>
      tpu.wait_dma2 semaphore(%run_scoped3A : memref<!tpu.dma_semaphore, #tpu.memory_space<semaphore_mem>>) src(%dma_wait3A_269 : memref<640x128xf32, #tpu.memory_space<vmem_shared>>) dst(%dma_wait3A_267 : memref<640x128xf32, #tpu.memory_space<hbm>>)
      tpu.yield
    }) : () -> ()
    %barrier3A_259 = arith.constant 0 : index
    tpu.barrier barrier_id(%barrier3A_259)
    return
  }
}

#map = affine_map<(d0, d1) -> (0, 0)>
#map1 = affine_map<(d0, d1) -> (0, 0, 0, 0)>
#map2 = affine_map<(d0, d1) -> (0, 0, 0)>
module attributes {stable_mosaic.version = 14 : i64} {
  func.func @agg_kernel(%arg0: i32, %arg1: i32, %arg2: memref<20000x128xf32, #tpu.memory_space<hbm>>, %arg3: memref<2x1288x2x128xi32, #tpu.memory_space<hbm>>, %arg4: memref<10240x128xf32, #tpu.memory_space<hbm>>, %arg5: memref<2x10240x128xf32, #tpu.memory_space<hbm>>, %arg6: memref<2x4x2x128xi32, #tpu.memory_space<vmem>>, %arg7: memref<2x128x128xf32, #tpu.memory_space<vmem>>, %arg8: memref<10240x128xf32, #tpu.memory_space<vmem_shared>>, %arg9: memref<!tpu.dma_semaphore, #tpu.memory_space<semaphore_mem>>, %arg10: memref<!tpu.dma_semaphore, #tpu.memory_space<semaphore_mem>>, %arg11: memref<!tpu.dma_semaphore, #tpu.memory_space<semaphore_mem>>, %arg12: memref<!tpu.dma_semaphore, #tpu.memory_space<semaphore_mem>>) attributes {dimension_semantics = [#tpu.dimension_semantics<core_parallel>, #tpu.dimension_semantics<subcore_parallel>], iteration_bounds = array<i64: 2, 16>, scalar_prefetch = 0 : i64, scratch_operands = 7 : i64, tpu.core_type = #tpu.core_type<sc_vector_subcore>, window_params = [{transform_indices = #map}, {transform_indices = #map1}, {transform_indices = #map}, {transform_indices = #map2}]} {
    %mul3A = arith.constant 640 : i32
    %mul3A_0 = arith.muli %arg1, %mul3A : i32
    %mul3A_1 = arith.constant 10240 : i32
    %mul3A_2 = arith.muli %arg1, %mul3A_1 : i32
    %jit3A = arith.constant 128 : i32
    %div3A = arith.divsi %mul3A_2, %jit3A : i32
    %sign3A = arith.constant 0 : i32
    %sign3A_3 = arith.cmpi sgt, %mul3A_2, %sign3A : i32
    %sign3A_4 = arith.extui %sign3A_3 : i1 to i32
    %sign3A_5 = arith.constant 0 : i32
    %sign3A_6 = arith.cmpi slt, %mul3A_2, %sign3A_5 : i32
    %sign3A_7 = arith.extui %sign3A_6 : i1 to i32
    %sign3A_8 = arith.subi %sign3A_4, %sign3A_7 : i32
    %sign3A_9 = arith.constant 0 : i32
    %sign3A_10 = arith.cmpi sgt, %jit3A, %sign3A_9 : i32
    %sign3A_11 = arith.extui %sign3A_10 : i1 to i32
    %sign3A_12 = arith.constant 0 : i32
    %sign3A_13 = arith.cmpi slt, %jit3A, %sign3A_12 : i32
    %sign3A_14 = arith.extui %sign3A_13 : i1 to i32
    %sign3A_15 = arith.subi %sign3A_11, %sign3A_14 : i32
    %ne3A = arith.cmpi ne, %sign3A_8, %sign3A_15 : i32
    %rem3A = arith.remsi %mul3A_2, %jit3A : i32
    %ne3A_16 = arith.constant 0 : i32
    %ne3A_17 = arith.cmpi ne, %rem3A, %ne3A_16 : i32
    %and3A = arith.andi %ne3A, %ne3A_17 : i1
    %sub3A = arith.constant 1 : i32
    %sub3A_18 = arith.subi %div3A, %sub3A : i32
    %select_n3A = arith.select %and3A, %sub3A_18, %div3A : i32
    %add3A = arith.constant 0 : i32
    %add3A_19 = arith.addi %add3A, %arg0 : i32
    "tpu.region"() ({
      %run_scoped3A = tpu.sem_alloc : memref<!tpu.dma_semaphore, #tpu.memory_space<semaphore_mem>>
      %dma_start3A_137 = arith.constant 0 : i32
      %dma_start3A_138 = tpu.memref_slice %arg8[%mul3A_0, %dma_start3A_137] : memref<10240x128xf32, #tpu.memory_space<vmem_shared>> -> memref<640x128xf32, #tpu.memory_space<vmem_shared>>
      %dma_start3A_139 = arith.constant 0 : i32
      %dma_start3A_140 = tpu.memref_slice %arg4[%mul3A_0, %dma_start3A_139] : memref<10240x128xf32, #tpu.memory_space<hbm>> -> memref<640x128xf32, #tpu.memory_space<hbm>>
      tpu.enqueue_dma source(%dma_start3A_140 : memref<640x128xf32, #tpu.memory_space<hbm>>) target(%dma_start3A_138 : memref<640x128xf32, #tpu.memory_space<vmem_shared>>) target_semaphore(%run_scoped3A : memref<!tpu.dma_semaphore, #tpu.memory_space<semaphore_mem>>)
      %dma_wait3A_141 = arith.constant 0 : i32
      %dma_wait3A_142 = tpu.memref_slice %arg8[%mul3A_0, %dma_wait3A_141] : memref<10240x128xf32, #tpu.memory_space<vmem_shared>> -> memref<640x128xf32, #tpu.memory_space<vmem_shared>>
      %dma_wait3A_143 = arith.constant 0 : i32
      %dma_wait3A_144 = tpu.memref_slice %arg4[%mul3A_0, %dma_wait3A_143] : memref<10240x128xf32, #tpu.memory_space<hbm>> -> memref<640x128xf32, #tpu.memory_space<hbm>>
      tpu.wait_dma2 semaphore(%run_scoped3A : memref<!tpu.dma_semaphore, #tpu.memory_space<semaphore_mem>>) src(%dma_wait3A_144 : memref<640x128xf32, #tpu.memory_space<hbm>>) dst(%dma_wait3A_142 : memref<640x128xf32, #tpu.memory_space<vmem_shared>>)
      tpu.yield
    }) : () -> ()
    %add3A_20 = arith.constant 0 : i32
    %add3A_21 = arith.addi %select_n3A, %add3A_20 : i32
    %dma_start3A = arith.constant 0 : i32
    %dma_start3A_22 = arith.constant 0 : i32
    %dma_start3A_23 = arith.constant 0 : i32
    %dma_start3A_24 = arith.constant 0 : i32
    %dma_start3A_25 = tpu.memref_slice %arg6[%dma_start3A, %dma_start3A_22, %dma_start3A_23, %dma_start3A_24] : memref<2x4x2x128xi32, #tpu.memory_space<vmem>> -> memref<1x4x2x128xi32, #tpu.memory_space<vmem>>
    %dma_start3A_26 = tpu.memref_squeeze %dma_start3A_25 : memref<1x4x2x128xi32, #tpu.memory_space<vmem>> -> memref<4x2x128xi32, #tpu.memory_space<vmem>>
    %dma_start3A_27 = arith.constant 0 : i32
    %dma_start3A_28 = arith.constant 0 : i32
    %dma_start3A_29 = tpu.memref_slice %arg3[%add3A_19, %add3A_21, %dma_start3A_27, %dma_start3A_28] : memref<2x1288x2x128xi32, #tpu.memory_space<hbm>> -> memref<1x4x2x128xi32, #tpu.memory_space<hbm>>
    %dma_start3A_30 = tpu.memref_squeeze %dma_start3A_29 : memref<1x4x2x128xi32, #tpu.memory_space<hbm>> -> memref<4x2x128xi32, #tpu.memory_space<hbm>>
    %dma_start3A_31 = arith.constant 0 : i32
    %dma_start3A_32 = arith.constant 0 : i32
    %dma_start3A_33 = arith.constant 0 : i32
    %dma_start3A_34 = tpu.memref_slice %arg6[%dma_start3A, %dma_start3A_31, %dma_start3A_32, %dma_start3A_33] : memref<2x4x2x128xi32, #tpu.memory_space<vmem>> -> memref<1x4x2x128xi32, #tpu.memory_space<vmem>>
    %dma_start3A_35 = tpu.memref_squeeze %dma_start3A_34 : memref<1x4x2x128xi32, #tpu.memory_space<vmem>> -> memref<4x2x128xi32, #tpu.memory_space<vmem>>
    %dma_start3A_36 = arith.constant 0 : i32
    %dma_start3A_37 = arith.constant 0 : i32
    %dma_start3A_38 = tpu.memref_slice %arg3[%add3A_19, %add3A_21, %dma_start3A_36, %dma_start3A_37] : memref<2x1288x2x128xi32, #tpu.memory_space<hbm>> -> memref<1x4x2x128xi32, #tpu.memory_space<hbm>>
    %dma_start3A_39 = tpu.memref_squeeze %dma_start3A_38 : memref<1x4x2x128xi32, #tpu.memory_space<hbm>> -> memref<4x2x128xi32, #tpu.memory_space<hbm>>
    tpu.enqueue_dma source(%dma_start3A_39 : memref<4x2x128xi32, #tpu.memory_space<hbm>>) target(%dma_start3A_35 : memref<4x2x128xi32, #tpu.memory_space<vmem>>) target_semaphore(%arg11 : memref<!tpu.dma_semaphore, #tpu.memory_space<semaphore_mem>>)
    %add3A_40 = arith.constant 4 : i32
    %add3A_41 = arith.addi %select_n3A, %add3A_40 : i32
    %dma_start3A_42 = arith.constant 1 : i32
    %dma_start3A_43 = arith.constant 0 : i32
    %dma_start3A_44 = arith.constant 0 : i32
    %dma_start3A_45 = arith.constant 0 : i32
    %dma_start3A_46 = tpu.memref_slice %arg6[%dma_start3A_42, %dma_start3A_43, %dma_start3A_44, %dma_start3A_45] : memref<2x4x2x128xi32, #tpu.memory_space<vmem>> -> memref<1x4x2x128xi32, #tpu.memory_space<vmem>>
    %dma_start3A_47 = tpu.memref_squeeze %dma_start3A_46 : memref<1x4x2x128xi32, #tpu.memory_space<vmem>> -> memref<4x2x128xi32, #tpu.memory_space<vmem>>
    %dma_start3A_48 = arith.constant 0 : i32
    %dma_start3A_49 = arith.constant 0 : i32
    %dma_start3A_50 = tpu.memref_slice %arg3[%add3A_19, %add3A_41, %dma_start3A_48, %dma_start3A_49] : memref<2x1288x2x128xi32, #tpu.memory_space<hbm>> -> memref<1x4x2x128xi32, #tpu.memory_space<hbm>>
    %dma_start3A_51 = tpu.memref_squeeze %dma_start3A_50 : memref<1x4x2x128xi32, #tpu.memory_space<hbm>> -> memref<4x2x128xi32, #tpu.memory_space<hbm>>
    %dma_start3A_52 = arith.constant 0 : i32
    %dma_start3A_53 = arith.constant 0 : i32
    %dma_start3A_54 = arith.constant 0 : i32
    %dma_start3A_55 = tpu.memref_slice %arg6[%dma_start3A_42, %dma_start3A_52, %dma_start3A_53, %dma_start3A_54] : memref<2x4x2x128xi32, #tpu.memory_space<vmem>> -> memref<1x4x2x128xi32, #tpu.memory_space<vmem>>
    %dma_start3A_56 = tpu.memref_squeeze %dma_start3A_55 : memref<1x4x2x128xi32, #tpu.memory_space<vmem>> -> memref<4x2x128xi32, #tpu.memory_space<vmem>>
    %dma_start3A_57 = arith.constant 0 : i32
    %dma_start3A_58 = arith.constant 0 : i32
    %dma_start3A_59 = tpu.memref_slice %arg3[%add3A_19, %add3A_41, %dma_start3A_57, %dma_start3A_58] : memref<2x1288x2x128xi32, #tpu.memory_space<hbm>> -> memref<1x4x2x128xi32, #tpu.memory_space<hbm>>
    %dma_start3A_60 = tpu.memref_squeeze %dma_start3A_59 : memref<1x4x2x128xi32, #tpu.memory_space<hbm>> -> memref<4x2x128xi32, #tpu.memory_space<hbm>>
    tpu.enqueue_dma source(%dma_start3A_60 : memref<4x2x128xi32, #tpu.memory_space<hbm>>) target(%dma_start3A_56 : memref<4x2x128xi32, #tpu.memory_space<vmem>>) target_semaphore(%arg12 : memref<!tpu.dma_semaphore, #tpu.memory_space<semaphore_mem>>)
    %add3A_61 = arith.constant 0 : i32
    %add3A_62 = arith.addi %select_n3A, %add3A_61 : i32
    %dma_wait3A = arith.constant 0 : i32
    %dma_wait3A_63 = arith.constant 0 : i32
    %dma_wait3A_64 = arith.constant 0 : i32
    %dma_wait3A_65 = arith.constant 0 : i32
    %dma_wait3A_66 = tpu.memref_slice %arg6[%dma_wait3A, %dma_wait3A_63, %dma_wait3A_64, %dma_wait3A_65] : memref<2x4x2x128xi32, #tpu.memory_space<vmem>> -> memref<1x4x2x128xi32, #tpu.memory_space<vmem>>
    %dma_wait3A_67 = tpu.memref_squeeze %dma_wait3A_66 : memref<1x4x2x128xi32, #tpu.memory_space<vmem>> -> memref<4x2x128xi32, #tpu.memory_space<vmem>>
    %dma_wait3A_68 = arith.constant 0 : i32
    %dma_wait3A_69 = arith.constant 0 : i32
    %dma_wait3A_70 = tpu.memref_slice %arg3[%add3A_19, %add3A_62, %dma_wait3A_68, %dma_wait3A_69] : memref<2x1288x2x128xi32, #tpu.memory_space<hbm>> -> memref<1x4x2x128xi32, #tpu.memory_space<hbm>>
    %dma_wait3A_71 = tpu.memref_squeeze %dma_wait3A_70 : memref<1x4x2x128xi32, #tpu.memory_space<hbm>> -> memref<4x2x128xi32, #tpu.memory_space<hbm>>
    %dma_wait3A_72 = arith.constant 0 : i32
    %dma_wait3A_73 = arith.constant 0 : i32
    %dma_wait3A_74 = arith.constant 0 : i32
    %dma_wait3A_75 = tpu.memref_slice %arg6[%dma_wait3A, %dma_wait3A_72, %dma_wait3A_73, %dma_wait3A_74] : memref<2x4x2x128xi32, #tpu.memory_space<vmem>> -> memref<1x4x2x128xi32, #tpu.memory_space<vmem>>
    %dma_wait3A_76 = tpu.memref_squeeze %dma_wait3A_75 : memref<1x4x2x128xi32, #tpu.memory_space<vmem>> -> memref<4x2x128xi32, #tpu.memory_space<vmem>>
    %dma_wait3A_77 = arith.constant 0 : i32
    %dma_wait3A_78 = arith.constant 0 : i32
    %dma_wait3A_79 = tpu.memref_slice %arg3[%add3A_19, %add3A_62, %dma_wait3A_77, %dma_wait3A_78] : memref<2x1288x2x128xi32, #tpu.memory_space<hbm>> -> memref<1x4x2x128xi32, #tpu.memory_space<hbm>>
    %dma_wait3A_80 = tpu.memref_squeeze %dma_wait3A_79 : memref<1x4x2x128xi32, #tpu.memory_space<hbm>> -> memref<4x2x128xi32, #tpu.memory_space<hbm>>
    tpu.wait_dma2 semaphore(%arg11 : memref<!tpu.dma_semaphore, #tpu.memory_space<semaphore_mem>>) src(%dma_wait3A_80 : memref<4x2x128xi32, #tpu.memory_space<hbm>>) dst(%dma_wait3A_76 : memref<4x2x128xi32, #tpu.memory_space<vmem>>)
    %dma_start3A_81 = arith.constant 0 : i32
    %dma_start3A_82 = arith.constant 0 : i32
    %dma_start3A_83 = arith.constant 0 : i32
    %dma_start3A_84 = arith.constant 0 : i32
    %dma_start3A_85 = arith.constant 0 : i32
    %dma_start3A_86 = arith.constant 0 : i32
    %dma_start3A_87 = tpu.memref_slice %arg7[%dma_start3A_84, %dma_start3A_85, %dma_start3A_86] : memref<2x128x128xf32, #tpu.memory_space<vmem>> -> memref<1x128x128xf32, #tpu.memory_space<vmem>>
    %dma_start3A_88 = tpu.memref_squeeze %dma_start3A_87 : memref<1x128x128xf32, #tpu.memory_space<vmem>> -> memref<128x128xf32, #tpu.memory_space<vmem>>
    %dma_start3A_89 = arith.constant 0 : i32
    %dma_start3A_90 = tpu.memref_slice %arg6[%dma_start3A_81, %dma_start3A_82, %dma_start3A_83, %dma_start3A_89] : memref<2x4x2x128xi32, #tpu.memory_space<vmem>> -> memref<1x1x1x128xi32, #tpu.memory_space<vmem>>
    %dma_start3A_91 = tpu.memref_squeeze %dma_start3A_90 : memref<1x1x1x128xi32, #tpu.memory_space<vmem>> -> memref<128xi32, #tpu.memory_space<vmem>>
    %dma_start3A_92 = arith.constant 0 : i32
    %dma_start3A_93 = arith.constant 0 : i32
    %dma_start3A_94 = tpu.memref_slice %arg2[%dma_start3A_92, %dma_start3A_93] : memref<20000x128xf32, #tpu.memory_space<hbm>> -> memref<20000x128xf32, #tpu.memory_space<hbm>>
    tpu.enqueue_indirect_dma source(%dma_start3A_94 : memref<20000x128xf32, #tpu.memory_space<hbm>>) target(%dma_start3A_88 : memref<128x128xf32, #tpu.memory_space<vmem>>) offsets(%dma_start3A_91 : memref<128xi32, #tpu.memory_space<vmem>>) semaphore(%arg9 : memref<!tpu.dma_semaphore, #tpu.memory_space<semaphore_mem>>)
    %barrier3A = arith.constant 0 : index
    tpu.barrier barrier_id(%barrier3A)
    %scan3A = arith.constant 0 : i32
    %scan3A_95 = arith.constant 0 : i32
    %scan3A_96 = arith.constant 10 : i32
    %scan3A_97 = arith.addi %scan3A_95, %scan3A_96 : i32
    %scan3A_98 = arith.constant 1 : i32
    scf.for %scan3A_137 = %scan3A_95 to %scan3A_97 step %scan3A_98  : i32 {
      %mul3A_138 = arith.constant 2 : i32
      %mul3A_139 = arith.muli %scan3A_137, %mul3A_138 : i32
      %dma_start3A_140 = arith.constant 0 : i32
      %dma_start3A_141 = arith.constant 1 : i32
      %dma_start3A_142 = arith.constant 0 : i32
      %dma_start3A_143 = arith.constant 1 : i32
      %dma_start3A_144 = arith.constant 0 : i32
      %dma_start3A_145 = arith.constant 0 : i32
      %dma_start3A_146 = tpu.memref_slice %arg7[%dma_start3A_143, %dma_start3A_144, %dma_start3A_145] : memref<2x128x128xf32, #tpu.memory_space<vmem>> -> memref<1x128x128xf32, #tpu.memory_space<vmem>>
      %dma_start3A_147 = tpu.memref_squeeze %dma_start3A_146 : memref<1x128x128xf32, #tpu.memory_space<vmem>> -> memref<128x128xf32, #tpu.memory_space<vmem>>
      %dma_start3A_148 = arith.constant 0 : i32
      %dma_start3A_149 = tpu.memref_slice %arg6[%dma_start3A_140, %dma_start3A_141, %dma_start3A_142, %dma_start3A_148] : memref<2x4x2x128xi32, #tpu.memory_space<vmem>> -> memref<1x1x1x128xi32, #tpu.memory_space<vmem>>
      %dma_start3A_150 = tpu.memref_squeeze %dma_start3A_149 : memref<1x1x1x128xi32, #tpu.memory_space<vmem>> -> memref<128xi32, #tpu.memory_space<vmem>>
      %dma_start3A_151 = arith.constant 0 : i32
      %dma_start3A_152 = arith.constant 0 : i32
      %dma_start3A_153 = tpu.memref_slice %arg2[%dma_start3A_151, %dma_start3A_152] : memref<20000x128xf32, #tpu.memory_space<hbm>> -> memref<20000x128xf32, #tpu.memory_space<hbm>>
      tpu.enqueue_indirect_dma source(%dma_start3A_153 : memref<20000x128xf32, #tpu.memory_space<hbm>>) target(%dma_start3A_147 : memref<128x128xf32, #tpu.memory_space<vmem>>) offsets(%dma_start3A_150 : memref<128xi32, #tpu.memory_space<vmem>>) semaphore(%arg10 : memref<!tpu.dma_semaphore, #tpu.memory_space<semaphore_mem>>)
      %dma_wait3A_154 = arith.constant 0 : i32
      %dma_wait3A_155 = arith.constant 0 : i32
      %dma_wait3A_156 = arith.constant 0 : i32
      %dma_wait3A_157 = arith.constant 0 : i32
      %dma_wait3A_158 = arith.constant 0 : i32
      %dma_wait3A_159 = arith.constant 0 : i32
      %dma_wait3A_160 = tpu.memref_slice %arg7[%dma_wait3A_157, %dma_wait3A_158, %dma_wait3A_159] : memref<2x128x128xf32, #tpu.memory_space<vmem>> -> memref<1x128x128xf32, #tpu.memory_space<vmem>>
      %dma_wait3A_161 = tpu.memref_squeeze %dma_wait3A_160 : memref<1x128x128xf32, #tpu.memory_space<vmem>> -> memref<128x128xf32, #tpu.memory_space<vmem>>
      %dma_wait3A_162 = arith.constant 0 : i32
      %dma_wait3A_163 = tpu.memref_slice %arg6[%dma_wait3A_154, %dma_wait3A_155, %dma_wait3A_156, %dma_wait3A_162] : memref<2x4x2x128xi32, #tpu.memory_space<vmem>> -> memref<1x1x1x128xi32, #tpu.memory_space<vmem>>
      %dma_wait3A_164 = tpu.memref_squeeze %dma_wait3A_163 : memref<1x1x1x128xi32, #tpu.memory_space<vmem>> -> memref<128xi32, #tpu.memory_space<vmem>>
      %dma_wait3A_165 = arith.constant 0 : i32
      %dma_wait3A_166 = arith.constant 0 : i32
      %dma_wait3A_167 = tpu.memref_slice %arg2[%dma_wait3A_165, %dma_wait3A_166] : memref<20000x128xf32, #tpu.memory_space<hbm>> -> memref<20000x128xf32, #tpu.memory_space<hbm>>
      tpu.wait_indirect_dma semaphore(%arg9 : memref<!tpu.dma_semaphore, #tpu.memory_space<semaphore_mem>>) src(%dma_wait3A_167 : memref<20000x128xf32, #tpu.memory_space<hbm>>) dst(%dma_wait3A_161 : memref<128x128xf32, #tpu.memory_space<vmem>>)
      %run_scoped3A = arith.constant 0 : i32
      %run_scoped3A_168 = arith.constant 0 : i32
      %run_scoped3A_169 = arith.constant 0 : i32
      %run_scoped3A_170 = arith.constant 1 : i32
      "tpu.region"() ({
        %run_scoped3A_493 = tpu.sem_alloc : memref<!tpu.dma_semaphore, #tpu.memory_space<semaphore_mem>>
        %dma_start3A_494 = arith.constant 0 : i32
        %dma_start3A_495 = arith.constant 0 : i32
        %dma_start3A_496 = tpu.memref_slice %arg7[%run_scoped3A, %dma_start3A_494, %dma_start3A_495] : memref<2x128x128xf32, #tpu.memory_space<vmem>> -> memref<1x128x128xf32, #tpu.memory_space<vmem>>
        %dma_start3A_497 = tpu.memref_squeeze %dma_start3A_496 : memref<1x128x128xf32, #tpu.memory_space<vmem>> -> memref<128x128xf32, #tpu.memory_space<vmem>>
        %dma_start3A_498 = arith.constant 0 : i32
        %dma_start3A_499 = tpu.memref_slice %arg6[%run_scoped3A_168, %run_scoped3A_169, %run_scoped3A_170, %dma_start3A_498] : memref<2x4x2x128xi32, #tpu.memory_space<vmem>> -> memref<1x1x1x128xi32, #tpu.memory_space<vmem>>
        %dma_start3A_500 = tpu.memref_squeeze %dma_start3A_499 : memref<1x1x1x128xi32, #tpu.memory_space<vmem>> -> memref<128xi32, #tpu.memory_space<vmem>>
        %dma_start3A_501 = arith.constant 0 : i32
        %dma_start3A_502 = arith.constant 0 : i32
        %dma_start3A_503 = tpu.memref_slice %arg8[%dma_start3A_501, %dma_start3A_502] : memref<10240x128xf32, #tpu.memory_space<vmem_shared>> -> memref<10240x128xf32, #tpu.memory_space<vmem_shared>>
        tpu.enqueue_indirect_dma source(%dma_start3A_497 : memref<128x128xf32, #tpu.memory_space<vmem>>) target(%dma_start3A_503 : memref<10240x128xf32, #tpu.memory_space<vmem_shared>>) offsets(%dma_start3A_500 : memref<128xi32, #tpu.memory_space<vmem>>) semaphore(%run_scoped3A_493 : memref<!tpu.dma_semaphore, #tpu.memory_space<semaphore_mem>>) {add = true}
        %dma_wait3A_504 = arith.constant 0 : i32
        %dma_wait3A_505 = arith.constant 0 : i32
        %dma_wait3A_506 = tpu.memref_slice %arg7[%run_scoped3A, %dma_wait3A_504, %dma_wait3A_505] : memref<2x128x128xf32, #tpu.memory_space<vmem>> -> memref<1x128x128xf32, #tpu.memory_space<vmem>>
        %dma_wait3A_507 = tpu.memref_squeeze %dma_wait3A_506 : memref<1x128x128xf32, #tpu.memory_space<vmem>> -> memref<128x128xf32, #tpu.memory_space<vmem>>
        %dma_wait3A_508 = arith.constant 0 : i32
        %dma_wait3A_509 = tpu.memref_slice %arg6[%run_scoped3A_168, %run_scoped3A_169, %run_scoped3A_170, %dma_wait3A_508] : memref<2x4x2x128xi32, #tpu.memory_space<vmem>> -> memref<1x1x1x128xi32, #tpu.memory_space<vmem>>
        %dma_wait3A_510 = tpu.memref_squeeze %dma_wait3A_509 : memref<1x1x1x128xi32, #tpu.memory_space<vmem>> -> memref<128xi32, #tpu.memory_space<vmem>>
        %dma_wait3A_511 = arith.constant 0 : i32
        %dma_wait3A_512 = arith.constant 0 : i32
        %dma_wait3A_513 = tpu.memref_slice %arg8[%dma_wait3A_511, %dma_wait3A_512] : memref<10240x128xf32, #tpu.memory_space<vmem_shared>> -> memref<10240x128xf32, #tpu.memory_space<vmem_shared>>
        tpu.wait_indirect_dma semaphore(%run_scoped3A_493 : memref<!tpu.dma_semaphore, #tpu.memory_space<semaphore_mem>>) src(%dma_wait3A_507 : memref<128x128xf32, #tpu.memory_space<vmem>>) dst(%dma_wait3A_513 : memref<10240x128xf32, #tpu.memory_space<vmem_shared>>)
        tpu.yield
      }) : () -> ()
      %dma_start3A_171 = arith.constant 0 : i32
      %dma_start3A_172 = arith.constant 2 : i32
      %dma_start3A_173 = arith.constant 0 : i32
      %dma_start3A_174 = arith.constant 0 : i32
      %dma_start3A_175 = arith.constant 0 : i32
      %dma_start3A_176 = arith.constant 0 : i32
      %dma_start3A_177 = tpu.memref_slice %arg7[%dma_start3A_174, %dma_start3A_175, %dma_start3A_176] : memref<2x128x128xf32, #tpu.memory_space<vmem>> -> memref<1x128x128xf32, #tpu.memory_space<vmem>>
      %dma_start3A_178 = tpu.memref_squeeze %dma_start3A_177 : memref<1x128x128xf32, #tpu.memory_space<vmem>> -> memref<128x128xf32, #tpu.memory_space<vmem>>
      %dma_start3A_179 = arith.constant 0 : i32
      %dma_start3A_180 = tpu.memref_slice %arg6[%dma_start3A_171, %dma_start3A_172, %dma_start3A_173, %dma_start3A_179] : memref<2x4x2x128xi32, #tpu.memory_space<vmem>> -> memref<1x1x1x128xi32, #tpu.memory_space<vmem>>
      %dma_start3A_181 = tpu.memref_squeeze %dma_start3A_180 : memref<1x1x1x128xi32, #tpu.memory_space<vmem>> -> memref<128xi32, #tpu.memory_space<vmem>>
      %dma_start3A_182 = arith.constant 0 : i32
      %dma_start3A_183 = arith.constant 0 : i32
      %dma_start3A_184 = tpu.memref_slice %arg2[%dma_start3A_182, %dma_start3A_183] : memref<20000x128xf32, #tpu.memory_space<hbm>> -> memref<20000x128xf32, #tpu.memory_space<hbm>>
      tpu.enqueue_indirect_dma source(%dma_start3A_184 : memref<20000x128xf32, #tpu.memory_space<hbm>>) target(%dma_start3A_178 : memref<128x128xf32, #tpu.memory_space<vmem>>) offsets(%dma_start3A_181 : memref<128xi32, #tpu.memory_space<vmem>>) semaphore(%arg9 : memref<!tpu.dma_semaphore, #tpu.memory_space<semaphore_mem>>)
      %dma_wait3A_185 = arith.constant 0 : i32
      %dma_wait3A_186 = arith.constant 1 : i32
      %dma_wait3A_187 = arith.constant 0 : i32
      %dma_wait3A_188 = arith.constant 1 : i32
      %dma_wait3A_189 = arith.constant 0 : i32
      %dma_wait3A_190 = arith.constant 0 : i32
      %dma_wait3A_191 = tpu.memref_slice %arg7[%dma_wait3A_188, %dma_wait3A_189, %dma_wait3A_190] : memref<2x128x128xf32, #tpu.memory_space<vmem>> -> memref<1x128x128xf32, #tpu.memory_space<vmem>>
      %dma_wait3A_192 = tpu.memref_squeeze %dma_wait3A_191 : memref<1x128x128xf32, #tpu.memory_space<vmem>> -> memref<128x128xf32, #tpu.memory_space<vmem>>
      %dma_wait3A_193 = arith.constant 0 : i32
      %dma_wait3A_194 = tpu.memref_slice %arg6[%dma_wait3A_185, %dma_wait3A_186, %dma_wait3A_187, %dma_wait3A_193] : memref<2x4x2x128xi32, #tpu.memory_space<vmem>> -> memref<1x1x1x128xi32, #tpu.memory_space<vmem>>
      %dma_wait3A_195 = tpu.memref_squeeze %dma_wait3A_194 : memref<1x1x1x128xi32, #tpu.memory_space<vmem>> -> memref<128xi32, #tpu.memory_space<vmem>>
      %dma_wait3A_196 = arith.constant 0 : i32
      %dma_wait3A_197 = arith.constant 0 : i32
      %dma_wait3A_198 = tpu.memref_slice %arg2[%dma_wait3A_196, %dma_wait3A_197] : memref<20000x128xf32, #tpu.memory_space<hbm>> -> memref<20000x128xf32, #tpu.memory_space<hbm>>
      tpu.wait_indirect_dma semaphore(%arg10 : memref<!tpu.dma_semaphore, #tpu.memory_space<semaphore_mem>>) src(%dma_wait3A_198 : memref<20000x128xf32, #tpu.memory_space<hbm>>) dst(%dma_wait3A_192 : memref<128x128xf32, #tpu.memory_space<vmem>>)
      %run_scoped3A_199 = arith.constant 1 : i32
      %run_scoped3A_200 = arith.constant 0 : i32
      %run_scoped3A_201 = arith.constant 1 : i32
      %run_scoped3A_202 = arith.constant 1 : i32
      "tpu.region"() ({
        %run_scoped3A_493 = tpu.sem_alloc : memref<!tpu.dma_semaphore, #tpu.memory_space<semaphore_mem>>
        %dma_start3A_494 = arith.constant 0 : i32
        %dma_start3A_495 = arith.constant 0 : i32
        %dma_start3A_496 = tpu.memref_slice %arg7[%run_scoped3A_199, %dma_start3A_494, %dma_start3A_495] : memref<2x128x128xf32, #tpu.memory_space<vmem>> -> memref<1x128x128xf32, #tpu.memory_space<vmem>>
        %dma_start3A_497 = tpu.memref_squeeze %dma_start3A_496 : memref<1x128x128xf32, #tpu.memory_space<vmem>> -> memref<128x128xf32, #tpu.memory_space<vmem>>
        %dma_start3A_498 = arith.constant 0 : i32
        %dma_start3A_499 = tpu.memref_slice %arg6[%run_scoped3A_200, %run_scoped3A_201, %run_scoped3A_202, %dma_start3A_498] : memref<2x4x2x128xi32, #tpu.memory_space<vmem>> -> memref<1x1x1x128xi32, #tpu.memory_space<vmem>>
        %dma_start3A_500 = tpu.memref_squeeze %dma_start3A_499 : memref<1x1x1x128xi32, #tpu.memory_space<vmem>> -> memref<128xi32, #tpu.memory_space<vmem>>
        %dma_start3A_501 = arith.constant 0 : i32
        %dma_start3A_502 = arith.constant 0 : i32
        %dma_start3A_503 = tpu.memref_slice %arg8[%dma_start3A_501, %dma_start3A_502] : memref<10240x128xf32, #tpu.memory_space<vmem_shared>> -> memref<10240x128xf32, #tpu.memory_space<vmem_shared>>
        tpu.enqueue_indirect_dma source(%dma_start3A_497 : memref<128x128xf32, #tpu.memory_space<vmem>>) target(%dma_start3A_503 : memref<10240x128xf32, #tpu.memory_space<vmem_shared>>) offsets(%dma_start3A_500 : memref<128xi32, #tpu.memory_space<vmem>>) semaphore(%run_scoped3A_493 : memref<!tpu.dma_semaphore, #tpu.memory_space<semaphore_mem>>) {add = true}
        %dma_wait3A_504 = arith.constant 0 : i32
        %dma_wait3A_505 = arith.constant 0 : i32
        %dma_wait3A_506 = tpu.memref_slice %arg7[%run_scoped3A_199, %dma_wait3A_504, %dma_wait3A_505] : memref<2x128x128xf32, #tpu.memory_space<vmem>> -> memref<1x128x128xf32, #tpu.memory_space<vmem>>
        %dma_wait3A_507 = tpu.memref_squeeze %dma_wait3A_506 : memref<1x128x128xf32, #tpu.memory_space<vmem>> -> memref<128x128xf32, #tpu.memory_space<vmem>>
        %dma_wait3A_508 = arith.constant 0 : i32
        %dma_wait3A_509 = tpu.memref_slice %arg6[%run_scoped3A_200, %run_scoped3A_201, %run_scoped3A_202, %dma_wait3A_508] : memref<2x4x2x128xi32, #tpu.memory_space<vmem>> -> memref<1x1x1x128xi32, #tpu.memory_space<vmem>>
        %dma_wait3A_510 = tpu.memref_squeeze %dma_wait3A_509 : memref<1x1x1x128xi32, #tpu.memory_space<vmem>> -> memref<128xi32, #tpu.memory_space<vmem>>
        %dma_wait3A_511 = arith.constant 0 : i32
        %dma_wait3A_512 = arith.constant 0 : i32
        %dma_wait3A_513 = tpu.memref_slice %arg8[%dma_wait3A_511, %dma_wait3A_512] : memref<10240x128xf32, #tpu.memory_space<vmem_shared>> -> memref<10240x128xf32, #tpu.memory_space<vmem_shared>>
        tpu.wait_indirect_dma semaphore(%run_scoped3A_493 : memref<!tpu.dma_semaphore, #tpu.memory_space<semaphore_mem>>) src(%dma_wait3A_507 : memref<128x128xf32, #tpu.memory_space<vmem>>) dst(%dma_wait3A_513 : memref<10240x128xf32, #tpu.memory_space<vmem_shared>>)
        tpu.yield
      }) : () -> ()
      %dma_start3A_203 = arith.constant 0 : i32
      %dma_start3A_204 = arith.constant 3 : i32
      %dma_start3A_205 = arith.constant 0 : i32
      %dma_start3A_206 = arith.constant 1 : i32
      %dma_start3A_207 = arith.constant 0 : i32
      %dma_start3A_208 = arith.constant 0 : i32
      %dma_start3A_209 = tpu.memref_slice %arg7[%dma_start3A_206, %dma_start3A_207, %dma_start3A_208] : memref<2x128x128xf32, #tpu.memory_space<vmem>> -> memref<1x128x128xf32, #tpu.memory_space<vmem>>
      %dma_start3A_210 = tpu.memref_squeeze %dma_start3A_209 : memref<1x128x128xf32, #tpu.memory_space<vmem>> -> memref<128x128xf32, #tpu.memory_space<vmem>>
      %dma_start3A_211 = arith.constant 0 : i32
      %dma_start3A_212 = tpu.memref_slice %arg6[%dma_start3A_203, %dma_start3A_204, %dma_start3A_205, %dma_start3A_211] : memref<2x4x2x128xi32, #tpu.memory_space<vmem>> -> memref<1x1x1x128xi32, #tpu.memory_space<vmem>>
      %dma_start3A_213 = tpu.memref_squeeze %dma_start3A_212 : memref<1x1x1x128xi32, #tpu.memory_space<vmem>> -> memref<128xi32, #tpu.memory_space<vmem>>
      %dma_start3A_214 = arith.constant 0 : i32
      %dma_start3A_215 = arith.constant 0 : i32
      %dma_start3A_216 = tpu.memref_slice %arg2[%dma_start3A_214, %dma_start3A_215] : memref<20000x128xf32, #tpu.memory_space<hbm>> -> memref<20000x128xf32, #tpu.memory_space<hbm>>
      tpu.enqueue_indirect_dma source(%dma_start3A_216 : memref<20000x128xf32, #tpu.memory_space<hbm>>) target(%dma_start3A_210 : memref<128x128xf32, #tpu.memory_space<vmem>>) offsets(%dma_start3A_213 : memref<128xi32, #tpu.memory_space<vmem>>) semaphore(%arg10 : memref<!tpu.dma_semaphore, #tpu.memory_space<semaphore_mem>>)
      %dma_wait3A_217 = arith.constant 0 : i32
      %dma_wait3A_218 = arith.constant 2 : i32
      %dma_wait3A_219 = arith.constant 0 : i32
      %dma_wait3A_220 = arith.constant 0 : i32
      %dma_wait3A_221 = arith.constant 0 : i32
      %dma_wait3A_222 = arith.constant 0 : i32
      %dma_wait3A_223 = tpu.memref_slice %arg7[%dma_wait3A_220, %dma_wait3A_221, %dma_wait3A_222] : memref<2x128x128xf32, #tpu.memory_space<vmem>> -> memref<1x128x128xf32, #tpu.memory_space<vmem>>
      %dma_wait3A_224 = tpu.memref_squeeze %dma_wait3A_223 : memref<1x128x128xf32, #tpu.memory_space<vmem>> -> memref<128x128xf32, #tpu.memory_space<vmem>>
      %dma_wait3A_225 = arith.constant 0 : i32
      %dma_wait3A_226 = tpu.memref_slice %arg6[%dma_wait3A_217, %dma_wait3A_218, %dma_wait3A_219, %dma_wait3A_225] : memref<2x4x2x128xi32, #tpu.memory_space<vmem>> -> memref<1x1x1x128xi32, #tpu.memory_space<vmem>>
      %dma_wait3A_227 = tpu.memref_squeeze %dma_wait3A_226 : memref<1x1x1x128xi32, #tpu.memory_space<vmem>> -> memref<128xi32, #tpu.memory_space<vmem>>
      %dma_wait3A_228 = arith.constant 0 : i32
      %dma_wait3A_229 = arith.constant 0 : i32
      %dma_wait3A_230 = tpu.memref_slice %arg2[%dma_wait3A_228, %dma_wait3A_229] : memref<20000x128xf32, #tpu.memory_space<hbm>> -> memref<20000x128xf32, #tpu.memory_space<hbm>>
      tpu.wait_indirect_dma semaphore(%arg9 : memref<!tpu.dma_semaphore, #tpu.memory_space<semaphore_mem>>) src(%dma_wait3A_230 : memref<20000x128xf32, #tpu.memory_space<hbm>>) dst(%dma_wait3A_224 : memref<128x128xf32, #tpu.memory_space<vmem>>)
      %run_scoped3A_231 = arith.constant 0 : i32
      %run_scoped3A_232 = arith.constant 0 : i32
      %run_scoped3A_233 = arith.constant 2 : i32
      %run_scoped3A_234 = arith.constant 1 : i32
      "tpu.region"() ({
        %run_scoped3A_493 = tpu.sem_alloc : memref<!tpu.dma_semaphore, #tpu.memory_space<semaphore_mem>>
        %dma_start3A_494 = arith.constant 0 : i32
        %dma_start3A_495 = arith.constant 0 : i32
        %dma_start3A_496 = tpu.memref_slice %arg7[%run_scoped3A_231, %dma_start3A_494, %dma_start3A_495] : memref<2x128x128xf32, #tpu.memory_space<vmem>> -> memref<1x128x128xf32, #tpu.memory_space<vmem>>
        %dma_start3A_497 = tpu.memref_squeeze %dma_start3A_496 : memref<1x128x128xf32, #tpu.memory_space<vmem>> -> memref<128x128xf32, #tpu.memory_space<vmem>>
        %dma_start3A_498 = arith.constant 0 : i32
        %dma_start3A_499 = tpu.memref_slice %arg6[%run_scoped3A_232, %run_scoped3A_233, %run_scoped3A_234, %dma_start3A_498] : memref<2x4x2x128xi32, #tpu.memory_space<vmem>> -> memref<1x1x1x128xi32, #tpu.memory_space<vmem>>
        %dma_start3A_500 = tpu.memref_squeeze %dma_start3A_499 : memref<1x1x1x128xi32, #tpu.memory_space<vmem>> -> memref<128xi32, #tpu.memory_space<vmem>>
        %dma_start3A_501 = arith.constant 0 : i32
        %dma_start3A_502 = arith.constant 0 : i32
        %dma_start3A_503 = tpu.memref_slice %arg8[%dma_start3A_501, %dma_start3A_502] : memref<10240x128xf32, #tpu.memory_space<vmem_shared>> -> memref<10240x128xf32, #tpu.memory_space<vmem_shared>>
        tpu.enqueue_indirect_dma source(%dma_start3A_497 : memref<128x128xf32, #tpu.memory_space<vmem>>) target(%dma_start3A_503 : memref<10240x128xf32, #tpu.memory_space<vmem_shared>>) offsets(%dma_start3A_500 : memref<128xi32, #tpu.memory_space<vmem>>) semaphore(%run_scoped3A_493 : memref<!tpu.dma_semaphore, #tpu.memory_space<semaphore_mem>>) {add = true}
        %dma_wait3A_504 = arith.constant 0 : i32
        %dma_wait3A_505 = arith.constant 0 : i32
        %dma_wait3A_506 = tpu.memref_slice %arg7[%run_scoped3A_231, %dma_wait3A_504, %dma_wait3A_505] : memref<2x128x128xf32, #tpu.memory_space<vmem>> -> memref<1x128x128xf32, #tpu.memory_space<vmem>>
        %dma_wait3A_507 = tpu.memref_squeeze %dma_wait3A_506 : memref<1x128x128xf32, #tpu.memory_space<vmem>> -> memref<128x128xf32, #tpu.memory_space<vmem>>
        %dma_wait3A_508 = arith.constant 0 : i32
        %dma_wait3A_509 = tpu.memref_slice %arg6[%run_scoped3A_232, %run_scoped3A_233, %run_scoped3A_234, %dma_wait3A_508] : memref<2x4x2x128xi32, #tpu.memory_space<vmem>> -> memref<1x1x1x128xi32, #tpu.memory_space<vmem>>
        %dma_wait3A_510 = tpu.memref_squeeze %dma_wait3A_509 : memref<1x1x1x128xi32, #tpu.memory_space<vmem>> -> memref<128xi32, #tpu.memory_space<vmem>>
        %dma_wait3A_511 = arith.constant 0 : i32
        %dma_wait3A_512 = arith.constant 0 : i32
        %dma_wait3A_513 = tpu.memref_slice %arg8[%dma_wait3A_511, %dma_wait3A_512] : memref<10240x128xf32, #tpu.memory_space<vmem_shared>> -> memref<10240x128xf32, #tpu.memory_space<vmem_shared>>
        tpu.wait_indirect_dma semaphore(%run_scoped3A_493 : memref<!tpu.dma_semaphore, #tpu.memory_space<semaphore_mem>>) src(%dma_wait3A_507 : memref<128x128xf32, #tpu.memory_space<vmem>>) dst(%dma_wait3A_513 : memref<10240x128xf32, #tpu.memory_space<vmem_shared>>)
        tpu.yield
      }) : () -> ()
      %add3A_235 = arith.constant 1 : i32
      %add3A_236 = arith.addi %mul3A_139, %add3A_235 : i32
      %mul3A_237 = arith.constant 4 : i32
      %mul3A_238 = arith.muli %add3A_236, %mul3A_237 : i32
      %add3A_239 = arith.addi %select_n3A, %mul3A_238 : i32
      %dma_wait3A_240 = arith.constant 1 : i32
      %dma_wait3A_241 = arith.constant 0 : i32
      %dma_wait3A_242 = arith.constant 0 : i32
      %dma_wait3A_243 = arith.constant 0 : i32
      %dma_wait3A_244 = tpu.memref_slice %arg6[%dma_wait3A_240, %dma_wait3A_241, %dma_wait3A_242, %dma_wait3A_243] : memref<2x4x2x128xi32, #tpu.memory_space<vmem>> -> memref<1x4x2x128xi32, #tpu.memory_space<vmem>>
      %dma_wait3A_245 = tpu.memref_squeeze %dma_wait3A_244 : memref<1x4x2x128xi32, #tpu.memory_space<vmem>> -> memref<4x2x128xi32, #tpu.memory_space<vmem>>
      %dma_wait3A_246 = arith.constant 0 : i32
      %dma_wait3A_247 = arith.constant 0 : i32
      %dma_wait3A_248 = tpu.memref_slice %arg3[%add3A_19, %add3A_239, %dma_wait3A_246, %dma_wait3A_247] : memref<2x1288x2x128xi32, #tpu.memory_space<hbm>> -> memref<1x4x2x128xi32, #tpu.memory_space<hbm>>
      %dma_wait3A_249 = tpu.memref_squeeze %dma_wait3A_248 : memref<1x4x2x128xi32, #tpu.memory_space<hbm>> -> memref<4x2x128xi32, #tpu.memory_space<hbm>>
      %dma_wait3A_250 = arith.constant 0 : i32
      %dma_wait3A_251 = arith.constant 0 : i32
      %dma_wait3A_252 = arith.constant 0 : i32
      %dma_wait3A_253 = tpu.memref_slice %arg6[%dma_wait3A_240, %dma_wait3A_250, %dma_wait3A_251, %dma_wait3A_252] : memref<2x4x2x128xi32, #tpu.memory_space<vmem>> -> memref<1x4x2x128xi32, #tpu.memory_space<vmem>>
      %dma_wait3A_254 = tpu.memref_squeeze %dma_wait3A_253 : memref<1x4x2x128xi32, #tpu.memory_space<vmem>> -> memref<4x2x128xi32, #tpu.memory_space<vmem>>
      %dma_wait3A_255 = arith.constant 0 : i32
      %dma_wait3A_256 = arith.constant 0 : i32
      %dma_wait3A_257 = tpu.memref_slice %arg3[%add3A_19, %add3A_239, %dma_wait3A_255, %dma_wait3A_256] : memref<2x1288x2x128xi32, #tpu.memory_space<hbm>> -> memref<1x4x2x128xi32, #tpu.memory_space<hbm>>
      %dma_wait3A_258 = tpu.memref_squeeze %dma_wait3A_257 : memref<1x4x2x128xi32, #tpu.memory_space<hbm>> -> memref<4x2x128xi32, #tpu.memory_space<hbm>>
      tpu.wait_dma2 semaphore(%arg12 : memref<!tpu.dma_semaphore, #tpu.memory_space<semaphore_mem>>) src(%dma_wait3A_258 : memref<4x2x128xi32, #tpu.memory_space<hbm>>) dst(%dma_wait3A_254 : memref<4x2x128xi32, #tpu.memory_space<vmem>>)
      %dma_start3A_259 = arith.constant 1 : i32
      %dma_start3A_260 = arith.constant 0 : i32
      %dma_start3A_261 = arith.constant 0 : i32
      %dma_start3A_262 = arith.constant 0 : i32
      %dma_start3A_263 = arith.constant 0 : i32
      %dma_start3A_264 = arith.constant 0 : i32
      %dma_start3A_265 = tpu.memref_slice %arg7[%dma_start3A_262, %dma_start3A_263, %dma_start3A_264] : memref<2x128x128xf32, #tpu.memory_space<vmem>> -> memref<1x128x128xf32, #tpu.memory_space<vmem>>
      %dma_start3A_266 = tpu.memref_squeeze %dma_start3A_265 : memref<1x128x128xf32, #tpu.memory_space<vmem>> -> memref<128x128xf32, #tpu.memory_space<vmem>>
      %dma_start3A_267 = arith.constant 0 : i32
      %dma_start3A_268 = tpu.memref_slice %arg6[%dma_start3A_259, %dma_start3A_260, %dma_start3A_261, %dma_start3A_267] : memref<2x4x2x128xi32, #tpu.memory_space<vmem>> -> memref<1x1x1x128xi32, #tpu.memory_space<vmem>>
      %dma_start3A_269 = tpu.memref_squeeze %dma_start3A_268 : memref<1x1x1x128xi32, #tpu.memory_space<vmem>> -> memref<128xi32, #tpu.memory_space<vmem>>
      %dma_start3A_270 = arith.constant 0 : i32
      %dma_start3A_271 = arith.constant 0 : i32
      %dma_start3A_272 = tpu.memref_slice %arg2[%dma_start3A_270, %dma_start3A_271] : memref<20000x128xf32, #tpu.memory_space<hbm>> -> memref<20000x128xf32, #tpu.memory_space<hbm>>
      tpu.enqueue_indirect_dma source(%dma_start3A_272 : memref<20000x128xf32, #tpu.memory_space<hbm>>) target(%dma_start3A_266 : memref<128x128xf32, #tpu.memory_space<vmem>>) offsets(%dma_start3A_269 : memref<128xi32, #tpu.memory_space<vmem>>) semaphore(%arg9 : memref<!tpu.dma_semaphore, #tpu.memory_space<semaphore_mem>>)
      %dma_wait3A_273 = arith.constant 0 : i32
      %dma_wait3A_274 = arith.constant 3 : i32
      %dma_wait3A_275 = arith.constant 0 : i32
      %dma_wait3A_276 = arith.constant 1 : i32
      %dma_wait3A_277 = arith.constant 0 : i32
      %dma_wait3A_278 = arith.constant 0 : i32
      %dma_wait3A_279 = tpu.memref_slice %arg7[%dma_wait3A_276, %dma_wait3A_277, %dma_wait3A_278] : memref<2x128x128xf32, #tpu.memory_space<vmem>> -> memref<1x128x128xf32, #tpu.memory_space<vmem>>
      %dma_wait3A_280 = tpu.memref_squeeze %dma_wait3A_279 : memref<1x128x128xf32, #tpu.memory_space<vmem>> -> memref<128x128xf32, #tpu.memory_space<vmem>>
      %dma_wait3A_281 = arith.constant 0 : i32
      %dma_wait3A_282 = tpu.memref_slice %arg6[%dma_wait3A_273, %dma_wait3A_274, %dma_wait3A_275, %dma_wait3A_281] : memref<2x4x2x128xi32, #tpu.memory_space<vmem>> -> memref<1x1x1x128xi32, #tpu.memory_space<vmem>>
      %dma_wait3A_283 = tpu.memref_squeeze %dma_wait3A_282 : memref<1x1x1x128xi32, #tpu.memory_space<vmem>> -> memref<128xi32, #tpu.memory_space<vmem>>
      %dma_wait3A_284 = arith.constant 0 : i32
      %dma_wait3A_285 = arith.constant 0 : i32
      %dma_wait3A_286 = tpu.memref_slice %arg2[%dma_wait3A_284, %dma_wait3A_285] : memref<20000x128xf32, #tpu.memory_space<hbm>> -> memref<20000x128xf32, #tpu.memory_space<hbm>>
      tpu.wait_indirect_dma semaphore(%arg10 : memref<!tpu.dma_semaphore, #tpu.memory_space<semaphore_mem>>) src(%dma_wait3A_286 : memref<20000x128xf32, #tpu.memory_space<hbm>>) dst(%dma_wait3A_280 : memref<128x128xf32, #tpu.memory_space<vmem>>)
      %run_scoped3A_287 = arith.constant 1 : i32
      %run_scoped3A_288 = arith.constant 0 : i32
      %run_scoped3A_289 = arith.constant 3 : i32
      %run_scoped3A_290 = arith.constant 1 : i32
      "tpu.region"() ({
        %run_scoped3A_493 = tpu.sem_alloc : memref<!tpu.dma_semaphore, #tpu.memory_space<semaphore_mem>>
        %dma_start3A_494 = arith.constant 0 : i32
        %dma_start3A_495 = arith.constant 0 : i32
        %dma_start3A_496 = tpu.memref_slice %arg7[%run_scoped3A_287, %dma_start3A_494, %dma_start3A_495] : memref<2x128x128xf32, #tpu.memory_space<vmem>> -> memref<1x128x128xf32, #tpu.memory_space<vmem>>
        %dma_start3A_497 = tpu.memref_squeeze %dma_start3A_496 : memref<1x128x128xf32, #tpu.memory_space<vmem>> -> memref<128x128xf32, #tpu.memory_space<vmem>>
        %dma_start3A_498 = arith.constant 0 : i32
        %dma_start3A_499 = tpu.memref_slice %arg6[%run_scoped3A_288, %run_scoped3A_289, %run_scoped3A_290, %dma_start3A_498] : memref<2x4x2x128xi32, #tpu.memory_space<vmem>> -> memref<1x1x1x128xi32, #tpu.memory_space<vmem>>
        %dma_start3A_500 = tpu.memref_squeeze %dma_start3A_499 : memref<1x1x1x128xi32, #tpu.memory_space<vmem>> -> memref<128xi32, #tpu.memory_space<vmem>>
        %dma_start3A_501 = arith.constant 0 : i32
        %dma_start3A_502 = arith.constant 0 : i32
        %dma_start3A_503 = tpu.memref_slice %arg8[%dma_start3A_501, %dma_start3A_502] : memref<10240x128xf32, #tpu.memory_space<vmem_shared>> -> memref<10240x128xf32, #tpu.memory_space<vmem_shared>>
        tpu.enqueue_indirect_dma source(%dma_start3A_497 : memref<128x128xf32, #tpu.memory_space<vmem>>) target(%dma_start3A_503 : memref<10240x128xf32, #tpu.memory_space<vmem_shared>>) offsets(%dma_start3A_500 : memref<128xi32, #tpu.memory_space<vmem>>) semaphore(%run_scoped3A_493 : memref<!tpu.dma_semaphore, #tpu.memory_space<semaphore_mem>>) {add = true}
        %dma_wait3A_504 = arith.constant 0 : i32
        %dma_wait3A_505 = arith.constant 0 : i32
        %dma_wait3A_506 = tpu.memref_slice %arg7[%run_scoped3A_287, %dma_wait3A_504, %dma_wait3A_505] : memref<2x128x128xf32, #tpu.memory_space<vmem>> -> memref<1x128x128xf32, #tpu.memory_space<vmem>>
        %dma_wait3A_507 = tpu.memref_squeeze %dma_wait3A_506 : memref<1x128x128xf32, #tpu.memory_space<vmem>> -> memref<128x128xf32, #tpu.memory_space<vmem>>
        %dma_wait3A_508 = arith.constant 0 : i32
        %dma_wait3A_509 = tpu.memref_slice %arg6[%run_scoped3A_288, %run_scoped3A_289, %run_scoped3A_290, %dma_wait3A_508] : memref<2x4x2x128xi32, #tpu.memory_space<vmem>> -> memref<1x1x1x128xi32, #tpu.memory_space<vmem>>
        %dma_wait3A_510 = tpu.memref_squeeze %dma_wait3A_509 : memref<1x1x1x128xi32, #tpu.memory_space<vmem>> -> memref<128xi32, #tpu.memory_space<vmem>>
        %dma_wait3A_511 = arith.constant 0 : i32
        %dma_wait3A_512 = arith.constant 0 : i32
        %dma_wait3A_513 = tpu.memref_slice %arg8[%dma_wait3A_511, %dma_wait3A_512] : memref<10240x128xf32, #tpu.memory_space<vmem_shared>> -> memref<10240x128xf32, #tpu.memory_space<vmem_shared>>
        tpu.wait_indirect_dma semaphore(%run_scoped3A_493 : memref<!tpu.dma_semaphore, #tpu.memory_space<semaphore_mem>>) src(%dma_wait3A_507 : memref<128x128xf32, #tpu.memory_space<vmem>>) dst(%dma_wait3A_513 : memref<10240x128xf32, #tpu.memory_space<vmem_shared>>)
        tpu.yield
      }) : () -> ()
      %add3A_291 = arith.constant 2 : i32
      %add3A_292 = arith.addi %mul3A_139, %add3A_291 : i32
      %mul3A_293 = arith.constant 4 : i32
      %mul3A_294 = arith.muli %add3A_292, %mul3A_293 : i32
      %add3A_295 = arith.addi %select_n3A, %mul3A_294 : i32
      %dma_start3A_296 = arith.constant 0 : i32
      %dma_start3A_297 = arith.constant 0 : i32
      %dma_start3A_298 = arith.constant 0 : i32
      %dma_start3A_299 = arith.constant 0 : i32
      %dma_start3A_300 = tpu.memref_slice %arg6[%dma_start3A_296, %dma_start3A_297, %dma_start3A_298, %dma_start3A_299] : memref<2x4x2x128xi32, #tpu.memory_space<vmem>> -> memref<1x4x2x128xi32, #tpu.memory_space<vmem>>
      %dma_start3A_301 = tpu.memref_squeeze %dma_start3A_300 : memref<1x4x2x128xi32, #tpu.memory_space<vmem>> -> memref<4x2x128xi32, #tpu.memory_space<vmem>>
      %dma_start3A_302 = arith.constant 0 : i32
      %dma_start3A_303 = arith.constant 0 : i32
      %dma_start3A_304 = tpu.memref_slice %arg3[%add3A_19, %add3A_295, %dma_start3A_302, %dma_start3A_303] : memref<2x1288x2x128xi32, #tpu.memory_space<hbm>> -> memref<1x4x2x128xi32, #tpu.memory_space<hbm>>
      %dma_start3A_305 = tpu.memref_squeeze %dma_start3A_304 : memref<1x4x2x128xi32, #tpu.memory_space<hbm>> -> memref<4x2x128xi32, #tpu.memory_space<hbm>>
      %dma_start3A_306 = arith.constant 0 : i32
      %dma_start3A_307 = arith.constant 0 : i32
      %dma_start3A_308 = arith.constant 0 : i32
      %dma_start3A_309 = tpu.memref_slice %arg6[%dma_start3A_296, %dma_start3A_306, %dma_start3A_307, %dma_start3A_308] : memref<2x4x2x128xi32, #tpu.memory_space<vmem>> -> memref<1x4x2x128xi32, #tpu.memory_space<vmem>>
      %dma_start3A_310 = tpu.memref_squeeze %dma_start3A_309 : memref<1x4x2x128xi32, #tpu.memory_space<vmem>> -> memref<4x2x128xi32, #tpu.memory_space<vmem>>
      %dma_start3A_311 = arith.constant 0 : i32
      %dma_start3A_312 = arith.constant 0 : i32
      %dma_start3A_313 = tpu.memref_slice %arg3[%add3A_19, %add3A_295, %dma_start3A_311, %dma_start3A_312] : memref<2x1288x2x128xi32, #tpu.memory_space<hbm>> -> memref<1x4x2x128xi32, #tpu.memory_space<hbm>>
      %dma_start3A_314 = tpu.memref_squeeze %dma_start3A_313 : memref<1x4x2x128xi32, #tpu.memory_space<hbm>> -> memref<4x2x128xi32, #tpu.memory_space<hbm>>
      tpu.enqueue_dma source(%dma_start3A_314 : memref<4x2x128xi32, #tpu.memory_space<hbm>>) target(%dma_start3A_310 : memref<4x2x128xi32, #tpu.memory_space<vmem>>) target_semaphore(%arg11 : memref<!tpu.dma_semaphore, #tpu.memory_space<semaphore_mem>>)
      %add3A_315 = arith.constant 1 : i32
      %add3A_316 = arith.addi %mul3A_139, %add3A_315 : i32
      %dma_start3A_317 = arith.constant 1 : i32
      %dma_start3A_318 = arith.constant 1 : i32
      %dma_start3A_319 = arith.constant 0 : i32
      %dma_start3A_320 = arith.constant 1 : i32
      %dma_start3A_321 = arith.constant 0 : i32
      %dma_start3A_322 = arith.constant 0 : i32
      %dma_start3A_323 = tpu.memref_slice %arg7[%dma_start3A_320, %dma_start3A_321, %dma_start3A_322] : memref<2x128x128xf32, #tpu.memory_space<vmem>> -> memref<1x128x128xf32, #tpu.memory_space<vmem>>
      %dma_start3A_324 = tpu.memref_squeeze %dma_start3A_323 : memref<1x128x128xf32, #tpu.memory_space<vmem>> -> memref<128x128xf32, #tpu.memory_space<vmem>>
      %dma_start3A_325 = arith.constant 0 : i32
      %dma_start3A_326 = tpu.memref_slice %arg6[%dma_start3A_317, %dma_start3A_318, %dma_start3A_319, %dma_start3A_325] : memref<2x4x2x128xi32, #tpu.memory_space<vmem>> -> memref<1x1x1x128xi32, #tpu.memory_space<vmem>>
      %dma_start3A_327 = tpu.memref_squeeze %dma_start3A_326 : memref<1x1x1x128xi32, #tpu.memory_space<vmem>> -> memref<128xi32, #tpu.memory_space<vmem>>
      %dma_start3A_328 = arith.constant 0 : i32
      %dma_start3A_329 = arith.constant 0 : i32
      %dma_start3A_330 = tpu.memref_slice %arg2[%dma_start3A_328, %dma_start3A_329] : memref<20000x128xf32, #tpu.memory_space<hbm>> -> memref<20000x128xf32, #tpu.memory_space<hbm>>
      tpu.enqueue_indirect_dma source(%dma_start3A_330 : memref<20000x128xf32, #tpu.memory_space<hbm>>) target(%dma_start3A_324 : memref<128x128xf32, #tpu.memory_space<vmem>>) offsets(%dma_start3A_327 : memref<128xi32, #tpu.memory_space<vmem>>) semaphore(%arg10 : memref<!tpu.dma_semaphore, #tpu.memory_space<semaphore_mem>>)
      %dma_wait3A_331 = arith.constant 1 : i32
      %dma_wait3A_332 = arith.constant 0 : i32
      %dma_wait3A_333 = arith.constant 0 : i32
      %dma_wait3A_334 = arith.constant 0 : i32
      %dma_wait3A_335 = arith.constant 0 : i32
      %dma_wait3A_336 = arith.constant 0 : i32
      %dma_wait3A_337 = tpu.memref_slice %arg7[%dma_wait3A_334, %dma_wait3A_335, %dma_wait3A_336] : memref<2x128x128xf32, #tpu.memory_space<vmem>> -> memref<1x128x128xf32, #tpu.memory_space<vmem>>
      %dma_wait3A_338 = tpu.memref_squeeze %dma_wait3A_337 : memref<1x128x128xf32, #tpu.memory_space<vmem>> -> memref<128x128xf32, #tpu.memory_space<vmem>>
      %dma_wait3A_339 = arith.constant 0 : i32
      %dma_wait3A_340 = tpu.memref_slice %arg6[%dma_wait3A_331, %dma_wait3A_332, %dma_wait3A_333, %dma_wait3A_339] : memref<2x4x2x128xi32, #tpu.memory_space<vmem>> -> memref<1x1x1x128xi32, #tpu.memory_space<vmem>>
      %dma_wait3A_341 = tpu.memref_squeeze %dma_wait3A_340 : memref<1x1x1x128xi32, #tpu.memory_space<vmem>> -> memref<128xi32, #tpu.memory_space<vmem>>
      %dma_wait3A_342 = arith.constant 0 : i32
      %dma_wait3A_343 = arith.constant 0 : i32
      %dma_wait3A_344 = tpu.memref_slice %arg2[%dma_wait3A_342, %dma_wait3A_343] : memref<20000x128xf32, #tpu.memory_space<hbm>> -> memref<20000x128xf32, #tpu.memory_space<hbm>>
      tpu.wait_indirect_dma semaphore(%arg9 : memref<!tpu.dma_semaphore, #tpu.memory_space<semaphore_mem>>) src(%dma_wait3A_344 : memref<20000x128xf32, #tpu.memory_space<hbm>>) dst(%dma_wait3A_338 : memref<128x128xf32, #tpu.memory_space<vmem>>)
      %run_scoped3A_345 = arith.constant 0 : i32
      %run_scoped3A_346 = arith.constant 1 : i32
      %run_scoped3A_347 = arith.constant 0 : i32
      %run_scoped3A_348 = arith.constant 1 : i32
      "tpu.region"() ({
        %run_scoped3A_493 = tpu.sem_alloc : memref<!tpu.dma_semaphore, #tpu.memory_space<semaphore_mem>>
        %dma_start3A_494 = arith.constant 0 : i32
        %dma_start3A_495 = arith.constant 0 : i32
        %dma_start3A_496 = tpu.memref_slice %arg7[%run_scoped3A_345, %dma_start3A_494, %dma_start3A_495] : memref<2x128x128xf32, #tpu.memory_space<vmem>> -> memref<1x128x128xf32, #tpu.memory_space<vmem>>
        %dma_start3A_497 = tpu.memref_squeeze %dma_start3A_496 : memref<1x128x128xf32, #tpu.memory_space<vmem>> -> memref<128x128xf32, #tpu.memory_space<vmem>>
        %dma_start3A_498 = arith.constant 0 : i32
        %dma_start3A_499 = tpu.memref_slice %arg6[%run_scoped3A_346, %run_scoped3A_347, %run_scoped3A_348, %dma_start3A_498] : memref<2x4x2x128xi32, #tpu.memory_space<vmem>> -> memref<1x1x1x128xi32, #tpu.memory_space<vmem>>
        %dma_start3A_500 = tpu.memref_squeeze %dma_start3A_499 : memref<1x1x1x128xi32, #tpu.memory_space<vmem>> -> memref<128xi32, #tpu.memory_space<vmem>>
        %dma_start3A_501 = arith.constant 0 : i32
        %dma_start3A_502 = arith.constant 0 : i32
        %dma_start3A_503 = tpu.memref_slice %arg8[%dma_start3A_501, %dma_start3A_502] : memref<10240x128xf32, #tpu.memory_space<vmem_shared>> -> memref<10240x128xf32, #tpu.memory_space<vmem_shared>>
        tpu.enqueue_indirect_dma source(%dma_start3A_497 : memref<128x128xf32, #tpu.memory_space<vmem>>) target(%dma_start3A_503 : memref<10240x128xf32, #tpu.memory_space<vmem_shared>>) offsets(%dma_start3A_500 : memref<128xi32, #tpu.memory_space<vmem>>) semaphore(%run_scoped3A_493 : memref<!tpu.dma_semaphore, #tpu.memory_space<semaphore_mem>>) {add = true}
        %dma_wait3A_504 = arith.constant 0 : i32
        %dma_wait3A_505 = arith.constant 0 : i32
        %dma_wait3A_506 = tpu.memref_slice %arg7[%run_scoped3A_345, %dma_wait3A_504, %dma_wait3A_505] : memref<2x128x128xf32, #tpu.memory_space<vmem>> -> memref<1x128x128xf32, #tpu.memory_space<vmem>>
        %dma_wait3A_507 = tpu.memref_squeeze %dma_wait3A_506 : memref<1x128x128xf32, #tpu.memory_space<vmem>> -> memref<128x128xf32, #tpu.memory_space<vmem>>
        %dma_wait3A_508 = arith.constant 0 : i32
        %dma_wait3A_509 = tpu.memref_slice %arg6[%run_scoped3A_346, %run_scoped3A_347, %run_scoped3A_348, %dma_wait3A_508] : memref<2x4x2x128xi32, #tpu.memory_space<vmem>> -> memref<1x1x1x128xi32, #tpu.memory_space<vmem>>
        %dma_wait3A_510 = tpu.memref_squeeze %dma_wait3A_509 : memref<1x1x1x128xi32, #tpu.memory_space<vmem>> -> memref<128xi32, #tpu.memory_space<vmem>>
        %dma_wait3A_511 = arith.constant 0 : i32
        %dma_wait3A_512 = arith.constant 0 : i32
        %dma_wait3A_513 = tpu.memref_slice %arg8[%dma_wait3A_511, %dma_wait3A_512] : memref<10240x128xf32, #tpu.memory_space<vmem_shared>> -> memref<10240x128xf32, #tpu.memory_space<vmem_shared>>
        tpu.wait_indirect_dma semaphore(%run_scoped3A_493 : memref<!tpu.dma_semaphore, #tpu.memory_space<semaphore_mem>>) src(%dma_wait3A_507 : memref<128x128xf32, #tpu.memory_space<vmem>>) dst(%dma_wait3A_513 : memref<10240x128xf32, #tpu.memory_space<vmem_shared>>)
        tpu.yield
      }) : () -> ()
      %dma_start3A_349 = arith.constant 1 : i32
      %dma_start3A_350 = arith.constant 2 : i32
      %dma_start3A_351 = arith.constant 0 : i32
      %dma_start3A_352 = arith.constant 0 : i32
      %dma_start3A_353 = arith.constant 0 : i32
      %dma_start3A_354 = arith.constant 0 : i32
      %dma_start3A_355 = tpu.memref_slice %arg7[%dma_start3A_352, %dma_start3A_353, %dma_start3A_354] : memref<2x128x128xf32, #tpu.memory_space<vmem>> -> memref<1x128x128xf32, #tpu.memory_space<vmem>>
      %dma_start3A_356 = tpu.memref_squeeze %dma_start3A_355 : memref<1x128x128xf32, #tpu.memory_space<vmem>> -> memref<128x128xf32, #tpu.memory_space<vmem>>
      %dma_start3A_357 = arith.constant 0 : i32
      %dma_start3A_358 = tpu.memref_slice %arg6[%dma_start3A_349, %dma_start3A_350, %dma_start3A_351, %dma_start3A_357] : memref<2x4x2x128xi32, #tpu.memory_space<vmem>> -> memref<1x1x1x128xi32, #tpu.memory_space<vmem>>
      %dma_start3A_359 = tpu.memref_squeeze %dma_start3A_358 : memref<1x1x1x128xi32, #tpu.memory_space<vmem>> -> memref<128xi32, #tpu.memory_space<vmem>>
      %dma_start3A_360 = arith.constant 0 : i32
      %dma_start3A_361 = arith.constant 0 : i32
      %dma_start3A_362 = tpu.memref_slice %arg2[%dma_start3A_360, %dma_start3A_361] : memref<20000x128xf32, #tpu.memory_space<hbm>> -> memref<20000x128xf32, #tpu.memory_space<hbm>>
      tpu.enqueue_indirect_dma source(%dma_start3A_362 : memref<20000x128xf32, #tpu.memory_space<hbm>>) target(%dma_start3A_356 : memref<128x128xf32, #tpu.memory_space<vmem>>) offsets(%dma_start3A_359 : memref<128xi32, #tpu.memory_space<vmem>>) semaphore(%arg9 : memref<!tpu.dma_semaphore, #tpu.memory_space<semaphore_mem>>)
      %dma_wait3A_363 = arith.constant 1 : i32
      %dma_wait3A_364 = arith.constant 1 : i32
      %dma_wait3A_365 = arith.constant 0 : i32
      %dma_wait3A_366 = arith.constant 1 : i32
      %dma_wait3A_367 = arith.constant 0 : i32
      %dma_wait3A_368 = arith.constant 0 : i32
      %dma_wait3A_369 = tpu.memref_slice %arg7[%dma_wait3A_366, %dma_wait3A_367, %dma_wait3A_368] : memref<2x128x128xf32, #tpu.memory_space<vmem>> -> memref<1x128x128xf32, #tpu.memory_space<vmem>>
      %dma_wait3A_370 = tpu.memref_squeeze %dma_wait3A_369 : memref<1x128x128xf32, #tpu.memory_space<vmem>> -> memref<128x128xf32, #tpu.memory_space<vmem>>
      %dma_wait3A_371 = arith.constant 0 : i32
      %dma_wait3A_372 = tpu.memref_slice %arg6[%dma_wait3A_363, %dma_wait3A_364, %dma_wait3A_365, %dma_wait3A_371] : memref<2x4x2x128xi32, #tpu.memory_space<vmem>> -> memref<1x1x1x128xi32, #tpu.memory_space<vmem>>
      %dma_wait3A_373 = tpu.memref_squeeze %dma_wait3A_372 : memref<1x1x1x128xi32, #tpu.memory_space<vmem>> -> memref<128xi32, #tpu.memory_space<vmem>>
      %dma_wait3A_374 = arith.constant 0 : i32
      %dma_wait3A_375 = arith.constant 0 : i32
      %dma_wait3A_376 = tpu.memref_slice %arg2[%dma_wait3A_374, %dma_wait3A_375] : memref<20000x128xf32, #tpu.memory_space<hbm>> -> memref<20000x128xf32, #tpu.memory_space<hbm>>
      tpu.wait_indirect_dma semaphore(%arg10 : memref<!tpu.dma_semaphore, #tpu.memory_space<semaphore_mem>>) src(%dma_wait3A_376 : memref<20000x128xf32, #tpu.memory_space<hbm>>) dst(%dma_wait3A_370 : memref<128x128xf32, #tpu.memory_space<vmem>>)
      %run_scoped3A_377 = arith.constant 1 : i32
      %run_scoped3A_378 = arith.constant 1 : i32
      %run_scoped3A_379 = arith.constant 1 : i32
      %run_scoped3A_380 = arith.constant 1 : i32
      "tpu.region"() ({
        %run_scoped3A_493 = tpu.sem_alloc : memref<!tpu.dma_semaphore, #tpu.memory_space<semaphore_mem>>
        %dma_start3A_494 = arith.constant 0 : i32
        %dma_start3A_495 = arith.constant 0 : i32
        %dma_start3A_496 = tpu.memref_slice %arg7[%run_scoped3A_377, %dma_start3A_494, %dma_start3A_495] : memref<2x128x128xf32, #tpu.memory_space<vmem>> -> memref<1x128x128xf32, #tpu.memory_space<vmem>>
        %dma_start3A_497 = tpu.memref_squeeze %dma_start3A_496 : memref<1x128x128xf32, #tpu.memory_space<vmem>> -> memref<128x128xf32, #tpu.memory_space<vmem>>
        %dma_start3A_498 = arith.constant 0 : i32
        %dma_start3A_499 = tpu.memref_slice %arg6[%run_scoped3A_378, %run_scoped3A_379, %run_scoped3A_380, %dma_start3A_498] : memref<2x4x2x128xi32, #tpu.memory_space<vmem>> -> memref<1x1x1x128xi32, #tpu.memory_space<vmem>>
        %dma_start3A_500 = tpu.memref_squeeze %dma_start3A_499 : memref<1x1x1x128xi32, #tpu.memory_space<vmem>> -> memref<128xi32, #tpu.memory_space<vmem>>
        %dma_start3A_501 = arith.constant 0 : i32
        %dma_start3A_502 = arith.constant 0 : i32
        %dma_start3A_503 = tpu.memref_slice %arg8[%dma_start3A_501, %dma_start3A_502] : memref<10240x128xf32, #tpu.memory_space<vmem_shared>> -> memref<10240x128xf32, #tpu.memory_space<vmem_shared>>
        tpu.enqueue_indirect_dma source(%dma_start3A_497 : memref<128x128xf32, #tpu.memory_space<vmem>>) target(%dma_start3A_503 : memref<10240x128xf32, #tpu.memory_space<vmem_shared>>) offsets(%dma_start3A_500 : memref<128xi32, #tpu.memory_space<vmem>>) semaphore(%run_scoped3A_493 : memref<!tpu.dma_semaphore, #tpu.memory_space<semaphore_mem>>) {add = true}
        %dma_wait3A_504 = arith.constant 0 : i32
        %dma_wait3A_505 = arith.constant 0 : i32
        %dma_wait3A_506 = tpu.memref_slice %arg7[%run_scoped3A_377, %dma_wait3A_504, %dma_wait3A_505] : memref<2x128x128xf32, #tpu.memory_space<vmem>> -> memref<1x128x128xf32, #tpu.memory_space<vmem>>
        %dma_wait3A_507 = tpu.memref_squeeze %dma_wait3A_506 : memref<1x128x128xf32, #tpu.memory_space<vmem>> -> memref<128x128xf32, #tpu.memory_space<vmem>>
        %dma_wait3A_508 = arith.constant 0 : i32
        %dma_wait3A_509 = tpu.memref_slice %arg6[%run_scoped3A_378, %run_scoped3A_379, %run_scoped3A_380, %dma_wait3A_508] : memref<2x4x2x128xi32, #tpu.memory_space<vmem>> -> memref<1x1x1x128xi32, #tpu.memory_space<vmem>>
        %dma_wait3A_510 = tpu.memref_squeeze %dma_wait3A_509 : memref<1x1x1x128xi32, #tpu.memory_space<vmem>> -> memref<128xi32, #tpu.memory_space<vmem>>
        %dma_wait3A_511 = arith.constant 0 : i32
        %dma_wait3A_512 = arith.constant 0 : i32
        %dma_wait3A_513 = tpu.memref_slice %arg8[%dma_wait3A_511, %dma_wait3A_512] : memref<10240x128xf32, #tpu.memory_space<vmem_shared>> -> memref<10240x128xf32, #tpu.memory_space<vmem_shared>>
        tpu.wait_indirect_dma semaphore(%run_scoped3A_493 : memref<!tpu.dma_semaphore, #tpu.memory_space<semaphore_mem>>) src(%dma_wait3A_507 : memref<128x128xf32, #tpu.memory_space<vmem>>) dst(%dma_wait3A_513 : memref<10240x128xf32, #tpu.memory_space<vmem_shared>>)
        tpu.yield
      }) : () -> ()
      %dma_start3A_381 = arith.constant 1 : i32
      %dma_start3A_382 = arith.constant 3 : i32
      %dma_start3A_383 = arith.constant 0 : i32
      %dma_start3A_384 = arith.constant 1 : i32
      %dma_start3A_385 = arith.constant 0 : i32
      %dma_start3A_386 = arith.constant 0 : i32
      %dma_start3A_387 = tpu.memref_slice %arg7[%dma_start3A_384, %dma_start3A_385, %dma_start3A_386] : memref<2x128x128xf32, #tpu.memory_space<vmem>> -> memref<1x128x128xf32, #tpu.memory_space<vmem>>
      %dma_start3A_388 = tpu.memref_squeeze %dma_start3A_387 : memref<1x128x128xf32, #tpu.memory_space<vmem>> -> memref<128x128xf32, #tpu.memory_space<vmem>>
      %dma_start3A_389 = arith.constant 0 : i32
      %dma_start3A_390 = tpu.memref_slice %arg6[%dma_start3A_381, %dma_start3A_382, %dma_start3A_383, %dma_start3A_389] : memref<2x4x2x128xi32, #tpu.memory_space<vmem>> -> memref<1x1x1x128xi32, #tpu.memory_space<vmem>>
      %dma_start3A_391 = tpu.memref_squeeze %dma_start3A_390 : memref<1x1x1x128xi32, #tpu.memory_space<vmem>> -> memref<128xi32, #tpu.memory_space<vmem>>
      %dma_start3A_392 = arith.constant 0 : i32
      %dma_start3A_393 = arith.constant 0 : i32
      %dma_start3A_394 = tpu.memref_slice %arg2[%dma_start3A_392, %dma_start3A_393] : memref<20000x128xf32, #tpu.memory_space<hbm>> -> memref<20000x128xf32, #tpu.memory_space<hbm>>
      tpu.enqueue_indirect_dma source(%dma_start3A_394 : memref<20000x128xf32, #tpu.memory_space<hbm>>) target(%dma_start3A_388 : memref<128x128xf32, #tpu.memory_space<vmem>>) offsets(%dma_start3A_391 : memref<128xi32, #tpu.memory_space<vmem>>) semaphore(%arg10 : memref<!tpu.dma_semaphore, #tpu.memory_space<semaphore_mem>>)
      %dma_wait3A_395 = arith.constant 1 : i32
      %dma_wait3A_396 = arith.constant 2 : i32
      %dma_wait3A_397 = arith.constant 0 : i32
      %dma_wait3A_398 = arith.constant 0 : i32
      %dma_wait3A_399 = arith.constant 0 : i32
      %dma_wait3A_400 = arith.constant 0 : i32
      %dma_wait3A_401 = tpu.memref_slice %arg7[%dma_wait3A_398, %dma_wait3A_399, %dma_wait3A_400] : memref<2x128x128xf32, #tpu.memory_space<vmem>> -> memref<1x128x128xf32, #tpu.memory_space<vmem>>
      %dma_wait3A_402 = tpu.memref_squeeze %dma_wait3A_401 : memref<1x128x128xf32, #tpu.memory_space<vmem>> -> memref<128x128xf32, #tpu.memory_space<vmem>>
      %dma_wait3A_403 = arith.constant 0 : i32
      %dma_wait3A_404 = tpu.memref_slice %arg6[%dma_wait3A_395, %dma_wait3A_396, %dma_wait3A_397, %dma_wait3A_403] : memref<2x4x2x128xi32, #tpu.memory_space<vmem>> -> memref<1x1x1x128xi32, #tpu.memory_space<vmem>>
      %dma_wait3A_405 = tpu.memref_squeeze %dma_wait3A_404 : memref<1x1x1x128xi32, #tpu.memory_space<vmem>> -> memref<128xi32, #tpu.memory_space<vmem>>
      %dma_wait3A_406 = arith.constant 0 : i32
      %dma_wait3A_407 = arith.constant 0 : i32
      %dma_wait3A_408 = tpu.memref_slice %arg2[%dma_wait3A_406, %dma_wait3A_407] : memref<20000x128xf32, #tpu.memory_space<hbm>> -> memref<20000x128xf32, #tpu.memory_space<hbm>>
      tpu.wait_indirect_dma semaphore(%arg9 : memref<!tpu.dma_semaphore, #tpu.memory_space<semaphore_mem>>) src(%dma_wait3A_408 : memref<20000x128xf32, #tpu.memory_space<hbm>>) dst(%dma_wait3A_402 : memref<128x128xf32, #tpu.memory_space<vmem>>)
      %run_scoped3A_409 = arith.constant 0 : i32
      %run_scoped3A_410 = arith.constant 1 : i32
      %run_scoped3A_411 = arith.constant 2 : i32
      %run_scoped3A_412 = arith.constant 1 : i32
      "tpu.region"() ({
        %run_scoped3A_493 = tpu.sem_alloc : memref<!tpu.dma_semaphore, #tpu.memory_space<semaphore_mem>>
        %dma_start3A_494 = arith.constant 0 : i32
        %dma_start3A_495 = arith.constant 0 : i32
        %dma_start3A_496 = tpu.memref_slice %arg7[%run_scoped3A_409, %dma_start3A_494, %dma_start3A_495] : memref<2x128x128xf32, #tpu.memory_space<vmem>> -> memref<1x128x128xf32, #tpu.memory_space<vmem>>
        %dma_start3A_497 = tpu.memref_squeeze %dma_start3A_496 : memref<1x128x128xf32, #tpu.memory_space<vmem>> -> memref<128x128xf32, #tpu.memory_space<vmem>>
        %dma_start3A_498 = arith.constant 0 : i32
        %dma_start3A_499 = tpu.memref_slice %arg6[%run_scoped3A_410, %run_scoped3A_411, %run_scoped3A_412, %dma_start3A_498] : memref<2x4x2x128xi32, #tpu.memory_space<vmem>> -> memref<1x1x1x128xi32, #tpu.memory_space<vmem>>
        %dma_start3A_500 = tpu.memref_squeeze %dma_start3A_499 : memref<1x1x1x128xi32, #tpu.memory_space<vmem>> -> memref<128xi32, #tpu.memory_space<vmem>>
        %dma_start3A_501 = arith.constant 0 : i32
        %dma_start3A_502 = arith.constant 0 : i32
        %dma_start3A_503 = tpu.memref_slice %arg8[%dma_start3A_501, %dma_start3A_502] : memref<10240x128xf32, #tpu.memory_space<vmem_shared>> -> memref<10240x128xf32, #tpu.memory_space<vmem_shared>>
        tpu.enqueue_indirect_dma source(%dma_start3A_497 : memref<128x128xf32, #tpu.memory_space<vmem>>) target(%dma_start3A_503 : memref<10240x128xf32, #tpu.memory_space<vmem_shared>>) offsets(%dma_start3A_500 : memref<128xi32, #tpu.memory_space<vmem>>) semaphore(%run_scoped3A_493 : memref<!tpu.dma_semaphore, #tpu.memory_space<semaphore_mem>>) {add = true}
        %dma_wait3A_504 = arith.constant 0 : i32
        %dma_wait3A_505 = arith.constant 0 : i32
        %dma_wait3A_506 = tpu.memref_slice %arg7[%run_scoped3A_409, %dma_wait3A_504, %dma_wait3A_505] : memref<2x128x128xf32, #tpu.memory_space<vmem>> -> memref<1x128x128xf32, #tpu.memory_space<vmem>>
        %dma_wait3A_507 = tpu.memref_squeeze %dma_wait3A_506 : memref<1x128x128xf32, #tpu.memory_space<vmem>> -> memref<128x128xf32, #tpu.memory_space<vmem>>
        %dma_wait3A_508 = arith.constant 0 : i32
        %dma_wait3A_509 = tpu.memref_slice %arg6[%run_scoped3A_410, %run_scoped3A_411, %run_scoped3A_412, %dma_wait3A_508] : memref<2x4x2x128xi32, #tpu.memory_space<vmem>> -> memref<1x1x1x128xi32, #tpu.memory_space<vmem>>
        %dma_wait3A_510 = tpu.memref_squeeze %dma_wait3A_509 : memref<1x1x1x128xi32, #tpu.memory_space<vmem>> -> memref<128xi32, #tpu.memory_space<vmem>>
        %dma_wait3A_511 = arith.constant 0 : i32
        %dma_wait3A_512 = arith.constant 0 : i32
        %dma_wait3A_513 = tpu.memref_slice %arg8[%dma_wait3A_511, %dma_wait3A_512] : memref<10240x128xf32, #tpu.memory_space<vmem_shared>> -> memref<10240x128xf32, #tpu.memory_space<vmem_shared>>
        tpu.wait_indirect_dma semaphore(%run_scoped3A_493 : memref<!tpu.dma_semaphore, #tpu.memory_space<semaphore_mem>>) src(%dma_wait3A_507 : memref<128x128xf32, #tpu.memory_space<vmem>>) dst(%dma_wait3A_513 : memref<10240x128xf32, #tpu.memory_space<vmem_shared>>)
        tpu.yield
      }) : () -> ()
      %add3A_413 = arith.constant 1 : i32
      %add3A_414 = arith.addi %add3A_316, %add3A_413 : i32
      %mul3A_415 = arith.constant 4 : i32
      %mul3A_416 = arith.muli %add3A_414, %mul3A_415 : i32
      %add3A_417 = arith.addi %select_n3A, %mul3A_416 : i32
      %dma_wait3A_418 = arith.constant 0 : i32
      %dma_wait3A_419 = arith.constant 0 : i32
      %dma_wait3A_420 = arith.constant 0 : i32
      %dma_wait3A_421 = arith.constant 0 : i32
      %dma_wait3A_422 = tpu.memref_slice %arg6[%dma_wait3A_418, %dma_wait3A_419, %dma_wait3A_420, %dma_wait3A_421] : memref<2x4x2x128xi32, #tpu.memory_space<vmem>> -> memref<1x4x2x128xi32, #tpu.memory_space<vmem>>
      %dma_wait3A_423 = tpu.memref_squeeze %dma_wait3A_422 : memref<1x4x2x128xi32, #tpu.memory_space<vmem>> -> memref<4x2x128xi32, #tpu.memory_space<vmem>>
      %dma_wait3A_424 = arith.constant 0 : i32
      %dma_wait3A_425 = arith.constant 0 : i32
      %dma_wait3A_426 = tpu.memref_slice %arg3[%add3A_19, %add3A_417, %dma_wait3A_424, %dma_wait3A_425] : memref<2x1288x2x128xi32, #tpu.memory_space<hbm>> -> memref<1x4x2x128xi32, #tpu.memory_space<hbm>>
      %dma_wait3A_427 = tpu.memref_squeeze %dma_wait3A_426 : memref<1x4x2x128xi32, #tpu.memory_space<hbm>> -> memref<4x2x128xi32, #tpu.memory_space<hbm>>
      %dma_wait3A_428 = arith.constant 0 : i32
      %dma_wait3A_429 = arith.constant 0 : i32
      %dma_wait3A_430 = arith.constant 0 : i32
      %dma_wait3A_431 = tpu.memref_slice %arg6[%dma_wait3A_418, %dma_wait3A_428, %dma_wait3A_429, %dma_wait3A_430] : memref<2x4x2x128xi32, #tpu.memory_space<vmem>> -> memref<1x4x2x128xi32, #tpu.memory_space<vmem>>
      %dma_wait3A_432 = tpu.memref_squeeze %dma_wait3A_431 : memref<1x4x2x128xi32, #tpu.memory_space<vmem>> -> memref<4x2x128xi32, #tpu.memory_space<vmem>>
      %dma_wait3A_433 = arith.constant 0 : i32
      %dma_wait3A_434 = arith.constant 0 : i32
      %dma_wait3A_435 = tpu.memref_slice %arg3[%add3A_19, %add3A_417, %dma_wait3A_433, %dma_wait3A_434] : memref<2x1288x2x128xi32, #tpu.memory_space<hbm>> -> memref<1x4x2x128xi32, #tpu.memory_space<hbm>>
      %dma_wait3A_436 = tpu.memref_squeeze %dma_wait3A_435 : memref<1x4x2x128xi32, #tpu.memory_space<hbm>> -> memref<4x2x128xi32, #tpu.memory_space<hbm>>
      tpu.wait_dma2 semaphore(%arg11 : memref<!tpu.dma_semaphore, #tpu.memory_space<semaphore_mem>>) src(%dma_wait3A_436 : memref<4x2x128xi32, #tpu.memory_space<hbm>>) dst(%dma_wait3A_432 : memref<4x2x128xi32, #tpu.memory_space<vmem>>)
      %dma_start3A_437 = arith.constant 0 : i32
      %dma_start3A_438 = arith.constant 0 : i32
      %dma_start3A_439 = arith.constant 0 : i32
      %dma_start3A_440 = arith.constant 0 : i32
      %dma_start3A_441 = arith.constant 0 : i32
      %dma_start3A_442 = arith.constant 0 : i32
      %dma_start3A_443 = tpu.memref_slice %arg7[%dma_start3A_440, %dma_start3A_441, %dma_start3A_442] : memref<2x128x128xf32, #tpu.memory_space<vmem>> -> memref<1x128x128xf32, #tpu.memory_space<vmem>>
      %dma_start3A_444 = tpu.memref_squeeze %dma_start3A_443 : memref<1x128x128xf32, #tpu.memory_space<vmem>> -> memref<128x128xf32, #tpu.memory_space<vmem>>
      %dma_start3A_445 = arith.constant 0 : i32
      %dma_start3A_446 = tpu.memref_slice %arg6[%dma_start3A_437, %dma_start3A_438, %dma_start3A_439, %dma_start3A_445] : memref<2x4x2x128xi32, #tpu.memory_space<vmem>> -> memref<1x1x1x128xi32, #tpu.memory_space<vmem>>
      %dma_start3A_447 = tpu.memref_squeeze %dma_start3A_446 : memref<1x1x1x128xi32, #tpu.memory_space<vmem>> -> memref<128xi32, #tpu.memory_space<vmem>>
      %dma_start3A_448 = arith.constant 0 : i32
      %dma_start3A_449 = arith.constant 0 : i32
      %dma_start3A_450 = tpu.memref_slice %arg2[%dma_start3A_448, %dma_start3A_449] : memref<20000x128xf32, #tpu.memory_space<hbm>> -> memref<20000x128xf32, #tpu.memory_space<hbm>>
      tpu.enqueue_indirect_dma source(%dma_start3A_450 : memref<20000x128xf32, #tpu.memory_space<hbm>>) target(%dma_start3A_444 : memref<128x128xf32, #tpu.memory_space<vmem>>) offsets(%dma_start3A_447 : memref<128xi32, #tpu.memory_space<vmem>>) semaphore(%arg9 : memref<!tpu.dma_semaphore, #tpu.memory_space<semaphore_mem>>)
      %dma_wait3A_451 = arith.constant 1 : i32
      %dma_wait3A_452 = arith.constant 3 : i32
      %dma_wait3A_453 = arith.constant 0 : i32
      %dma_wait3A_454 = arith.constant 1 : i32
      %dma_wait3A_455 = arith.constant 0 : i32
      %dma_wait3A_456 = arith.constant 0 : i32
      %dma_wait3A_457 = tpu.memref_slice %arg7[%dma_wait3A_454, %dma_wait3A_455, %dma_wait3A_456] : memref<2x128x128xf32, #tpu.memory_space<vmem>> -> memref<1x128x128xf32, #tpu.memory_space<vmem>>
      %dma_wait3A_458 = tpu.memref_squeeze %dma_wait3A_457 : memref<1x128x128xf32, #tpu.memory_space<vmem>> -> memref<128x128xf32, #tpu.memory_space<vmem>>
      %dma_wait3A_459 = arith.constant 0 : i32
      %dma_wait3A_460 = tpu.memref_slice %arg6[%dma_wait3A_451, %dma_wait3A_452, %dma_wait3A_453, %dma_wait3A_459] : memref<2x4x2x128xi32, #tpu.memory_space<vmem>> -> memref<1x1x1x128xi32, #tpu.memory_space<vmem>>
      %dma_wait3A_461 = tpu.memref_squeeze %dma_wait3A_460 : memref<1x1x1x128xi32, #tpu.memory_space<vmem>> -> memref<128xi32, #tpu.memory_space<vmem>>
      %dma_wait3A_462 = arith.constant 0 : i32
      %dma_wait3A_463 = arith.constant 0 : i32
      %dma_wait3A_464 = tpu.memref_slice %arg2[%dma_wait3A_462, %dma_wait3A_463] : memref<20000x128xf32, #tpu.memory_space<hbm>> -> memref<20000x128xf32, #tpu.memory_space<hbm>>
      tpu.wait_indirect_dma semaphore(%arg10 : memref<!tpu.dma_semaphore, #tpu.memory_space<semaphore_mem>>) src(%dma_wait3A_464 : memref<20000x128xf32, #tpu.memory_space<hbm>>) dst(%dma_wait3A_458 : memref<128x128xf32, #tpu.memory_space<vmem>>)
      %run_scoped3A_465 = arith.constant 1 : i32
      %run_scoped3A_466 = arith.constant 1 : i32
      %run_scoped3A_467 = arith.constant 3 : i32
      %run_scoped3A_468 = arith.constant 1 : i32
      "tpu.region"() ({
        %run_scoped3A_493 = tpu.sem_alloc : memref<!tpu.dma_semaphore, #tpu.memory_space<semaphore_mem>>
        %dma_start3A_494 = arith.constant 0 : i32
        %dma_start3A_495 = arith.constant 0 : i32
        %dma_start3A_496 = tpu.memref_slice %arg7[%run_scoped3A_465, %dma_start3A_494, %dma_start3A_495] : memref<2x128x128xf32, #tpu.memory_space<vmem>> -> memref<1x128x128xf32, #tpu.memory_space<vmem>>
        %dma_start3A_497 = tpu.memref_squeeze %dma_start3A_496 : memref<1x128x128xf32, #tpu.memory_space<vmem>> -> memref<128x128xf32, #tpu.memory_space<vmem>>
        %dma_start3A_498 = arith.constant 0 : i32
        %dma_start3A_499 = tpu.memref_slice %arg6[%run_scoped3A_466, %run_scoped3A_467, %run_scoped3A_468, %dma_start3A_498] : memref<2x4x2x128xi32, #tpu.memory_space<vmem>> -> memref<1x1x1x128xi32, #tpu.memory_space<vmem>>
        %dma_start3A_500 = tpu.memref_squeeze %dma_start3A_499 : memref<1x1x1x128xi32, #tpu.memory_space<vmem>> -> memref<128xi32, #tpu.memory_space<vmem>>
        %dma_start3A_501 = arith.constant 0 : i32
        %dma_start3A_502 = arith.constant 0 : i32
        %dma_start3A_503 = tpu.memref_slice %arg8[%dma_start3A_501, %dma_start3A_502] : memref<10240x128xf32, #tpu.memory_space<vmem_shared>> -> memref<10240x128xf32, #tpu.memory_space<vmem_shared>>
        tpu.enqueue_indirect_dma source(%dma_start3A_497 : memref<128x128xf32, #tpu.memory_space<vmem>>) target(%dma_start3A_503 : memref<10240x128xf32, #tpu.memory_space<vmem_shared>>) offsets(%dma_start3A_500 : memref<128xi32, #tpu.memory_space<vmem>>) semaphore(%run_scoped3A_493 : memref<!tpu.dma_semaphore, #tpu.memory_space<semaphore_mem>>) {add = true}
        %dma_wait3A_504 = arith.constant 0 : i32
        %dma_wait3A_505 = arith.constant 0 : i32
        %dma_wait3A_506 = tpu.memref_slice %arg7[%run_scoped3A_465, %dma_wait3A_504, %dma_wait3A_505] : memref<2x128x128xf32, #tpu.memory_space<vmem>> -> memref<1x128x128xf32, #tpu.memory_space<vmem>>
        %dma_wait3A_507 = tpu.memref_squeeze %dma_wait3A_506 : memref<1x128x128xf32, #tpu.memory_space<vmem>> -> memref<128x128xf32, #tpu.memory_space<vmem>>
        %dma_wait3A_508 = arith.constant 0 : i32
        %dma_wait3A_509 = tpu.memref_slice %arg6[%run_scoped3A_466, %run_scoped3A_467, %run_scoped3A_468, %dma_wait3A_508] : memref<2x4x2x128xi32, #tpu.memory_space<vmem>> -> memref<1x1x1x128xi32, #tpu.memory_space<vmem>>
        %dma_wait3A_510 = tpu.memref_squeeze %dma_wait3A_509 : memref<1x1x1x128xi32, #tpu.memory_space<vmem>> -> memref<128xi32, #tpu.memory_space<vmem>>
        %dma_wait3A_511 = arith.constant 0 : i32
        %dma_wait3A_512 = arith.constant 0 : i32
        %dma_wait3A_513 = tpu.memref_slice %arg8[%dma_wait3A_511, %dma_wait3A_512] : memref<10240x128xf32, #tpu.memory_space<vmem_shared>> -> memref<10240x128xf32, #tpu.memory_space<vmem_shared>>
        tpu.wait_indirect_dma semaphore(%run_scoped3A_493 : memref<!tpu.dma_semaphore, #tpu.memory_space<semaphore_mem>>) src(%dma_wait3A_507 : memref<128x128xf32, #tpu.memory_space<vmem>>) dst(%dma_wait3A_513 : memref<10240x128xf32, #tpu.memory_space<vmem_shared>>)
        tpu.yield
      }) : () -> ()
      %add3A_469 = arith.constant 2 : i32
      %add3A_470 = arith.addi %add3A_316, %add3A_469 : i32
      %mul3A_471 = arith.constant 4 : i32
      %mul3A_472 = arith.muli %add3A_470, %mul3A_471 : i32
      %add3A_473 = arith.addi %select_n3A, %mul3A_472 : i32
      %dma_start3A_474 = arith.constant 1 : i32
      %dma_start3A_475 = arith.constant 0 : i32
      %dma_start3A_476 = arith.constant 0 : i32
      %dma_start3A_477 = arith.constant 0 : i32
      %dma_start3A_478 = tpu.memref_slice %arg6[%dma_start3A_474, %dma_start3A_475, %dma_start3A_476, %dma_start3A_477] : memref<2x4x2x128xi32, #tpu.memory_space<vmem>> -> memref<1x4x2x128xi32, #tpu.memory_space<vmem>>
      %dma_start3A_479 = tpu.memref_squeeze %dma_start3A_478 : memref<1x4x2x128xi32, #tpu.memory_space<vmem>> -> memref<4x2x128xi32, #tpu.memory_space<vmem>>
      %dma_start3A_480 = arith.constant 0 : i32
      %dma_start3A_481 = arith.constant 0 : i32
      %dma_start3A_482 = tpu.memref_slice %arg3[%add3A_19, %add3A_473, %dma_start3A_480, %dma_start3A_481] : memref<2x1288x2x128xi32, #tpu.memory_space<hbm>> -> memref<1x4x2x128xi32, #tpu.memory_space<hbm>>
      %dma_start3A_483 = tpu.memref_squeeze %dma_start3A_482 : memref<1x4x2x128xi32, #tpu.memory_space<hbm>> -> memref<4x2x128xi32, #tpu.memory_space<hbm>>
      %dma_start3A_484 = arith.constant 0 : i32
      %dma_start3A_485 = arith.constant 0 : i32
      %dma_start3A_486 = arith.constant 0 : i32
      %dma_start3A_487 = tpu.memref_slice %arg6[%dma_start3A_474, %dma_start3A_484, %dma_start3A_485, %dma_start3A_486] : memref<2x4x2x128xi32, #tpu.memory_space<vmem>> -> memref<1x4x2x128xi32, #tpu.memory_space<vmem>>
      %dma_start3A_488 = tpu.memref_squeeze %dma_start3A_487 : memref<1x4x2x128xi32, #tpu.memory_space<vmem>> -> memref<4x2x128xi32, #tpu.memory_space<vmem>>
      %dma_start3A_489 = arith.constant 0 : i32
      %dma_start3A_490 = arith.constant 0 : i32
      %dma_start3A_491 = tpu.memref_slice %arg3[%add3A_19, %add3A_473, %dma_start3A_489, %dma_start3A_490] : memref<2x1288x2x128xi32, #tpu.memory_space<hbm>> -> memref<1x4x2x128xi32, #tpu.memory_space<hbm>>
      %dma_start3A_492 = tpu.memref_squeeze %dma_start3A_491 : memref<1x4x2x128xi32, #tpu.memory_space<hbm>> -> memref<4x2x128xi32, #tpu.memory_space<hbm>>
      tpu.enqueue_dma source(%dma_start3A_492 : memref<4x2x128xi32, #tpu.memory_space<hbm>>) target(%dma_start3A_488 : memref<4x2x128xi32, #tpu.memory_space<vmem>>) target_semaphore(%arg12 : memref<!tpu.dma_semaphore, #tpu.memory_space<semaphore_mem>>)
    }
    %scan3A_99 = arith.constant 10 : i32
    %dma_wait3A_100 = arith.constant 0 : i32
    %dma_wait3A_101 = arith.constant 0 : i32
    %dma_wait3A_102 = arith.constant 0 : i32
    %dma_wait3A_103 = arith.constant 0 : i32
    %dma_wait3A_104 = arith.constant 0 : i32
    %dma_wait3A_105 = arith.constant 0 : i32
    %dma_wait3A_106 = tpu.memref_slice %arg7[%dma_wait3A_103, %dma_wait3A_104, %dma_wait3A_105] : memref<2x128x128xf32, #tpu.memory_space<vmem>> -> memref<1x128x128xf32, #tpu.memory_space<vmem>>
    %dma_wait3A_107 = tpu.memref_squeeze %dma_wait3A_106 : memref<1x128x128xf32, #tpu.memory_space<vmem>> -> memref<128x128xf32, #tpu.memory_space<vmem>>
    %dma_wait3A_108 = arith.constant 0 : i32
    %dma_wait3A_109 = tpu.memref_slice %arg6[%dma_wait3A_100, %dma_wait3A_101, %dma_wait3A_102, %dma_wait3A_108] : memref<2x4x2x128xi32, #tpu.memory_space<vmem>> -> memref<1x1x1x128xi32, #tpu.memory_space<vmem>>
    %dma_wait3A_110 = tpu.memref_squeeze %dma_wait3A_109 : memref<1x1x1x128xi32, #tpu.memory_space<vmem>> -> memref<128xi32, #tpu.memory_space<vmem>>
    %dma_wait3A_111 = arith.constant 0 : i32
    %dma_wait3A_112 = arith.constant 0 : i32
    %dma_wait3A_113 = tpu.memref_slice %arg2[%dma_wait3A_111, %dma_wait3A_112] : memref<20000x128xf32, #tpu.memory_space<hbm>> -> memref<20000x128xf32, #tpu.memory_space<hbm>>
    tpu.wait_indirect_dma semaphore(%arg9 : memref<!tpu.dma_semaphore, #tpu.memory_space<semaphore_mem>>) src(%dma_wait3A_113 : memref<20000x128xf32, #tpu.memory_space<hbm>>) dst(%dma_wait3A_107 : memref<128x128xf32, #tpu.memory_space<vmem>>)
    %add3A_114 = arith.constant 84 : i32
    %add3A_115 = arith.addi %select_n3A, %add3A_114 : i32
    %dma_wait3A_116 = arith.constant 1 : i32
    %dma_wait3A_117 = arith.constant 0 : i32
    %dma_wait3A_118 = arith.constant 0 : i32
    %dma_wait3A_119 = arith.constant 0 : i32
    %dma_wait3A_120 = tpu.memref_slice %arg6[%dma_wait3A_116, %dma_wait3A_117, %dma_wait3A_118, %dma_wait3A_119] : memref<2x4x2x128xi32, #tpu.memory_space<vmem>> -> memref<1x4x2x128xi32, #tpu.memory_space<vmem>>
    %dma_wait3A_121 = tpu.memref_squeeze %dma_wait3A_120 : memref<1x4x2x128xi32, #tpu.memory_space<vmem>> -> memref<4x2x128xi32, #tpu.memory_space<vmem>>
    %dma_wait3A_122 = arith.constant 0 : i32
    %dma_wait3A_123 = arith.constant 0 : i32
    %dma_wait3A_124 = tpu.memref_slice %arg3[%add3A_19, %add3A_115, %dma_wait3A_122, %dma_wait3A_123] : memref<2x1288x2x128xi32, #tpu.memory_space<hbm>> -> memref<1x4x2x128xi32, #tpu.memory_space<hbm>>
    %dma_wait3A_125 = tpu.memref_squeeze %dma_wait3A_124 : memref<1x4x2x128xi32, #tpu.memory_space<hbm>> -> memref<4x2x128xi32, #tpu.memory_space<hbm>>
    %dma_wait3A_126 = arith.constant 0 : i32
    %dma_wait3A_127 = arith.constant 0 : i32
    %dma_wait3A_128 = arith.constant 0 : i32
    %dma_wait3A_129 = tpu.memref_slice %arg6[%dma_wait3A_116, %dma_wait3A_126, %dma_wait3A_127, %dma_wait3A_128] : memref<2x4x2x128xi32, #tpu.memory_space<vmem>> -> memref<1x4x2x128xi32, #tpu.memory_space<vmem>>
    %dma_wait3A_130 = tpu.memref_squeeze %dma_wait3A_129 : memref<1x4x2x128xi32, #tpu.memory_space<vmem>> -> memref<4x2x128xi32, #tpu.memory_space<vmem>>
    %dma_wait3A_131 = arith.constant 0 : i32
    %dma_wait3A_132 = arith.constant 0 : i32
    %dma_wait3A_133 = tpu.memref_slice %arg3[%add3A_19, %add3A_115, %dma_wait3A_131, %dma_wait3A_132] : memref<2x1288x2x128xi32, #tpu.memory_space<hbm>> -> memref<1x4x2x128xi32, #tpu.memory_space<hbm>>
    %dma_wait3A_134 = tpu.memref_squeeze %dma_wait3A_133 : memref<1x4x2x128xi32, #tpu.memory_space<hbm>> -> memref<4x2x128xi32, #tpu.memory_space<hbm>>
    tpu.wait_dma2 semaphore(%arg12 : memref<!tpu.dma_semaphore, #tpu.memory_space<semaphore_mem>>) src(%dma_wait3A_134 : memref<4x2x128xi32, #tpu.memory_space<hbm>>) dst(%dma_wait3A_130 : memref<4x2x128xi32, #tpu.memory_space<vmem>>)
    %barrier3A_135 = arith.constant 0 : index
    tpu.barrier barrier_id(%barrier3A_135)
    "tpu.region"() ({
      %run_scoped3A = tpu.sem_alloc : memref<!tpu.dma_semaphore, #tpu.memory_space<semaphore_mem>>
      %dma_start3A_137 = arith.constant 0 : i32
      %dma_start3A_138 = tpu.memref_slice %arg5[%add3A_19, %mul3A_0, %dma_start3A_137] : memref<2x10240x128xf32, #tpu.memory_space<hbm>> -> memref<1x640x128xf32, #tpu.memory_space<hbm>>
      %dma_start3A_139 = tpu.memref_squeeze %dma_start3A_138 : memref<1x640x128xf32, #tpu.memory_space<hbm>> -> memref<640x128xf32, #tpu.memory_space<hbm>>
      %dma_start3A_140 = arith.constant 0 : i32
      %dma_start3A_141 = tpu.memref_slice %arg8[%mul3A_0, %dma_start3A_140] : memref<10240x128xf32, #tpu.memory_space<vmem_shared>> -> memref<640x128xf32, #tpu.memory_space<vmem_shared>>
      tpu.enqueue_dma source(%dma_start3A_141 : memref<640x128xf32, #tpu.memory_space<vmem_shared>>) target(%dma_start3A_139 : memref<640x128xf32, #tpu.memory_space<hbm>>) target_semaphore(%run_scoped3A : memref<!tpu.dma_semaphore, #tpu.memory_space<semaphore_mem>>)
      %dma_wait3A_142 = arith.constant 0 : i32
      %dma_wait3A_143 = tpu.memref_slice %arg5[%add3A_19, %mul3A_0, %dma_wait3A_142] : memref<2x10240x128xf32, #tpu.memory_space<hbm>> -> memref<1x640x128xf32, #tpu.memory_space<hbm>>
      %dma_wait3A_144 = tpu.memref_squeeze %dma_wait3A_143 : memref<1x640x128xf32, #tpu.memory_space<hbm>> -> memref<640x128xf32, #tpu.memory_space<hbm>>
      %dma_wait3A_145 = arith.constant 0 : i32
      %dma_wait3A_146 = tpu.memref_slice %arg8[%mul3A_0, %dma_wait3A_145] : memref<10240x128xf32, #tpu.memory_space<vmem_shared>> -> memref<640x128xf32, #tpu.memory_space<vmem_shared>>
      tpu.wait_dma2 semaphore(%run_scoped3A : memref<!tpu.dma_semaphore, #tpu.memory_space<semaphore_mem>>) src(%dma_wait3A_146 : memref<640x128xf32, #tpu.memory_space<vmem_shared>>) dst(%dma_wait3A_144 : memref<640x128xf32, #tpu.memory_space<hbm>>)
      tpu.yield
    }) : () -> ()
    %barrier3A_136 = arith.constant 0 : index
    tpu.barrier barrier_id(%barrier3A_136)
    return
  }
}

module attributes {stable_mosaic.version = 14 : i64} {
  func.func @_self_body(%arg0: i32, %arg1: memref<400x256xf32, #tpu.memory_space<vmem>>, %arg2: memref<256x512xf32, #tpu.memory_space<vmem>>, %arg3: memref<1x512xf32, #tpu.memory_space<vmem>>, %arg4: memref<400x512xf32, #tpu.memory_space<vmem>>) attributes {dimension_semantics = [#tpu.dimension_semantics<arbitrary>], iteration_bounds = array<i64: 25>, scalar_prefetch = 0 : i64, scratch_operands = 0 : i64, tpu.core_type = #tpu.core_type<tc>, window_params = [{transform_indices = @transform_0, window_bounds = array<i64: 400, 256>}, {pipeline_mode = #tpu.pipeline_mode<synchronous>, transform_indices = @transform_1, window_bounds = array<i64: 256, 512>}, {pipeline_mode = #tpu.pipeline_mode<synchronous>, transform_indices = @transform_2, window_bounds = array<i64: 1, 512>}, {transform_indices = @transform_3, window_bounds = array<i64: 400, 512>}]} {
    %get3A = arith.constant 0 : index
    %get3A_0 = arith.constant 0 : index
    %get3A_1 = vector.load %arg1[%get3A, %get3A_0] : memref<400x256xf32, #tpu.memory_space<vmem>>, vector<400x256xf32>
    %get3A_2 = arith.constant 0 : index
    %get3A_3 = arith.constant 0 : index
    %get3A_4 = vector.load %arg2[%get3A_2, %get3A_3] : memref<256x512xf32, #tpu.memory_space<vmem>>, vector<256x512xf32>
    %dot_general3A = arith.constant dense<0.000000e+00> : vector<400x512xf32>
    %dot_general3A_5 = tpu.matmul %get3A_1, %get3A_4, %dot_general3A {dimension_numbers = #tpu.dot_dimension_numbers<[1], [0], [0], [1], [0, 0, 1, 1], [], []>, transpose_lhs_hint = false} : vector<400x256xf32>, vector<256x512xf32>, vector<400x512xf32> -> vector<400x512xf32>
    %get3A_6 = arith.constant 0 : index
    %get3A_7 = arith.constant 0 : index
    %get3A_8 = vector.load %arg3[%get3A_6, %get3A_7] : memref<1x512xf32, #tpu.memory_space<vmem>>, vector<1x512xf32>
    %add3A = vector.broadcast %get3A_8 : vector<1x512xf32> to vector<400x512xf32>
    %add3A_9 = arith.addf %dot_general3A_5, %add3A : vector<400x512xf32>
    %swap3A = arith.constant 0 : index
    %swap3A_10 = arith.constant 0 : index
    %swap3A_11 = vector.load %arg4[%swap3A, %swap3A_10] : memref<400x512xf32, #tpu.memory_space<vmem>>, vector<400x512xf32>
    tpu.vector_store %arg4[%swap3A, %swap3A_10], %add3A_9 {strides = array<i32>} : memref<400x512xf32, #tpu.memory_space<vmem>>, vector<400x512xf32>,
    return
  }
  func.func @transform_0(%arg0: i32) -> (i32, i32) {
    %c0_i32 = arith.constant 0 : i32
    %c0_i32_0 = arith.constant 0 : i32
    return %arg0, %c0_i32 : i32, i32
  }
  func.func @transform_1(%arg0: i32) -> (i32, i32) {
    %c0_i32 = arith.constant 0 : i32
    %c0_i32_0 = arith.constant 0 : i32
    %c0_i32_1 = arith.constant 0 : i32
    return %c0_i32, %c0_i32_0 : i32, i32
  }
  func.func @transform_2(%arg0: i32) -> (i32, i32) {
    %c0_i32 = arith.constant 0 : i32
    %c0_i32_0 = arith.constant 0 : i32
    %c0_i32_1 = arith.constant 0 : i32
    return %c0_i32, %c0_i32_0 : i32, i32
  }
  func.func @transform_3(%arg0: i32) -> (i32, i32) {
    %c0_i32 = arith.constant 0 : i32
    %c0_i32_0 = arith.constant 0 : i32
    return %arg0, %c0_i32 : i32, i32
  }
}

module attributes {stable_mosaic.version = 14 : i64} {
  func.func @_tc1_body(%arg0: i32, %arg1: memref<400x512xf32, #tpu.memory_space<vmem>>, %arg2: memref<2x400x128xf32, #tpu.memory_space<vmem>>, %arg3: memref<2x400x128xf32, #tpu.memory_space<vmem>>, %arg4: memref<256x512xf32, #tpu.memory_space<vmem>>, %arg5: memref<400x512xf32, #tpu.memory_space<vmem>>, %arg6: memref<400x1xf32, #tpu.memory_space<vmem>>) attributes {dimension_semantics = [#tpu.dimension_semantics<arbitrary>], iteration_bounds = array<i64: 25>, scalar_prefetch = 0 : i64, scratch_operands = 0 : i64, tpu.core_type = #tpu.core_type<tc>, window_params = [{transform_indices = @transform_0, window_bounds = array<i64: 400, 512>}, {transform_indices = @transform_1, window_bounds = array<i64: 2, 400, 128>}, {transform_indices = @transform_2, window_bounds = array<i64: 2, 400, 128>}, {pipeline_mode = #tpu.pipeline_mode<synchronous>, transform_indices = @transform_3, window_bounds = array<i64: 256, 512>}, {transform_indices = @transform_4, window_bounds = array<i64: 400, 512>}, {transform_indices = @transform_5, window_bounds = array<i64: 400, 1>}]} {
    %get3A = arith.constant 0 : index
    %get3A_0 = arith.constant 0 : index
    %get3A_1 = arith.constant 0 : index
    %get3A_2 = vector.load %arg3[%get3A, %get3A_0, %get3A_1] : memref<2x400x128xf32, #tpu.memory_space<vmem>>, vector<1x400x128xf32>
    %get3A_3 = vector.shape_cast %get3A_2 : vector<1x400x128xf32> to vector<400x128xf32>
    %slice3A = vector.extract_strided_slice %get3A_3 {offsets = [0, 0], sizes = [400, 1], strides = [1, 1]} : vector<400x128xf32> to vector<400x1xf32>
    %get3A_4 = arith.constant 1 : index
    %get3A_5 = arith.constant 0 : index
    %get3A_6 = arith.constant 0 : index
    %get3A_7 = vector.load %arg3[%get3A_4, %get3A_5, %get3A_6] : memref<2x400x128xf32, #tpu.memory_space<vmem>>, vector<1x400x128xf32>
    %get3A_8 = vector.shape_cast %get3A_7 : vector<1x400x128xf32> to vector<400x128xf32>
    %slice3A_9 = vector.extract_strided_slice %get3A_8 {offsets = [0, 0], sizes = [400, 1], strides = [1, 1]} : vector<400x128xf32> to vector<400x1xf32>
    %add3A = arith.addf %slice3A, %slice3A_9 : vector<400x1xf32>
    %max3A = arith.constant 1.000000e+00 : f32
    %max3A_10 = vector.broadcast %max3A : f32 to vector<400x1xf32>
    %max3A_11 = arith.maximumf %add3A, %max3A_10 : vector<400x1xf32>
    %div3A = arith.constant 1.000000e+00 : f32
    %div3A_12 = vector.broadcast %div3A : f32 to vector<400x1xf32>
    %div3A_13 = arith.divf %div3A_12, %max3A_11 : vector<400x1xf32>
    %swap3A = arith.constant 0 : index
    %swap3A_14 = arith.constant 0 : index
    %swap3A_15 = vector.load %arg6[%swap3A, %swap3A_14] : memref<400x1xf32, #tpu.memory_space<vmem>>, vector<400x1xf32>
    tpu.vector_store %arg6[%swap3A, %swap3A_14], %div3A_13 {strides = array<i32>} : memref<400x1xf32, #tpu.memory_space<vmem>>, vector<400x1xf32>,
    %get3A_16 = arith.constant 0 : index
    %get3A_17 = arith.constant 0 : index
    %get3A_18 = vector.load %arg1[%get3A_16, %get3A_17] : memref<400x512xf32, #tpu.memory_space<vmem>>, vector<400x512xf32>
    %get3A_19 = arith.constant 0 : index
    %get3A_20 = arith.constant 0 : index
    %get3A_21 = arith.constant 0 : index
    %get3A_22 = vector.load %arg2[%get3A_19, %get3A_20, %get3A_21] : memref<2x400x128xf32, #tpu.memory_space<vmem>>, vector<1x400x128xf32>
    %get3A_23 = vector.shape_cast %get3A_22 : vector<1x400x128xf32> to vector<400x128xf32>
    %mul3A = vector.broadcast %div3A_13 : vector<400x1xf32> to vector<400x128xf32>
    %mul3A_24 = arith.mulf %get3A_23, %mul3A : vector<400x128xf32>
    %get3A_25 = arith.constant 0 : index
    %get3A_26 = arith.constant 0 : index
    %get3A_27 = vector.load %arg4[%get3A_25, %get3A_26] : memref<256x512xf32, #tpu.memory_space<vmem>>, vector<128x512xf32>
    %dot_general3A = arith.constant dense<0.000000e+00> : vector<400x512xf32>
    %dot_general3A_28 = tpu.matmul %mul3A_24, %get3A_27, %dot_general3A {dimension_numbers = #tpu.dot_dimension_numbers<[1], [0], [0], [1], [0, 0, 1, 1], [], []>, transpose_lhs_hint = false} : vector<400x128xf32>, vector<128x512xf32>, vector<400x512xf32> -> vector<400x512xf32>
    %add3A_29 = arith.addf %get3A_18, %dot_general3A_28 : vector<400x512xf32>
    %get3A_30 = arith.constant 1 : index
    %get3A_31 = arith.constant 0 : index
    %get3A_32 = arith.constant 0 : index
    %get3A_33 = vector.load %arg2[%get3A_30, %get3A_31, %get3A_32] : memref<2x400x128xf32, #tpu.memory_space<vmem>>, vector<1x400x128xf32>
    %get3A_34 = vector.shape_cast %get3A_33 : vector<1x400x128xf32> to vector<400x128xf32>
    %mul3A_35 = vector.broadcast %div3A_13 : vector<400x1xf32> to vector<400x128xf32>
    %mul3A_36 = arith.mulf %get3A_34, %mul3A_35 : vector<400x128xf32>
    %get3A_37 = arith.constant 128 : index
    %get3A_38 = arith.constant 0 : index
    %get3A_39 = vector.load %arg4[%get3A_37, %get3A_38] : memref<256x512xf32, #tpu.memory_space<vmem>>, vector<128x512xf32>
    %dot_general3A_40 = arith.constant dense<0.000000e+00> : vector<400x512xf32>
    %dot_general3A_41 = tpu.matmul %mul3A_36, %get3A_39, %dot_general3A_40 {dimension_numbers = #tpu.dot_dimension_numbers<[1], [0], [0], [1], [0, 0, 1, 1], [], []>, transpose_lhs_hint = false} : vector<400x128xf32>, vector<128x512xf32>, vector<400x512xf32> -> vector<400x512xf32>
    %add3A_42 = arith.addf %add3A_29, %dot_general3A_41 : vector<400x512xf32>
    %max3A_43 = arith.constant 0.000000e+00 : f32
    %max3A_44 = vector.broadcast %max3A_43 : f32 to vector<400x512xf32>
    %max3A_45 = arith.maximumf %add3A_42, %max3A_44 : vector<400x512xf32>
    %swap3A_46 = arith.constant 0 : index
    %swap3A_47 = arith.constant 0 : index
    %swap3A_48 = vector.load %arg5[%swap3A_46, %swap3A_47] : memref<400x512xf32, #tpu.memory_space<vmem>>, vector<400x512xf32>
    tpu.vector_store %arg5[%swap3A_46, %swap3A_47], %max3A_45 {strides = array<i32>} : memref<400x512xf32, #tpu.memory_space<vmem>>, vector<400x512xf32>,
    return
  }
  func.func @transform_0(%arg0: i32) -> (i32, i32) {
    %c0_i32 = arith.constant 0 : i32
    %c0_i32_0 = arith.constant 0 : i32
    return %arg0, %c0_i32 : i32, i32
  }
  func.func @transform_1(%arg0: i32) -> (i32, i32, i32) {
    %c0_i32 = arith.constant 0 : i32
    %c0_i32_0 = arith.constant 0 : i32
    %c0_i32_1 = arith.constant 0 : i32
    return %c0_i32, %arg0, %c0_i32_0 : i32, i32, i32
  }
  func.func @transform_2(%arg0: i32) -> (i32, i32, i32) {
    %c0_i32 = arith.constant 0 : i32
    %c0_i32_0 = arith.constant 0 : i32
    %c0_i32_1 = arith.constant 0 : i32
    return %c0_i32, %arg0, %c0_i32_0 : i32, i32, i32
  }
  func.func @transform_3(%arg0: i32) -> (i32, i32) {
    %c0_i32 = arith.constant 0 : i32
    %c0_i32_0 = arith.constant 0 : i32
    %c0_i32_1 = arith.constant 0 : i32
    return %c0_i32, %c0_i32_0 : i32, i32
  }
  func.func @transform_4(%arg0: i32) -> (i32, i32) {
    %c0_i32 = arith.constant 0 : i32
    %c0_i32_0 = arith.constant 0 : i32
    return %arg0, %c0_i32 : i32, i32
  }
  func.func @transform_5(%arg0: i32) -> (i32, i32) {
    %c0_i32 = arith.constant 0 : i32
    %c0_i32_0 = arith.constant 0 : i32
    return %arg0, %c0_i32 : i32, i32
  }
}

module attributes {stable_mosaic.version = 14 : i64} {
  func.func @_self_body(%arg0: i32, %arg1: memref<400x512xf32, #tpu.memory_space<vmem>>, %arg2: memref<512x512xf32, #tpu.memory_space<vmem>>, %arg3: memref<1x512xf32, #tpu.memory_space<vmem>>, %arg4: memref<400x512xf32, #tpu.memory_space<vmem>>) attributes {dimension_semantics = [#tpu.dimension_semantics<arbitrary>], iteration_bounds = array<i64: 25>, scalar_prefetch = 0 : i64, scratch_operands = 0 : i64, tpu.core_type = #tpu.core_type<tc>, window_params = [{transform_indices = @transform_0, window_bounds = array<i64: 400, 512>}, {pipeline_mode = #tpu.pipeline_mode<synchronous>, transform_indices = @transform_1, window_bounds = array<i64: 512, 512>}, {pipeline_mode = #tpu.pipeline_mode<synchronous>, transform_indices = @transform_2, window_bounds = array<i64: 1, 512>}, {transform_indices = @transform_3, window_bounds = array<i64: 400, 512>}]} {
    %get3A = arith.constant 0 : index
    %get3A_0 = arith.constant 0 : index
    %get3A_1 = vector.load %arg1[%get3A, %get3A_0] : memref<400x512xf32, #tpu.memory_space<vmem>>, vector<400x512xf32>
    %get3A_2 = arith.constant 0 : index
    %get3A_3 = arith.constant 0 : index
    %get3A_4 = vector.load %arg2[%get3A_2, %get3A_3] : memref<512x512xf32, #tpu.memory_space<vmem>>, vector<512x512xf32>
    %dot_general3A = arith.constant dense<0.000000e+00> : vector<400x512xf32>
    %dot_general3A_5 = tpu.matmul %get3A_1, %get3A_4, %dot_general3A {dimension_numbers = #tpu.dot_dimension_numbers<[1], [0], [0], [1], [0, 0, 1, 1], [], []>, transpose_lhs_hint = false} : vector<400x512xf32>, vector<512x512xf32>, vector<400x512xf32> -> vector<400x512xf32>
    %get3A_6 = arith.constant 0 : index
    %get3A_7 = arith.constant 0 : index
    %get3A_8 = vector.load %arg3[%get3A_6, %get3A_7] : memref<1x512xf32, #tpu.memory_space<vmem>>, vector<1x512xf32>
    %add3A = vector.broadcast %get3A_8 : vector<1x512xf32> to vector<400x512xf32>
    %add3A_9 = arith.addf %dot_general3A_5, %add3A : vector<400x512xf32>
    %swap3A = arith.constant 0 : index
    %swap3A_10 = arith.constant 0 : index
    %swap3A_11 = vector.load %arg4[%swap3A, %swap3A_10] : memref<400x512xf32, #tpu.memory_space<vmem>>, vector<400x512xf32>
    tpu.vector_store %arg4[%swap3A, %swap3A_10], %add3A_9 {strides = array<i32>} : memref<400x512xf32, #tpu.memory_space<vmem>>, vector<400x512xf32>,
    return
  }
  func.func @transform_0(%arg0: i32) -> (i32, i32) {
    %c0_i32 = arith.constant 0 : i32
    %c0_i32_0 = arith.constant 0 : i32
    return %arg0, %c0_i32 : i32, i32
  }
  func.func @transform_1(%arg0: i32) -> (i32, i32) {
    %c0_i32 = arith.constant 0 : i32
    %c0_i32_0 = arith.constant 0 : i32
    %c0_i32_1 = arith.constant 0 : i32
    return %c0_i32, %c0_i32_0 : i32, i32
  }
  func.func @transform_2(%arg0: i32) -> (i32, i32) {
    %c0_i32 = arith.constant 0 : i32
    %c0_i32_0 = arith.constant 0 : i32
    %c0_i32_1 = arith.constant 0 : i32
    return %c0_i32, %c0_i32_0 : i32, i32
  }
  func.func @transform_3(%arg0: i32) -> (i32, i32) {
    %c0_i32 = arith.constant 0 : i32
    %c0_i32_0 = arith.constant 0 : i32
    return %arg0, %c0_i32 : i32, i32
  }
}

module attributes {stable_mosaic.version = 14 : i64} {
  func.func @_tc2_body(%arg0: i32, %arg1: memref<400x512xf32, #tpu.memory_space<vmem>>, %arg2: memref<4x400x128xf32, #tpu.memory_space<vmem>>, %arg3: memref<400x1xf32, #tpu.memory_space<vmem>>, %arg4: memref<512x512xf32, #tpu.memory_space<vmem>>, %arg5: memref<512x128xf32, #tpu.memory_space<vmem>>, %arg6: memref<400x512xf32, #tpu.memory_space<vmem>>, %arg7: memref<400x128xf32, #tpu.memory_space<vmem>>) attributes {dimension_semantics = [#tpu.dimension_semantics<arbitrary>], iteration_bounds = array<i64: 25>, scalar_prefetch = 0 : i64, scratch_operands = 0 : i64, tpu.core_type = #tpu.core_type<tc>, window_params = [{transform_indices = @transform_0, window_bounds = array<i64: 400, 512>}, {transform_indices = @transform_1, window_bounds = array<i64: 4, 400, 128>}, {transform_indices = @transform_2, window_bounds = array<i64: 400, 1>}, {pipeline_mode = #tpu.pipeline_mode<synchronous>, transform_indices = @transform_3, window_bounds = array<i64: 512, 512>}, {pipeline_mode = #tpu.pipeline_mode<synchronous>, transform_indices = @transform_4, window_bounds = array<i64: 512, 128>}, {transform_indices = @transform_5, window_bounds = array<i64: 400, 512>}, {transform_indices = @transform_6, window_bounds = array<i64: 400, 128>}]} {
    %get3A = arith.constant 0 : index
    %get3A_0 = arith.constant 0 : index
    %get3A_1 = vector.load %arg3[%get3A, %get3A_0] : memref<400x1xf32, #tpu.memory_space<vmem>>, vector<400x1xf32>
    %get3A_2 = arith.constant 0 : index
    %get3A_3 = arith.constant 0 : index
    %get3A_4 = vector.load %arg1[%get3A_2, %get3A_3] : memref<400x512xf32, #tpu.memory_space<vmem>>, vector<400x512xf32>
    %get3A_5 = arith.constant 0 : index
    %get3A_6 = arith.constant 0 : index
    %get3A_7 = arith.constant 0 : index
    %get3A_8 = vector.load %arg2[%get3A_5, %get3A_6, %get3A_7] : memref<4x400x128xf32, #tpu.memory_space<vmem>>, vector<1x400x128xf32>
    %get3A_9 = vector.shape_cast %get3A_8 : vector<1x400x128xf32> to vector<400x128xf32>
    %mul3A = vector.broadcast %get3A_1 : vector<400x1xf32> to vector<400x128xf32>
    %mul3A_10 = arith.mulf %get3A_9, %mul3A : vector<400x128xf32>
    %get3A_11 = arith.constant 0 : index
    %get3A_12 = arith.constant 0 : index
    %get3A_13 = vector.load %arg4[%get3A_11, %get3A_12] : memref<512x512xf32, #tpu.memory_space<vmem>>, vector<128x512xf32>
    %dot_general3A = arith.constant dense<0.000000e+00> : vector<400x512xf32>
    %dot_general3A_14 = tpu.matmul %mul3A_10, %get3A_13, %dot_general3A {dimension_numbers = #tpu.dot_dimension_numbers<[1], [0], [0], [1], [0, 0, 1, 1], [], []>, transpose_lhs_hint = false} : vector<400x128xf32>, vector<128x512xf32>, vector<400x512xf32> -> vector<400x512xf32>
    %add3A = arith.addf %get3A_4, %dot_general3A_14 : vector<400x512xf32>
    %get3A_15 = arith.constant 1 : index
    %get3A_16 = arith.constant 0 : index
    %get3A_17 = arith.constant 0 : index
    %get3A_18 = vector.load %arg2[%get3A_15, %get3A_16, %get3A_17] : memref<4x400x128xf32, #tpu.memory_space<vmem>>, vector<1x400x128xf32>
    %get3A_19 = vector.shape_cast %get3A_18 : vector<1x400x128xf32> to vector<400x128xf32>
    %mul3A_20 = vector.broadcast %get3A_1 : vector<400x1xf32> to vector<400x128xf32>
    %mul3A_21 = arith.mulf %get3A_19, %mul3A_20 : vector<400x128xf32>
    %get3A_22 = arith.constant 128 : index
    %get3A_23 = arith.constant 0 : index
    %get3A_24 = vector.load %arg4[%get3A_22, %get3A_23] : memref<512x512xf32, #tpu.memory_space<vmem>>, vector<128x512xf32>
    %dot_general3A_25 = arith.constant dense<0.000000e+00> : vector<400x512xf32>
    %dot_general3A_26 = tpu.matmul %mul3A_21, %get3A_24, %dot_general3A_25 {dimension_numbers = #tpu.dot_dimension_numbers<[1], [0], [0], [1], [0, 0, 1, 1], [], []>, transpose_lhs_hint = false} : vector<400x128xf32>, vector<128x512xf32>, vector<400x512xf32> -> vector<400x512xf32>
    %add3A_27 = arith.addf %add3A, %dot_general3A_26 : vector<400x512xf32>
    %get3A_28 = arith.constant 2 : index
    %get3A_29 = arith.constant 0 : index
    %get3A_30 = arith.constant 0 : index
    %get3A_31 = vector.load %arg2[%get3A_28, %get3A_29, %get3A_30] : memref<4x400x128xf32, #tpu.memory_space<vmem>>, vector<1x400x128xf32>
    %get3A_32 = vector.shape_cast %get3A_31 : vector<1x400x128xf32> to vector<400x128xf32>
    %mul3A_33 = vector.broadcast %get3A_1 : vector<400x1xf32> to vector<400x128xf32>
    %mul3A_34 = arith.mulf %get3A_32, %mul3A_33 : vector<400x128xf32>
    %get3A_35 = arith.constant 256 : index
    %get3A_36 = arith.constant 0 : index
    %get3A_37 = vector.load %arg4[%get3A_35, %get3A_36] : memref<512x512xf32, #tpu.memory_space<vmem>>, vector<128x512xf32>
    %dot_general3A_38 = arith.constant dense<0.000000e+00> : vector<400x512xf32>
    %dot_general3A_39 = tpu.matmul %mul3A_34, %get3A_37, %dot_general3A_38 {dimension_numbers = #tpu.dot_dimension_numbers<[1], [0], [0], [1], [0, 0, 1, 1], [], []>, transpose_lhs_hint = false} : vector<400x128xf32>, vector<128x512xf32>, vector<400x512xf32> -> vector<400x512xf32>
    %add3A_40 = arith.addf %add3A_27, %dot_general3A_39 : vector<400x512xf32>
    %get3A_41 = arith.constant 3 : index
    %get3A_42 = arith.constant 0 : index
    %get3A_43 = arith.constant 0 : index
    %get3A_44 = vector.load %arg2[%get3A_41, %get3A_42, %get3A_43] : memref<4x400x128xf32, #tpu.memory_space<vmem>>, vector<1x400x128xf32>
    %get3A_45 = vector.shape_cast %get3A_44 : vector<1x400x128xf32> to vector<400x128xf32>
    %mul3A_46 = vector.broadcast %get3A_1 : vector<400x1xf32> to vector<400x128xf32>
    %mul3A_47 = arith.mulf %get3A_45, %mul3A_46 : vector<400x128xf32>
    %get3A_48 = arith.constant 384 : index
    %get3A_49 = arith.constant 0 : index
    %get3A_50 = vector.load %arg4[%get3A_48, %get3A_49] : memref<512x512xf32, #tpu.memory_space<vmem>>, vector<128x512xf32>
    %dot_general3A_51 = arith.constant dense<0.000000e+00> : vector<400x512xf32>
    %dot_general3A_52 = tpu.matmul %mul3A_47, %get3A_50, %dot_general3A_51 {dimension_numbers = #tpu.dot_dimension_numbers<[1], [0], [0], [1], [0, 0, 1, 1], [], []>, transpose_lhs_hint = false} : vector<400x128xf32>, vector<128x512xf32>, vector<400x512xf32> -> vector<400x512xf32>
    %add3A_53 = arith.addf %add3A_40, %dot_general3A_52 : vector<400x512xf32>
    %max3A = arith.constant 0.000000e+00 : f32
    %max3A_54 = vector.broadcast %max3A : f32 to vector<400x512xf32>
    %max3A_55 = arith.maximumf %add3A_53, %max3A_54 : vector<400x512xf32>
    %swap3A = arith.constant 0 : index
    %swap3A_56 = arith.constant 0 : index
    %swap3A_57 = vector.load %arg6[%swap3A, %swap3A_56] : memref<400x512xf32, #tpu.memory_space<vmem>>, vector<400x512xf32>
    tpu.vector_store %arg6[%swap3A, %swap3A_56], %max3A_55 {strides = array<i32>} : memref<400x512xf32, #tpu.memory_space<vmem>>, vector<400x512xf32>,
    %get3A_58 = arith.constant 0 : index
    %get3A_59 = arith.constant 0 : index
    %get3A_60 = vector.load %arg5[%get3A_58, %get3A_59] : memref<512x128xf32, #tpu.memory_space<vmem>>, vector<512x128xf32>
    %dot_general3A_61 = arith.constant dense<0.000000e+00> : vector<400x128xf32>
    %dot_general3A_62 = tpu.matmul %max3A_55, %get3A_60, %dot_general3A_61 {dimension_numbers = #tpu.dot_dimension_numbers<[1], [0], [0], [1], [0, 0, 1, 1], [], []>, transpose_lhs_hint = false} : vector<400x512xf32>, vector<512x128xf32>, vector<400x128xf32> -> vector<400x128xf32>
    %swap3A_63 = arith.constant 0 : index
    %swap3A_64 = arith.constant 0 : index
    %swap3A_65 = vector.load %arg7[%swap3A_63, %swap3A_64] : memref<400x128xf32, #tpu.memory_space<vmem>>, vector<400x128xf32>
    tpu.vector_store %arg7[%swap3A_63, %swap3A_64], %dot_general3A_62 {strides = array<i32>} : memref<400x128xf32, #tpu.memory_space<vmem>>, vector<400x128xf32>,
    return
  }
  func.func @transform_0(%arg0: i32) -> (i32, i32) {
    %c0_i32 = arith.constant 0 : i32
    %c0_i32_0 = arith.constant 0 : i32
    return %arg0, %c0_i32 : i32, i32
  }
  func.func @transform_1(%arg0: i32) -> (i32, i32, i32) {
    %c0_i32 = arith.constant 0 : i32
    %c0_i32_0 = arith.constant 0 : i32
    %c0_i32_1 = arith.constant 0 : i32
    return %c0_i32, %arg0, %c0_i32_0 : i32, i32, i32
  }
  func.func @transform_2(%arg0: i32) -> (i32, i32) {
    %c0_i32 = arith.constant 0 : i32
    %c0_i32_0 = arith.constant 0 : i32
    return %arg0, %c0_i32 : i32, i32
  }
  func.func @transform_3(%arg0: i32) -> (i32, i32) {
    %c0_i32 = arith.constant 0 : i32
    %c0_i32_0 = arith.constant 0 : i32
    %c0_i32_1 = arith.constant 0 : i32
    return %c0_i32, %c0_i32_0 : i32, i32
  }
  func.func @transform_4(%arg0: i32) -> (i32, i32) {
    %c0_i32 = arith.constant 0 : i32
    %c0_i32_0 = arith.constant 0 : i32
    %c0_i32_1 = arith.constant 0 : i32
    return %c0_i32, %c0_i32_0 : i32, i32
  }
  func.func @transform_5(%arg0: i32) -> (i32, i32) {
    %c0_i32 = arith.constant 0 : i32
    %c0_i32_0 = arith.constant 0 : i32
    return %arg0, %c0_i32 : i32, i32
  }
  func.func @transform_6(%arg0: i32) -> (i32, i32) {
    %c0_i32 = arith.constant 0 : i32
    %c0_i32_0 = arith.constant 0 : i32
    return %arg0, %c0_i32 : i32, i32
  }
}

module attributes {stable_mosaic.version = 14 : i64} {
  func.func @_self_body(%arg0: i32, %arg1: memref<400x512xf32, #tpu.memory_space<vmem>>, %arg2: memref<512x128xf32, #tpu.memory_space<vmem>>, %arg3: memref<1x128xf32, #tpu.memory_space<vmem>>, %arg4: memref<400x128xf32, #tpu.memory_space<vmem>>) attributes {dimension_semantics = [#tpu.dimension_semantics<arbitrary>], iteration_bounds = array<i64: 25>, scalar_prefetch = 0 : i64, scratch_operands = 0 : i64, tpu.core_type = #tpu.core_type<tc>, window_params = [{transform_indices = @transform_0, window_bounds = array<i64: 400, 512>}, {pipeline_mode = #tpu.pipeline_mode<synchronous>, transform_indices = @transform_1, window_bounds = array<i64: 512, 128>}, {pipeline_mode = #tpu.pipeline_mode<synchronous>, transform_indices = @transform_2, window_bounds = array<i64: 1, 128>}, {transform_indices = @transform_3, window_bounds = array<i64: 400, 128>}]} {
    %get3A = arith.constant 0 : index
    %get3A_0 = arith.constant 0 : index
    %get3A_1 = vector.load %arg1[%get3A, %get3A_0] : memref<400x512xf32, #tpu.memory_space<vmem>>, vector<400x512xf32>
    %get3A_2 = arith.constant 0 : index
    %get3A_3 = arith.constant 0 : index
    %get3A_4 = vector.load %arg2[%get3A_2, %get3A_3] : memref<512x128xf32, #tpu.memory_space<vmem>>, vector<512x128xf32>
    %dot_general3A = arith.constant dense<0.000000e+00> : vector<400x128xf32>
    %dot_general3A_5 = tpu.matmul %get3A_1, %get3A_4, %dot_general3A {dimension_numbers = #tpu.dot_dimension_numbers<[1], [0], [0], [1], [0, 0, 1, 1], [], []>, transpose_lhs_hint = false} : vector<400x512xf32>, vector<512x128xf32>, vector<400x128xf32> -> vector<400x128xf32>
    %get3A_6 = arith.constant 0 : index
    %get3A_7 = arith.constant 0 : index
    %get3A_8 = vector.load %arg3[%get3A_6, %get3A_7] : memref<1x128xf32, #tpu.memory_space<vmem>>, vector<1x128xf32>
    %add3A = vector.broadcast %get3A_8 : vector<1x128xf32> to vector<400x128xf32>
    %add3A_9 = arith.addf %dot_general3A_5, %add3A : vector<400x128xf32>
    %swap3A = arith.constant 0 : index
    %swap3A_10 = arith.constant 0 : index
    %swap3A_11 = vector.load %arg4[%swap3A, %swap3A_10] : memref<400x128xf32, #tpu.memory_space<vmem>>, vector<400x128xf32>
    tpu.vector_store %arg4[%swap3A, %swap3A_10], %add3A_9 {strides = array<i32>} : memref<400x128xf32, #tpu.memory_space<vmem>>, vector<400x128xf32>,
    return
  }
  func.func @transform_0(%arg0: i32) -> (i32, i32) {
    %c0_i32 = arith.constant 0 : i32
    %c0_i32_0 = arith.constant 0 : i32
    return %arg0, %c0_i32 : i32, i32
  }
  func.func @transform_1(%arg0: i32) -> (i32, i32) {
    %c0_i32 = arith.constant 0 : i32
    %c0_i32_0 = arith.constant 0 : i32
    %c0_i32_1 = arith.constant 0 : i32
    return %c0_i32, %c0_i32_0 : i32, i32
  }
  func.func @transform_2(%arg0: i32) -> (i32, i32) {
    %c0_i32 = arith.constant 0 : i32
    %c0_i32_0 = arith.constant 0 : i32
    %c0_i32_1 = arith.constant 0 : i32
    return %c0_i32, %c0_i32_0 : i32, i32
  }
  func.func @transform_3(%arg0: i32) -> (i32, i32) {
    %c0_i32 = arith.constant 0 : i32
    %c0_i32_0 = arith.constant 0 : i32
    return %arg0, %c0_i32 : i32, i32
  }
}

module attributes {stable_mosaic.version = 14 : i64} {
  func.func @_tc3_body(%arg0: i32, %arg1: memref<400x128xf32, #tpu.memory_space<vmem>>, %arg2: memref<2x400x128xf32, #tpu.memory_space<vmem>>, %arg3: memref<400x1xf32, #tpu.memory_space<vmem>>, %arg4: memref<400x128xf32, #tpu.memory_space<vmem>>) attributes {dimension_semantics = [#tpu.dimension_semantics<arbitrary>], iteration_bounds = array<i64: 25>, scalar_prefetch = 0 : i64, scratch_operands = 0 : i64, tpu.core_type = #tpu.core_type<tc>, window_params = [{transform_indices = @transform_0, window_bounds = array<i64: 400, 128>}, {transform_indices = @transform_1, window_bounds = array<i64: 2, 400, 128>}, {transform_indices = @transform_2, window_bounds = array<i64: 400, 1>}, {transform_indices = @transform_3, window_bounds = array<i64: 400, 128>}]} {
    %get3A = arith.constant 0 : index
    %get3A_0 = arith.constant 0 : index
    %get3A_1 = vector.load %arg3[%get3A, %get3A_0] : memref<400x1xf32, #tpu.memory_space<vmem>>, vector<400x1xf32>
    %get3A_2 = arith.constant 0 : index
    %get3A_3 = arith.constant 0 : index
    %get3A_4 = vector.load %arg1[%get3A_2, %get3A_3] : memref<400x128xf32, #tpu.memory_space<vmem>>, vector<400x128xf32>
    %get3A_5 = arith.constant 0 : index
    %get3A_6 = arith.constant 0 : index
    %get3A_7 = arith.constant 0 : index
    %get3A_8 = vector.load %arg2[%get3A_5, %get3A_6, %get3A_7] : memref<2x400x128xf32, #tpu.memory_space<vmem>>, vector<1x400x128xf32>
    %get3A_9 = vector.shape_cast %get3A_8 : vector<1x400x128xf32> to vector<400x128xf32>
    %get3A_10 = arith.constant 1 : index
    %get3A_11 = arith.constant 0 : index
    %get3A_12 = arith.constant 0 : index
    %get3A_13 = vector.load %arg2[%get3A_10, %get3A_11, %get3A_12] : memref<2x400x128xf32, #tpu.memory_space<vmem>>, vector<1x400x128xf32>
    %get3A_14 = vector.shape_cast %get3A_13 : vector<1x400x128xf32> to vector<400x128xf32>
    %add3A = arith.addf %get3A_9, %get3A_14 : vector<400x128xf32>
    %mul3A = vector.broadcast %get3A_1 : vector<400x1xf32> to vector<400x128xf32>
    %mul3A_15 = arith.mulf %add3A, %mul3A : vector<400x128xf32>
    %add3A_16 = arith.addf %get3A_4, %mul3A_15 : vector<400x128xf32>
    %iota3A = tpu.iota {dimensions = array<i32: 1>} : vector<400x128xi32>
    %lt3A = arith.constant 40 : i32
    %lt3A_17 = vector.broadcast %lt3A : i32 to vector<400x128xi32>
    %lt3A_18 = arith.cmpi slt, %iota3A, %lt3A_17 : vector<400x128xi32>
    %jit3A = arith.constant -1.000000e+30 : f32
    %broadcast_in_dim3A = vector.broadcast %jit3A : f32 to vector<400x128xf32>
    %select_n3A = arith.select %lt3A_18, %add3A_16, %broadcast_in_dim3A : vector<400x128xi1>, vector<400x128xf32>
    %reduce_max3A = arith.constant dense<0xFF800000> : vector<400xf32>
    %reduce_max3A_19 = vector.multi_reduction <maximumf>, %select_n3A, %reduce_max3A [1] : vector<400x128xf32> to vector<400xf32>
    %broadcast_in_dim3A_20 = vector.shape_cast %reduce_max3A_19 : vector<400xf32> to vector<400x1xf32>
    %sub3A = vector.broadcast %broadcast_in_dim3A_20 : vector<400x1xf32> to vector<400x128xf32>
    %sub3A_21 = arith.subf %add3A_16, %sub3A : vector<400x128xf32>
    %exp3A = math.exp %sub3A_21 : vector<400x128xf32>
    %jit3A_22 = arith.constant 0.000000e+00 : f32
    %broadcast_in_dim3A_23 = vector.broadcast %jit3A_22 : f32 to vector<400x128xf32>
    %select_n3A_24 = arith.select %lt3A_18, %exp3A, %broadcast_in_dim3A_23 : vector<400x128xi1>, vector<400x128xf32>
    %reduce_sum3A = arith.constant dense<0.000000e+00> : vector<400xf32>
    %reduce_sum3A_25 = vector.multi_reduction <add>, %select_n3A_24, %reduce_sum3A [1] : vector<400x128xf32> to vector<400xf32>
    %broadcast_in_dim3A_26 = vector.shape_cast %reduce_sum3A_25 : vector<400xf32> to vector<400x1xf32>
    %log3A = math.log %broadcast_in_dim3A_26 : vector<400x1xf32>
    %sub3A_27 = vector.broadcast %broadcast_in_dim3A_20 : vector<400x1xf32> to vector<400x128xf32>
    %sub3A_28 = arith.subf %add3A_16, %sub3A_27 : vector<400x128xf32>
    %sub3A_29 = vector.broadcast %log3A : vector<400x1xf32> to vector<400x128xf32>
    %sub3A_30 = arith.subf %sub3A_28, %sub3A_29 : vector<400x128xf32>
    %swap3A = arith.constant 0 : index
    %swap3A_31 = arith.constant 0 : index
    %swap3A_32 = vector.load %arg4[%swap3A, %swap3A_31] : memref<400x128xf32, #tpu.memory_space<vmem>>, vector<400x128xf32>
    tpu.vector_store %arg4[%swap3A, %swap3A_31], %sub3A_30 {strides = array<i32>} : memref<400x128xf32, #tpu.memory_space<vmem>>, vector<400x128xf32>,
    return
  }
  func.func @transform_0(%arg0: i32) -> (i32, i32) {
    %c0_i32 = arith.constant 0 : i32
    %c0_i32_0 = arith.constant 0 : i32
    return %arg0, %c0_i32 : i32, i32
  }
  func.func @transform_1(%arg0: i32) -> (i32, i32, i32) {
    %c0_i32 = arith.constant 0 : i32
    %c0_i32_0 = arith.constant 0 : i32
    %c0_i32_1 = arith.constant 0 : i32
    return %c0_i32, %arg0, %c0_i32_0 : i32, i32, i32
  }
  func.func @transform_2(%arg0: i32) -> (i32, i32) {
    %c0_i32 = arith.constant 0 : i32
    %c0_i32_0 = arith.constant 0 : i32
    return %arg0, %c0_i32 : i32, i32
  }
  func.func @transform_3(%arg0: i32) -> (i32, i32) {
    %c0_i32 = arith.constant 0 : i32
    %c0_i32_0 = arith.constant 0 : i32
    return %arg0, %c0_i32 : i32, i32
  }
}

</mosaic_0001>

<sc_bundles>
// kernel: kernel.12.cloned.1.call-start
scs
__scs_entry_jumppad:
0x0: {  	(pc) =	sbr.rel $0x88, $3  }
0x1: {  	(tag) =	ssettag $0x0;
	lr =	simm.s32 $0x1  }
0x2: {  	[smem:$0x3F96] =	sst lr;
	_ =	strace $0xD0000000  }
0x3: {  	_ = 	snop  }
0x4: {  	_ = 	snop  }
0x5: {  	_ = 	snop  }
0x6: {  	_ = 	snop  }
0x7: {  	_ = 	snop  }
__scs_overlays_trampoline_lowered:
0x8: {  	[smem:$0x3FA5] =	sst s0  }
0x9: {  	[smem:$0x3FA6] =	sst s1  }
0xa: {  	[smem:$0x3FA7] =	sst s2  }
0xb: {  	[smem:$0x3FA8] =	sst s3  }
0xc: {  	[smem:$0x3FA9] =	sst s4  }
0xd: {  	[smem:$0x3FAA] =	sst s5  }
0xe: {  	[smem:$0x3FAB] =	sst s6  }
0xf: {  	[smem:$0x3FAC] =	sst s7  }
0x10: {  	[smem:$0x3FAD] =	sst s8  }
0x11: {  	[smem:$0x3FAE] =	sst s9;
	s0 =	simm.s32 @!p0 $0x0  }
0x12: {  	s1 =	sld [smem:$0x3F94];
	s0 =	simm.s32 @p0 $0x1  }
0x13: {  	[smem:$0x3FAF] =	sst s0;
	s0 =	simm.s32 @!p1 $0x0  }
0x14: {  	s2 =	sld [smem:$0x3F93];
	s0 =	simm.s32 @p1 $0x1  }
0x15: {  	[smem:$0x3FB0] =	sst s0;
	s0 =	simm.s32 @!p2 $0x0  }
0x16: {  	s3 =	sld [smem:$0x3FDB];
	s0 =	simm.s32 @p2 $0x1  }
0x17: {  	s4 =	simm.s32 $0x1BF5;
	[smem:$0x3FB2] =	sst s0  }
0x18: {  	s0 =	sld [smem:$0x3F95];
	_ =	swait.ge [sflag:s4], $0x0  }
0x19: {  	s7 =	sld [smem:$0x3F96]  }
0x1a: {  	s8 =	sadd.s32 $0xFFFFE003, lr  }
0x1b: {  	s9 =	sadd.s32 $0xFFFFFEF7, lr;
	s5 =	simm.s32 $0xFFFFFFFF;
	p2 =	slt.u32 s8, $0xFFFFF086  }
0x1c: {  	p1 =	slt.u32 s9, $0xF7A;
	s5 =	simm.s32 @!p2 $0x0  }
0x1d: {  	s5 =	simm.s32 @p1 $0x1;
	p0 =	seq.s32 s7, s2  }
0x1e: {  	s7 =	smul.u32 @!p0 $0xF7A, s2;
	p2 =	seq.s32 @!p0 s5, $0x0  }
0x1f: {  	s9 =	smul.u32 $0xF7A, s1;
	s8 =	simm.s32 @!p0 $0x1BF5;
	p2 =	por !p2, p0  }
0x20: {  	[sflag:s8] =	ssyncset.s32 @!p0 $0xFFFFF086;
	s6 =	sadd.s32 @!p0 s3, s7;
	s7 =	simm.s32 @!p0 $0x108  }
0x21: {  	s3 =	sadd.s32 s3, s9;
	s6 =	sadd.s32 @!p0 $0x88, s6;
	s7 =	simm.s32 @p2 $0x1082  }
0x22: {  	[simem:s7], [sflag:s8] =	dma.local @!p0 [hbm:s6], $0xF7A  }
0x23: {  	s9 =	sor.u32 $0xD0000000, s2;
	s6 =	simm.s32 $0x108;
	_ =	swait.ge @!p0 [sflag:s8], $0x0  }
0x24: {  	s3 =	sadd.s32 $0x88, s3;
	s6 =	simm.s32 @!p1 $0x1082;
	[sflag:s4] =	ssyncset.s32 $0xFFFFF086  }
0x25: {  	[simem:s6], [sflag:s4] =	dma.local [hbm:s3], $0xF7A  }
0x26: {  	[smem:$0x3F96] =	sst s1;
	(tag) =	ssettag s2;
	_ =	strace s9  }
0x27: {  	s1 =	sld [smem:$0x3FA6]  }
0x28: {  	s2 =	sld [smem:$0x3FA7]  }
0x29: {  	s4 =	sld [smem:$0x3FA9]  }
0x2a: {  	p0 =	seq.s32 s5, $0x0;
	s5 =	sld [smem:$0x3FAA]  }
0x2b: {  	s6 =	sld [smem:$0x3FAB]  }
0x2c: {  	s7 =	sld [smem:$0x3FAC]  }
0x2d: {  	s3 =	simm.s32 $0x108;
	s8 =	sld [smem:$0x3FAD]  }
0x2e: {  	s3 =	simm.s32 @!p0 $0x1082;
	s9 =	sld [smem:$0x3FAE]  }
0x2f: {  	lr =	sadd.s32 s0, s3;
	s0 =	sld [smem:$0x3FA5]  }
0x30: {  	s3 =	sld [smem:$0x3FA8]  }
0x31: {  	[smem:$0x3FB1] =	sst s10  }
0x32: {  	s10 =	sld [smem:$0x3FAF];
	_ =	sdelay $0x3  }
0x33: {  	p0 =	seq.s32 s10, $0x1;
	s10 =	sld [smem:$0x3FB1];
	_ =	sdelay $0x3  }
0x34: {  	[smem:$0x3FB1] =	sst s10  }
0x35: {  	s10 =	sld [smem:$0x3FB0];
	_ =	sdelay $0x3  }
0x36: {  	p1 =	seq.s32 s10, $0x1;
	s10 =	sld [smem:$0x3FB1];
	_ =	sdelay $0x3  }
0x37: {  	[smem:$0x3FB1] =	sst s10  }
0x38: {  	s10 =	sld [smem:$0x3FB2]  }
0x39: {  	_ = 	snop;
	(pc) =	sbr.ind lr, $3  }
0x3a: {  	_ = 	snop  }
0x3b: {  	_ = 	snop  }
0x3c: {  	p2 =	seq.s32 s10, $0x1;
	s10 =	sld [smem:$0x3FB1]  }
0x3d: {  	_ =	shalt  }
0x3e: {  	_ =	shalt  }
0x3f: {  	_ =	shalt  }
0x40: {  	_ =	shalt  }
0x41: {  	_ =	shalt  }
0x42: {  	_ =	shalt  }
0x43: {  	_ =	shalt  }
0x44: {  	_ =	shalt  }
0x45: {  	_ =	shalt  }
0x46: {  	_ =	shalt  }
0x47: {  	_ =	shalt  }
0x48: {  	_ =	shalt  }
0x49: {  	_ =	shalt  }
0x4a: {  	_ =	shalt  }
0x4b: {  	_ =	shalt  }
0x4c: {  	_ =	shalt  }
0x4d: {  	_ =	shalt  }
0x4e: {  	_ =	shalt  }
0x4f: {  	_ =	shalt  }
0x50: {  	_ =	shalt  }
0x51: {  	_ =	shalt  }
0x52: {  	_ =	shalt  }
0x53: {  	_ =	shalt  }
0x54: {  	_ =	shalt  }
0x55: {  	_ =	shalt  }
0x56: {  	_ =	shalt  }
0x57: {  	_ =	shalt  }
0x58: {  	_ =	shalt  }
0x59: {  	_ =	shalt  }
0x5a: {  	_ =	shalt  }
0x5b: {  	_ =	shalt  }
0x5c: {  	_ =	shalt  }
0x5d: {  	_ =	shalt  }
0x5e: {  	_ =	shalt  }
0x5f: {  	_ =	shalt  }
0x60: {  	_ =	shalt  }
0x61: {  	_ =	shalt  }
0x62: {  	_ =	shalt  }
0x63: {  	_ =	shalt  }
0x64: {  	_ =	shalt  }
0x65: {  	_ =	shalt  }
0x66: {  	_ =	shalt  }
0x67: {  	_ =	shalt  }
0x68: {  	_ =	shalt  }
0x69: {  	_ =	shalt  }
0x6a: {  	_ =	shalt  }
0x6b: {  	_ =	shalt  }
0x6c: {  	_ =	shalt  }
0x6d: {  	_ =	shalt  }
0x6e: {  	_ =	shalt  }
0x6f: {  	_ =	shalt  }
0x70: {  	_ =	shalt  }
0x71: {  	_ =	shalt  }
0x72: {  	_ =	shalt  }
0x73: {  	_ =	shalt  }
0x74: {  	_ =	shalt  }
0x75: {  	_ =	shalt  }
0x76: {  	_ =	shalt  }
0x77: {  	_ =	shalt  }
0x78: {  	_ =	shalt  }
0x79: {  	_ =	shalt  }
0x7a: {  	_ =	shalt  }
0x7b: {  	_ =	shalt  }
0x7c: {  	_ =	shalt  }
0x7d: {  	_ =	shalt  }
0x7e: {  	_ =	shalt  }
0x7f: {  	_ =	shalt  }
0x80: {  	_ =	shalt  }
0x81: {  	_ =	shalt  }
0x82: {  	_ =	shalt  }
0x83: {  	_ =	shalt  }
0x84: {  	_ =	shalt  }
0x85: {  	_ =	shalt  }
0x86: {  	_ =	shalt  }
0x87: {  	_ =	shalt  }
.Lfunc_end0:
.L_simem_size_0:
called_computation_lowered:
.L_overlay_start_0:
0x88: {  	s2 =	sld [smem:$0x3FD9]  }
0x89: {  	s3 =	sld [smem:$0x3FFE];
	_ =	sdelay $0x1  }
0x8a: {  	s1 =	srdreg.scid  }
0x8b: {  	s0 =	sand.u32 $0x1, s1  }
0x8c: {  	s17 =	sshll.u32 s0, $0xA;
	s2 =	sadd.s32 s3, s2  }
0x8d: {  	s2 =	sadd.s32 s2, s17  }
0x8e: {  	[smem:$0x3FBD] =	sst s2  }
0x8f: {  	_ = 	snop  }
0x90: {  	s18 =	sld [smem:$0x3FD0];
	(tm) =	ssettm $0x1  }
0x91: {  	s19 =	sld [smem:$0x3FFB];
	_ =	sdelay $0x3  }
0x92: {  	_ =	strace s19  }
0x93: {  	s2 =	sld [smem:$0x3FFC];
	_ =	sdelay $0x3  }
0x94: {  	_ =	strace s2  }
0x95: {  	s2 =	sld [smem:$0x3FFD];
	_ =	sdelay $0x3  }
0x96: {  	_ =	strace s2  }
0x97: {  	_ =	strace $0x8FFFFFFF  }
0x98: {  	s20 =	sld [smem:$0x3FDB];
	_ =	sdelay $0x1  }
0x99: {  	s4 =	simm.s32 $_scs_section_size  }
0x9a: {  	s5 =	simm.s32 $_size__tile_overlayer_lowered;
	s6 =	simm.s32 $_tile_overlayer_lowered  }
0x9b: {  	s7 =	simm.s32 $0x1BFF;
	s21 =	sshll.u32 s6, $0x1;
	s4 =	sadd.s32 s4, s20  }
0x9c: {  	s22 =	simm.s32 $0x0;
	s5 =	sshll.u32 s5, $0x1;
	s6 =	sadd.s32 s21, s4  }
0x9d: {  	[timem:s22], [sflag:s7] =	dma.local [hbm:s6], s5  }
0x9e: {  	_ =	swait.ge [sflag:s7], s5  }
0x9f: {  	s5 =	ssub.s32 $0x0, s5;
	[sflag:s7] =	ssyncset.done $0x0  }
0xa0: {  	[sflag:s7] =	ssyncadd.s32 s5;
	_ =	sdelay $0x1  }
0xa1: {  	s23 =	simm.s32 $0x1B8B  }
0xa2: {  	_ =	swait.ge [sflag:s23], $0x1  }
0xa3: {  	[sflag:s23] =	ssyncset.done $0x0  }
0xa4: {  	[sflag:s23] =	ssyncadd.s32 $0xFFFFFFFF  }
0xa5: {  	s5 =	sld [smem:$0x0]  }
0xa6: {  	s6 =	sand.u32 $0xFFFFFFFE, s1  }
0xa7: {  	p0 =	sne.s32 s1, s6  }
0xa8: {  	s6 =	sshll.u32 @p0 s6, $0xE  }
0xa9: {  	s6 =	sadd.s32 @p0 $0x11B8D, s6;
	s7 =	sshll.u32 @p0 s5, $0x11  }
0xaa: {  	s6 =	sor.u32 @p0 s7, s6  }
0xab: {  	[sflag:s6] =	ssyncadd.remote.s32 @p0 $0x1;
	_ =	sdelay $0x1  }
0xac: {  	s6 =	simm.s32 @p0 $0x1B8D  }
0xad: {  	_ =	swait.eq @p0 [sflag:s6], $0x1  }
0xae: {  	[sflag:s6] =	ssyncadd.s32 @p0 $0xFFFFFFFF  }
0xaf: {  	s7 =	sshll.u32 @!p0 s1, $0xE  }
0xb0: {  	s7 =	sor.u32 @!p0 $0x4000, s7;
	s6 =	simm.s32 @!p0 $0x1B8D  }
0xb1: {  	s5 =	sshll.u32 @!p0 s5, $0x11;
	s7 =	sadd.s32 @!p0 $0x11B8D, s7;
	_ =	swait.eq @!p0 [sflag:s6], $0x1  }
0xb2: {  	s5 =	sor.u32 @!p0 s5, s7;
	[sflag:s6] =	ssyncadd.s32 @!p0 $0xFFFFFFFF  }
0xb3: {  	s25 =	simm.s32 $0x1B8E;
	s24 =	sld [smem:$0x3FFE];
	[sflag:s5] =	ssyncadd.remote.s32 @!p0 $0x1  }
0xb4: {  	s26 =	simm.s32 $execute0_lowered;
	[smem:$0x3FD2] =	sst s25  }
0xb5: {  	s6 =	sshll.u32 s26, $0x1;
	_ =	strace $0x80000049;
	[dreg:$0x1] =	wrdreg $0xFFFFFFFF  }
0xb6: {  	s28 =	simm.s32 $_size_execute0_lowered;
	s4 =	sadd.s32 s4, s6;
	[dreg:$0x0] =	wrdreg $0x0  }
0xb7: {  	s6 =	sshll.u32 s28, $0x1;
	[dreg:$0x2] =	wrdreg s4  }
0xb8: {  	[dreg:$0x3] =	wrdreg s6  }
0xb9: {  	[dreg:$0x4] =	wrdreg $0xC0  }
0xba: {  	_ =	task [dreg:s22], $0x5FFFF  }
0xbb: {  	[dreg:$0x1] =	wrdreg $0xFFFFFFFF  }
0xbc: {  	[dreg:$0x0] =	wrdreg $0x60  }
0xbd: {  	[dreg:$0x2] =	wrdreg s24  }
0xbe: {  	[dreg:$0x3] =	wrdreg s18  }
0xbf: {  	[dreg:$0x4] =	wrdreg $0x40800  }
0xc0: {  	[dreg:$0x5] =	wrdreg $0x9  }
0xc1: {  	_ =	task.clear_ibuf [dreg:s22], $0x6FFFF;
	_ =	strace $0x90000049  }
0xc2: {  	s29 =	simm.s32 $0x9;
	_ =	strace $0x8000004B  }
0xc3: {  	_ =	swait.ge [sflag:s29], $0x1  }
0xc4: {  	[sflag:s29] =	ssyncadd.s32 $0xFFFFFFFF  }
0xc5: {  	_ =	strace $0x9000004B  }
0xc6: {  	_ =	sfence  }
0xc7: {  	s30 =	sld [smem:$0x0];
	_ =	sdelay $0x2  }
0xc8: {  	s31 =	sshll.u32 s1, $0xD;
	s1 =	sshrl.u32 s1, $0x2  }
0xc9: {  	s4 =	sand.u32 $0x4000, s31;
	s1 =	sadd.s32 s1, s30  }
0xca: {  	s0 =	sor.u32 s4, s0;
	s1 =	sshll.u32 s1, $0x11  }
0xcb: {  	s0 =	sor.u32 s1, s0  }
0xcc: {  	s0 =	sadd.s32 $0x8F2B, s0  }
0xcd: {  	[sflag:s0] =	ssyncadd.remote.s32 $0x1  }
0xce: {  	_ =	sfence.sel $0xFFFF  }
0xcf: {  	[dreg:$0x0] =	wrdreg $0xFFFFFFFF;
	(pc) =	sbr.abs _section_cstart, $3  }
0xd0: {  	[dreg:$0x1] =	wrdreg $0xFFFFFFFF  }
0xd1: {  	_ =	task.clear_ibuf [dreg:s22], $0x2FFFF;
	_ =	strace $0x9FFFFFFF  }
0xd2: {  	(tm) =	ssettm $0x7FFFFFFF  }
0xd3: {  	_ =	shalt  }
tec
execute0_lowered:
.L_overlay_start_1:
0x0: {  	(tag) =	ssettag $0x1  }
0x1: {  	s5 =	rddreg [dreg:$0x0]  }
0x2: {  	s8 =	rddreg [dreg:$0x1]  }
0x3: {  	s2 =	rddreg [dreg:$0x2]  }
0x4: {  	s0 =	rddreg [dreg:$0x3];
	s1 =	stileid.u32  }
0x5: {  	s4 =	srdreg.scid;
	s3 =	simm.s32 $0x0;
	s6 =	smul.u32 $0x14000, s1  }
0x6: {  	s13 =	simm.s32 $0x0;
	s7 =	sand.u32 $0x1, s4;
	s28 =	smul.u32 $0x1400, s1  }
0x7: {  	[smem:$0x7FF] =	sst s3;
	s4 =	sadd.s32 $0xDDA00, s5;
	s12 =	smul.u32 $0x50000, s1  }
0x8: {  	s31 =	sshll.u32 s1, $0x6;
	s9 =	smul.u32 $0x140000, s7;
	_ =	strace $0x8000004A  }
0x9: {  	s10 =	smul.u32 $0x14000, s7;
	s7 =	ssub.s32 $0x2, s7;
	s11 =	sshrl.u32 s6, $0x3  }
0xa: {  	s29 =	sshrl.u32 s7, $0x1;
	s30 =	sshrl.u32 s12, $0x2;
	s6 =	sadd.s32 s6, s9  }
0xb: {  	s11 =	sadd.s32 s11, s5;
	s7 =	ssub.s32 s7, s29;
	s9 =	sadd.s32 s28, s10  }
0xc: {  	s12 =	sadd.s32 s30, s2;
	s10 =	simm.s32 $0x1;
	s6 =	sshrl.u32 s6, $0x3  }
0xd: {  	s9 =	sshrl.u32 s9, $0x3;
	s7 =	smax.u32 s7, $0x1;
	s12 =	sshrl.u32 s12, $0x3  }
0xe: {  	s6 =	sadd.s32 s6, s5;
	s5 =	sadd.s32 $0x65A00, s11;
	s8 =	sadd.s32 s9, s8  }
0xf: {  	s9 =	simm.s32 $0x80;
	s11 =	sor.u32 $0x1C01, s31;
	s6 =	sadd.s32 $0xDE200, s6  }
.LBB2_1:
0x10: {  	[tilespmem:s9], [sflag:$0x1] =	stream.linear.gather [hbm4b:s4+s3], $0x4000, $0x38;
	[tilespmem:$0x18080] =	vst v63  }
0x11: {  	_ =	swait.ge [sflag:s10], $0x4000  }
0x12: {  	[sflag:s10] =	ssyncset.done $0x0  }
0x13: {  	[sflag:s10] =	ssyncadd.s32 $0xFFFFC000  }
0x14: {  	[spmem:s12], [sflag:s11] =	dma.local [hbm:s5], $0x2800  }
0x15: {  	_ =	swait.ge [sflag:s10], $0x2800  }
0x16: {  	[sflag:s10] =	ssyncset.done $0x0  }
0x17: {  	[sflag:s10] =	ssyncadd.s32 $0xFFFFD800  }
0x18: {  	s14 =	sadd.s32 $0x0, s8;
	[bflag:$0x0] =	sbarrier.arrive $0xFFFF  }
0x19: {  	[tilespmem:s3], [sflag:$0x1] =	stream.linear.gather [hbm4b:s14+s3], $0x80, $0x38;
	[tilespmem:$0x18080] =	vst v63  }
0x1a: {  	_ =	swait.ge [sflag:s10], $0x80  }
0x1b: {  	[sflag:s10] =	ssyncset.done $0x0  }
0x1c: {  	[sflag:s10] =	ssyncadd.s32 $0xFFFFFF80  }
0x1d: {  	[spmem:s2] =	stream.indirect.scatter.add.f32 [tilespmem:s9], [sflag:$0x1], $0x80, s3, s9, $0xb8;
	[tilespmem:$0x18080] =	vst v63  }
0x1e: {  	_ =	swait.ge [sflag:s10], $0x4000  }
0x1f: {  	s15 =	simm.s32 $0x20;
	s14 =	simm.s32 $0x10;
	[sflag:s10] =	ssyncset.done $0x0  }
.LBB2_2:
0x20: {  	s16 =	sadd.s32 s14, s8  }
0x21: {  	[sflag:s10] =	ssyncadd.s32 $0xFFFFC000;
	s14 =	smov.u32 s15;
	s17 =	sadd.s32 $0x10, s15  }
0x22: {  	[tilespmem:s3], [sflag:$0x1] =	stream.linear.gather [hbm4b:s16+s3], $0x80, $0x38;
	[tilespmem:$0x18080] =	vst v63  }
0x23: {  	p0 =	sne.s32 s15, $0x270;
	_ =	swait.ge [sflag:s10], $0x80  }
.Ltmp0:
0x24: {  	[sflag:s10] =	ssyncset.done $0x0;
	(pc) =	sbr.rel @p0 .LBB2_2-.Ltmp0, $4  }
0x25: {  	[sflag:s10] =	ssyncadd.s32 $0xFFFFFF80  }
0x26: {  	[spmem:s2] =	stream.indirect.scatter.add.f32 [tilespmem:s9], [sflag:$0x1], $0x80, s3, s9, $0xb8;
	[tilespmem:$0x18080] =	vst v63  }
0x27: {  	_ =	swait.ge [sflag:s10], $0x4000  }
0x28: {  	s15 =	smov.u32 s17;
	[sflag:s10] =	ssyncset.done $0x0  }
0x29: {  	s14 =	sadd.s32 s14, s8;
	[sflag:s10] =	ssyncadd.s32 $0xFFFFC000  }
0x2a: {  	[tilespmem:s3], [sflag:$0x1] =	stream.linear.gather [hbm4b:s14+s3], $0x80, $0x38;
	[tilespmem:$0x18080] =	vst v63  }
0x2b: {  	_ =	swait.ge [sflag:s10], $0x80  }
0x2c: {  	[sflag:s10] =	ssyncset.done $0x0  }
0x2d: {  	[sflag:s10] =	ssyncadd.s32 $0xFFFFFF80  }
0x2e: {  	[spmem:s2] =	stream.indirect.scatter.add.f32 [tilespmem:s9], [sflag:$0x1], $0x80, s3, s9, $0xb8;
	[tilespmem:$0x18080] =	vst v63  }
0x2f: {  	_ =	swait.ge [sflag:s10], $0x4000  }
0x30: {  	s13 =	sadd.s32 $0x1, s13;
	[sflag:s10] =	ssyncset.done $0x0  }
0x31: {  	p0 =	sne.s32 s13, s7;
	[sflag:s10] =	ssyncadd.s32 $0xFFFFC000  }
.Ltmp1:
0x32: {  	[bflag:$0x0] =	sbarrier.arrive $0xFFFF;
	(pc) =	sbr.rel @p0 .LBB2_1-.Ltmp1, $4  }
0x33: {  	[hbm:s6], [sflag:s11] =	dma.local [spmem:s12], $0x2800  }
0x34: {  	_ =	swait.ge [sflag:s10], $0x2800  }
0x35: {  	[sflag:s10] =	ssyncset.done $0x0  }
0x36: {  	[sflag:s10] =	ssyncadd.s32 $0xFFFFD800  }
0x37: {  	_ =	sfence.sel $0x180000  }
0x38: {  	[bflag:$0x0] =	sbarrier.arrive $0xFFFF  }
0x39: {  	p0 =	sne.s32 s1, $0x0;
	_ =	strace $0x9000004A  }
0x3a: {  	s0 =	sadd.s32 @!p0 $0x100000, s0;
	[bflag:$0x2] =	sbarrier.arrive $0xFFFF  }
0x3b: {  	[sflag:s0] =	ssyncadd.tile.s32 @!p0 $0x1;
	_ =	shalt  }
.Lfunc_end2:
_tile_overlayer_lowered:
.L_overlay_start_2:
0x3c: {  	(tag) =	ssettag $0x2  }
0x3d: {  	s0 =	rddreg [dreg:$0x0];
	s2 =	stileid.u32  }
0x3e: {  	s1 =	rddreg [dreg:$0x1];
	p0 =	sne.s32 s2, $0x0  }
0x3f: {  	s3 =	rddreg [dreg:$0x2];
	[bflag:$0x3] =	sbarrier.arrive $0xFFFF;
	s2 =	simm.s32 @!p0 $0x1C01  }
0x40: {  	[timem:s3], [sflag:s2] =	dma.local @!p0 [hbm:s0], s1  }
0x41: {  	s0 =	simm.s32 @!p0 $0x1  }
0x42: {  	_ =	swait.ge @!p0 [sflag:s0], s1  }
0x43: {  	s1 =	ssub.s32 @!p0 $0x0, s1;
	[sflag:s0] =	ssyncset.done @!p0 $0x0  }
0x44: {  	[sflag:s0] =	ssyncadd.s32 @!p0 s1  }
0x45: {  	[bflag:$0x3] =	sbarrier.arrive $0xFFFF  }
0x46: {  	_ =	shalt  }

// kernel: kernel.15.cloned.1.call-start
scs
__scs_entry_jumppad:
0x0: {  	(pc) =	sbr.rel $0x88, $3  }
0x1: {  	(tag) =	ssettag $0x0;
	lr =	simm.s32 $0x1  }
0x2: {  	[smem:$0x3F96] =	sst lr;
	_ =	strace $0xD0000000  }
0x3: {  	_ = 	snop  }
0x4: {  	_ = 	snop  }
0x5: {  	_ = 	snop  }
0x6: {  	_ = 	snop  }
0x7: {  	_ = 	snop  }
__scs_overlays_trampoline_lowered:
0x8: {  	[smem:$0x3FA5] =	sst s0  }
0x9: {  	[smem:$0x3FA6] =	sst s1  }
0xa: {  	[smem:$0x3FA7] =	sst s2  }
0xb: {  	[smem:$0x3FA8] =	sst s3  }
0xc: {  	[smem:$0x3FA9] =	sst s4  }
0xd: {  	[smem:$0x3FAA] =	sst s5  }
0xe: {  	[smem:$0x3FAB] =	sst s6  }
0xf: {  	[smem:$0x3FAC] =	sst s7  }
0x10: {  	[smem:$0x3FAD] =	sst s8  }
0x11: {  	[smem:$0x3FAE] =	sst s9;
	s0 =	simm.s32 @!p0 $0x0  }
0x12: {  	s1 =	sld [smem:$0x3F94];
	s0 =	simm.s32 @p0 $0x1  }
0x13: {  	[smem:$0x3FAF] =	sst s0;
	s0 =	simm.s32 @!p1 $0x0  }
0x14: {  	s2 =	sld [smem:$0x3F93];
	s0 =	simm.s32 @p1 $0x1  }
0x15: {  	[smem:$0x3FB0] =	sst s0;
	s0 =	simm.s32 @!p2 $0x0  }
0x16: {  	s3 =	sld [smem:$0x3FDB];
	s0 =	simm.s32 @p2 $0x1  }
0x17: {  	s4 =	simm.s32 $0x1BF5;
	[smem:$0x3FB2] =	sst s0  }
0x18: {  	s0 =	sld [smem:$0x3F95];
	_ =	swait.ge [sflag:s4], $0x0  }
0x19: {  	s7 =	sld [smem:$0x3F96]  }
0x1a: {  	s8 =	sadd.s32 $0xFFFFE003, lr  }
0x1b: {  	s9 =	sadd.s32 $0xFFFFFEF7, lr;
	s5 =	simm.s32 $0xFFFFFFFF;
	p2 =	slt.u32 s8, $0xFFFFF086  }
0x1c: {  	p1 =	slt.u32 s9, $0xF7A;
	s5 =	simm.s32 @!p2 $0x0  }
0x1d: {  	s5 =	simm.s32 @p1 $0x1;
	p0 =	seq.s32 s7, s2  }
0x1e: {  	s7 =	smul.u32 @!p0 $0xF7A, s2;
	p2 =	seq.s32 @!p0 s5, $0x0  }
0x1f: {  	s9 =	smul.u32 $0xF7A, s1;
	s8 =	simm.s32 @!p0 $0x1BF5;
	p2 =	por !p2, p0  }
0x20: {  	[sflag:s8] =	ssyncset.s32 @!p0 $0xFFFFF086;
	s6 =	sadd.s32 @!p0 s3, s7;
	s7 =	simm.s32 @!p0 $0x108  }
0x21: {  	s3 =	sadd.s32 s3, s9;
	s6 =	sadd.s32 @!p0 $0x88, s6;
	s7 =	simm.s32 @p2 $0x1082  }
0x22: {  	[simem:s7], [sflag:s8] =	dma.local @!p0 [hbm:s6], $0xF7A  }
0x23: {  	s9 =	sor.u32 $0xD0000000, s2;
	s6 =	simm.s32 $0x108;
	_ =	swait.ge @!p0 [sflag:s8], $0x0  }
0x24: {  	s3 =	sadd.s32 $0x88, s3;
	s6 =	simm.s32 @!p1 $0x1082;
	[sflag:s4] =	ssyncset.s32 $0xFFFFF086  }
0x25: {  	[simem:s6], [sflag:s4] =	dma.local [hbm:s3], $0xF7A  }
0x26: {  	[smem:$0x3F96] =	sst s1;
	(tag) =	ssettag s2;
	_ =	strace s9  }
0x27: {  	s1 =	sld [smem:$0x3FA6]  }
0x28: {  	s2 =	sld [smem:$0x3FA7]  }
0x29: {  	s4 =	sld [smem:$0x3FA9]  }
0x2a: {  	p0 =	seq.s32 s5, $0x0;
	s5 =	sld [smem:$0x3FAA]  }
0x2b: {  	s6 =	sld [smem:$0x3FAB]  }
0x2c: {  	s7 =	sld [smem:$0x3FAC]  }
0x2d: {  	s3 =	simm.s32 $0x108;
	s8 =	sld [smem:$0x3FAD]  }
0x2e: {  	s3 =	simm.s32 @!p0 $0x1082;
	s9 =	sld [smem:$0x3FAE]  }
0x2f: {  	lr =	sadd.s32 s0, s3;
	s0 =	sld [smem:$0x3FA5]  }
0x30: {  	s3 =	sld [smem:$0x3FA8]  }
0x31: {  	[smem:$0x3FB1] =	sst s10  }
0x32: {  	s10 =	sld [smem:$0x3FAF];
	_ =	sdelay $0x3  }
0x33: {  	p0 =	seq.s32 s10, $0x1;
	s10 =	sld [smem:$0x3FB1];
	_ =	sdelay $0x3  }
0x34: {  	[smem:$0x3FB1] =	sst s10  }
0x35: {  	s10 =	sld [smem:$0x3FB0];
	_ =	sdelay $0x3  }
0x36: {  	p1 =	seq.s32 s10, $0x1;
	s10 =	sld [smem:$0x3FB1];
	_ =	sdelay $0x3  }
0x37: {  	[smem:$0x3FB1] =	sst s10  }
0x38: {  	s10 =	sld [smem:$0x3FB2]  }
0x39: {  	_ = 	snop;
	(pc) =	sbr.ind lr, $3  }
0x3a: {  	_ = 	snop  }
0x3b: {  	_ = 	snop  }
0x3c: {  	p2 =	seq.s32 s10, $0x1;
	s10 =	sld [smem:$0x3FB1]  }
0x3d: {  	_ =	shalt  }
0x3e: {  	_ =	shalt  }
0x3f: {  	_ =	shalt  }
0x40: {  	_ =	shalt  }
0x41: {  	_ =	shalt  }
0x42: {  	_ =	shalt  }
0x43: {  	_ =	shalt  }
0x44: {  	_ =	shalt  }
0x45: {  	_ =	shalt  }
0x46: {  	_ =	shalt  }
0x47: {  	_ =	shalt  }
0x48: {  	_ =	shalt  }
0x49: {  	_ =	shalt  }
0x4a: {  	_ =	shalt  }
0x4b: {  	_ =	shalt  }
0x4c: {  	_ =	shalt  }
0x4d: {  	_ =	shalt  }
0x4e: {  	_ =	shalt  }
0x4f: {  	_ =	shalt  }
0x50: {  	_ =	shalt  }
0x51: {  	_ =	shalt  }
0x52: {  	_ =	shalt  }
0x53: {  	_ =	shalt  }
0x54: {  	_ =	shalt  }
0x55: {  	_ =	shalt  }
0x56: {  	_ =	shalt  }
0x57: {  	_ =	shalt  }
0x58: {  	_ =	shalt  }
0x59: {  	_ =	shalt  }
0x5a: {  	_ =	shalt  }
0x5b: {  	_ =	shalt  }
0x5c: {  	_ =	shalt  }
0x5d: {  	_ =	shalt  }
0x5e: {  	_ =	shalt  }
0x5f: {  	_ =	shalt  }
0x60: {  	_ =	shalt  }
0x61: {  	_ =	shalt  }
0x62: {  	_ =	shalt  }
0x63: {  	_ =	shalt  }
0x64: {  	_ =	shalt  }
0x65: {  	_ =	shalt  }
0x66: {  	_ =	shalt  }
0x67: {  	_ =	shalt  }
0x68: {  	_ =	shalt  }
0x69: {  	_ =	shalt  }
0x6a: {  	_ =	shalt  }
0x6b: {  	_ =	shalt  }
0x6c: {  	_ =	shalt  }
0x6d: {  	_ =	shalt  }
0x6e: {  	_ =	shalt  }
0x6f: {  	_ =	shalt  }
0x70: {  	_ =	shalt  }
0x71: {  	_ =	shalt  }
0x72: {  	_ =	shalt  }
0x73: {  	_ =	shalt  }
0x74: {  	_ =	shalt  }
0x75: {  	_ =	shalt  }
0x76: {  	_ =	shalt  }
0x77: {  	_ =	shalt  }
0x78: {  	_ =	shalt  }
0x79: {  	_ =	shalt  }
0x7a: {  	_ =	shalt  }
0x7b: {  	_ =	shalt  }
0x7c: {  	_ =	shalt  }
0x7d: {  	_ =	shalt  }
0x7e: {  	_ =	shalt  }
0x7f: {  	_ =	shalt  }
0x80: {  	_ =	shalt  }
0x81: {  	_ =	shalt  }
0x82: {  	_ =	shalt  }
0x83: {  	_ =	shalt  }
0x84: {  	_ =	shalt  }
0x85: {  	_ =	shalt  }
0x86: {  	_ =	shalt  }
0x87: {  	_ =	shalt  }
.Lfunc_end0:
.L_simem_size_0:
called_computation.1_lowered:
.L_overlay_start_0:
0x88: {  	s2 =	sld [smem:$0x3FD9]  }
0x89: {  	s3 =	sld [smem:$0x3FFE];
	_ =	sdelay $0x1  }
0x8a: {  	s1 =	srdreg.scid  }
0x8b: {  	s0 =	sand.u32 $0x1, s1  }
0x8c: {  	s16 =	sshll.u32 s0, $0xA;
	s2 =	sadd.s32 s3, s2  }
0x8d: {  	s2 =	sadd.s32 s2, s16  }
0x8e: {  	[smem:$0x3FBD] =	sst s2  }
0x8f: {  	_ = 	snop  }
0x90: {  	(tm) =	ssettm $0x1  }
0x91: {  	s17 =	sld [smem:$0x3FFB];
	_ =	sdelay $0x3  }
0x92: {  	_ =	strace s17  }
0x93: {  	s2 =	sld [smem:$0x3FFC];
	_ =	sdelay $0x3  }
0x94: {  	_ =	strace s2  }
0x95: {  	s2 =	sld [smem:$0x3FFD];
	_ =	sdelay $0x3  }
0x96: {  	_ =	strace s2  }
0x97: {  	_ =	strace $0x8FFFFFFF  }
0x98: {  	s18 =	sld [smem:$0x3FDB];
	_ =	sdelay $0x1  }
0x99: {  	s19 =	simm.s32 $_scs_section_size  }
0x9a: {  	s4 =	simm.s32 $_size__tile_overlayer_lowered;
	s5 =	simm.s32 $_tile_overlayer_lowered  }
0x9b: {  	s22 =	simm.s32 $0x1BFF;
	s21 =	sshll.u32 s5, $0x1;
	s2 =	sadd.s32 s19, s18  }
0x9c: {  	s6 =	simm.s32 $0x0;
	s20 =	sshll.u32 s4, $0x1;
	s4 =	sadd.s32 s21, s2  }
0x9d: {  	[timem:s6], [sflag:s22] =	dma.local [hbm:s4], s20  }
0x9e: {  	_ =	swait.ge [sflag:s22], s20  }
0x9f: {  	s3 =	ssub.s32 $0x0, s20;
	[sflag:s22] =	ssyncset.done $0x0  }
0xa0: {  	[sflag:s22] =	ssyncadd.s32 s3;
	_ =	sdelay $0x1  }
0xa1: {  	s23 =	simm.s32 $0x1B8B  }
0xa2: {  	_ =	swait.ge [sflag:s23], $0x1  }
0xa3: {  	[sflag:s23] =	ssyncset.done $0x0  }
0xa4: {  	s25 =	simm.s32 $0x1B8E;
	s24 =	sld [smem:$0x3FFE];
	[sflag:s23] =	ssyncadd.s32 $0xFFFFFFFF  }
0xa5: {  	s26 =	simm.s32 $execute0_lowered;
	[smem:$0x3FD2] =	sst s25  }
0xa6: {  	s4 =	sshll.u32 s26, $0x1;
	_ =	strace $0x80000046;
	[dreg:$0x1] =	wrdreg $0xFFFFFFFF  }
0xa7: {  	s28 =	simm.s32 $_size_execute0_lowered;
	s2 =	sadd.s32 s2, s4;
	[dreg:$0x0] =	wrdreg $0x0  }
0xa8: {  	s4 =	sshll.u32 s28, $0x1;
	[dreg:$0x2] =	wrdreg s2  }
0xa9: {  	[dreg:$0x3] =	wrdreg s4  }
0xaa: {  	[dreg:$0x4] =	wrdreg $0xC0  }
0xab: {  	_ =	task [dreg:s6], $0x5FFFF  }
0xac: {  	[dreg:$0x1] =	wrdreg $0xFFFFFFFF  }
0xad: {  	[dreg:$0x0] =	wrdreg $0x60  }
0xae: {  	[dreg:$0x2] =	wrdreg s24  }
0xaf: {  	[dreg:$0x3] =	wrdreg $0x88000  }
0xb0: {  	[dreg:$0x4] =	wrdreg $0xA  }
0xb1: {  	_ =	task.clear_ibuf [dreg:s6], $0x5FFFF;
	_ =	strace $0x90000046  }
0xb2: {  	s29 =	simm.s32 $0xA;
	_ =	strace $0x80000048  }
0xb3: {  	_ =	swait.ge [sflag:s29], $0x1  }
0xb4: {  	[sflag:s29] =	ssyncadd.s32 $0xFFFFFFFF  }
0xb5: {  	_ =	strace $0x90000048  }
0xb6: {  	_ =	sfence  }
0xb7: {  	s30 =	sld [smem:$0x0];
	_ =	sdelay $0x2  }
0xb8: {  	s31 =	sshll.u32 s1, $0xD;
	s1 =	sshrl.u32 s1, $0x2  }
0xb9: {  	s3 =	sand.u32 $0x4000, s31;
	s1 =	sadd.s32 s1, s30  }
0xba: {  	s0 =	sor.u32 s3, s0;
	s1 =	sshll.u32 s1, $0x11  }
0xbb: {  	s0 =	sor.u32 s1, s0  }
0xbc: {  	s0 =	sadd.s32 $0x8F2B, s0  }
0xbd: {  	[sflag:s0] =	ssyncadd.remote.s32 $0x1  }
0xbe: {  	_ =	sfence.sel $0xFFFF  }
0xbf: {  	[dreg:$0x0] =	wrdreg $0xFFFFFFFF;
	(pc) =	sbr.abs _section_cstart, $3  }
0xc0: {  	[dreg:$0x1] =	wrdreg $0xFFFFFFFF  }
0xc1: {  	_ =	task.clear_ibuf [dreg:s6], $0x2FFFF;
	_ =	strace $0x9FFFFFFF  }
0xc2: {  	(tm) =	ssettm $0x7FFFFFFF  }
0xc3: {  	_ =	shalt  }
tec
execute0_lowered:
.L_overlay_start_1:
0x0: {  	(tag) =	ssettag $0x1  }
0x1: {  	s0 =	rddreg [dreg:$0x0]  }
0x2: {  	s2 =	rddreg [dreg:$0x1]  }
0x3: {  	s3 =	simm.s32 $0x0;
	s12 =	stileid.u32;
	s1 =	srdreg.scid  }
0x4: {  	s14 =	simm.s32 $0x5;
	s15 =	simm.s32 $0x400;
	s25 =	simm.s32 $0x100  }
0x5: {  	s26 =	simm.s32 $0x200;
	s28 =	simm.s32 $0x500;
	s29 =	simm.s32 $0x480  }
0x6: {  	s30 =	simm.s32 $0x600;
	s31 =	simm.s32 $0x580;
	s6 =	smul.u32 $0x14000, s12  }
0x7: {  	[smem:$0x7FF] =	sst s3;
	s1 =	sand.u32 $0x1, s1;
	s16 =	smul.u32 $0x50000, s12  }
0x8: {  	s4 =	sadd.s32 $0x3600, s0;
	s5 =	sadd.s32 $0x51800, s0;
	s11 =	smul.u32 $0x5000, s12  }
0x9: {  	s18 =	sshll.u32 s12, $0x6;
	_ =	strace $0x80000047;
	s7 =	smul.u32 $0x140000, s1  }
0xa: {  	s9 =	ssub.s32 $0x2, s1;
	s1 =	smul.u32 $0x50800, s1;
	[dreg:$0x4] =	wrdreg s25  }
0xb: {  	[dreg:$0x5] =	wrdreg s26;
	s25 =	simm.s32 $0x4;
	s8 =	sshrl.u32 s6, $0x3  }
0xc: {  	s26 =	simm.s32 $0x380;
	s10 =	sshrl.u32 s9, $0x1;
	s8 =	sadd.s32 s8, s0  }
0xd: {  	s6 =	sadd.s32 s6, s7;
	s7 =	sshrl.u32 s16, $0x2;
	s17 =	ssub.s32 s9, s10  }
0xe: {  	s1 =	sadd.s32 s11, s1;
	s11 =	sor.u32 $0x1C05, s18;
	s16 =	simm.s32 $0x3  }
0xf: {  	s18 =	simm.s32 $0x800;
	s6 =	sshrl.u32 s6, $0x3;
	s7 =	sadd.s32 s7, s2  }
0x10: {  	s8 =	sadd.s32 $0x65A00, s8;
	s19 =	sor.u32 $0x400, s1;
	s20 =	sadd.s32 $0xC00, s1  }
0x11: {  	s21 =	sshrl.u32 s1, $0x3;
	s23 =	smax.u32 s17, $0x1;
	s24 =	sadd.s32 $0x800, s1  }
0x12: {  	s17 =	simm.s32 $0x80;
	s1 =	simm.s32 $0x680;
	[dreg:$0x6] =	wrdreg s8  }
0x13: {  	s0 =	sadd.s32 s6, s0;
	s8 =	sshrl.u32 s19, $0x3;
	[dreg:$0xa] =	wrdreg s23  }
0x14: {  	s9 =	sshrl.u32 s20, $0x3;
	s10 =	sadd.s32 s5, s21;
	[dreg:$0xb] =	wrdreg s24  }
0x15: {  	s19 =	simm.s32 $0x4800;
	s20 =	simm.s32 $0x1;
	s21 =	simm.s32 $0x2  }
0x16: {  	s23 =	simm.s32 $0x300;
	[dreg:$0x7] =	wrdreg s10;
	s8 =	sadd.s32 s5, s8  }
0x17: {  	s24 =	simm.s32 $0x280;
	s0 =	sadd.s32 $0x8DA00, s0;
	[dreg:$0x8] =	wrdreg s8  }
0x18: {  	s6 =	simm.s32 $0x780;
	s22 =	sadd.s32 s9, s5;
	[dreg:$0x9] =	wrdreg s0  }
0x19: {  	s9 =	sshrl.u32 s7, $0x3;
	[dreg:$0x3] =	wrdreg s22;
	s22 =	simm.s32 $0x180  }
0x1a: {  	s0 =	simm.s32 $0x700;
	s8 =	simm.s32 $0x0;
	[dreg:$0xc] =	wrdreg s9  }
.LBB2_1:
0x1b: {  	s7 =	rddreg [dreg:$0x6]  }
0x1c: {  	[spmem:s9], [sflag:s11] =	dma.local [hbm:s7], $0x2800  }
0x1d: {  	_ =	swait.ge [sflag:s14], $0x2800  }
0x1e: {  	[sflag:s14] =	ssyncset.done $0x0  }
0x1f: {  	s10 =	smov.u32 s11;
	s11 =	rddreg [dreg:$0x7];
	[sflag:s14] =	ssyncadd.s32 $0xFFFFD800  }
0x20: {  	[tilespmem:s3], [sflag:$0x3] =	stream.linear.gather [hbm4b:s11+s3], $0x400, $0x38;
	[tilespmem:$0x1C800] =	vst v63  }
0x21: {  	s12 =	rddreg [dreg:$0x8]  }
0x22: {  	[tilespmem:s15], [sflag:$0x4] =	stream.linear.gather [hbm4b:s12+s3], $0x400, $0x38;
	[tilespmem:$0x1C800] =	vst v63  }
0x23: {  	_ =	swait.ge [sflag:s16], $0x400  }
0x24: {  	[sflag:s16] =	ssyncset.done $0x0  }
0x25: {  	[sflag:s16] =	ssyncadd.s32 $0xFFFFFC00  }
0x26: {  	[tilespmem:s18], [sflag:$0x1] =	stream.indirect.gather [hbm4b:s4+s17], $0x80, s3, s17, $0xb8;
	[tilespmem:$0x1C800] =	vst v63  }
0x27: {  	[bflag:$0x0] =	sbarrier.arrive $0xFFFF  }
0x28: {  	s13 =	rddreg [dreg:$0x4]  }
0x29: {  	[tilespmem:s19], [sflag:$0x2] =	stream.indirect.gather [hbm4b:s4+s17], $0x80, s13, s17, $0xb8;
	[tilespmem:$0x1C800] =	vst v63  }
0x2a: {  	_ =	swait.ge [sflag:s20], $0x4000  }
0x2b: {  	[sflag:s20] =	ssyncset.done $0x0  }
0x2c: {  	[sflag:s20] =	ssyncadd.s32 $0xFFFFC000  }
0x2d: {  	[spmem:s2] =	stream.indirect.scatter.add.f32 [tilespmem:s18], [sflag:$0x5], $0x80, s17, s17, $0xb8;
	[tilespmem:$0x1C800] =	vst v63  }
0x2e: {  	_ =	swait.ge [sflag:s14], $0x4000  }
0x2f: {  	[sflag:s14] =	ssyncset.done $0x0  }
0x30: {  	s9 =	rddreg [dreg:$0x5];
	[sflag:s14] =	ssyncadd.s32 $0xFFFFC000  }
0x31: {  	[tilespmem:s18], [sflag:$0x1] =	stream.indirect.gather [hbm4b:s4+s17], $0x80, s9, s17, $0xb8;
	[tilespmem:$0x1C800] =	vst v63  }
0x32: {  	_ =	swait.ge [sflag:s21], $0x4000  }
0x33: {  	[sflag:s21] =	ssyncset.done $0x0  }
0x34: {  	[sflag:s21] =	ssyncadd.s32 $0xFFFFC000  }
0x35: {  	[spmem:s2] =	stream.indirect.scatter.add.f32 [tilespmem:s19], [sflag:$0x5], $0x80, s22, s17, $0xb8;
	[tilespmem:$0x1C800] =	vst v63  }
0x36: {  	_ =	swait.ge [sflag:s14], $0x4000  }
0x37: {  	[sflag:s14] =	ssyncset.done $0x0  }
0x38: {  	[sflag:s14] =	ssyncadd.s32 $0xFFFFC000  }
0x39: {  	[tilespmem:s19], [sflag:$0x2] =	stream.indirect.gather [hbm4b:s4+s17], $0x80, s23, s17, $0xb8;
	[tilespmem:$0x1C800] =	vst v63  }
0x3a: {  	_ =	swait.ge [sflag:s20], $0x4000  }
0x3b: {  	[sflag:s20] =	ssyncset.done $0x0  }
0x3c: {  	[sflag:s20] =	ssyncadd.s32 $0xFFFFC000  }
0x3d: {  	[spmem:s2] =	stream.indirect.scatter.add.f32 [tilespmem:s18], [sflag:$0x5], $0x80, s24, s17, $0xb8;
	[tilespmem:$0x1C800] =	vst v63  }
0x3e: {  	_ =	swait.ge [sflag:s14], $0x4000  }
0x3f: {  	[sflag:s14] =	ssyncset.done $0x0  }
0x40: {  	[sflag:s14] =	ssyncadd.s32 $0xFFFFC000  }
0x41: {  	_ =	swait.ge [sflag:s25], $0x400  }
0x42: {  	[sflag:s25] =	ssyncset.done $0x0  }
0x43: {  	[sflag:s25] =	ssyncadd.s32 $0xFFFFFC00  }
0x44: {  	[tilespmem:s18], [sflag:$0x1] =	stream.indirect.gather [hbm4b:s4+s17], $0x80, s15, s17, $0xb8;
	[tilespmem:$0x1C800] =	vst v63  }
0x45: {  	_ =	swait.ge [sflag:s21], $0x4000  }
0x46: {  	[sflag:s21] =	ssyncset.done $0x0  }
0x47: {  	[sflag:s21] =	ssyncadd.s32 $0xFFFFC000  }
0x48: {  	[spmem:s2] =	stream.indirect.scatter.add.f32 [tilespmem:s19], [sflag:$0x5], $0x80, s26, s17, $0xb8;
	[tilespmem:$0x1C800] =	vst v63  }
0x49: {  	_ =	swait.ge [sflag:s14], $0x4000  }
0x4a: {  	s12 =	rddreg [dreg:$0xb]  }
0x4b: {  	[sflag:s14] =	ssyncset.done $0x0;
	s11 =	sshrl.u32 s12, $0x3  }
0x4c: {  	[sflag:s14] =	ssyncadd.s32 $0xFFFFC000;
	s7 =	sadd.s32 s5, s11  }
0x4d: {  	[tilespmem:s3], [sflag:$0x3] =	stream.linear.gather [hbm4b:s7+s3], $0x400, $0x38;
	[tilespmem:$0x1C800] =	vst v63  }
0x4e: {  	_ = 	snop  }
0x4f: {  	[tilespmem:s19], [sflag:$0x2] =	stream.indirect.gather [hbm4b:s4+s17], $0x80, s28, s17, $0xb8;
	[tilespmem:$0x1C800] =	vst v63  }
0x50: {  	_ =	swait.ge [sflag:s20], $0x4000  }
0x51: {  	[sflag:s20] =	ssyncset.done $0x0  }
0x52: {  	[sflag:s20] =	ssyncadd.s32 $0xFFFFC000  }
0x53: {  	[spmem:s2] =	stream.indirect.scatter.add.f32 [tilespmem:s18], [sflag:$0x5], $0x80, s29, s17, $0xb8;
	[tilespmem:$0x1C800] =	vst v63  }
0x54: {  	_ =	swait.ge [sflag:s14], $0x4000  }
0x55: {  	[sflag:s14] =	ssyncset.done $0x0  }
0x56: {  	[sflag:s14] =	ssyncadd.s32 $0xFFFFC000  }
0x57: {  	[tilespmem:s18], [sflag:$0x1] =	stream.indirect.gather [hbm4b:s4+s17], $0x80, s30, s17, $0xb8;
	[tilespmem:$0x1C800] =	vst v63  }
0x58: {  	_ =	swait.ge [sflag:s21], $0x4000  }
0x59: {  	[sflag:s21] =	ssyncset.done $0x0  }
0x5a: {  	[sflag:s21] =	ssyncadd.s32 $0xFFFFC000  }
0x5b: {  	[spmem:s2] =	stream.indirect.scatter.add.f32 [tilespmem:s19], [sflag:$0x5], $0x80, s31, s17, $0xb8;
	[tilespmem:$0x1C800] =	vst v63  }
0x5c: {  	_ =	swait.ge [sflag:s14], $0x4000  }
0x5d: {  	[sflag:s14] =	ssyncset.done $0x0  }
0x5e: {  	[sflag:s14] =	ssyncadd.s32 $0xFFFFC000  }
0x5f: {  	[tilespmem:s19], [sflag:$0x2] =	stream.indirect.gather [hbm4b:s4+s17], $0x80, s0, s17, $0xb8;
	[tilespmem:$0x1C800] =	vst v63  }
0x60: {  	_ =	swait.ge [sflag:s20], $0x4000  }
0x61: {  	[sflag:s20] =	ssyncset.done $0x0  }
0x62: {  	[sflag:s20] =	ssyncadd.s32 $0xFFFFC000  }
0x63: {  	[spmem:s2] =	stream.indirect.scatter.add.f32 [tilespmem:s18], [sflag:$0x5], $0x80, s1, s17, $0xb8;
	[tilespmem:$0x1C800] =	vst v63  }
0x64: {  	_ =	swait.ge [sflag:s14], $0x4000  }
0x65: {  	[sflag:s14] =	ssyncset.done $0x0  }
0x66: {  	[sflag:s14] =	ssyncadd.s32 $0xFFFFC000  }
0x67: {  	_ =	swait.ge [sflag:s16], $0x400  }
0x68: {  	[sflag:s16] =	ssyncset.done $0x0  }
0x69: {  	[sflag:s16] =	ssyncadd.s32 $0xFFFFFC00  }
0x6a: {  	[tilespmem:s18], [sflag:$0x1] =	stream.indirect.gather [hbm4b:s4+s17], $0x80, s3, s17, $0xb8;
	[tilespmem:$0x1C800] =	vst v63  }
0x6b: {  	_ =	swait.ge [sflag:s21], $0x4000  }
0x6c: {  	[sflag:s21] =	ssyncset.done $0x0  }
0x6d: {  	[sflag:s21] =	ssyncadd.s32 $0xFFFFC000  }
0x6e: {  	[spmem:s2] =	stream.indirect.scatter.add.f32 [tilespmem:s19], [sflag:$0x5], $0x80, s6, s17, $0xb8;
	[tilespmem:$0x1C800] =	vst v63  }
0x6f: {  	_ =	swait.ge [sflag:s14], $0x4000  }
0x70: {  	s13 =	rddreg [dreg:$0x3];
	[sflag:s14] =	ssyncset.done $0x0  }
0x71: {  	s9 =	simm.s32 $0x100;
	[sflag:s14] =	ssyncadd.s32 $0xFFFFC000;
	s7 =	sadd.s32 $0x0, s13  }
.LBB2_2:
0x72: {  	[tilespmem:s15], [sflag:$0x4] =	stream.linear.gather [hbm4b:s7+s3], $0x400, $0x38;
	[tilespmem:$0x1C800] =	vst v63  }
0x73: {  	s13 =	rddreg [dreg:$0x4]  }
0x74: {  	[tilespmem:s19], [sflag:$0x2] =	stream.indirect.gather [hbm4b:s4+s17], $0x80, s13, s17, $0xb8;
	[tilespmem:$0x1C800] =	vst v63  }
0x75: {  	_ =	swait.ge [sflag:s20], $0x4000  }
0x76: {  	[sflag:s20] =	ssyncset.done $0x0  }
0x77: {  	[sflag:s20] =	ssyncadd.s32 $0xFFFFC000  }
0x78: {  	[spmem:s2] =	stream.indirect.scatter.add.f32 [tilespmem:s18], [sflag:$0x5], $0x80, s17, s17, $0xb8;
	[tilespmem:$0x1C800] =	vst v63  }
0x79: {  	_ =	swait.ge [sflag:s14], $0x4000  }
0x7a: {  	[sflag:s14] =	ssyncset.done $0x0  }
0x7b: {  	s13 =	rddreg [dreg:$0x5];
	[sflag:s14] =	ssyncadd.s32 $0xFFFFC000  }
0x7c: {  	[tilespmem:s18], [sflag:$0x1] =	stream.indirect.gather [hbm4b:s4+s17], $0x80, s13, s17, $0xb8;
	[tilespmem:$0x1C800] =	vst v63  }
0x7d: {  	_ =	swait.ge [sflag:s21], $0x4000  }
0x7e: {  	[sflag:s21] =	ssyncset.done $0x0  }
0x7f: {  	[sflag:s21] =	ssyncadd.s32 $0xFFFFC000  }
0x80: {  	[spmem:s2] =	stream.indirect.scatter.add.f32 [tilespmem:s19], [sflag:$0x5], $0x80, s22, s17, $0xb8;
	[tilespmem:$0x1C800] =	vst v63  }
0x81: {  	_ =	swait.ge [sflag:s14], $0x4000  }
0x82: {  	[sflag:s14] =	ssyncset.done $0x0  }
0x83: {  	[sflag:s14] =	ssyncadd.s32 $0xFFFFC000  }
0x84: {  	[tilespmem:s19], [sflag:$0x2] =	stream.indirect.gather [hbm4b:s4+s17], $0x80, s23, s17, $0xb8;
	[tilespmem:$0x1C800] =	vst v63  }
0x85: {  	_ =	swait.ge [sflag:s20], $0x4000  }
0x86: {  	[sflag:s20] =	ssyncset.done $0x0  }
0x87: {  	[sflag:s20] =	ssyncadd.s32 $0xFFFFC000  }
0x88: {  	[spmem:s2] =	stream.indirect.scatter.add.f32 [tilespmem:s18], [sflag:$0x5], $0x80, s24, s17, $0xb8;
	[tilespmem:$0x1C800] =	vst v63  }
0x89: {  	_ =	swait.ge [sflag:s14], $0x4000  }
0x8a: {  	[sflag:s14] =	ssyncset.done $0x0  }
0x8b: {  	[sflag:s14] =	ssyncadd.s32 $0xFFFFC000  }
0x8c: {  	_ =	swait.ge [sflag:s25], $0x400  }
0x8d: {  	[sflag:s25] =	ssyncset.done $0x0  }
0x8e: {  	[sflag:s25] =	ssyncadd.s32 $0xFFFFFC00  }
0x8f: {  	[tilespmem:s18], [sflag:$0x1] =	stream.indirect.gather [hbm4b:s4+s17], $0x80, s15, s17, $0xb8;
	[tilespmem:$0x1C800] =	vst v63  }
0x90: {  	_ =	swait.ge [sflag:s21], $0x4000  }
0x91: {  	[sflag:s21] =	ssyncset.done $0x0  }
0x92: {  	[sflag:s21] =	ssyncadd.s32 $0xFFFFC000  }
0x93: {  	[spmem:s2] =	stream.indirect.scatter.add.f32 [tilespmem:s19], [sflag:$0x5], $0x80, s26, s17, $0xb8;
	[tilespmem:$0x1C800] =	vst v63  }
0x94: {  	s12 =	sadd.s32 $0x800, s12;
	_ =	swait.ge [sflag:s14], $0x4000  }
0x95: {  	s13 =	sshrl.u32 s12, $0x3;
	[sflag:s14] =	ssyncset.done $0x0  }
0x96: {  	s7 =	sadd.s32 s5, s13;
	[sflag:s14] =	ssyncadd.s32 $0xFFFFC000  }
0x97: {  	[tilespmem:s3], [sflag:$0x3] =	stream.linear.gather [hbm4b:s7+s3], $0x400, $0x38;
	[tilespmem:$0x1C800] =	vst v63  }
0x98: {  	_ = 	snop  }
0x99: {  	[tilespmem:s19], [sflag:$0x2] =	stream.indirect.gather [hbm4b:s4+s17], $0x80, s28, s17, $0xb8;
	[tilespmem:$0x1C800] =	vst v63  }
0x9a: {  	_ =	swait.ge [sflag:s20], $0x4000  }
0x9b: {  	[sflag:s20] =	ssyncset.done $0x0  }
0x9c: {  	[sflag:s20] =	ssyncadd.s32 $0xFFFFC000  }
0x9d: {  	[spmem:s2] =	stream.indirect.scatter.add.f32 [tilespmem:s18], [sflag:$0x5], $0x80, s29, s17, $0xb8;
	[tilespmem:$0x1C800] =	vst v63  }
0x9e: {  	_ =	swait.ge [sflag:s14], $0x4000  }
0x9f: {  	[sflag:s14] =	ssyncset.done $0x0  }
0xa0: {  	[sflag:s14] =	ssyncadd.s32 $0xFFFFC000  }
0xa1: {  	[tilespmem:s18], [sflag:$0x1] =	stream.indirect.gather [hbm4b:s4+s17], $0x80, s30, s17, $0xb8;
	[tilespmem:$0x1C800] =	vst v63  }
0xa2: {  	_ =	swait.ge [sflag:s21], $0x4000  }
0xa3: {  	[sflag:s21] =	ssyncset.done $0x0  }
0xa4: {  	[sflag:s21] =	ssyncadd.s32 $0xFFFFC000  }
0xa5: {  	[spmem:s2] =	stream.indirect.scatter.add.f32 [tilespmem:s19], [sflag:$0x5], $0x80, s31, s17, $0xb8;
	[tilespmem:$0x1C800] =	vst v63  }
0xa6: {  	_ =	swait.ge [sflag:s14], $0x4000  }
0xa7: {  	[sflag:s14] =	ssyncset.done $0x0  }
0xa8: {  	[sflag:s14] =	ssyncadd.s32 $0xFFFFC000  }
0xa9: {  	[tilespmem:s19], [sflag:$0x2] =	stream.indirect.gather [hbm4b:s4+s17], $0x80, s0, s17, $0xb8;
	[tilespmem:$0x1C800] =	vst v63  }
0xaa: {  	_ =	swait.ge [sflag:s20], $0x4000  }
0xab: {  	[sflag:s20] =	ssyncset.done $0x0  }
0xac: {  	[sflag:s20] =	ssyncadd.s32 $0xFFFFC000  }
0xad: {  	[spmem:s2] =	stream.indirect.scatter.add.f32 [tilespmem:s18], [sflag:$0x5], $0x80, s1, s17, $0xb8;
	[tilespmem:$0x1C800] =	vst v63  }
0xae: {  	_ =	swait.ge [sflag:s14], $0x4000  }
0xaf: {  	[sflag:s14] =	ssyncset.done $0x0  }
0xb0: {  	[sflag:s14] =	ssyncadd.s32 $0xFFFFC000  }
0xb1: {  	_ =	swait.ge [sflag:s16], $0x400  }
0xb2: {  	[sflag:s16] =	ssyncset.done $0x0  }
0xb3: {  	[sflag:s16] =	ssyncadd.s32 $0xFFFFFC00  }
0xb4: {  	[tilespmem:s18], [sflag:$0x1] =	stream.indirect.gather [hbm4b:s4+s17], $0x80, s3, s17, $0xb8;
	[tilespmem:$0x1C800] =	vst v63  }
0xb5: {  	_ =	swait.ge [sflag:s21], $0x4000  }
0xb6: {  	p0 =	sne.s32 s9, $0x900;
	[sflag:s21] =	ssyncset.done $0x0  }
.Ltmp0:
0xb7: {  	[sflag:s21] =	ssyncadd.s32 $0xFFFFC000;
	(pc) =	sbr.rel @p0 .LBB2_2-.Ltmp0, $4  }
0xb8: {  	[spmem:s2] =	stream.indirect.scatter.add.f32 [tilespmem:s19], [sflag:$0x5], $0x80, s6, s17, $0xb8;
	[tilespmem:$0x1C800] =	vst v63  }
0xb9: {  	_ =	swait.ge [sflag:s14], $0x4000  }
0xba: {  	s11 =	smov.u32 s9;
	[sflag:s14] =	ssyncset.done $0x0;
	s13 =	rddreg [dreg:$0x3]  }
0xbb: {  	s9 =	sadd.s32 $0x100, s9;
	[sflag:s14] =	ssyncadd.s32 $0xFFFFC000;
	s7 =	sadd.s32 s11, s13  }
0xbc: {  	[tilespmem:s15], [sflag:$0x4] =	stream.linear.gather [hbm4b:s7+s3], $0x400, $0x38;
	[tilespmem:$0x1C800] =	vst v63  }
0xbd: {  	_ =	swait.ge [sflag:s20], $0x4000  }
0xbe: {  	[sflag:s20] =	ssyncset.done $0x0  }
0xbf: {  	[sflag:s20] =	ssyncadd.s32 $0xFFFFC000  }
0xc0: {  	_ =	swait.ge [sflag:s25], $0x400  }
0xc1: {  	[sflag:s25] =	ssyncset.done $0x0  }
0xc2: {  	[sflag:s25] =	ssyncadd.s32 $0xFFFFFC00  }
0xc3: {  	[bflag:$0x0] =	sbarrier.arrive $0xFFFF  }
0xc4: {  	s12 =	rddreg [dreg:$0x9]  }
0xc5: {  	s9 =	rddreg [dreg:$0xc]  }
0xc6: {  	[hbm:s12], [sflag:s10] =	dma.local [spmem:s9], $0x2800  }
0xc7: {  	_ =	swait.ge [sflag:s14], $0x2800  }
0xc8: {  	s8 =	sadd.s32 $0x1, s8;
	s13 =	rddreg [dreg:$0xa]  }
0xc9: {  	p0 =	sne.s32 s8, s13  }
.Ltmp1:
0xca: {  	_ = 	snop;
	(pc) =	sbr.rel @p0 .LBB2_1-.Ltmp1, $4  }
0xcb: {  	[sflag:s14] =	ssyncset.done $0x0  }
0xcc: {  	[sflag:s14] =	ssyncadd.s32 $0xFFFFD800  }
0xcd: {  	[bflag:$0x0] =	sbarrier.arrive $0xFFFF  }
0xce: {  	s11 =	smov.u32 s10  }
0xcf: {  	_ =	sfence.sel $0x180000  }
0xd0: {  	[bflag:$0x0] =	sbarrier.arrive $0xFFFF  }
0xd1: {  	_ =	strace $0x90000047  }
0xd2: {  	s0 =	stileid.u32;
	[bflag:$0x2] =	sbarrier.arrive $0xFFFF  }
0xd3: {  	p0 =	sne.s32 s0, $0x0;
	s0 =	rddreg [dreg:$0x2]  }
0xd4: {  	s0 =	sadd.s32 @!p0 $0x100000, s0  }
0xd5: {  	[sflag:s0] =	ssyncadd.tile.s32 @!p0 $0x1;
	_ =	shalt  }
.Lfunc_end2:
_tile_overlayer_lowered:
.L_overlay_start_2:
0xd6: {  	(tag) =	ssettag $0x2  }
0xd7: {  	s0 =	rddreg [dreg:$0x0];
	s2 =	stileid.u32  }
0xd8: {  	s1 =	rddreg [dreg:$0x1];
	p0 =	sne.s32 s2, $0x0  }
0xd9: {  	s3 =	rddreg [dreg:$0x2];
	[bflag:$0x3] =	sbarrier.arrive $0xFFFF;
	s2 =	simm.s32 @!p0 $0x1C05  }
0xda: {  	[timem:s3], [sflag:s2] =	dma.local @!p0 [hbm:s0], s1  }
0xdb: {  	s0 =	simm.s32 @!p0 $0x5  }
0xdc: {  	_ =	swait.ge @!p0 [sflag:s0], s1  }
0xdd: {  	s1 =	ssub.s32 @!p0 $0x0, s1;
	[sflag:s0] =	ssyncset.done @!p0 $0x0  }
0xde: {  	[sflag:s0] =	ssyncadd.s32 @!p0 s1  }
0xdf: {  	[bflag:$0x3] =	sbarrier.arrive $0xFFFF  }
0xe0: {  	_ =	shalt  }

// kernel: kernel.18.cloned.1.call-start
scs
__scs_entry_jumppad:
0x0: {  	(pc) =	sbr.rel $0x88, $3  }
0x1: {  	(tag) =	ssettag $0x0;
	lr =	simm.s32 $0x1  }
0x2: {  	[smem:$0x3F96] =	sst lr;
	_ =	strace $0xD0000000  }
0x3: {  	_ = 	snop  }
0x4: {  	_ = 	snop  }
0x5: {  	_ = 	snop  }
0x6: {  	_ = 	snop  }
0x7: {  	_ = 	snop  }
__scs_overlays_trampoline_lowered:
0x8: {  	[smem:$0x3FA5] =	sst s0  }
0x9: {  	[smem:$0x3FA6] =	sst s1  }
0xa: {  	[smem:$0x3FA7] =	sst s2  }
0xb: {  	[smem:$0x3FA8] =	sst s3  }
0xc: {  	[smem:$0x3FA9] =	sst s4  }
0xd: {  	[smem:$0x3FAA] =	sst s5  }
0xe: {  	[smem:$0x3FAB] =	sst s6  }
0xf: {  	[smem:$0x3FAC] =	sst s7  }
0x10: {  	[smem:$0x3FAD] =	sst s8  }
0x11: {  	[smem:$0x3FAE] =	sst s9;
	s0 =	simm.s32 @!p0 $0x0  }
0x12: {  	s1 =	sld [smem:$0x3F94];
	s0 =	simm.s32 @p0 $0x1  }
0x13: {  	[smem:$0x3FAF] =	sst s0;
	s0 =	simm.s32 @!p1 $0x0  }
0x14: {  	s2 =	sld [smem:$0x3F93];
	s0 =	simm.s32 @p1 $0x1  }
0x15: {  	[smem:$0x3FB0] =	sst s0;
	s0 =	simm.s32 @!p2 $0x0  }
0x16: {  	s3 =	sld [smem:$0x3FDB];
	s0 =	simm.s32 @p2 $0x1  }
0x17: {  	s4 =	simm.s32 $0x1BF5;
	[smem:$0x3FB2] =	sst s0  }
0x18: {  	s0 =	sld [smem:$0x3F95];
	_ =	swait.ge [sflag:s4], $0x0  }
0x19: {  	s7 =	sld [smem:$0x3F96]  }
0x1a: {  	s8 =	sadd.s32 $0xFFFFE003, lr  }
0x1b: {  	s9 =	sadd.s32 $0xFFFFFEF7, lr;
	s5 =	simm.s32 $0xFFFFFFFF;
	p2 =	slt.u32 s8, $0xFFFFF086  }
0x1c: {  	p1 =	slt.u32 s9, $0xF7A;
	s5 =	simm.s32 @!p2 $0x0  }
0x1d: {  	s5 =	simm.s32 @p1 $0x1;
	p0 =	seq.s32 s7, s2  }
0x1e: {  	s7 =	smul.u32 @!p0 $0xF7A, s2;
	p2 =	seq.s32 @!p0 s5, $0x0  }
0x1f: {  	s9 =	smul.u32 $0xF7A, s1;
	s8 =	simm.s32 @!p0 $0x1BF5;
	p2 =	por !p2, p0  }
0x20: {  	[sflag:s8] =	ssyncset.s32 @!p0 $0xFFFFF086;
	s6 =	sadd.s32 @!p0 s3, s7;
	s7 =	simm.s32 @!p0 $0x108  }
0x21: {  	s3 =	sadd.s32 s3, s9;
	s6 =	sadd.s32 @!p0 $0x88, s6;
	s7 =	simm.s32 @p2 $0x1082  }
0x22: {  	[simem:s7], [sflag:s8] =	dma.local @!p0 [hbm:s6], $0xF7A  }
0x23: {  	s9 =	sor.u32 $0xD0000000, s2;
	s6 =	simm.s32 $0x108;
	_ =	swait.ge @!p0 [sflag:s8], $0x0  }
0x24: {  	s3 =	sadd.s32 $0x88, s3;
	s6 =	simm.s32 @!p1 $0x1082;
	[sflag:s4] =	ssyncset.s32 $0xFFFFF086  }
0x25: {  	[simem:s6], [sflag:s4] =	dma.local [hbm:s3], $0xF7A  }
0x26: {  	[smem:$0x3F96] =	sst s1;
	(tag) =	ssettag s2;
	_ =	strace s9  }
0x27: {  	s1 =	sld [smem:$0x3FA6]  }
0x28: {  	s2 =	sld [smem:$0x3FA7]  }
0x29: {  	s4 =	sld [smem:$0x3FA9]  }
0x2a: {  	p0 =	seq.s32 s5, $0x0;
	s5 =	sld [smem:$0x3FAA]  }
0x2b: {  	s6 =	sld [smem:$0x3FAB]  }
0x2c: {  	s7 =	sld [smem:$0x3FAC]  }
0x2d: {  	s3 =	simm.s32 $0x108;
	s8 =	sld [smem:$0x3FAD]  }
0x2e: {  	s3 =	simm.s32 @!p0 $0x1082;
	s9 =	sld [smem:$0x3FAE]  }
0x2f: {  	lr =	sadd.s32 s0, s3;
	s0 =	sld [smem:$0x3FA5]  }
0x30: {  	s3 =	sld [smem:$0x3FA8]  }
0x31: {  	[smem:$0x3FB1] =	sst s10  }
0x32: {  	s10 =	sld [smem:$0x3FAF];
	_ =	sdelay $0x3  }
0x33: {  	p0 =	seq.s32 s10, $0x1;
	s10 =	sld [smem:$0x3FB1];
	_ =	sdelay $0x3  }
0x34: {  	[smem:$0x3FB1] =	sst s10  }
0x35: {  	s10 =	sld [smem:$0x3FB0];
	_ =	sdelay $0x3  }
0x36: {  	p1 =	seq.s32 s10, $0x1;
	s10 =	sld [smem:$0x3FB1];
	_ =	sdelay $0x3  }
0x37: {  	[smem:$0x3FB1] =	sst s10  }
0x38: {  	s10 =	sld [smem:$0x3FB2]  }
0x39: {  	_ = 	snop;
	(pc) =	sbr.ind lr, $3  }
0x3a: {  	_ = 	snop  }
0x3b: {  	_ = 	snop  }
0x3c: {  	p2 =	seq.s32 s10, $0x1;
	s10 =	sld [smem:$0x3FB1]  }
0x3d: {  	_ =	shalt  }
0x3e: {  	_ =	shalt  }
0x3f: {  	_ =	shalt  }
0x40: {  	_ =	shalt  }
0x41: {  	_ =	shalt  }
0x42: {  	_ =	shalt  }
0x43: {  	_ =	shalt  }
0x44: {  	_ =	shalt  }
0x45: {  	_ =	shalt  }
0x46: {  	_ =	shalt  }
0x47: {  	_ =	shalt  }
0x48: {  	_ =	shalt  }
0x49: {  	_ =	shalt  }
0x4a: {  	_ =	shalt  }
0x4b: {  	_ =	shalt  }
0x4c: {  	_ =	shalt  }
0x4d: {  	_ =	shalt  }
0x4e: {  	_ =	shalt  }
0x4f: {  	_ =	shalt  }
0x50: {  	_ =	shalt  }
0x51: {  	_ =	shalt  }
0x52: {  	_ =	shalt  }
0x53: {  	_ =	shalt  }
0x54: {  	_ =	shalt  }
0x55: {  	_ =	shalt  }
0x56: {  	_ =	shalt  }
0x57: {  	_ =	shalt  }
0x58: {  	_ =	shalt  }
0x59: {  	_ =	shalt  }
0x5a: {  	_ =	shalt  }
0x5b: {  	_ =	shalt  }
0x5c: {  	_ =	shalt  }
0x5d: {  	_ =	shalt  }
0x5e: {  	_ =	shalt  }
0x5f: {  	_ =	shalt  }
0x60: {  	_ =	shalt  }
0x61: {  	_ =	shalt  }
0x62: {  	_ =	shalt  }
0x63: {  	_ =	shalt  }
0x64: {  	_ =	shalt  }
0x65: {  	_ =	shalt  }
0x66: {  	_ =	shalt  }
0x67: {  	_ =	shalt  }
0x68: {  	_ =	shalt  }
0x69: {  	_ =	shalt  }
0x6a: {  	_ =	shalt  }
0x6b: {  	_ =	shalt  }
0x6c: {  	_ =	shalt  }
0x6d: {  	_ =	shalt  }
0x6e: {  	_ =	shalt  }
0x6f: {  	_ =	shalt  }
0x70: {  	_ =	shalt  }
0x71: {  	_ =	shalt  }
0x72: {  	_ =	shalt  }
0x73: {  	_ =	shalt  }
0x74: {  	_ =	shalt  }
0x75: {  	_ =	shalt  }
0x76: {  	_ =	shalt  }
0x77: {  	_ =	shalt  }
0x78: {  	_ =	shalt  }
0x79: {  	_ =	shalt  }
0x7a: {  	_ =	shalt  }
0x7b: {  	_ =	shalt  }
0x7c: {  	_ =	shalt  }
0x7d: {  	_ =	shalt  }
0x7e: {  	_ =	shalt  }
0x7f: {  	_ =	shalt  }
0x80: {  	_ =	shalt  }
0x81: {  	_ =	shalt  }
0x82: {  	_ =	shalt  }
0x83: {  	_ =	shalt  }
0x84: {  	_ =	shalt  }
0x85: {  	_ =	shalt  }
0x86: {  	_ =	shalt  }
0x87: {  	_ =	shalt  }
.Lfunc_end0:
.L_simem_size_0:
called_computation.2_lowered:
.L_overlay_start_0:
0x88: {  	s2 =	sld [smem:$0x3FD9]  }
0x89: {  	s3 =	sld [smem:$0x3FFE];
	_ =	sdelay $0x1  }
0x8a: {  	s1 =	srdreg.scid  }
0x8b: {  	s0 =	sand.u32 $0x1, s1  }
0x8c: {  	s16 =	sshll.u32 s0, $0xA;
	s2 =	sadd.s32 s3, s2  }
0x8d: {  	s2 =	sadd.s32 s2, s16  }
0x8e: {  	[smem:$0x3FBD] =	sst s2  }
0x8f: {  	_ = 	snop  }
0x90: {  	(tm) =	ssettm $0x1  }
0x91: {  	s17 =	sld [smem:$0x3FFB];
	_ =	sdelay $0x3  }
0x92: {  	_ =	strace s17  }
0x93: {  	s2 =	sld [smem:$0x3FFC];
	_ =	sdelay $0x3  }
0x94: {  	_ =	strace s2  }
0x95: {  	s2 =	sld [smem:$0x3FFD];
	_ =	sdelay $0x3  }
0x96: {  	_ =	strace s2  }
0x97: {  	_ =	strace $0x8FFFFFFF  }
0x98: {  	s18 =	sld [smem:$0x3FDB];
	_ =	sdelay $0x1  }
0x99: {  	s19 =	simm.s32 $_scs_section_size  }
0x9a: {  	s4 =	simm.s32 $_size__tile_overlayer_lowered;
	s5 =	simm.s32 $_tile_overlayer_lowered  }
0x9b: {  	s22 =	simm.s32 $0x1BFF;
	s21 =	sshll.u32 s5, $0x1;
	s2 =	sadd.s32 s19, s18  }
0x9c: {  	s6 =	simm.s32 $0x0;
	s20 =	sshll.u32 s4, $0x1;
	s4 =	sadd.s32 s21, s2  }
0x9d: {  	[timem:s6], [sflag:s22] =	dma.local [hbm:s4], s20  }
0x9e: {  	_ =	swait.ge [sflag:s22], s20  }
0x9f: {  	s3 =	ssub.s32 $0x0, s20;
	[sflag:s22] =	ssyncset.done $0x0  }
0xa0: {  	[sflag:s22] =	ssyncadd.s32 s3;
	_ =	sdelay $0x1  }
0xa1: {  	s23 =	simm.s32 $0x1B8B  }
0xa2: {  	_ =	swait.ge [sflag:s23], $0x1  }
0xa3: {  	[sflag:s23] =	ssyncset.done $0x0  }
0xa4: {  	s25 =	simm.s32 $0x1B8E;
	s24 =	sld [smem:$0x3FFE];
	[sflag:s23] =	ssyncadd.s32 $0xFFFFFFFF  }
0xa5: {  	s26 =	simm.s32 $execute0_lowered;
	[smem:$0x3FD2] =	sst s25  }
0xa6: {  	s4 =	sshll.u32 s26, $0x1;
	_ =	strace $0x8000004C;
	[dreg:$0x1] =	wrdreg $0xFFFFFFFF  }
0xa7: {  	s28 =	simm.s32 $_size_execute0_lowered;
	s2 =	sadd.s32 s2, s4;
	[dreg:$0x0] =	wrdreg $0x0  }
0xa8: {  	s4 =	sshll.u32 s28, $0x1;
	[dreg:$0x2] =	wrdreg s2  }
0xa9: {  	[dreg:$0x3] =	wrdreg s4  }
0xaa: {  	[dreg:$0x4] =	wrdreg $0xC0  }
0xab: {  	_ =	task [dreg:s6], $0x5FFFF  }
0xac: {  	[dreg:$0x1] =	wrdreg $0xFFFFFFFF  }
0xad: {  	[dreg:$0x0] =	wrdreg $0x60  }
0xae: {  	[dreg:$0x2] =	wrdreg s24  }
0xaf: {  	[dreg:$0x3] =	wrdreg $0x88000  }
0xb0: {  	[dreg:$0x4] =	wrdreg $0x9  }
0xb1: {  	_ =	task.clear_ibuf [dreg:s6], $0x5FFFF;
	_ =	strace $0x9000004C  }
0xb2: {  	s29 =	simm.s32 $0x9;
	_ =	strace $0x8000004E  }
0xb3: {  	_ =	swait.ge [sflag:s29], $0x1  }
0xb4: {  	[sflag:s29] =	ssyncadd.s32 $0xFFFFFFFF  }
0xb5: {  	_ =	strace $0x9000004E  }
0xb6: {  	_ =	sfence  }
0xb7: {  	s30 =	sld [smem:$0x0];
	_ =	sdelay $0x2  }
0xb8: {  	s31 =	sshll.u32 s1, $0xD;
	s1 =	sshrl.u32 s1, $0x2  }
0xb9: {  	s3 =	sand.u32 $0x4000, s31;
	s1 =	sadd.s32 s1, s30  }
0xba: {  	s0 =	sor.u32 s3, s0;
	s1 =	sshll.u32 s1, $0x11  }
0xbb: {  	s0 =	sor.u32 s1, s0  }
0xbc: {  	s0 =	sadd.s32 $0x8F2B, s0  }
0xbd: {  	[sflag:s0] =	ssyncadd.remote.s32 $0x1  }
0xbe: {  	_ =	sfence.sel $0xFFFF  }
0xbf: {  	[dreg:$0x0] =	wrdreg $0xFFFFFFFF;
	(pc) =	sbr.abs _section_cstart, $3  }
0xc0: {  	[dreg:$0x1] =	wrdreg $0xFFFFFFFF  }
0xc1: {  	_ =	task.clear_ibuf [dreg:s6], $0x2FFFF;
	_ =	strace $0x9FFFFFFF  }
0xc2: {  	(tm) =	ssettm $0x7FFFFFFF  }
0xc3: {  	_ =	shalt  }
tec
execute0_lowered:
.L_overlay_start_1:
0x0: {  	(tag) =	ssettag $0x1  }
0x1: {  	s0 =	rddreg [dreg:$0x0]  }
0x2: {  	s2 =	rddreg [dreg:$0x1]  }
0x3: {  	s3 =	simm.s32 $0x0;
	s12 =	stileid.u32;
	s6 =	srdreg.scid  }
0x4: {  	s28 =	simm.s32 $0x2;
	s29 =	simm.s32 $0x180;
	s30 =	simm.s32 $0x300  }
0x5: {  	s31 =	simm.s32 $0x280;
	[smem:$0x7FF] =	sst s3;
	s1 =	smul.u32 $0x14000, s12  }
0x6: {  	s4 =	sadd.s32 $0x8DA00, s0;
	s5 =	sadd.s32 $0x1CA600, s0;
	s9 =	smul.u32 $0x50000, s12  }
0x7: {  	s6 =	sand.u32 $0x1, s6;
	s23 =	smul.u32 $0x5000, s12;
	s24 =	sshll.u32 s12, $0x6  }
0x8: {  	s12 =	simm.s32 $0x700;
	_ =	strace $0x8000004D;
	s11 =	smul.u32 $0x50800, s6  }
0x9: {  	s8 =	ssub.s32 $0x2, s6;
	s15 =	sor.u32 $0x1C05, s24;
	s26 =	smul.u32 $0x140000, s6  }
0xa: {  	s6 =	sor.u32 $0x2, s6;
	s7 =	sshrl.u32 s1, $0x3;
	s10 =	sshrl.u32 s8, $0x1  }
0xb: {  	s9 =	sshrl.u32 s9, $0x2;
	s25 =	sor.u32 $0x400, s23;
	s14 =	smul.u32 $0x50800, s6  }
0xc: {  	s6 =	smul.u32 $0x140000, s6;
	[dreg:$0x7] =	wrdreg s15;
	s7 =	sadd.s32 s7, s0  }
0xd: {  	s0 =	sadd.s32 $0x129E00, s0;
	s8 =	ssub.s32 s8, s10;
	s9 =	sadd.s32 s9, s2  }
0xe: {  	s17 =	sadd.s32 s1, s26;
	[dreg:$0x5] =	wrdreg s9;
	s16 =	sadd.s32 $0x65A00, s7  }
0xf: {  	s7 =	sadd.s32 s23, s11;
	s11 =	sadd.s32 s11, s25;
	s10 =	sadd.s32 s23, s14  }
0x10: {  	s9 =	sadd.s32 s25, s14;
	s1 =	sadd.s32 s1, s6;
	s22 =	smax.u32 s8, $0x1  }
0x11: {  	s6 =	simm.s32 $0x500;
	s14 =	simm.s32 $0x780;
	s8 =	simm.s32 $0x0  }
0x12: {  	s13 =	sshrl.u32 s7, $0x3;
	s11 =	sshrl.u32 s11, $0x3;
	s10 =	sshrl.u32 s10, $0x3  }
0x13: {  	s9 =	sshrl.u32 s9, $0x3;
	s1 =	sshrl.u32 s1, $0x3;
	s19 =	sadd.s32 $0xC00, s7  }
0x14: {  	s21 =	sadd.s32 $0xA1C00, s7;
	[dreg:$0xe] =	wrdreg s22;
	s24 =	sadd.s32 $0xA1800, s7  }
0x15: {  	s25 =	sadd.s32 $0x800, s7;
	s22 =	simm.s32 $0x800;
	[dreg:$0x6] =	wrdreg s16  }
0x16: {  	s13 =	sadd.s32 s5, s13;
	s11 =	sadd.s32 s5, s11;
	s10 =	sadd.s32 s5, s10  }
0x17: {  	s18 =	sadd.s32 s5, s9;
	s20 =	sshrl.u32 s19, $0x3;
	[dreg:$0xf] =	wrdreg s25  }
0x18: {  	s26 =	sshrl.u32 s24, $0x3;
	s19 =	simm.s32 $0x400;
	[dreg:$0x8] =	wrdreg s13  }
0x19: {  	s24 =	simm.s32 $0x4800;
	s25 =	simm.s32 $0x1;
	[dreg:$0x9] =	wrdreg s11  }
0x1a: {  	s9 =	simm.s32 $0x480;
	s11 =	sshrl.u32 s17, $0x3;
	[dreg:$0xb] =	wrdreg s10  }
0x1b: {  	[dreg:$0xc] =	wrdreg s18;
	s17 =	sadd.s32 s26, s5;
	s18 =	simm.s32 $0x5  }
0x1c: {  	s26 =	simm.s32 $0x200;
	s10 =	simm.s32 $0x600;
	s11 =	sadd.s32 s0, s11  }
0x1d: {  	s13 =	simm.s32 $0x680;
	s0 =	sadd.s32 s0, s1;
	[dreg:$0xa] =	wrdreg s11  }
0x1e: {  	s1 =	sshrl.u32 s21, $0x3;
	s21 =	simm.s32 $0x80;
	[dreg:$0xd] =	wrdreg s0  }
0x1f: {  	s0 =	sadd.s32 s20, s5;
	s23 =	sadd.s32 s1, s5;
	s20 =	simm.s32 $0x3  }
0x20: {  	s1 =	simm.s32 $0x380;
	s11 =	simm.s32 $0x580;
	[dreg:$0x3] =	wrdreg s0  }
0x21: {  	[dreg:$0x4] =	wrdreg s23;
	s23 =	simm.s32 $0x100;
	s0 =	simm.s32 $0x4  }
.LBB2_1:
0x22: {  	s7 =	rddreg [dreg:$0x5]  }
0x23: {  	[dreg:$0x10] =	wrdreg s8;
	s7 =	sshrl.u32 s7, $0x3  }
0x24: {  	[dreg:$0x11] =	wrdreg s7  }
0x25: {  	[spmem:s7], [sflag:s15] =	dma.local [hbm:s16], $0x2800  }
0x26: {  	_ =	swait.ge [sflag:s18], $0x2800  }
0x27: {  	[sflag:s18] =	ssyncset.done $0x0  }
0x28: {  	s8 =	rddreg [dreg:$0x8];
	[sflag:s18] =	ssyncadd.s32 $0xFFFFD800  }
0x29: {  	[tilespmem:s3], [sflag:$0x3] =	stream.linear.gather [hbm4b:s8+s3], $0x400, $0x38;
	[tilespmem:$0x1C800] =	vst v63  }
0x2a: {  	s15 =	rddreg [dreg:$0x9]  }
0x2b: {  	[tilespmem:s19], [sflag:$0x4] =	stream.linear.gather [hbm4b:s15+s3], $0x400, $0x38;
	[tilespmem:$0x1C800] =	vst v63  }
0x2c: {  	_ =	swait.ge [sflag:s20], $0x400  }
0x2d: {  	[sflag:s20] =	ssyncset.done $0x0  }
0x2e: {  	[sflag:s20] =	ssyncadd.s32 $0xFFFFFC00  }
0x2f: {  	[tilespmem:s22], [sflag:$0x1] =	stream.indirect.gather [hbm4b:s4+s21], $0x80, s3, s21, $0xb8;
	[tilespmem:$0x1C800] =	vst v63  }
0x30: {  	[bflag:$0x0] =	sbarrier.arrive $0xFFFF  }
0x31: {  	[tilespmem:s24], [sflag:$0x2] =	stream.indirect.gather [hbm4b:s4+s21], $0x80, s23, s21, $0xb8;
	[tilespmem:$0x1C800] =	vst v63  }
0x32: {  	_ =	swait.ge [sflag:s25], $0x4000  }
0x33: {  	[sflag:s25] =	ssyncset.done $0x0  }
0x34: {  	[sflag:s25] =	ssyncadd.s32 $0xFFFFC000  }
0x35: {  	[spmem:s2] =	stream.indirect.scatter.add.f32 [tilespmem:s22], [sflag:$0x5], $0x80, s21, s21, $0xb8;
	[tilespmem:$0x1C800] =	vst v63  }
0x36: {  	_ =	swait.ge [sflag:s18], $0x4000  }
0x37: {  	[sflag:s18] =	ssyncset.done $0x0  }
0x38: {  	[sflag:s18] =	ssyncadd.s32 $0xFFFFC000  }
0x39: {  	[tilespmem:s22], [sflag:$0x1] =	stream.indirect.gather [hbm4b:s4+s21], $0x80, s26, s21, $0xb8;
	[tilespmem:$0x1C800] =	vst v63  }
0x3a: {  	_ =	swait.ge [sflag:s28], $0x4000  }
0x3b: {  	[sflag:s28] =	ssyncset.done $0x0  }
0x3c: {  	[sflag:s28] =	ssyncadd.s32 $0xFFFFC000  }
0x3d: {  	[spmem:s2] =	stream.indirect.scatter.add.f32 [tilespmem:s24], [sflag:$0x5], $0x80, s29, s21, $0xb8;
	[tilespmem:$0x1C800] =	vst v63  }
0x3e: {  	_ =	swait.ge [sflag:s18], $0x4000  }
0x3f: {  	[sflag:s18] =	ssyncset.done $0x0  }
0x40: {  	[sflag:s18] =	ssyncadd.s32 $0xFFFFC000  }
0x41: {  	[tilespmem:s24], [sflag:$0x2] =	stream.indirect.gather [hbm4b:s4+s21], $0x80, s30, s21, $0xb8;
	[tilespmem:$0x1C800] =	vst v63  }
0x42: {  	_ =	swait.ge [sflag:s25], $0x4000  }
0x43: {  	[sflag:s25] =	ssyncset.done $0x0  }
0x44: {  	[sflag:s25] =	ssyncadd.s32 $0xFFFFC000  }
0x45: {  	[spmem:s2] =	stream.indirect.scatter.add.f32 [tilespmem:s22], [sflag:$0x5], $0x80, s31, s21, $0xb8;
	[tilespmem:$0x1C800] =	vst v63  }
0x46: {  	_ =	swait.ge [sflag:s18], $0x4000  }
0x47: {  	[sflag:s18] =	ssyncset.done $0x0  }
0x48: {  	[sflag:s18] =	ssyncadd.s32 $0xFFFFC000  }
0x49: {  	_ =	swait.ge [sflag:s0], $0x400  }
0x4a: {  	[sflag:s0] =	ssyncset.done $0x0  }
0x4b: {  	[sflag:s0] =	ssyncadd.s32 $0xFFFFFC00  }
0x4c: {  	[tilespmem:s22], [sflag:$0x1] =	stream.indirect.gather [hbm4b:s4+s21], $0x80, s19, s21, $0xb8;
	[tilespmem:$0x1C800] =	vst v63  }
0x4d: {  	_ =	swait.ge [sflag:s28], $0x4000  }
0x4e: {  	[sflag:s28] =	ssyncset.done $0x0  }
0x4f: {  	[sflag:s28] =	ssyncadd.s32 $0xFFFFC000  }
0x50: {  	[spmem:s2] =	stream.indirect.scatter.add.f32 [tilespmem:s24], [sflag:$0x5], $0x80, s1, s21, $0xb8;
	[tilespmem:$0x1C800] =	vst v63  }
0x51: {  	_ =	swait.ge [sflag:s18], $0x4000  }
0x52: {  	s8 =	rddreg [dreg:$0xf]  }
0x53: {  	[sflag:s18] =	ssyncset.done $0x0;
	s16 =	sshrl.u32 s8, $0x3  }
0x54: {  	[sflag:s18] =	ssyncadd.s32 $0xFFFFC000;
	s7 =	sadd.s32 s5, s16  }
0x55: {  	[tilespmem:s3], [sflag:$0x3] =	stream.linear.gather [hbm4b:s7+s3], $0x400, $0x38;
	[tilespmem:$0x1C800] =	vst v63  }
0x56: {  	_ = 	snop  }
0x57: {  	[tilespmem:s24], [sflag:$0x2] =	stream.indirect.gather [hbm4b:s4+s21], $0x80, s6, s21, $0xb8;
	[tilespmem:$0x1C800] =	vst v63  }
0x58: {  	_ =	swait.ge [sflag:s25], $0x4000  }
0x59: {  	[sflag:s25] =	ssyncset.done $0x0  }
0x5a: {  	[sflag:s25] =	ssyncadd.s32 $0xFFFFC000  }
0x5b: {  	[spmem:s2] =	stream.indirect.scatter.add.f32 [tilespmem:s22], [sflag:$0x5], $0x80, s9, s21, $0xb8;
	[tilespmem:$0x1C800] =	vst v63  }
0x5c: {  	_ =	swait.ge [sflag:s18], $0x4000  }
0x5d: {  	[sflag:s18] =	ssyncset.done $0x0  }
0x5e: {  	[sflag:s18] =	ssyncadd.s32 $0xFFFFC000  }
0x5f: {  	[tilespmem:s22], [sflag:$0x1] =	stream.indirect.gather [hbm4b:s4+s21], $0x80, s10, s21, $0xb8;
	[tilespmem:$0x1C800] =	vst v63  }
0x60: {  	_ =	swait.ge [sflag:s28], $0x4000  }
0x61: {  	[sflag:s28] =	ssyncset.done $0x0  }
0x62: {  	[sflag:s28] =	ssyncadd.s32 $0xFFFFC000  }
0x63: {  	[spmem:s2] =	stream.indirect.scatter.add.f32 [tilespmem:s24], [sflag:$0x5], $0x80, s11, s21, $0xb8;
	[tilespmem:$0x1C800] =	vst v63  }
0x64: {  	_ =	swait.ge [sflag:s18], $0x4000  }
0x65: {  	[sflag:s18] =	ssyncset.done $0x0  }
0x66: {  	[sflag:s18] =	ssyncadd.s32 $0xFFFFC000  }
0x67: {  	[tilespmem:s24], [sflag:$0x2] =	stream.indirect.gather [hbm4b:s4+s21], $0x80, s12, s21, $0xb8;
	[tilespmem:$0x1C800] =	vst v63  }
0x68: {  	_ =	swait.ge [sflag:s25], $0x4000  }
0x69: {  	[sflag:s25] =	ssyncset.done $0x0  }
0x6a: {  	[sflag:s25] =	ssyncadd.s32 $0xFFFFC000  }
0x6b: {  	[spmem:s2] =	stream.indirect.scatter.add.f32 [tilespmem:s22], [sflag:$0x5], $0x80, s13, s21, $0xb8;
	[tilespmem:$0x1C800] =	vst v63  }
0x6c: {  	_ =	swait.ge [sflag:s18], $0x4000  }
0x6d: {  	[sflag:s18] =	ssyncset.done $0x0  }
0x6e: {  	[sflag:s18] =	ssyncadd.s32 $0xFFFFC000  }
0x6f: {  	_ =	swait.ge [sflag:s20], $0x400  }
0x70: {  	[sflag:s20] =	ssyncset.done $0x0  }
0x71: {  	[sflag:s20] =	ssyncadd.s32 $0xFFFFFC00  }
0x72: {  	[tilespmem:s22], [sflag:$0x1] =	stream.indirect.gather [hbm4b:s4+s21], $0x80, s3, s21, $0xb8;
	[tilespmem:$0x1C800] =	vst v63  }
0x73: {  	_ =	swait.ge [sflag:s28], $0x4000  }
0x74: {  	[sflag:s28] =	ssyncset.done $0x0  }
0x75: {  	[sflag:s28] =	ssyncadd.s32 $0xFFFFC000  }
0x76: {  	[spmem:s2] =	stream.indirect.scatter.add.f32 [tilespmem:s24], [sflag:$0x5], $0x80, s14, s21, $0xb8;
	[tilespmem:$0x1C800] =	vst v63  }
0x77: {  	_ =	swait.ge [sflag:s18], $0x4000  }
0x78: {  	s8 =	sadd.s32 $0x800, s8;
	s15 =	rddreg [dreg:$0x3];
	[sflag:s18] =	ssyncset.done $0x0  }
0x79: {  	s16 =	simm.s32 $0x100;
	[sflag:s18] =	ssyncadd.s32 $0xFFFFC000;
	s7 =	sadd.s32 $0x0, s15  }
.LBB2_2:
0x7a: {  	[tilespmem:s19], [sflag:$0x4] =	stream.linear.gather [hbm4b:s7+s3], $0x400, $0x38;
	[tilespmem:$0x1C800] =	vst v63  }
0x7b: {  	_ = 	snop  }
0x7c: {  	[tilespmem:s24], [sflag:$0x2] =	stream.indirect.gather [hbm4b:s4+s21], $0x80, s23, s21, $0xb8;
	[tilespmem:$0x1C800] =	vst v63  }
0x7d: {  	_ =	swait.ge [sflag:s25], $0x4000  }
0x7e: {  	[sflag:s25] =	ssyncset.done $0x0  }
0x7f: {  	[sflag:s25] =	ssyncadd.s32 $0xFFFFC000  }
0x80: {  	[spmem:s2] =	stream.indirect.scatter.add.f32 [tilespmem:s22], [sflag:$0x5], $0x80, s21, s21, $0xb8;
	[tilespmem:$0x1C800] =	vst v63  }
0x81: {  	_ =	swait.ge [sflag:s18], $0x4000  }
0x82: {  	[sflag:s18] =	ssyncset.done $0x0  }
0x83: {  	[sflag:s18] =	ssyncadd.s32 $0xFFFFC000  }
0x84: {  	[tilespmem:s22], [sflag:$0x1] =	stream.indirect.gather [hbm4b:s4+s21], $0x80, s26, s21, $0xb8;
	[tilespmem:$0x1C800] =	vst v63  }
0x85: {  	_ =	swait.ge [sflag:s28], $0x4000  }
0x86: {  	[sflag:s28] =	ssyncset.done $0x0  }
0x87: {  	[sflag:s28] =	ssyncadd.s32 $0xFFFFC000  }
0x88: {  	[spmem:s2] =	stream.indirect.scatter.add.f32 [tilespmem:s24], [sflag:$0x5], $0x80, s29, s21, $0xb8;
	[tilespmem:$0x1C800] =	vst v63  }
0x89: {  	_ =	swait.ge [sflag:s18], $0x4000  }
0x8a: {  	[sflag:s18] =	ssyncset.done $0x0  }
0x8b: {  	[sflag:s18] =	ssyncadd.s32 $0xFFFFC000  }
0x8c: {  	[tilespmem:s24], [sflag:$0x2] =	stream.indirect.gather [hbm4b:s4+s21], $0x80, s30, s21, $0xb8;
	[tilespmem:$0x1C800] =	vst v63  }
0x8d: {  	_ =	swait.ge [sflag:s25], $0x4000  }
0x8e: {  	[sflag:s25] =	ssyncset.done $0x0  }
0x8f: {  	[sflag:s25] =	ssyncadd.s32 $0xFFFFC000  }
0x90: {  	[spmem:s2] =	stream.indirect.scatter.add.f32 [tilespmem:s22], [sflag:$0x5], $0x80, s31, s21, $0xb8;
	[tilespmem:$0x1C800] =	vst v63  }
0x91: {  	_ =	swait.ge [sflag:s18], $0x4000  }
0x92: {  	[sflag:s18] =	ssyncset.done $0x0  }
0x93: {  	[sflag:s18] =	ssyncadd.s32 $0xFFFFC000  }
0x94: {  	_ =	swait.ge [sflag:s0], $0x400  }
0x95: {  	[sflag:s0] =	ssyncset.done $0x0  }
0x96: {  	[sflag:s0] =	ssyncadd.s32 $0xFFFFFC00  }
0x97: {  	[tilespmem:s22], [sflag:$0x1] =	stream.indirect.gather [hbm4b:s4+s21], $0x80, s19, s21, $0xb8;
	[tilespmem:$0x1C800] =	vst v63  }
0x98: {  	_ =	swait.ge [sflag:s28], $0x4000  }
0x99: {  	[sflag:s28] =	ssyncset.done $0x0  }
0x9a: {  	[sflag:s28] =	ssyncadd.s32 $0xFFFFC000  }
0x9b: {  	[spmem:s2] =	stream.indirect.scatter.add.f32 [tilespmem:s24], [sflag:$0x5], $0x80, s1, s21, $0xb8;
	[tilespmem:$0x1C800] =	vst v63  }
0x9c: {  	_ =	swait.ge [sflag:s18], $0x4000  }
0x9d: {  	s15 =	sshrl.u32 s8, $0x3;
	[sflag:s18] =	ssyncset.done $0x0  }
0x9e: {  	s15 =	sadd.s32 s5, s15;
	[sflag:s18] =	ssyncadd.s32 $0xFFFFC000  }
0x9f: {  	[tilespmem:s3], [sflag:$0x3] =	stream.linear.gather [hbm4b:s15+s3], $0x400, $0x38;
	[tilespmem:$0x1C800] =	vst v63  }
0xa0: {  	_ = 	snop  }
0xa1: {  	[tilespmem:s24], [sflag:$0x2] =	stream.indirect.gather [hbm4b:s4+s21], $0x80, s6, s21, $0xb8;
	[tilespmem:$0x1C800] =	vst v63  }
0xa2: {  	_ =	swait.ge [sflag:s25], $0x4000  }
0xa3: {  	[sflag:s25] =	ssyncset.done $0x0  }
0xa4: {  	[sflag:s25] =	ssyncadd.s32 $0xFFFFC000  }
0xa5: {  	[spmem:s2] =	stream.indirect.scatter.add.f32 [tilespmem:s22], [sflag:$0x5], $0x80, s9, s21, $0xb8;
	[tilespmem:$0x1C800] =	vst v63  }
0xa6: {  	_ =	swait.ge [sflag:s18], $0x4000  }
0xa7: {  	[sflag:s18] =	ssyncset.done $0x0  }
0xa8: {  	[sflag:s18] =	ssyncadd.s32 $0xFFFFC000  }
0xa9: {  	[tilespmem:s22], [sflag:$0x1] =	stream.indirect.gather [hbm4b:s4+s21], $0x80, s10, s21, $0xb8;
	[tilespmem:$0x1C800] =	vst v63  }
0xaa: {  	_ =	swait.ge [sflag:s28], $0x4000  }
0xab: {  	[sflag:s28] =	ssyncset.done $0x0  }
0xac: {  	[sflag:s28] =	ssyncadd.s32 $0xFFFFC000  }
0xad: {  	[spmem:s2] =	stream.indirect.scatter.add.f32 [tilespmem:s24], [sflag:$0x5], $0x80, s11, s21, $0xb8;
	[tilespmem:$0x1C800] =	vst v63  }
0xae: {  	_ =	swait.ge [sflag:s18], $0x4000  }
0xaf: {  	[sflag:s18] =	ssyncset.done $0x0  }
0xb0: {  	[sflag:s18] =	ssyncadd.s32 $0xFFFFC000  }
0xb1: {  	[tilespmem:s24], [sflag:$0x2] =	stream.indirect.gather [hbm4b:s4+s21], $0x80, s12, s21, $0xb8;
	[tilespmem:$0x1C800] =	vst v63  }
0xb2: {  	_ =	swait.ge [sflag:s25], $0x4000  }
0xb3: {  	[sflag:s25] =	ssyncset.done $0x0  }
0xb4: {  	[sflag:s25] =	ssyncadd.s32 $0xFFFFC000  }
0xb5: {  	[spmem:s2] =	stream.indirect.scatter.add.f32 [tilespmem:s22], [sflag:$0x5], $0x80, s13, s21, $0xb8;
	[tilespmem:$0x1C800] =	vst v63  }
0xb6: {  	_ =	swait.ge [sflag:s18], $0x4000  }
0xb7: {  	[sflag:s18] =	ssyncset.done $0x0  }
0xb8: {  	[sflag:s18] =	ssyncadd.s32 $0xFFFFC000  }
0xb9: {  	_ =	swait.ge [sflag:s20], $0x400  }
0xba: {  	[sflag:s20] =	ssyncset.done $0x0  }
0xbb: {  	[sflag:s20] =	ssyncadd.s32 $0xFFFFFC00  }
0xbc: {  	[tilespmem:s22], [sflag:$0x1] =	stream.indirect.gather [hbm4b:s4+s21], $0x80, s3, s21, $0xb8;
	[tilespmem:$0x1C800] =	vst v63  }
0xbd: {  	_ =	swait.ge [sflag:s28], $0x4000  }
0xbe: {  	p0 =	sne.s32 s16, $0x900;
	[sflag:s28] =	ssyncset.done $0x0  }
.Ltmp0:
0xbf: {  	[sflag:s28] =	ssyncadd.s32 $0xFFFFC000;
	(pc) =	sbr.rel @p0 .LBB2_2-.Ltmp0, $4  }
0xc0: {  	[spmem:s2] =	stream.indirect.scatter.add.f32 [tilespmem:s24], [sflag:$0x5], $0x80, s14, s21, $0xb8;
	[tilespmem:$0x1C800] =	vst v63  }
0xc1: {  	s7 =	smov.u32 s16;
	_ =	swait.ge [sflag:s18], $0x4000  }
0xc2: {  	s16 =	sadd.s32 $0x100, s16;
	[sflag:s18] =	ssyncset.done $0x0;
	s15 =	rddreg [dreg:$0x3]  }
0xc3: {  	s8 =	sadd.s32 $0x800, s8;
	[sflag:s18] =	ssyncadd.s32 $0xFFFFC000;
	s7 =	sadd.s32 s7, s15  }
0xc4: {  	[tilespmem:s19], [sflag:$0x4] =	stream.linear.gather [hbm4b:s7+s3], $0x400, $0x38;
	[tilespmem:$0x1C800] =	vst v63  }
0xc5: {  	_ =	swait.ge [sflag:s25], $0x4000  }
0xc6: {  	[sflag:s25] =	ssyncset.done $0x0  }
0xc7: {  	[sflag:s25] =	ssyncadd.s32 $0xFFFFC000  }
0xc8: {  	_ =	swait.ge [sflag:s0], $0x400  }
0xc9: {  	[sflag:s0] =	ssyncset.done $0x0  }
0xca: {  	[sflag:s0] =	ssyncadd.s32 $0xFFFFFC00  }
0xcb: {  	[bflag:$0x0] =	sbarrier.arrive $0xFFFF  }
0xcc: {  	s7 =	rddreg [dreg:$0x7]  }
0xcd: {  	s8 =	rddreg [dreg:$0xa]  }
0xce: {  	s15 =	rddreg [dreg:$0x11]  }
0xcf: {  	[hbm:s8], [sflag:s7] =	dma.local [spmem:s15], $0x2800  }
0xd0: {  	_ =	swait.ge [sflag:s18], $0x2800  }
0xd1: {  	[sflag:s18] =	ssyncset.done $0x0  }
0xd2: {  	[sflag:s18] =	ssyncadd.s32 $0xFFFFD800  }
0xd3: {  	[bflag:$0x0] =	sbarrier.arrive $0xFFFF  }
0xd4: {  	s16 =	rddreg [dreg:$0x6]  }
0xd5: {  	[spmem:s15], [sflag:s7] =	dma.local [hbm:s16], $0x2800  }
0xd6: {  	_ =	swait.ge [sflag:s18], $0x2800  }
0xd7: {  	[sflag:s18] =	ssyncset.done $0x0  }
0xd8: {  	s7 =	simm.s32 $0x0;
	s15 =	rddreg [dreg:$0xb];
	[sflag:s18] =	ssyncadd.s32 $0xFFFFD800  }
0xd9: {  	[tilespmem:s7], [sflag:$0x3] =	stream.linear.gather [hbm4b:s15+s7], $0x400, $0x38;
	[tilespmem:$0x1C800] =	vst v63  }
0xda: {  	s15 =	rddreg [dreg:$0xc]  }
0xdb: {  	[tilespmem:s19], [sflag:$0x4] =	stream.linear.gather [hbm4b:s15+s7], $0x400, $0x38;
	[tilespmem:$0x1C800] =	vst v63  }
0xdc: {  	_ =	swait.ge [sflag:s20], $0x400  }
0xdd: {  	[sflag:s20] =	ssyncset.done $0x0  }
0xde: {  	[sflag:s20] =	ssyncadd.s32 $0xFFFFFC00  }
0xdf: {  	[tilespmem:s22], [sflag:$0x1] =	stream.indirect.gather [hbm4b:s4+s21], $0x80, s7, s21, $0xb8;
	[tilespmem:$0x1C800] =	vst v63  }
0xe0: {  	[bflag:$0x0] =	sbarrier.arrive $0xFFFF  }
0xe1: {  	[tilespmem:s24], [sflag:$0x2] =	stream.indirect.gather [hbm4b:s4+s21], $0x80, s23, s21, $0xb8;
	[tilespmem:$0x1C800] =	vst v63  }
0xe2: {  	_ =	swait.ge [sflag:s25], $0x4000  }
0xe3: {  	[sflag:s25] =	ssyncset.done $0x0  }
0xe4: {  	[sflag:s25] =	ssyncadd.s32 $0xFFFFC000  }
0xe5: {  	[spmem:s2] =	stream.indirect.scatter.add.f32 [tilespmem:s22], [sflag:$0x5], $0x80, s21, s21, $0xb8;
	[tilespmem:$0x1C800] =	vst v63  }
0xe6: {  	_ =	swait.ge [sflag:s18], $0x4000  }
0xe7: {  	[sflag:s18] =	ssyncset.done $0x0  }
0xe8: {  	[sflag:s18] =	ssyncadd.s32 $0xFFFFC000  }
0xe9: {  	[tilespmem:s22], [sflag:$0x1] =	stream.indirect.gather [hbm4b:s4+s21], $0x80, s26, s21, $0xb8;
	[tilespmem:$0x1C800] =	vst v63  }
0xea: {  	_ =	swait.ge [sflag:s28], $0x4000  }
0xeb: {  	[sflag:s28] =	ssyncset.done $0x0  }
0xec: {  	[sflag:s28] =	ssyncadd.s32 $0xFFFFC000  }
0xed: {  	[spmem:s2] =	stream.indirect.scatter.add.f32 [tilespmem:s24], [sflag:$0x5], $0x80, s29, s21, $0xb8;
	[tilespmem:$0x1C800] =	vst v63  }
0xee: {  	_ =	swait.ge [sflag:s18], $0x4000  }
0xef: {  	[sflag:s18] =	ssyncset.done $0x0  }
0xf0: {  	[sflag:s18] =	ssyncadd.s32 $0xFFFFC000  }
0xf1: {  	[tilespmem:s24], [sflag:$0x2] =	stream.indirect.gather [hbm4b:s4+s21], $0x80, s30, s21, $0xb8;
	[tilespmem:$0x1C800] =	vst v63  }
0xf2: {  	_ =	swait.ge [sflag:s25], $0x4000  }
0xf3: {  	[sflag:s25] =	ssyncset.done $0x0  }
0xf4: {  	[sflag:s25] =	ssyncadd.s32 $0xFFFFC000  }
0xf5: {  	[spmem:s2] =	stream.indirect.scatter.add.f32 [tilespmem:s22], [sflag:$0x5], $0x80, s31, s21, $0xb8;
	[tilespmem:$0x1C800] =	vst v63  }
0xf6: {  	_ =	swait.ge [sflag:s18], $0x4000  }
0xf7: {  	[sflag:s18] =	ssyncset.done $0x0  }
0xf8: {  	[sflag:s18] =	ssyncadd.s32 $0xFFFFC000  }
0xf9: {  	_ =	swait.ge [sflag:s0], $0x400  }
0xfa: {  	[sflag:s0] =	ssyncset.done $0x0  }
0xfb: {  	[sflag:s0] =	ssyncadd.s32 $0xFFFFFC00  }
0xfc: {  	[tilespmem:s22], [sflag:$0x1] =	stream.indirect.gather [hbm4b:s4+s21], $0x80, s19, s21, $0xb8;
	[tilespmem:$0x1C800] =	vst v63  }
0xfd: {  	_ =	swait.ge [sflag:s28], $0x4000  }
0xfe: {  	[sflag:s28] =	ssyncset.done $0x0  }
0xff: {  	[sflag:s28] =	ssyncadd.s32 $0xFFFFC000  }
0x100: {  	[spmem:s2] =	stream.indirect.scatter.add.f32 [tilespmem:s24], [sflag:$0x5], $0x80, s1, s21, $0xb8;
	[tilespmem:$0x1C800] =	vst v63  }
0x101: {  	_ =	swait.ge [sflag:s18], $0x4000  }
0x102: {  	[sflag:s18] =	ssyncset.done $0x0  }
0x103: {  	s8 =	sadd.s32 $0x0, s17;
	[sflag:s18] =	ssyncadd.s32 $0xFFFFC000  }
0x104: {  	[tilespmem:s3], [sflag:$0x3] =	stream.linear.gather [hbm4b:s8+s3], $0x400, $0x38;
	[tilespmem:$0x1C800] =	vst v63  }
0x105: {  	_ = 	snop  }
0x106: {  	[tilespmem:s24], [sflag:$0x2] =	stream.indirect.gather [hbm4b:s4+s21], $0x80, s6, s21, $0xb8;
	[tilespmem:$0x1C800] =	vst v63  }
0x107: {  	_ =	swait.ge [sflag:s25], $0x4000  }
0x108: {  	[sflag:s25] =	ssyncset.done $0x0  }
0x109: {  	[sflag:s25] =	ssyncadd.s32 $0xFFFFC000  }
0x10a: {  	[spmem:s2] =	stream.indirect.scatter.add.f32 [tilespmem:s22], [sflag:$0x5], $0x80, s9, s21, $0xb8;
	[tilespmem:$0x1C800] =	vst v63  }
0x10b: {  	_ =	swait.ge [sflag:s18], $0x4000  }
0x10c: {  	[sflag:s18] =	ssyncset.done $0x0  }
0x10d: {  	[sflag:s18] =	ssyncadd.s32 $0xFFFFC000  }
0x10e: {  	[tilespmem:s22], [sflag:$0x1] =	stream.indirect.gather [hbm4b:s4+s21], $0x80, s10, s21, $0xb8;
	[tilespmem:$0x1C800] =	vst v63  }
0x10f: {  	_ =	swait.ge [sflag:s28], $0x4000  }
0x110: {  	[sflag:s28] =	ssyncset.done $0x0  }
0x111: {  	[sflag:s28] =	ssyncadd.s32 $0xFFFFC000  }
0x112: {  	[spmem:s2] =	stream.indirect.scatter.add.f32 [tilespmem:s24], [sflag:$0x5], $0x80, s11, s21, $0xb8;
	[tilespmem:$0x1C800] =	vst v63  }
0x113: {  	_ =	swait.ge [sflag:s18], $0x4000  }
0x114: {  	[sflag:s18] =	ssyncset.done $0x0  }
0x115: {  	[sflag:s18] =	ssyncadd.s32 $0xFFFFC000  }
0x116: {  	[tilespmem:s24], [sflag:$0x2] =	stream.indirect.gather [hbm4b:s4+s21], $0x80, s12, s21, $0xb8;
	[tilespmem:$0x1C800] =	vst v63  }
0x117: {  	_ =	swait.ge [sflag:s25], $0x4000  }
0x118: {  	[sflag:s25] =	ssyncset.done $0x0  }
0x119: {  	[sflag:s25] =	ssyncadd.s32 $0xFFFFC000  }
0x11a: {  	[spmem:s2] =	stream.indirect.scatter.add.f32 [tilespmem:s22], [sflag:$0x5], $0x80, s13, s21, $0xb8;
	[tilespmem:$0x1C800] =	vst v63  }
0x11b: {  	_ =	swait.ge [sflag:s18], $0x4000  }
0x11c: {  	[sflag:s18] =	ssyncset.done $0x0  }
0x11d: {  	[sflag:s18] =	ssyncadd.s32 $0xFFFFC000  }
0x11e: {  	_ =	swait.ge [sflag:s20], $0x400  }
0x11f: {  	[sflag:s20] =	ssyncset.done $0x0  }
0x120: {  	[sflag:s20] =	ssyncadd.s32 $0xFFFFFC00  }
0x121: {  	[tilespmem:s22], [sflag:$0x1] =	stream.indirect.gather [hbm4b:s4+s21], $0x80, s3, s21, $0xb8;
	[tilespmem:$0x1C800] =	vst v63  }
0x122: {  	_ =	swait.ge [sflag:s28], $0x4000  }
0x123: {  	[sflag:s28] =	ssyncset.done $0x0  }
0x124: {  	[sflag:s28] =	ssyncadd.s32 $0xFFFFC000  }
0x125: {  	[spmem:s2] =	stream.indirect.scatter.add.f32 [tilespmem:s24], [sflag:$0x5], $0x80, s14, s21, $0xb8;
	[tilespmem:$0x1C800] =	vst v63  }
0x126: {  	_ =	swait.ge [sflag:s18], $0x4000  }
0x127: {  	s15 =	rddreg [dreg:$0x4];
	[sflag:s18] =	ssyncset.done $0x0  }
0x128: {  	s8 =	simm.s32 $0x100;
	[sflag:s18] =	ssyncadd.s32 $0xFFFFC000;
	s7 =	sadd.s32 $0x0, s15  }
.LBB2_4:
0x129: {  	[tilespmem:s19], [sflag:$0x4] =	stream.linear.gather [hbm4b:s7+s3], $0x400, $0x38;
	[tilespmem:$0x1C800] =	vst v63  }
0x12a: {  	_ = 	snop  }
0x12b: {  	[tilespmem:s24], [sflag:$0x2] =	stream.indirect.gather [hbm4b:s4+s21], $0x80, s23, s21, $0xb8;
	[tilespmem:$0x1C800] =	vst v63  }
0x12c: {  	_ =	swait.ge [sflag:s25], $0x4000  }
0x12d: {  	[sflag:s25] =	ssyncset.done $0x0  }
0x12e: {  	[sflag:s25] =	ssyncadd.s32 $0xFFFFC000  }
0x12f: {  	[spmem:s2] =	stream.indirect.scatter.add.f32 [tilespmem:s22], [sflag:$0x5], $0x80, s21, s21, $0xb8;
	[tilespmem:$0x1C800] =	vst v63  }
0x130: {  	_ =	swait.ge [sflag:s18], $0x4000  }
0x131: {  	[sflag:s18] =	ssyncset.done $0x0  }
0x132: {  	[sflag:s18] =	ssyncadd.s32 $0xFFFFC000  }
0x133: {  	[tilespmem:s22], [sflag:$0x1] =	stream.indirect.gather [hbm4b:s4+s21], $0x80, s26, s21, $0xb8;
	[tilespmem:$0x1C800] =	vst v63  }
0x134: {  	_ =	swait.ge [sflag:s28], $0x4000  }
0x135: {  	[sflag:s28] =	ssyncset.done $0x0  }
0x136: {  	[sflag:s28] =	ssyncadd.s32 $0xFFFFC000  }
0x137: {  	[spmem:s2] =	stream.indirect.scatter.add.f32 [tilespmem:s24], [sflag:$0x5], $0x80, s29, s21, $0xb8;
	[tilespmem:$0x1C800] =	vst v63  }
0x138: {  	_ =	swait.ge [sflag:s18], $0x4000  }
0x139: {  	[sflag:s18] =	ssyncset.done $0x0  }
0x13a: {  	[sflag:s18] =	ssyncadd.s32 $0xFFFFC000  }
0x13b: {  	[tilespmem:s24], [sflag:$0x2] =	stream.indirect.gather [hbm4b:s4+s21], $0x80, s30, s21, $0xb8;
	[tilespmem:$0x1C800] =	vst v63  }
0x13c: {  	_ =	swait.ge [sflag:s25], $0x4000  }
0x13d: {  	[sflag:s25] =	ssyncset.done $0x0  }
0x13e: {  	[sflag:s25] =	ssyncadd.s32 $0xFFFFC000  }
0x13f: {  	[spmem:s2] =	stream.indirect.scatter.add.f32 [tilespmem:s22], [sflag:$0x5], $0x80, s31, s21, $0xb8;
	[tilespmem:$0x1C800] =	vst v63  }
0x140: {  	_ =	swait.ge [sflag:s18], $0x4000  }
0x141: {  	[sflag:s18] =	ssyncset.done $0x0  }
0x142: {  	[sflag:s18] =	ssyncadd.s32 $0xFFFFC000  }
0x143: {  	_ =	swait.ge [sflag:s0], $0x400  }
0x144: {  	[sflag:s0] =	ssyncset.done $0x0  }
0x145: {  	[sflag:s0] =	ssyncadd.s32 $0xFFFFFC00  }
0x146: {  	[tilespmem:s22], [sflag:$0x1] =	stream.indirect.gather [hbm4b:s4+s21], $0x80, s19, s21, $0xb8;
	[tilespmem:$0x1C800] =	vst v63  }
0x147: {  	_ =	swait.ge [sflag:s28], $0x4000  }
0x148: {  	[sflag:s28] =	ssyncset.done $0x0  }
0x149: {  	[sflag:s28] =	ssyncadd.s32 $0xFFFFC000  }
0x14a: {  	[spmem:s2] =	stream.indirect.scatter.add.f32 [tilespmem:s24], [sflag:$0x5], $0x80, s1, s21, $0xb8;
	[tilespmem:$0x1C800] =	vst v63  }
0x14b: {  	_ =	swait.ge [sflag:s18], $0x4000  }
0x14c: {  	s7 =	smov.u32 s8;
	[sflag:s18] =	ssyncset.done $0x0  }
0x14d: {  	s15 =	sadd.s32 s7, s17;
	[sflag:s18] =	ssyncadd.s32 $0xFFFFC000  }
0x14e: {  	[tilespmem:s3], [sflag:$0x3] =	stream.linear.gather [hbm4b:s15+s3], $0x400, $0x38;
	[tilespmem:$0x1C800] =	vst v63  }
0x14f: {  	_ = 	snop  }
0x150: {  	[tilespmem:s24], [sflag:$0x2] =	stream.indirect.gather [hbm4b:s4+s21], $0x80, s6, s21, $0xb8;
	[tilespmem:$0x1C800] =	vst v63  }
0x151: {  	_ =	swait.ge [sflag:s25], $0x4000  }
0x152: {  	[sflag:s25] =	ssyncset.done $0x0  }
0x153: {  	[sflag:s25] =	ssyncadd.s32 $0xFFFFC000  }
0x154: {  	[spmem:s2] =	stream.indirect.scatter.add.f32 [tilespmem:s22], [sflag:$0x5], $0x80, s9, s21, $0xb8;
	[tilespmem:$0x1C800] =	vst v63  }
0x155: {  	_ =	swait.ge [sflag:s18], $0x4000  }
0x156: {  	[sflag:s18] =	ssyncset.done $0x0  }
0x157: {  	[sflag:s18] =	ssyncadd.s32 $0xFFFFC000  }
0x158: {  	[tilespmem:s22], [sflag:$0x1] =	stream.indirect.gather [hbm4b:s4+s21], $0x80, s10, s21, $0xb8;
	[tilespmem:$0x1C800] =	vst v63  }
0x159: {  	_ =	swait.ge [sflag:s28], $0x4000  }
0x15a: {  	[sflag:s28] =	ssyncset.done $0x0  }
0x15b: {  	[sflag:s28] =	ssyncadd.s32 $0xFFFFC000  }
0x15c: {  	[spmem:s2] =	stream.indirect.scatter.add.f32 [tilespmem:s24], [sflag:$0x5], $0x80, s11, s21, $0xb8;
	[tilespmem:$0x1C800] =	vst v63  }
0x15d: {  	_ =	swait.ge [sflag:s18], $0x4000  }
0x15e: {  	[sflag:s18] =	ssyncset.done $0x0  }
0x15f: {  	[sflag:s18] =	ssyncadd.s32 $0xFFFFC000  }
0x160: {  	[tilespmem:s24], [sflag:$0x2] =	stream.indirect.gather [hbm4b:s4+s21], $0x80, s12, s21, $0xb8;
	[tilespmem:$0x1C800] =	vst v63  }
0x161: {  	_ =	swait.ge [sflag:s25], $0x4000  }
0x162: {  	[sflag:s25] =	ssyncset.done $0x0  }
0x163: {  	[sflag:s25] =	ssyncadd.s32 $0xFFFFC000  }
0x164: {  	[spmem:s2] =	stream.indirect.scatter.add.f32 [tilespmem:s22], [sflag:$0x5], $0x80, s13, s21, $0xb8;
	[tilespmem:$0x1C800] =	vst v63  }
0x165: {  	_ =	swait.ge [sflag:s18], $0x4000  }
0x166: {  	[sflag:s18] =	ssyncset.done $0x0  }
0x167: {  	[sflag:s18] =	ssyncadd.s32 $0xFFFFC000  }
0x168: {  	_ =	swait.ge [sflag:s20], $0x400  }
0x169: {  	[sflag:s20] =	ssyncset.done $0x0  }
0x16a: {  	[sflag:s20] =	ssyncadd.s32 $0xFFFFFC00  }
0x16b: {  	[tilespmem:s22], [sflag:$0x1] =	stream.indirect.gather [hbm4b:s4+s21], $0x80, s3, s21, $0xb8;
	[tilespmem:$0x1C800] =	vst v63  }
0x16c: {  	_ =	swait.ge [sflag:s28], $0x4000  }
0x16d: {  	p0 =	sne.s32 s8, $0x900;
	[sflag:s28] =	ssyncset.done $0x0  }
.Ltmp1:
0x16e: {  	[sflag:s28] =	ssyncadd.s32 $0xFFFFC000;
	(pc) =	sbr.rel @p0 .LBB2_4-.Ltmp1, $4  }
0x16f: {  	[spmem:s2] =	stream.indirect.scatter.add.f32 [tilespmem:s24], [sflag:$0x5], $0x80, s14, s21, $0xb8;
	[tilespmem:$0x1C800] =	vst v63  }
0x170: {  	_ =	swait.ge [sflag:s18], $0x4000  }
0x171: {  	[sflag:s18] =	ssyncset.done $0x0;
	s15 =	rddreg [dreg:$0x4]  }
0x172: {  	s8 =	sadd.s32 $0x100, s8;
	[sflag:s18] =	ssyncadd.s32 $0xFFFFC000;
	s7 =	sadd.s32 s7, s15  }
0x173: {  	[tilespmem:s19], [sflag:$0x4] =	stream.linear.gather [hbm4b:s7+s3], $0x400, $0x38;
	[tilespmem:$0x1C800] =	vst v63  }
0x174: {  	_ =	swait.ge [sflag:s25], $0x4000  }
0x175: {  	[sflag:s25] =	ssyncset.done $0x0  }
0x176: {  	[sflag:s25] =	ssyncadd.s32 $0xFFFFC000  }
0x177: {  	_ =	swait.ge [sflag:s0], $0x400  }
0x178: {  	[sflag:s0] =	ssyncset.done $0x0  }
0x179: {  	[sflag:s0] =	ssyncadd.s32 $0xFFFFFC00  }
0x17a: {  	[bflag:$0x0] =	sbarrier.arrive $0xFFFF  }
0x17b: {  	s15 =	rddreg [dreg:$0x7]  }
0x17c: {  	s7 =	rddreg [dreg:$0xd]  }
0x17d: {  	s8 =	rddreg [dreg:$0x11]  }
0x17e: {  	[hbm:s7], [sflag:s15] =	dma.local [spmem:s8], $0x2800  }
0x17f: {  	_ =	swait.ge [sflag:s18], $0x2800  }
0x180: {  	s7 =	rddreg [dreg:$0x10]  }
0x181: {  	s8 =	sadd.s32 $0x1, s7;
	s7 =	rddreg [dreg:$0xe]  }
0x182: {  	p0 =	sne.s32 s8, s7  }
.Ltmp2:
0x183: {  	_ = 	snop;
	(pc) =	sbr.rel @p0 .LBB2_1-.Ltmp2, $3  }
0x184: {  	[sflag:s18] =	ssyncset.done $0x0  }
0x185: {  	[sflag:s18] =	ssyncadd.s32 $0xFFFFD800  }
0x186: {  	[bflag:$0x0] =	sbarrier.arrive $0xFFFF;
	_ =	sdelay $0x1  }
0x187: {  	_ =	sfence.sel $0x180000  }
0x188: {  	[bflag:$0x0] =	sbarrier.arrive $0xFFFF  }
0x189: {  	_ =	strace $0x9000004D  }
0x18a: {  	s0 =	stileid.u32;
	[bflag:$0x2] =	sbarrier.arrive $0xFFFF  }
0x18b: {  	p0 =	sne.s32 s0, $0x0;
	s0 =	rddreg [dreg:$0x2]  }
0x18c: {  	s0 =	sadd.s32 @!p0 $0x100000, s0  }
0x18d: {  	[sflag:s0] =	ssyncadd.tile.s32 @!p0 $0x1;
	_ =	shalt  }
.Lfunc_end2:
_tile_overlayer_lowered:
.L_overlay_start_2:
0x18e: {  	(tag) =	ssettag $0x2  }
0x18f: {  	s0 =	rddreg [dreg:$0x0];
	s2 =	stileid.u32  }
0x190: {  	s1 =	rddreg [dreg:$0x1];
	p0 =	sne.s32 s2, $0x0  }
0x191: {  	s3 =	rddreg [dreg:$0x2];
	[bflag:$0x3] =	sbarrier.arrive $0xFFFF;
	s2 =	simm.s32 @!p0 $0x1C05  }
0x192: {  	[timem:s3], [sflag:s2] =	dma.local @!p0 [hbm:s0], s1  }
0x193: {  	s0 =	simm.s32 @!p0 $0x5  }
0x194: {  	_ =	swait.ge @!p0 [sflag:s0], s1  }
0x195: {  	s1 =	ssub.s32 @!p0 $0x0, s1;
	[sflag:s0] =	ssyncset.done @!p0 $0x0  }
0x196: {  	[sflag:s0] =	ssyncadd.s32 @!p0 s1  }
0x197: {  	[bflag:$0x3] =	sbarrier.arrive $0xFFFF  }
0x198: {  	_ =	shalt  }

// kernel: kernel.21.cloned.1.call-start
scs
__scs_entry_jumppad:
0x0: {  	(pc) =	sbr.rel $0x88, $3  }
0x1: {  	(tag) =	ssettag $0x0;
	lr =	simm.s32 $0x1  }
0x2: {  	[smem:$0x3F96] =	sst lr;
	_ =	strace $0xD0000000  }
0x3: {  	_ = 	snop  }
0x4: {  	_ = 	snop  }
0x5: {  	_ = 	snop  }
0x6: {  	_ = 	snop  }
0x7: {  	_ = 	snop  }
__scs_overlays_trampoline_lowered:
0x8: {  	[smem:$0x3FA5] =	sst s0  }
0x9: {  	[smem:$0x3FA6] =	sst s1  }
0xa: {  	[smem:$0x3FA7] =	sst s2  }
0xb: {  	[smem:$0x3FA8] =	sst s3  }
0xc: {  	[smem:$0x3FA9] =	sst s4  }
0xd: {  	[smem:$0x3FAA] =	sst s5  }
0xe: {  	[smem:$0x3FAB] =	sst s6  }
0xf: {  	[smem:$0x3FAC] =	sst s7  }
0x10: {  	[smem:$0x3FAD] =	sst s8  }
0x11: {  	[smem:$0x3FAE] =	sst s9;
	s0 =	simm.s32 @!p0 $0x0  }
0x12: {  	s1 =	sld [smem:$0x3F94];
	s0 =	simm.s32 @p0 $0x1  }
0x13: {  	[smem:$0x3FAF] =	sst s0;
	s0 =	simm.s32 @!p1 $0x0  }
0x14: {  	s2 =	sld [smem:$0x3F93];
	s0 =	simm.s32 @p1 $0x1  }
0x15: {  	[smem:$0x3FB0] =	sst s0;
	s0 =	simm.s32 @!p2 $0x0  }
0x16: {  	s3 =	sld [smem:$0x3FDB];
	s0 =	simm.s32 @p2 $0x1  }
0x17: {  	s4 =	simm.s32 $0x1BF5;
	[smem:$0x3FB2] =	sst s0  }
0x18: {  	s0 =	sld [smem:$0x3F95];
	_ =	swait.ge [sflag:s4], $0x0  }
0x19: {  	s7 =	sld [smem:$0x3F96]  }
0x1a: {  	s8 =	sadd.s32 $0xFFFFE003, lr  }
0x1b: {  	s9 =	sadd.s32 $0xFFFFFEF7, lr;
	s5 =	simm.s32 $0xFFFFFFFF;
	p2 =	slt.u32 s8, $0xFFFFF086  }
0x1c: {  	p1 =	slt.u32 s9, $0xF7A;
	s5 =	simm.s32 @!p2 $0x0  }
0x1d: {  	s5 =	simm.s32 @p1 $0x1;
	p0 =	seq.s32 s7, s2  }
0x1e: {  	s7 =	smul.u32 @!p0 $0xF7A, s2;
	p2 =	seq.s32 @!p0 s5, $0x0  }
0x1f: {  	s9 =	smul.u32 $0xF7A, s1;
	s8 =	simm.s32 @!p0 $0x1BF5;
	p2 =	por !p2, p0  }
0x20: {  	[sflag:s8] =	ssyncset.s32 @!p0 $0xFFFFF086;
	s6 =	sadd.s32 @!p0 s3, s7;
	s7 =	simm.s32 @!p0 $0x108  }
0x21: {  	s3 =	sadd.s32 s3, s9;
	s6 =	sadd.s32 @!p0 $0x88, s6;
	s7 =	simm.s32 @p2 $0x1082  }
0x22: {  	[simem:s7], [sflag:s8] =	dma.local @!p0 [hbm:s6], $0xF7A  }
0x23: {  	s9 =	sor.u32 $0xD0000000, s2;
	s6 =	simm.s32 $0x108;
	_ =	swait.ge @!p0 [sflag:s8], $0x0  }
0x24: {  	s3 =	sadd.s32 $0x88, s3;
	s6 =	simm.s32 @!p1 $0x1082;
	[sflag:s4] =	ssyncset.s32 $0xFFFFF086  }
0x25: {  	[simem:s6], [sflag:s4] =	dma.local [hbm:s3], $0xF7A  }
0x26: {  	[smem:$0x3F96] =	sst s1;
	(tag) =	ssettag s2;
	_ =	strace s9  }
0x27: {  	s1 =	sld [smem:$0x3FA6]  }
0x28: {  	s2 =	sld [smem:$0x3FA7]  }
0x29: {  	s4 =	sld [smem:$0x3FA9]  }
0x2a: {  	p0 =	seq.s32 s5, $0x0;
	s5 =	sld [smem:$0x3FAA]  }
0x2b: {  	s6 =	sld [smem:$0x3FAB]  }
0x2c: {  	s7 =	sld [smem:$0x3FAC]  }
0x2d: {  	s3 =	simm.s32 $0x108;
	s8 =	sld [smem:$0x3FAD]  }
0x2e: {  	s3 =	simm.s32 @!p0 $0x1082;
	s9 =	sld [smem:$0x3FAE]  }
0x2f: {  	lr =	sadd.s32 s0, s3;
	s0 =	sld [smem:$0x3FA5]  }
0x30: {  	s3 =	sld [smem:$0x3FA8]  }
0x31: {  	[smem:$0x3FB1] =	sst s10  }
0x32: {  	s10 =	sld [smem:$0x3FAF];
	_ =	sdelay $0x3  }
0x33: {  	p0 =	seq.s32 s10, $0x1;
	s10 =	sld [smem:$0x3FB1];
	_ =	sdelay $0x3  }
0x34: {  	[smem:$0x3FB1] =	sst s10  }
0x35: {  	s10 =	sld [smem:$0x3FB0];
	_ =	sdelay $0x3  }
0x36: {  	p1 =	seq.s32 s10, $0x1;
	s10 =	sld [smem:$0x3FB1];
	_ =	sdelay $0x3  }
0x37: {  	[smem:$0x3FB1] =	sst s10  }
0x38: {  	s10 =	sld [smem:$0x3FB2]  }
0x39: {  	_ = 	snop;
	(pc) =	sbr.ind lr, $3  }
0x3a: {  	_ = 	snop  }
0x3b: {  	_ = 	snop  }
0x3c: {  	p2 =	seq.s32 s10, $0x1;
	s10 =	sld [smem:$0x3FB1]  }
0x3d: {  	_ =	shalt  }
0x3e: {  	_ =	shalt  }
0x3f: {  	_ =	shalt  }
0x40: {  	_ =	shalt  }
0x41: {  	_ =	shalt  }
0x42: {  	_ =	shalt  }
0x43: {  	_ =	shalt  }
0x44: {  	_ =	shalt  }
0x45: {  	_ =	shalt  }
0x46: {  	_ =	shalt  }
0x47: {  	_ =	shalt  }
0x48: {  	_ =	shalt  }
0x49: {  	_ =	shalt  }
0x4a: {  	_ =	shalt  }
0x4b: {  	_ =	shalt  }
0x4c: {  	_ =	shalt  }
0x4d: {  	_ =	shalt  }
0x4e: {  	_ =	shalt  }
0x4f: {  	_ =	shalt  }
0x50: {  	_ =	shalt  }
0x51: {  	_ =	shalt  }
0x52: {  	_ =	shalt  }
0x53: {  	_ =	shalt  }
0x54: {  	_ =	shalt  }
0x55: {  	_ =	shalt  }
0x56: {  	_ =	shalt  }
0x57: {  	_ =	shalt  }
0x58: {  	_ =	shalt  }
0x59: {  	_ =	shalt  }
0x5a: {  	_ =	shalt  }
0x5b: {  	_ =	shalt  }
0x5c: {  	_ =	shalt  }
0x5d: {  	_ =	shalt  }
0x5e: {  	_ =	shalt  }
0x5f: {  	_ =	shalt  }
0x60: {  	_ =	shalt  }
0x61: {  	_ =	shalt  }
0x62: {  	_ =	shalt  }
0x63: {  	_ =	shalt  }
0x64: {  	_ =	shalt  }
0x65: {  	_ =	shalt  }
0x66: {  	_ =	shalt  }
0x67: {  	_ =	shalt  }
0x68: {  	_ =	shalt  }
0x69: {  	_ =	shalt  }
0x6a: {  	_ =	shalt  }
0x6b: {  	_ =	shalt  }
0x6c: {  	_ =	shalt  }
0x6d: {  	_ =	shalt  }
0x6e: {  	_ =	shalt  }
0x6f: {  	_ =	shalt  }
0x70: {  	_ =	shalt  }
0x71: {  	_ =	shalt  }
0x72: {  	_ =	shalt  }
0x73: {  	_ =	shalt  }
0x74: {  	_ =	shalt  }
0x75: {  	_ =	shalt  }
0x76: {  	_ =	shalt  }
0x77: {  	_ =	shalt  }
0x78: {  	_ =	shalt  }
0x79: {  	_ =	shalt  }
0x7a: {  	_ =	shalt  }
0x7b: {  	_ =	shalt  }
0x7c: {  	_ =	shalt  }
0x7d: {  	_ =	shalt  }
0x7e: {  	_ =	shalt  }
0x7f: {  	_ =	shalt  }
0x80: {  	_ =	shalt  }
0x81: {  	_ =	shalt  }
0x82: {  	_ =	shalt  }
0x83: {  	_ =	shalt  }
0x84: {  	_ =	shalt  }
0x85: {  	_ =	shalt  }
0x86: {  	_ =	shalt  }
0x87: {  	_ =	shalt  }
.Lfunc_end0:
.L_simem_size_0:
called_computation.3_lowered:
.L_overlay_start_0:
0x88: {  	s2 =	sld [smem:$0x3FD9]  }
0x89: {  	s3 =	sld [smem:$0x3FFE];
	_ =	sdelay $0x1  }
0x8a: {  	s1 =	srdreg.scid  }
0x8b: {  	s0 =	sand.u32 $0x1, s1  }
0x8c: {  	s17 =	sshll.u32 s0, $0xA;
	s2 =	sadd.s32 s3, s2  }
0x8d: {  	s2 =	sadd.s32 s2, s17  }
0x8e: {  	[smem:$0x3FBD] =	sst s2  }
0x8f: {  	_ = 	snop  }
0x90: {  	s2 =	sld [smem:$0x3FD0];
	(tm) =	ssettm $0x1  }
0x91: {  	s18 =	sld [smem:$0x3FFB];
	_ =	sdelay $0x3  }
0x92: {  	_ =	strace s18  }
0x93: {  	s3 =	sld [smem:$0x3FFC];
	_ =	sdelay $0x3  }
0x94: {  	_ =	strace s3  }
0x95: {  	s3 =	sld [smem:$0x3FFD];
	_ =	sdelay $0x3  }
0x96: {  	_ =	strace s3  }
0x97: {  	_ =	strace $0x8FFFFFFF  }
0x98: {  	s19 =	sld [smem:$0x3FDB];
	_ =	sdelay $0x1  }
0x99: {  	s4 =	simm.s32 $_scs_section_size  }
0x9a: {  	s5 =	simm.s32 $_size__tile_overlayer_lowered;
	s6 =	simm.s32 $_tile_overlayer_lowered  }
0x9b: {  	s22 =	simm.s32 $0x1BFF;
	s21 =	sshll.u32 s6, $0x1;
	s3 =	sadd.s32 s4, s19  }
0x9c: {  	s7 =	simm.s32 $0x0;
	s20 =	sshll.u32 s5, $0x1;
	s5 =	sadd.s32 s21, s3  }
0x9d: {  	[timem:s7], [sflag:s22] =	dma.local [hbm:s5], s20  }
0x9e: {  	_ =	swait.ge [sflag:s22], s20  }
0x9f: {  	s4 =	ssub.s32 $0x0, s20;
	[sflag:s22] =	ssyncset.done $0x0  }
0xa0: {  	[sflag:s22] =	ssyncadd.s32 s4;
	_ =	sdelay $0x1  }
0xa1: {  	s23 =	simm.s32 $0x1B8B  }
0xa2: {  	_ =	swait.ge [sflag:s23], $0x1  }
0xa3: {  	[sflag:s23] =	ssyncset.done $0x0  }
0xa4: {  	s25 =	simm.s32 $0x1B8E;
	s24 =	sld [smem:$0x3FFE];
	[sflag:s23] =	ssyncadd.s32 $0xFFFFFFFF  }
0xa5: {  	s26 =	simm.s32 $execute0_lowered;
	[smem:$0x3FD2] =	sst s25  }
0xa6: {  	s5 =	sshll.u32 s26, $0x1;
	_ =	strace $0x8000004F;
	[dreg:$0x1] =	wrdreg $0xFFFFFFFF  }
0xa7: {  	s28 =	simm.s32 $_size_execute0_lowered;
	s3 =	sadd.s32 s3, s5;
	[dreg:$0x0] =	wrdreg $0x0  }
0xa8: {  	s5 =	sshll.u32 s28, $0x1;
	[dreg:$0x2] =	wrdreg s3  }
0xa9: {  	[dreg:$0x3] =	wrdreg s5  }
0xaa: {  	[dreg:$0x4] =	wrdreg $0xC0  }
0xab: {  	_ =	task [dreg:s7], $0x5FFFF  }
0xac: {  	[dreg:$0x1] =	wrdreg $0xFFFFFFFF  }
0xad: {  	[dreg:$0x0] =	wrdreg $0x60  }
0xae: {  	[dreg:$0x2] =	wrdreg s24  }
0xaf: {  	[dreg:$0x3] =	wrdreg s2  }
0xb0: {  	[dreg:$0x4] =	wrdreg $0x88000  }
0xb1: {  	[dreg:$0x5] =	wrdreg $0x9  }
0xb2: {  	_ =	task.clear_ibuf [dreg:s7], $0x6FFFF;
	_ =	strace $0x9000004F  }
0xb3: {  	s29 =	simm.s32 $0x9;
	_ =	strace $0x80000051  }
0xb4: {  	_ =	swait.ge [sflag:s29], $0x1  }
0xb5: {  	[sflag:s29] =	ssyncadd.s32 $0xFFFFFFFF  }
0xb6: {  	_ =	strace $0x90000051  }
0xb7: {  	_ =	sfence  }
0xb8: {  	s30 =	sld [smem:$0x0];
	_ =	sdelay $0x2  }
0xb9: {  	s31 =	sshll.u32 s1, $0xD;
	s1 =	sshrl.u32 s1, $0x2  }
0xba: {  	s3 =	sand.u32 $0x4000, s31;
	s1 =	sadd.s32 s1, s30  }
0xbb: {  	s0 =	sor.u32 s3, s0;
	s1 =	sshll.u32 s1, $0x11  }
0xbc: {  	s0 =	sor.u32 s1, s0  }
0xbd: {  	s0 =	sadd.s32 $0x8F2B, s0  }
0xbe: {  	[sflag:s0] =	ssyncadd.remote.s32 $0x1  }
0xbf: {  	_ =	sfence.sel $0xFFFF  }
0xc0: {  	[dreg:$0x0] =	wrdreg $0xFFFFFFFF;
	(pc) =	sbr.abs _section_cstart, $3  }
0xc1: {  	[dreg:$0x1] =	wrdreg $0xFFFFFFFF  }
0xc2: {  	_ =	task.clear_ibuf [dreg:s7], $0x2FFFF;
	_ =	strace $0x9FFFFFFF  }
0xc3: {  	(tm) =	ssettm $0x7FFFFFFF  }
tec
execute0_lowered:
.L_overlay_start_1:
0x0: {  	(tag) =	ssettag $0x1  }
0x1: {  	s0 =	rddreg [dreg:$0x0]  }
0x2: {  	s1 =	rddreg [dreg:$0x1]  }
0x3: {  	s2 =	rddreg [dreg:$0x2]  }
0x4: {  	s11 =	stileid.u32;
	s4 =	srdreg.scid  }
0x5: {  	s3 =	simm.s32 $0x0;
	s13 =	simm.s32 $0x5;
	s14 =	simm.s32 $0x400  }
0x6: {  	s15 =	simm.s32 $0x3;
	s16 =	simm.s32 $0x80;
	s28 =	simm.s32 $0x380  }
0x7: {  	s29 =	simm.s32 $0x500;
	s30 =	simm.s32 $0x480;
	s5 =	smul.u32 $0x14000, s11  }
0x8: {  	s31 =	simm.s32 $0x600;
	s6 =	sand.u32 $0x1, s4;
	s17 =	smul.u32 $0x1400, s11  }
0x9: {  	[smem:$0x7FF] =	sst s3;
	s4 =	sadd.s32 $0x3600, s0;
	s10 =	smul.u32 $0x50000, s11  }
0xa: {  	s21 =	sshll.u32 s11, $0x6;
	s7 =	smul.u32 $0x140000, s6;
	_ =	strace $0x80000050  }
0xb: {  	s8 =	smul.u32 $0x14000, s6;
	s6 =	ssub.s32 $0x2, s6;
	s24 =	sor.u32 $0x1C05, s21  }
0xc: {  	s21 =	simm.s32 $0x200;
	s9 =	sshrl.u32 s5, $0x3;
	s18 =	sshrl.u32 s6, $0x1  }
0xd: {  	s20 =	sshrl.u32 s10, $0x2;
	s5 =	sadd.s32 s5, s7;
	s9 =	sadd.s32 s9, s0  }
0xe: {  	s19 =	sadd.s32 s17, s8;
	s7 =	sadd.s32 s20, s2;
	s17 =	simm.s32 $0x800  }
0xf: {  	s20 =	simm.s32 $0x1;
	s8 =	simm.s32 $0x780;
	s5 =	sshrl.u32 s5, $0x3  }
0x10: {  	s22 =	sshrl.u32 s19, $0x2;
	s23 =	sadd.s32 $0x65A00, s9;
	s10 =	sshrl.u32 s7, $0x3  }
0x11: {  	s7 =	smov.u32 s24;
	s19 =	simm.s32 $0x4800;
	s24 =	simm.s32 $0x300  }
0x12: {  	s9 =	simm.s32 $0x0;
	s0 =	sadd.s32 s5, s0;
	[dreg:$0x5] =	wrdreg s23  }
0x13: {  	s5 =	ssub.s32 s6, s18;
	s1 =	sadd.s32 s1, s22;
	[dreg:$0xa] =	wrdreg s10  }
0x14: {  	s18 =	simm.s32 $0x100;
	s25 =	sadd.s32 $0x80, s1;
	[dreg:$0x6] =	wrdreg s1  }
0x15: {  	s22 =	simm.s32 $0x2;
	s0 =	sadd.s32 $0x129E00, s0;
	[dreg:$0x7] =	wrdreg s25  }
0x16: {  	s23 =	simm.s32 $0x180;
	s5 =	smax.u32 s5, $0x1;
	[dreg:$0x8] =	wrdreg s0  }
0x17: {  	s26 =	sadd.s32 $0x180, s1;
	s11 =	sadd.s32 $0x100, s1;
	[dreg:$0x9] =	wrdreg s5  }
0x18: {  	s1 =	simm.s32 $0x700;
	[dreg:$0x4] =	wrdreg s26;
	s25 =	simm.s32 $0x280  }
0x19: {  	s26 =	simm.s32 $0x4;
	s0 =	simm.s32 $0x580;
	s5 =	simm.s32 $0x680  }
.LBB2_1:
0x1a: {  	s6 =	rddreg [dreg:$0x5]  }
0x1b: {  	[spmem:s10], [sflag:s7] =	dma.local [hbm:s6], $0x2800  }
0x1c: {  	_ =	swait.ge [sflag:s13], $0x2800  }
0x1d: {  	[sflag:s13] =	ssyncset.done $0x0  }
0x1e: {  	s10 =	rddreg [dreg:$0x6];
	[sflag:s13] =	ssyncadd.s32 $0xFFFFD800  }
0x1f: {  	[tilespmem:s3], [sflag:$0x3] =	stream.linear.gather [hbm4b:s10+s3], $0x400, $0x38;
	[tilespmem:$0x1C800] =	vst v63  }
0x20: {  	s12 =	smov.u32 s7;
	s7 =	rddreg [dreg:$0x7]  }
0x21: {  	[tilespmem:s14], [sflag:$0x4] =	stream.linear.gather [hbm4b:s7+s3], $0x400, $0x38;
	[tilespmem:$0x1C800] =	vst v63  }
0x22: {  	_ =	swait.ge [sflag:s15], $0x400  }
0x23: {  	[sflag:s15] =	ssyncset.done $0x0  }
0x24: {  	[sflag:s15] =	ssyncadd.s32 $0xFFFFFC00  }
0x25: {  	[tilespmem:s17], [sflag:$0x1] =	stream.indirect.gather [hbm4b:s4+s16], $0x80, s3, s16, $0xb8;
	[tilespmem:$0x1C800] =	vst v63  }
0x26: {  	[bflag:$0x0] =	sbarrier.arrive $0xFFFF  }
0x27: {  	[tilespmem:s19], [sflag:$0x2] =	stream.indirect.gather [hbm4b:s4+s16], $0x80, s18, s16, $0xb8;
	[tilespmem:$0x1C800] =	vst v63  }
0x28: {  	_ =	swait.ge [sflag:s20], $0x4000  }
0x29: {  	[sflag:s20] =	ssyncset.done $0x0  }
0x2a: {  	[sflag:s20] =	ssyncadd.s32 $0xFFFFC000  }
0x2b: {  	[spmem:s2] =	stream.indirect.scatter.add.f32 [tilespmem:s17], [sflag:$0x5], $0x80, s16, s16, $0xb8;
	[tilespmem:$0x1C800] =	vst v63  }
0x2c: {  	_ =	swait.ge [sflag:s13], $0x4000  }
0x2d: {  	[sflag:s13] =	ssyncset.done $0x0  }
0x2e: {  	[sflag:s13] =	ssyncadd.s32 $0xFFFFC000  }
0x2f: {  	[tilespmem:s17], [sflag:$0x1] =	stream.indirect.gather [hbm4b:s4+s16], $0x80, s21, s16, $0xb8;
	[tilespmem:$0x1C800] =	vst v63  }
0x30: {  	_ =	swait.ge [sflag:s22], $0x4000  }
0x31: {  	[sflag:s22] =	ssyncset.done $0x0  }
0x32: {  	[sflag:s22] =	ssyncadd.s32 $0xFFFFC000  }
0x33: {  	[spmem:s2] =	stream.indirect.scatter.add.f32 [tilespmem:s19], [sflag:$0x5], $0x80, s23, s16, $0xb8;
	[tilespmem:$0x1C800] =	vst v63  }
0x34: {  	_ =	swait.ge [sflag:s13], $0x4000  }
0x35: {  	[sflag:s13] =	ssyncset.done $0x0  }
0x36: {  	[sflag:s13] =	ssyncadd.s32 $0xFFFFC000  }
0x37: {  	[tilespmem:s19], [sflag:$0x2] =	stream.indirect.gather [hbm4b:s4+s16], $0x80, s24, s16, $0xb8;
	[tilespmem:$0x1C800] =	vst v63  }
0x38: {  	_ =	swait.ge [sflag:s20], $0x4000  }
0x39: {  	[sflag:s20] =	ssyncset.done $0x0  }
0x3a: {  	[sflag:s20] =	ssyncadd.s32 $0xFFFFC000  }
0x3b: {  	[spmem:s2] =	stream.indirect.scatter.add.f32 [tilespmem:s17], [sflag:$0x5], $0x80, s25, s16, $0xb8;
	[tilespmem:$0x1C800] =	vst v63  }
0x3c: {  	_ =	swait.ge [sflag:s13], $0x4000  }
0x3d: {  	[sflag:s13] =	ssyncset.done $0x0  }
0x3e: {  	[sflag:s13] =	ssyncadd.s32 $0xFFFFC000  }
0x3f: {  	_ =	swait.ge [sflag:s26], $0x400  }
0x40: {  	[sflag:s26] =	ssyncset.done $0x0  }
0x41: {  	[sflag:s26] =	ssyncadd.s32 $0xFFFFFC00  }
0x42: {  	[tilespmem:s17], [sflag:$0x1] =	stream.indirect.gather [hbm4b:s4+s16], $0x80, s14, s16, $0xb8;
	[tilespmem:$0x1C800] =	vst v63  }
0x43: {  	_ =	swait.ge [sflag:s22], $0x4000  }
0x44: {  	[sflag:s22] =	ssyncset.done $0x0  }
0x45: {  	[sflag:s22] =	ssyncadd.s32 $0xFFFFC000  }
0x46: {  	[spmem:s2] =	stream.indirect.scatter.add.f32 [tilespmem:s19], [sflag:$0x5], $0x80, s28, s16, $0xb8;
	[tilespmem:$0x1C800] =	vst v63  }
0x47: {  	_ =	swait.ge [sflag:s13], $0x4000  }
0x48: {  	[sflag:s13] =	ssyncset.done $0x0  }
0x49: {  	s10 =	sadd.s32 $0x0, s11;
	[sflag:s13] =	ssyncadd.s32 $0xFFFFC000  }
0x4a: {  	[tilespmem:s3], [sflag:$0x3] =	stream.linear.gather [hbm4b:s10+s3], $0x400, $0x38;
	[tilespmem:$0x1C800] =	vst v63  }
0x4b: {  	_ = 	snop  }
0x4c: {  	[tilespmem:s19], [sflag:$0x2] =	stream.indirect.gather [hbm4b:s4+s16], $0x80, s29, s16, $0xb8;
	[tilespmem:$0x1C800] =	vst v63  }
0x4d: {  	_ =	swait.ge [sflag:s20], $0x4000  }
0x4e: {  	[sflag:s20] =	ssyncset.done $0x0  }
0x4f: {  	[sflag:s20] =	ssyncadd.s32 $0xFFFFC000  }
0x50: {  	[spmem:s2] =	stream.indirect.scatter.add.f32 [tilespmem:s17], [sflag:$0x5], $0x80, s30, s16, $0xb8;
	[tilespmem:$0x1C800] =	vst v63  }
0x51: {  	_ =	swait.ge [sflag:s13], $0x4000  }
0x52: {  	[sflag:s13] =	ssyncset.done $0x0  }
0x53: {  	[sflag:s13] =	ssyncadd.s32 $0xFFFFC000  }
0x54: {  	[tilespmem:s17], [sflag:$0x1] =	stream.indirect.gather [hbm4b:s4+s16], $0x80, s31, s16, $0xb8;
	[tilespmem:$0x1C800] =	vst v63  }
0x55: {  	_ =	swait.ge [sflag:s22], $0x4000  }
0x56: {  	[sflag:s22] =	ssyncset.done $0x0  }
0x57: {  	[sflag:s22] =	ssyncadd.s32 $0xFFFFC000  }
0x58: {  	[spmem:s2] =	stream.indirect.scatter.add.f32 [tilespmem:s19], [sflag:$0x5], $0x80, s0, s16, $0xb8;
	[tilespmem:$0x1C800] =	vst v63  }
0x59: {  	_ =	swait.ge [sflag:s13], $0x4000  }
0x5a: {  	[sflag:s13] =	ssyncset.done $0x0  }
0x5b: {  	[sflag:s13] =	ssyncadd.s32 $0xFFFFC000  }
0x5c: {  	[tilespmem:s19], [sflag:$0x2] =	stream.indirect.gather [hbm4b:s4+s16], $0x80, s1, s16, $0xb8;
	[tilespmem:$0x1C800] =	vst v63  }
0x5d: {  	_ =	swait.ge [sflag:s20], $0x4000  }
0x5e: {  	[sflag:s20] =	ssyncset.done $0x0  }
0x5f: {  	[sflag:s20] =	ssyncadd.s32 $0xFFFFC000  }
0x60: {  	[spmem:s2] =	stream.indirect.scatter.add.f32 [tilespmem:s17], [sflag:$0x5], $0x80, s5, s16, $0xb8;
	[tilespmem:$0x1C800] =	vst v63  }
0x61: {  	_ =	swait.ge [sflag:s13], $0x4000  }
0x62: {  	[sflag:s13] =	ssyncset.done $0x0  }
0x63: {  	[sflag:s13] =	ssyncadd.s32 $0xFFFFC000  }
0x64: {  	_ =	swait.ge [sflag:s15], $0x400  }
0x65: {  	[sflag:s15] =	ssyncset.done $0x0  }
0x66: {  	[sflag:s15] =	ssyncadd.s32 $0xFFFFFC00  }
0x67: {  	[tilespmem:s17], [sflag:$0x1] =	stream.indirect.gather [hbm4b:s4+s16], $0x80, s3, s16, $0xb8;
	[tilespmem:$0x1C800] =	vst v63  }
0x68: {  	_ =	swait.ge [sflag:s22], $0x4000  }
0x69: {  	[sflag:s22] =	ssyncset.done $0x0  }
0x6a: {  	[sflag:s22] =	ssyncadd.s32 $0xFFFFC000  }
0x6b: {  	[spmem:s2] =	stream.indirect.scatter.add.f32 [tilespmem:s19], [sflag:$0x5], $0x80, s8, s16, $0xb8;
	[tilespmem:$0x1C800] =	vst v63  }
0x6c: {  	_ =	swait.ge [sflag:s13], $0x4000  }
0x6d: {  	s6 =	rddreg [dreg:$0x4];
	[sflag:s13] =	ssyncset.done $0x0  }
0x6e: {  	s10 =	simm.s32 $0x100;
	[sflag:s13] =	ssyncadd.s32 $0xFFFFC000;
	s7 =	sadd.s32 $0x0, s6  }
.LBB2_2:
0x6f: {  	[tilespmem:s14], [sflag:$0x4] =	stream.linear.gather [hbm4b:s7+s3], $0x400, $0x38;
	[tilespmem:$0x1C800] =	vst v63  }
0x70: {  	_ = 	snop  }
0x71: {  	[tilespmem:s19], [sflag:$0x2] =	stream.indirect.gather [hbm4b:s4+s16], $0x80, s18, s16, $0xb8;
	[tilespmem:$0x1C800] =	vst v63  }
0x72: {  	_ =	swait.ge [sflag:s20], $0x4000  }
0x73: {  	[sflag:s20] =	ssyncset.done $0x0  }
0x74: {  	[sflag:s20] =	ssyncadd.s32 $0xFFFFC000  }
0x75: {  	[spmem:s2] =	stream.indirect.scatter.add.f32 [tilespmem:s17], [sflag:$0x5], $0x80, s16, s16, $0xb8;
	[tilespmem:$0x1C800] =	vst v63  }
0x76: {  	_ =	swait.ge [sflag:s13], $0x4000  }
0x77: {  	[sflag:s13] =	ssyncset.done $0x0  }
0x78: {  	[sflag:s13] =	ssyncadd.s32 $0xFFFFC000  }
0x79: {  	[tilespmem:s17], [sflag:$0x1] =	stream.indirect.gather [hbm4b:s4+s16], $0x80, s21, s16, $0xb8;
	[tilespmem:$0x1C800] =	vst v63  }
0x7a: {  	_ =	swait.ge [sflag:s22], $0x4000  }
0x7b: {  	[sflag:s22] =	ssyncset.done $0x0  }
0x7c: {  	[sflag:s22] =	ssyncadd.s32 $0xFFFFC000  }
0x7d: {  	[spmem:s2] =	stream.indirect.scatter.add.f32 [tilespmem:s19], [sflag:$0x5], $0x80, s23, s16, $0xb8;
	[tilespmem:$0x1C800] =	vst v63  }
0x7e: {  	_ =	swait.ge [sflag:s13], $0x4000  }
0x7f: {  	[sflag:s13] =	ssyncset.done $0x0  }
0x80: {  	[sflag:s13] =	ssyncadd.s32 $0xFFFFC000  }
0x81: {  	[tilespmem:s19], [sflag:$0x2] =	stream.indirect.gather [hbm4b:s4+s16], $0x80, s24, s16, $0xb8;
	[tilespmem:$0x1C800] =	vst v63  }
0x82: {  	_ =	swait.ge [sflag:s20], $0x4000  }
0x83: {  	[sflag:s20] =	ssyncset.done $0x0  }
0x84: {  	[sflag:s20] =	ssyncadd.s32 $0xFFFFC000  }
0x85: {  	[spmem:s2] =	stream.indirect.scatter.add.f32 [tilespmem:s17], [sflag:$0x5], $0x80, s25, s16, $0xb8;
	[tilespmem:$0x1C800] =	vst v63  }
0x86: {  	_ =	swait.ge [sflag:s13], $0x4000  }
0x87: {  	[sflag:s13] =	ssyncset.done $0x0  }
0x88: {  	[sflag:s13] =	ssyncadd.s32 $0xFFFFC000  }
0x89: {  	_ =	swait.ge [sflag:s26], $0x400  }
0x8a: {  	[sflag:s26] =	ssyncset.done $0x0  }
0x8b: {  	[sflag:s26] =	ssyncadd.s32 $0xFFFFFC00  }
0x8c: {  	[tilespmem:s17], [sflag:$0x1] =	stream.indirect.gather [hbm4b:s4+s16], $0x80, s14, s16, $0xb8;
	[tilespmem:$0x1C800] =	vst v63  }
0x8d: {  	_ =	swait.ge [sflag:s22], $0x4000  }
0x8e: {  	[sflag:s22] =	ssyncset.done $0x0  }
0x8f: {  	[sflag:s22] =	ssyncadd.s32 $0xFFFFC000  }
0x90: {  	[spmem:s2] =	stream.indirect.scatter.add.f32 [tilespmem:s19], [sflag:$0x5], $0x80, s28, s16, $0xb8;
	[tilespmem:$0x1C800] =	vst v63  }
0x91: {  	_ =	swait.ge [sflag:s13], $0x4000  }
0x92: {  	s7 =	smov.u32 s10;
	[sflag:s13] =	ssyncset.done $0x0  }
0x93: {  	s6 =	sadd.s32 s7, s11;
	[sflag:s13] =	ssyncadd.s32 $0xFFFFC000  }
0x94: {  	[tilespmem:s3], [sflag:$0x3] =	stream.linear.gather [hbm4b:s6+s3], $0x400, $0x38;
	[tilespmem:$0x1C800] =	vst v63  }
0x95: {  	_ = 	snop  }
0x96: {  	[tilespmem:s19], [sflag:$0x2] =	stream.indirect.gather [hbm4b:s4+s16], $0x80, s29, s16, $0xb8;
	[tilespmem:$0x1C800] =	vst v63  }
0x97: {  	_ =	swait.ge [sflag:s20], $0x4000  }
0x98: {  	[sflag:s20] =	ssyncset.done $0x0  }
0x99: {  	[sflag:s20] =	ssyncadd.s32 $0xFFFFC000  }
0x9a: {  	[spmem:s2] =	stream.indirect.scatter.add.f32 [tilespmem:s17], [sflag:$0x5], $0x80, s30, s16, $0xb8;
	[tilespmem:$0x1C800] =	vst v63  }
0x9b: {  	_ =	swait.ge [sflag:s13], $0x4000  }
0x9c: {  	[sflag:s13] =	ssyncset.done $0x0  }
0x9d: {  	[sflag:s13] =	ssyncadd.s32 $0xFFFFC000  }
0x9e: {  	[tilespmem:s17], [sflag:$0x1] =	stream.indirect.gather [hbm4b:s4+s16], $0x80, s31, s16, $0xb8;
	[tilespmem:$0x1C800] =	vst v63  }
0x9f: {  	_ =	swait.ge [sflag:s22], $0x4000  }
0xa0: {  	[sflag:s22] =	ssyncset.done $0x0  }
0xa1: {  	[sflag:s22] =	ssyncadd.s32 $0xFFFFC000  }
0xa2: {  	[spmem:s2] =	stream.indirect.scatter.add.f32 [tilespmem:s19], [sflag:$0x5], $0x80, s0, s16, $0xb8;
	[tilespmem:$0x1C800] =	vst v63  }
0xa3: {  	_ =	swait.ge [sflag:s13], $0x4000  }
0xa4: {  	[sflag:s13] =	ssyncset.done $0x0  }
0xa5: {  	[sflag:s13] =	ssyncadd.s32 $0xFFFFC000  }
0xa6: {  	[tilespmem:s19], [sflag:$0x2] =	stream.indirect.gather [hbm4b:s4+s16], $0x80, s1, s16, $0xb8;
	[tilespmem:$0x1C800] =	vst v63  }
0xa7: {  	_ =	swait.ge [sflag:s20], $0x4000  }
0xa8: {  	[sflag:s20] =	ssyncset.done $0x0  }
0xa9: {  	[sflag:s20] =	ssyncadd.s32 $0xFFFFC000  }
0xaa: {  	[spmem:s2] =	stream.indirect.scatter.add.f32 [tilespmem:s17], [sflag:$0x5], $0x80, s5, s16, $0xb8;
	[tilespmem:$0x1C800] =	vst v63  }
0xab: {  	_ =	swait.ge [sflag:s13], $0x4000  }
0xac: {  	[sflag:s13] =	ssyncset.done $0x0  }
0xad: {  	[sflag:s13] =	ssyncadd.s32 $0xFFFFC000  }
0xae: {  	_ =	swait.ge [sflag:s15], $0x400  }
0xaf: {  	[sflag:s15] =	ssyncset.done $0x0  }
0xb0: {  	[sflag:s15] =	ssyncadd.s32 $0xFFFFFC00  }
0xb1: {  	[tilespmem:s17], [sflag:$0x1] =	stream.indirect.gather [hbm4b:s4+s16], $0x80, s3, s16, $0xb8;
	[tilespmem:$0x1C800] =	vst v63  }
0xb2: {  	_ =	swait.ge [sflag:s22], $0x4000  }
0xb3: {  	p0 =	sne.s32 s10, $0x400;
	[sflag:s22] =	ssyncset.done $0x0  }
.Ltmp0:
0xb4: {  	[sflag:s22] =	ssyncadd.s32 $0xFFFFC000;
	(pc) =	sbr.rel @p0 .LBB2_2-.Ltmp0, $4  }
0xb5: {  	[spmem:s2] =	stream.indirect.scatter.add.f32 [tilespmem:s19], [sflag:$0x5], $0x80, s8, s16, $0xb8;
	[tilespmem:$0x1C800] =	vst v63  }
0xb6: {  	_ =	swait.ge [sflag:s13], $0x4000  }
0xb7: {  	[sflag:s13] =	ssyncset.done $0x0;
	s6 =	rddreg [dreg:$0x4]  }
0xb8: {  	s10 =	sadd.s32 $0x100, s10;
	[sflag:s13] =	ssyncadd.s32 $0xFFFFC000;
	s7 =	sadd.s32 s7, s6  }
0xb9: {  	[tilespmem:s14], [sflag:$0x4] =	stream.linear.gather [hbm4b:s7+s3], $0x400, $0x38;
	[tilespmem:$0x1C800] =	vst v63  }
0xba: {  	_ =	swait.ge [sflag:s20], $0x4000  }
0xbb: {  	[sflag:s20] =	ssyncset.done $0x0  }
0xbc: {  	[sflag:s20] =	ssyncadd.s32 $0xFFFFC000  }
0xbd: {  	_ =	swait.ge [sflag:s26], $0x400  }
0xbe: {  	[sflag:s26] =	ssyncset.done $0x0  }
0xbf: {  	[sflag:s26] =	ssyncadd.s32 $0xFFFFFC00  }
0xc0: {  	[bflag:$0x0] =	sbarrier.arrive $0xFFFF  }
0xc1: {  	s6 =	rddreg [dreg:$0x8]  }
0xc2: {  	s10 =	rddreg [dreg:$0xa]  }
0xc3: {  	[hbm:s6], [sflag:s12] =	dma.local [spmem:s10], $0x2800  }
0xc4: {  	_ =	swait.ge [sflag:s13], $0x2800  }
0xc5: {  	s7 =	smov.u32 s12;
	s9 =	sadd.s32 $0x1, s9;
	s12 =	rddreg [dreg:$0x9]  }
0xc6: {  	p0 =	sne.s32 s9, s12  }
.Ltmp1:
0xc7: {  	_ = 	snop;
	(pc) =	sbr.rel @p0 .LBB2_1-.Ltmp1, $3  }
0xc8: {  	[sflag:s13] =	ssyncset.done $0x0  }
0xc9: {  	[sflag:s13] =	ssyncadd.s32 $0xFFFFD800  }
0xca: {  	[bflag:$0x0] =	sbarrier.arrive $0xFFFF;
	_ =	sdelay $0x1  }
0xcb: {  	_ =	sfence.sel $0x180000  }
0xcc: {  	[bflag:$0x0] =	sbarrier.arrive $0xFFFF  }
0xcd: {  	_ =	strace $0x90000050  }
0xce: {  	s0 =	stileid.u32;
	[bflag:$0x2] =	sbarrier.arrive $0xFFFF  }
0xcf: {  	p0 =	sne.s32 s0, $0x0;
	s0 =	rddreg [dreg:$0x3]  }
0xd0: {  	s0 =	sadd.s32 @!p0 $0x100000, s0  }
0xd1: {  	[sflag:s0] =	ssyncadd.tile.s32 @!p0 $0x1;
	_ =	shalt  }
.Lfunc_end2:
_tile_overlayer_lowered:
.L_overlay_start_2:
0xd2: {  	(tag) =	ssettag $0x2  }
0xd3: {  	s0 =	rddreg [dreg:$0x0];
	s2 =	stileid.u32  }
0xd4: {  	s1 =	rddreg [dreg:$0x1];
	p0 =	sne.s32 s2, $0x0  }
0xd5: {  	s3 =	rddreg [dreg:$0x2];
	[bflag:$0x3] =	sbarrier.arrive $0xFFFF;
	s2 =	simm.s32 @!p0 $0x1C05  }
0xd6: {  	[timem:s3], [sflag:s2] =	dma.local @!p0 [hbm:s0], s1  }
0xd7: {  	s0 =	simm.s32 @!p0 $0x5  }
0xd8: {  	_ =	swait.ge @!p0 [sflag:s0], s1  }
0xd9: {  	s1 =	ssub.s32 @!p0 $0x0, s1;
	[sflag:s0] =	ssyncset.done @!p0 $0x0  }
0xda: {  	[sflag:s0] =	ssyncadd.s32 @!p0 s1  }
0xdb: {  	[bflag:$0x3] =	sbarrier.arrive $0xFFFF  }
0xdc: {  	_ =	shalt  }

</sc_bundles>
